<compile_context>
chip_gen: v7x
topology: tpu7x:2x2x1
jax: 0.10.2.dev20260603
libtpu: 0.0.44.dev20260713+nightly
codegen_flags: <defaults>
</compile_context>

<pallas_src>
import functools

import jax
import jax.numpy as jnp
from jax import lax
from jax.experimental import pallas as pl
from jax.experimental.pallas import tpu as pltpu
from jax.experimental.pallas import tpu_sc as plsc

N_NODES = 10000
N_EDGES = 640000
IN_CH = 116
HID = 64

NC = 2
NS = 16
NW = NC * NS
EDGES_PER_W = N_EDGES // NW
DEG_CHUNK = 2000
AGG_CHUNK = 400
ROW_CHUNK = 640

_mesh = plsc.VectorSubcoreMesh(core_axis_name="c", subcore_axis_name="s")
_sc_params = pltpu.CompilerParams(use_tc_tiling_on_sc=False)


def _mm_body(x_ref, w_ref, h_ref):
    h_ref[...] = jnp.dot(x_ref[...], w_ref[...],
                         preferred_element_type=jnp.float32)


def _matmul(x, W1):
    return pl.pallas_call(
        _mm_body,
        grid=(10,),
        in_specs=[
            pl.BlockSpec((N_NODES // 10, IN_CH), lambda i: (i, 0)),
            pl.BlockSpec((IN_CH, HID), lambda i: (0, 0)),
        ],
        out_specs=pl.BlockSpec((N_NODES // 10, HID), lambda i: (i, 0)),
        out_shape=jax.ShapeDtypeStruct((N_NODES, HID), jnp.float32),
    )(x, W1)


@functools.partial(
    pl.kernel,
    out_type=jax.ShapeDtypeStruct((NC, N_NODES), jnp.float32),
    mesh=_mesh,
    scratch_types=[
        pltpu.VMEM((DEG_CHUNK,), jnp.int32),
        pltpu.VMEM((DEG_CHUNK,), jnp.float32),
        pltpu.VMEM((DEG_CHUNK,), jnp.float32),
        pltpu.VMEM_SHARED((N_NODES,), jnp.float32),
    ],
    compiler_params=_sc_params,
)
def _deg_kernel(adj_hbm, deg_out, idx_v, ones_v, zeros_v, deg_shared):
    cid = lax.axis_index("c")
    sid = lax.axis_index("s")
    wid = cid * NS + sid

    @pl.loop(0, DEG_CHUNK, step=16)
    def _(i):
        ones_v[pl.ds(i, 16)] = jnp.full((16,), 1.0, jnp.float32)
        zeros_v[pl.ds(i, 16)] = jnp.zeros((16,), jnp.float32)

    @pl.when(sid == 0)
    def _():
        for j in range(N_NODES // DEG_CHUNK):
            pltpu.sync_copy(zeros_v, deg_shared.at[pl.ds(j * DEG_CHUNK,
                                                         DEG_CHUNK)])

    plsc.subcore_barrier()

    base = wid * EDGES_PER_W
    for i in range(EDGES_PER_W // DEG_CHUNK):
        pltpu.sync_copy(adj_hbm.at[1, pl.ds(base + i * DEG_CHUNK, DEG_CHUNK)],
                        idx_v)
        pltpu.sync_copy(ones_v, deg_shared.at[idx_v], add=True)

    plsc.subcore_barrier()

    @pl.when(sid == 0)
    def _():
        pltpu.sync_copy(deg_shared, deg_out.at[cid])


def _scale_body(h_ref, d0_ref, d1_ref, hs_ref, dinv_ref):
    deg = d0_ref[...] + d1_ref[...] + 1.0
    dinv = lax.rsqrt(deg)
    dinv_ref[...] = dinv
    hs_ref[...] = h_ref[...] * dinv


def _scale(h, deg0, deg1):
    R = N_NODES // 10
    return pl.pallas_call(
        _scale_body,
        grid=(10,),
        in_specs=[
            pl.BlockSpec((R, HID), lambda i: (i, 0)),
            pl.BlockSpec((R, 1), lambda i: (i, 0)),
            pl.BlockSpec((R, 1), lambda i: (i, 0)),
        ],
        out_specs=[
            pl.BlockSpec((R, HID), lambda i: (i, 0)),
            pl.BlockSpec((R, 1), lambda i: (i, 0)),
        ],
        out_shape=[
            jax.ShapeDtypeStruct((N_NODES, HID), jnp.float32),
            jax.ShapeDtypeStruct((N_NODES, 1), jnp.float32),
        ],
    )(h, deg0, deg1)


N_CHUNKS = EDGES_PER_W // AGG_CHUNK


@functools.partial(
    pl.kernel,
    out_type=jax.ShapeDtypeStruct((NC, N_NODES, HID), jnp.float32),
    mesh=_mesh,
    scratch_types=[
        pltpu.VMEM((AGG_CHUNK,), jnp.int32),
        pltpu.VMEM((AGG_CHUNK,), jnp.int32),
        pltpu.VMEM((AGG_CHUNK,), jnp.int32),
        pltpu.VMEM((AGG_CHUNK,), jnp.int32),
        pltpu.VMEM((AGG_CHUNK, HID), jnp.float32),
        pltpu.VMEM((AGG_CHUNK, HID), jnp.float32),
        pltpu.VMEM((80, HID), jnp.float32),
        pltpu.VMEM_SHARED((N_NODES, HID), jnp.float32),
        pltpu.SemaphoreType.DMA,
        pltpu.SemaphoreType.DMA,
        pltpu.SemaphoreType.DMA,
        pltpu.SemaphoreType.DMA,
    ],
    compiler_params=_sc_params,
)
def _agg_kernel(hs_hbm, adj_hbm, acc_out,
                si0_v, si1_v, di0_v, di1_v, rows0_v, rows1_v, zb_v,
                acc_shared, sem_g0, sem_g1, sem_i0, sem_i1):
    cid = lax.axis_index("c")
    sid = lax.axis_index("s")
    wid = cid * NS + sid

    r0 = sid * ROW_CHUNK

    @pl.loop(0, 80)
    def _(r):
        @pl.loop(0, HID, step=16)
        def _(c):
            zb_v[r, pl.ds(c, 16)] = jnp.zeros((16,), jnp.float32)

    @pl.when(sid < NS - 1)
    def _():
        for j in range(ROW_CHUNK // 80):
            pltpu.sync_copy(zb_v, acc_shared.at[pl.ds(r0 + j * 80, 80)])

    @pl.when(sid == NS - 1)
    def _():
        for j in range(5):
            pltpu.sync_copy(zb_v, acc_shared.at[pl.ds(r0 + j * 80, 80)])

    plsc.subcore_barrier()

    si = (si0_v, si1_v)
    di = (di0_v, di1_v)
    rows = (rows0_v, rows1_v)
    gsems = (sem_g0, sem_g1)
    isems = (sem_i0, sem_i1)
    ebase = wid * EDGES_PER_W

    def _stage(j):
        b = j % 2
        off = ebase + j * AGG_CHUNK
        return (
            pltpu.async_copy(adj_hbm.at[0, pl.ds(off, AGG_CHUNK)], si[b],
                             isems[b]),
            pltpu.async_copy(adj_hbm.at[1, pl.ds(off, AGG_CHUNK)], di[b],
                             isems[b]),
        )

    def _gather(j):
        return pltpu.async_copy(hs_hbm.at[si[j % 2]], rows[j % 2],
                                gsems[j % 2])

    st = _stage(0)
    st[0].wait()
    st[1].wait()
    g = _gather(0)
    st = _stage(1)
    for i in range(N_CHUNKS):
        b = i % 2
        gn = None
        if i + 1 < N_CHUNKS:
            st[0].wait()
            st[1].wait()
            gn = _gather(i + 1)
        g.wait()
        pltpu.sync_copy(rows[b], acc_shared.at[di[b]], add=True)
        if i + 2 < N_CHUNKS:
            st = _stage(i + 2)
        g = gn

    plsc.subcore_barrier()

    @pl.when(sid < NS - 1)
    def _():
        pltpu.sync_copy(acc_shared.at[pl.ds(r0, ROW_CHUNK)],
                        acc_out.at[cid, pl.ds(r0, ROW_CHUNK)])

    @pl.when(sid == NS - 1)
    def _():
        pltpu.sync_copy(acc_shared.at[pl.ds(r0, 400)],
                        acc_out.at[cid, pl.ds(r0, 400)])


def _finish_body(acc_ref, hs_ref, dinv_ref, b_ref, out_ref):
    a = acc_ref[0] + acc_ref[1] + hs_ref[...]
    out_ref[...] = jnp.maximum(a * dinv_ref[...] + b_ref[...], 0.0)


def _finish(acc_parts, hs, dinv, b1):
    R = N_NODES // 10
    return pl.pallas_call(
        _finish_body,
        grid=(10,),
        in_specs=[
            pl.BlockSpec((NC, R, HID), lambda i: (0, i, 0)),
            pl.BlockSpec((R, HID), lambda i: (i, 0)),
            pl.BlockSpec((R, 1), lambda i: (i, 0)),
            pl.BlockSpec((1, HID), lambda i: (0, 0)),
        ],
        out_specs=pl.BlockSpec((R, HID), lambda i: (i, 0)),
        out_shape=jax.ShapeDtypeStruct((N_NODES, HID), jnp.float32),
    )(acc_parts, hs, dinv, b1.reshape(1, HID))


def kernel(x, adj, W1, b1):
    adj = adj.astype(jnp.int32)
    h = _matmul(x, W1)
    deg_parts = _deg_kernel(adj)
    deg0 = deg_parts[0].reshape(N_NODES, 1)
    deg1 = deg_parts[1].reshape(N_NODES, 1)
    hs, dinv = _scale(h, deg0, deg1)
    acc_parts = _agg_kernel(hs, adj)
    return _finish(acc_parts, hs, dinv, b1)

# --- scband reference (transcript-rebuilt; emitter-appended) ---
"""Pipeline reference for scband-gcn-88648124991285 (READ-ONLY COPY).

The authoritative reference and input builder live on the scoring server;
editing this copy changes nothing except your own understanding.
"""

import jax, jax.numpy as jnp
import numpy as np

N_NODES = 10000
N_EDGES = 640000
IN_CH = 116
HID = 64


def setup_inputs(seed: int = 0) -> dict:
    key = jax.random.key(seed)
    k1, k2, k3, k4 = jax.random.split(key, 4)
    x = jax.random.normal(k1, (N_NODES, IN_CH), dtype=jnp.float32)
    adj = jax.random.randint(k2, (2, N_EDGES), 0, N_NODES, dtype=jnp.int64)
    # GCNConv layer 1 params (glorot-style init)
    W1 = jax.random.normal(k3, (IN_CH, HID), dtype=jnp.float32) * (1.0 / np.sqrt(IN_CH))
    b1 = jnp.zeros((HID,), dtype=jnp.float32)
    return {"x": x, "adj": adj, "W1": W1, "b1": b1}


def _gcn_conv(x, edge_index, W, b):
    N = x.shape[0]
    src = edge_index[0]
    dst = edge_index[1]
    # add self-loops (PyG GCNConv default add_self_loops=True)
    loop = jnp.arange(N, dtype=src.dtype)
    src = jnp.concatenate([src, loop])
    dst = jnp.concatenate([dst, loop])
    # linear transform first (PyG applies lin before propagate)
    h = x @ W
    # symmetric normalization: deg^-1/2 A deg^-1/2 with unit edge weights
    ones = jnp.ones_like(dst, dtype=h.dtype)
    deg = jnp.zeros((N,), dtype=h.dtype).at[dst].add(ones)
    deg_inv_sqrt = deg ** -0.5
    deg_inv_sqrt = jnp.where(jnp.isinf(deg_inv_sqrt), 0.0, deg_inv_sqrt)
    norm = deg_inv_sqrt[src] * deg_inv_sqrt[dst]
    # gather messages, scale, scatter-add to destination nodes
    msg = h[src] * norm[:, None]
    out = jax.ops.segment_sum(msg, dst, num_segments=N)
    return out + b


def reference(x, adj, W1, b1):
    h = _gcn_conv(x, adj, W1, b1)
    h = jax.nn.relu(h)
    return h

if __name__ == "__main__":
    import jax
    _d = setup_inputs()
    print(jax.jit(kernel)(*tuple(_d.values())))

</pallas_src>

<mosaic_0001>
#map = affine_map<(d0, d1) -> (0, 0)>
#map1 = affine_map<(d0, d1) -> (0, 0, 0)>
module attributes {stable_mosaic.version = 14 : i64} {
  func.func @_agg_kernel(%arg0: i32, %arg1: i32, %arg2: memref<10000x64xf32, #tpu.memory_space<hbm>>, %arg3: memref<2x640000xi32, #tpu.memory_space<hbm>>, %arg4: memref<2x10000x64xf32, #tpu.memory_space<hbm>>, %arg5: memref<400xi32, #tpu.memory_space<vmem>>, %arg6: memref<400xi32, #tpu.memory_space<vmem>>, %arg7: memref<400xi32, #tpu.memory_space<vmem>>, %arg8: memref<400xi32, #tpu.memory_space<vmem>>, %arg9: memref<400x64xf32, #tpu.memory_space<vmem>>, %arg10: memref<400x64xf32, #tpu.memory_space<vmem>>, %arg11: memref<80x64xf32, #tpu.memory_space<vmem>>, %arg12: memref<10000x64xf32, #tpu.memory_space<vmem_shared>>, %arg13: memref<!tpu.dma_semaphore, #tpu.memory_space<semaphore_mem>>, %arg14: memref<!tpu.dma_semaphore, #tpu.memory_space<semaphore_mem>>, %arg15: memref<!tpu.dma_semaphore, #tpu.memory_space<semaphore_mem>>, %arg16: memref<!tpu.dma_semaphore, #tpu.memory_space<semaphore_mem>>) attributes {dimension_semantics = [#tpu.dimension_semantics<core_parallel>, #tpu.dimension_semantics<subcore_parallel>], iteration_bounds = array<i64: 2, 16>, scalar_prefetch = 0 : i64, scratch_operands = 12 : i64, tpu.core_type = #tpu.core_type<sc_vector_subcore>, window_params = [{transform_indices = #map}, {transform_indices = #map}, {transform_indices = #map1}]} {
    %mul3A = arith.constant 16 : i32
    %mul3A_0 = arith.muli %arg0, %mul3A : i32
    %add3A = arith.addi %mul3A_0, %arg1 : i32
    %mul3A_1 = arith.constant 640 : i32
    %mul3A_2 = arith.muli %arg1, %mul3A_1 : i32
    %scan3A = arith.constant 0 : i32
    %scan3A_3 = arith.constant 80 : i32
    %scan3A_4 = arith.addi %scan3A, %scan3A_3 : i32
    %scan3A_5 = arith.constant 1 : i32
    scf.for %scan3A_1424 = %scan3A to %scan3A_4 step %scan3A_5  : i32 {
      %mul3A_1425 = arith.constant 1 : i32
      %mul3A_1426 = arith.muli %scan3A_1424, %mul3A_1425 : i32
      %add3A_1427 = arith.constant 0 : i32
      %add3A_1428 = arith.addi %add3A_1427, %mul3A_1426 : i32
      %scan3A_1429 = arith.constant 0 : i32
      %scan3A_1430 = arith.constant 4 : i32
      %scan3A_1431 = arith.addi %scan3A_1429, %scan3A_1430 : i32
      %scan3A_1432 = arith.constant 1 : i32
      scf.for %scan3A_1434 = %scan3A_1429 to %scan3A_1431 step %scan3A_1432  : i32 {
        %mul3A_1435 = arith.constant 16 : i32
        %mul3A_1436 = arith.muli %scan3A_1434, %mul3A_1435 : i32
        %add3A_1437 = arith.constant 0 : i32
        %add3A_1438 = arith.addi %add3A_1437, %mul3A_1436 : i32
        %broadcast_in_dim3A = arith.constant 0.000000e+00 : f32
        %broadcast_in_dim3A_1439 = vector.broadcast %broadcast_in_dim3A : f32 to vector<16xf32>
        %swap3A = arith.index_cast %add3A_1428 : i32 to index
        %swap3A_1440 = arith.index_cast %add3A_1438 : i32 to index
        %swap3A_1441 = tpu.vector_load %arg11[%swap3A, %swap3A_1440] {strides = array<i32>} : memref<80x64xf32, #tpu.memory_space<vmem>>, vector<1x16xf32>,
        %swap3A_1442 = vector.shape_cast %swap3A_1441 : vector<1x16xf32> to vector<16xf32>
        %swap3A_1443 = vector.shape_cast %broadcast_in_dim3A_1439 : vector<16xf32> to vector<1x16xf32>
        tpu.vector_store %arg11[%swap3A, %swap3A_1440], %swap3A_1443 {strides = array<i32>} : memref<80x64xf32, #tpu.memory_space<vmem>>, vector<1x16xf32>,
      }
      %scan3A_1433 = arith.constant 4 : i32
    }
    %scan3A_6 = arith.constant 80 : i32
    %lt3A = arith.constant 15 : i32
    %lt3A_7 = arith.cmpi slt, %arg1, %lt3A : i32
    %convert_element_type3A = arith.extui %lt3A_7 : i1 to i32
    %cond3A = arith.constant 0 : i32
    %cond3A_8 = arith.cmpi ne, %convert_element_type3A, %cond3A : i32
    scf.if %cond3A_8 {
      %add3A_1424 = arith.constant 0 : i32
      %add3A_1425 = arith.addi %mul3A_2, %add3A_1424 : i32
      "tpu.region"() ({
        %run_scoped3A = tpu.sem_alloc : memref<!tpu.dma_semaphore, #tpu.memory_space<semaphore_mem>>
        %dma_start3A_1440 = arith.constant 0 : i32
        %dma_start3A_1441 = tpu.memref_slice %arg12[%add3A_1425, %dma_start3A_1440] : memref<10000x64xf32, #tpu.memory_space<vmem_shared>> -> memref<80x64xf32, #tpu.memory_space<vmem_shared>>
        %dma_start3A_1442 = arith.constant 0 : i32
        %dma_start3A_1443 = tpu.memref_slice %arg12[%add3A_1425, %dma_start3A_1442] : memref<10000x64xf32, #tpu.memory_space<vmem_shared>> -> memref<80x64xf32, #tpu.memory_space<vmem_shared>>
        tpu.enqueue_dma source(%arg11 : memref<80x64xf32, #tpu.memory_space<vmem>>) target(%dma_start3A_1443 : memref<80x64xf32, #tpu.memory_space<vmem_shared>>) target_semaphore(%run_scoped3A : memref<!tpu.dma_semaphore, #tpu.memory_space<semaphore_mem>>)
        %dma_wait3A_1444 = arith.constant 0 : i32
        %dma_wait3A_1445 = tpu.memref_slice %arg12[%add3A_1425, %dma_wait3A_1444] : memref<10000x64xf32, #tpu.memory_space<vmem_shared>> -> memref<80x64xf32, #tpu.memory_space<vmem_shared>>
        %dma_wait3A_1446 = arith.constant 0 : i32
        %dma_wait3A_1447 = tpu.memref_slice %arg12[%add3A_1425, %dma_wait3A_1446] : memref<10000x64xf32, #tpu.memory_space<vmem_shared>> -> memref<80x64xf32, #tpu.memory_space<vmem_shared>>
        tpu.wait_dma2 semaphore(%run_scoped3A : memref<!tpu.dma_semaphore, #tpu.memory_space<semaphore_mem>>) src(%arg11 : memref<80x64xf32, #tpu.memory_space<vmem>>) dst(%dma_wait3A_1447 : memref<80x64xf32, #tpu.memory_space<vmem_shared>>)
        tpu.yield
      }) : () -> ()
      %add3A_1426 = arith.constant 80 : i32
      %add3A_1427 = arith.addi %mul3A_2, %add3A_1426 : i32
      "tpu.region"() ({
        %run_scoped3A = tpu.sem_alloc : memref<!tpu.dma_semaphore, #tpu.memory_space<semaphore_mem>>
        %dma_start3A_1440 = arith.constant 0 : i32
        %dma_start3A_1441 = tpu.memref_slice %arg12[%add3A_1427, %dma_start3A_1440] : memref<10000x64xf32, #tpu.memory_space<vmem_shared>> -> memref<80x64xf32, #tpu.memory_space<vmem_shared>>
        %dma_start3A_1442 = arith.constant 0 : i32
        %dma_start3A_1443 = tpu.memref_slice %arg12[%add3A_1427, %dma_start3A_1442] : memref<10000x64xf32, #tpu.memory_space<vmem_shared>> -> memref<80x64xf32, #tpu.memory_space<vmem_shared>>
        tpu.enqueue_dma source(%arg11 : memref<80x64xf32, #tpu.memory_space<vmem>>) target(%dma_start3A_1443 : memref<80x64xf32, #tpu.memory_space<vmem_shared>>) target_semaphore(%run_scoped3A : memref<!tpu.dma_semaphore, #tpu.memory_space<semaphore_mem>>)
        %dma_wait3A_1444 = arith.constant 0 : i32
        %dma_wait3A_1445 = tpu.memref_slice %arg12[%add3A_1427, %dma_wait3A_1444] : memref<10000x64xf32, #tpu.memory_space<vmem_shared>> -> memref<80x64xf32, #tpu.memory_space<vmem_shared>>
        %dma_wait3A_1446 = arith.constant 0 : i32
        %dma_wait3A_1447 = tpu.memref_slice %arg12[%add3A_1427, %dma_wait3A_1446] : memref<10000x64xf32, #tpu.memory_space<vmem_shared>> -> memref<80x64xf32, #tpu.memory_space<vmem_shared>>
        tpu.wait_dma2 semaphore(%run_scoped3A : memref<!tpu.dma_semaphore, #tpu.memory_space<semaphore_mem>>) src(%arg11 : memref<80x64xf32, #tpu.memory_space<vmem>>) dst(%dma_wait3A_1447 : memref<80x64xf32, #tpu.memory_space<vmem_shared>>)
        tpu.yield
      }) : () -> ()
      %add3A_1428 = arith.constant 160 : i32
      %add3A_1429 = arith.addi %mul3A_2, %add3A_1428 : i32
      "tpu.region"() ({
        %run_scoped3A = tpu.sem_alloc : memref<!tpu.dma_semaphore, #tpu.memory_space<semaphore_mem>>
        %dma_start3A_1440 = arith.constant 0 : i32
        %dma_start3A_1441 = tpu.memref_slice %arg12[%add3A_1429, %dma_start3A_1440] : memref<10000x64xf32, #tpu.memory_space<vmem_shared>> -> memref<80x64xf32, #tpu.memory_space<vmem_shared>>
        %dma_start3A_1442 = arith.constant 0 : i32
        %dma_start3A_1443 = tpu.memref_slice %arg12[%add3A_1429, %dma_start3A_1442] : memref<10000x64xf32, #tpu.memory_space<vmem_shared>> -> memref<80x64xf32, #tpu.memory_space<vmem_shared>>
        tpu.enqueue_dma source(%arg11 : memref<80x64xf32, #tpu.memory_space<vmem>>) target(%dma_start3A_1443 : memref<80x64xf32, #tpu.memory_space<vmem_shared>>) target_semaphore(%run_scoped3A : memref<!tpu.dma_semaphore, #tpu.memory_space<semaphore_mem>>)
        %dma_wait3A_1444 = arith.constant 0 : i32
        %dma_wait3A_1445 = tpu.memref_slice %arg12[%add3A_1429, %dma_wait3A_1444] : memref<10000x64xf32, #tpu.memory_space<vmem_shared>> -> memref<80x64xf32, #tpu.memory_space<vmem_shared>>
        %dma_wait3A_1446 = arith.constant 0 : i32
        %dma_wait3A_1447 = tpu.memref_slice %arg12[%add3A_1429, %dma_wait3A_1446] : memref<10000x64xf32, #tpu.memory_space<vmem_shared>> -> memref<80x64xf32, #tpu.memory_space<vmem_shared>>
        tpu.wait_dma2 semaphore(%run_scoped3A : memref<!tpu.dma_semaphore, #tpu.memory_space<semaphore_mem>>) src(%arg11 : memref<80x64xf32, #tpu.memory_space<vmem>>) dst(%dma_wait3A_1447 : memref<80x64xf32, #tpu.memory_space<vmem_shared>>)
        tpu.yield
      }) : () -> ()
      %add3A_1430 = arith.constant 240 : i32
      %add3A_1431 = arith.addi %mul3A_2, %add3A_1430 : i32
      "tpu.region"() ({
        %run_scoped3A = tpu.sem_alloc : memref<!tpu.dma_semaphore, #tpu.memory_space<semaphore_mem>>
        %dma_start3A_1440 = arith.constant 0 : i32
        %dma_start3A_1441 = tpu.memref_slice %arg12[%add3A_1431, %dma_start3A_1440] : memref<10000x64xf32, #tpu.memory_space<vmem_shared>> -> memref<80x64xf32, #tpu.memory_space<vmem_shared>>
        %dma_start3A_1442 = arith.constant 0 : i32
        %dma_start3A_1443 = tpu.memref_slice %arg12[%add3A_1431, %dma_start3A_1442] : memref<10000x64xf32, #tpu.memory_space<vmem_shared>> -> memref<80x64xf32, #tpu.memory_space<vmem_shared>>
        tpu.enqueue_dma source(%arg11 : memref<80x64xf32, #tpu.memory_space<vmem>>) target(%dma_start3A_1443 : memref<80x64xf32, #tpu.memory_space<vmem_shared>>) target_semaphore(%run_scoped3A : memref<!tpu.dma_semaphore, #tpu.memory_space<semaphore_mem>>)
        %dma_wait3A_1444 = arith.constant 0 : i32
        %dma_wait3A_1445 = tpu.memref_slice %arg12[%add3A_1431, %dma_wait3A_1444] : memref<10000x64xf32, #tpu.memory_space<vmem_shared>> -> memref<80x64xf32, #tpu.memory_space<vmem_shared>>
        %dma_wait3A_1446 = arith.constant 0 : i32
        %dma_wait3A_1447 = tpu.memref_slice %arg12[%add3A_1431, %dma_wait3A_1446] : memref<10000x64xf32, #tpu.memory_space<vmem_shared>> -> memref<80x64xf32, #tpu.memory_space<vmem_shared>>
        tpu.wait_dma2 semaphore(%run_scoped3A : memref<!tpu.dma_semaphore, #tpu.memory_space<semaphore_mem>>) src(%arg11 : memref<80x64xf32, #tpu.memory_space<vmem>>) dst(%dma_wait3A_1447 : memref<80x64xf32, #tpu.memory_space<vmem_shared>>)
        tpu.yield
      }) : () -> ()
      %add3A_1432 = arith.constant 320 : i32
      %add3A_1433 = arith.addi %mul3A_2, %add3A_1432 : i32
      "tpu.region"() ({
        %run_scoped3A = tpu.sem_alloc : memref<!tpu.dma_semaphore, #tpu.memory_space<semaphore_mem>>
        %dma_start3A_1440 = arith.constant 0 : i32
        %dma_start3A_1441 = tpu.memref_slice %arg12[%add3A_1433, %dma_start3A_1440] : memref<10000x64xf32, #tpu.memory_space<vmem_shared>> -> memref<80x64xf32, #tpu.memory_space<vmem_shared>>
        %dma_start3A_1442 = arith.constant 0 : i32
        %dma_start3A_1443 = tpu.memref_slice %arg12[%add3A_1433, %dma_start3A_1442] : memref<10000x64xf32, #tpu.memory_space<vmem_shared>> -> memref<80x64xf32, #tpu.memory_space<vmem_shared>>
        tpu.enqueue_dma source(%arg11 : memref<80x64xf32, #tpu.memory_space<vmem>>) target(%dma_start3A_1443 : memref<80x64xf32, #tpu.memory_space<vmem_shared>>) target_semaphore(%run_scoped3A : memref<!tpu.dma_semaphore, #tpu.memory_space<semaphore_mem>>)
        %dma_wait3A_1444 = arith.constant 0 : i32
        %dma_wait3A_1445 = tpu.memref_slice %arg12[%add3A_1433, %dma_wait3A_1444] : memref<10000x64xf32, #tpu.memory_space<vmem_shared>> -> memref<80x64xf32, #tpu.memory_space<vmem_shared>>
        %dma_wait3A_1446 = arith.constant 0 : i32
        %dma_wait3A_1447 = tpu.memref_slice %arg12[%add3A_1433, %dma_wait3A_1446] : memref<10000x64xf32, #tpu.memory_space<vmem_shared>> -> memref<80x64xf32, #tpu.memory_space<vmem_shared>>
        tpu.wait_dma2 semaphore(%run_scoped3A : memref<!tpu.dma_semaphore, #tpu.memory_space<semaphore_mem>>) src(%arg11 : memref<80x64xf32, #tpu.memory_space<vmem>>) dst(%dma_wait3A_1447 : memref<80x64xf32, #tpu.memory_space<vmem_shared>>)
        tpu.yield
      }) : () -> ()
      %add3A_1434 = arith.constant 400 : i32
      %add3A_1435 = arith.addi %mul3A_2, %add3A_1434 : i32
      "tpu.region"() ({
        %run_scoped3A = tpu.sem_alloc : memref<!tpu.dma_semaphore, #tpu.memory_space<semaphore_mem>>
        %dma_start3A_1440 = arith.constant 0 : i32
        %dma_start3A_1441 = tpu.memref_slice %arg12[%add3A_1435, %dma_start3A_1440] : memref<10000x64xf32, #tpu.memory_space<vmem_shared>> -> memref<80x64xf32, #tpu.memory_space<vmem_shared>>
        %dma_start3A_1442 = arith.constant 0 : i32
        %dma_start3A_1443 = tpu.memref_slice %arg12[%add3A_1435, %dma_start3A_1442] : memref<10000x64xf32, #tpu.memory_space<vmem_shared>> -> memref<80x64xf32, #tpu.memory_space<vmem_shared>>
        tpu.enqueue_dma source(%arg11 : memref<80x64xf32, #tpu.memory_space<vmem>>) target(%dma_start3A_1443 : memref<80x64xf32, #tpu.memory_space<vmem_shared>>) target_semaphore(%run_scoped3A : memref<!tpu.dma_semaphore, #tpu.memory_space<semaphore_mem>>)
        %dma_wait3A_1444 = arith.constant 0 : i32
        %dma_wait3A_1445 = tpu.memref_slice %arg12[%add3A_1435, %dma_wait3A_1444] : memref<10000x64xf32, #tpu.memory_space<vmem_shared>> -> memref<80x64xf32, #tpu.memory_space<vmem_shared>>
        %dma_wait3A_1446 = arith.constant 0 : i32
        %dma_wait3A_1447 = tpu.memref_slice %arg12[%add3A_1435, %dma_wait3A_1446] : memref<10000x64xf32, #tpu.memory_space<vmem_shared>> -> memref<80x64xf32, #tpu.memory_space<vmem_shared>>
        tpu.wait_dma2 semaphore(%run_scoped3A : memref<!tpu.dma_semaphore, #tpu.memory_space<semaphore_mem>>) src(%arg11 : memref<80x64xf32, #tpu.memory_space<vmem>>) dst(%dma_wait3A_1447 : memref<80x64xf32, #tpu.memory_space<vmem_shared>>)
        tpu.yield
      }) : () -> ()
      %add3A_1436 = arith.constant 480 : i32
      %add3A_1437 = arith.addi %mul3A_2, %add3A_1436 : i32
      "tpu.region"() ({
        %run_scoped3A = tpu.sem_alloc : memref<!tpu.dma_semaphore, #tpu.memory_space<semaphore_mem>>
        %dma_start3A_1440 = arith.constant 0 : i32
        %dma_start3A_1441 = tpu.memref_slice %arg12[%add3A_1437, %dma_start3A_1440] : memref<10000x64xf32, #tpu.memory_space<vmem_shared>> -> memref<80x64xf32, #tpu.memory_space<vmem_shared>>
        %dma_start3A_1442 = arith.constant 0 : i32
        %dma_start3A_1443 = tpu.memref_slice %arg12[%add3A_1437, %dma_start3A_1442] : memref<10000x64xf32, #tpu.memory_space<vmem_shared>> -> memref<80x64xf32, #tpu.memory_space<vmem_shared>>
        tpu.enqueue_dma source(%arg11 : memref<80x64xf32, #tpu.memory_space<vmem>>) target(%dma_start3A_1443 : memref<80x64xf32, #tpu.memory_space<vmem_shared>>) target_semaphore(%run_scoped3A : memref<!tpu.dma_semaphore, #tpu.memory_space<semaphore_mem>>)
        %dma_wait3A_1444 = arith.constant 0 : i32
        %dma_wait3A_1445 = tpu.memref_slice %arg12[%add3A_1437, %dma_wait3A_1444] : memref<10000x64xf32, #tpu.memory_space<vmem_shared>> -> memref<80x64xf32, #tpu.memory_space<vmem_shared>>
        %dma_wait3A_1446 = arith.constant 0 : i32
        %dma_wait3A_1447 = tpu.memref_slice %arg12[%add3A_1437, %dma_wait3A_1446] : memref<10000x64xf32, #tpu.memory_space<vmem_shared>> -> memref<80x64xf32, #tpu.memory_space<vmem_shared>>
        tpu.wait_dma2 semaphore(%run_scoped3A : memref<!tpu.dma_semaphore, #tpu.memory_space<semaphore_mem>>) src(%arg11 : memref<80x64xf32, #tpu.memory_space<vmem>>) dst(%dma_wait3A_1447 : memref<80x64xf32, #tpu.memory_space<vmem_shared>>)
        tpu.yield
      }) : () -> ()
      %add3A_1438 = arith.constant 560 : i32
      %add3A_1439 = arith.addi %mul3A_2, %add3A_1438 : i32
      "tpu.region"() ({
        %run_scoped3A = tpu.sem_alloc : memref<!tpu.dma_semaphore, #tpu.memory_space<semaphore_mem>>
        %dma_start3A_1440 = arith.constant 0 : i32
        %dma_start3A_1441 = tpu.memref_slice %arg12[%add3A_1439, %dma_start3A_1440] : memref<10000x64xf32, #tpu.memory_space<vmem_shared>> -> memref<80x64xf32, #tpu.memory_space<vmem_shared>>
        %dma_start3A_1442 = arith.constant 0 : i32
        %dma_start3A_1443 = tpu.memref_slice %arg12[%add3A_1439, %dma_start3A_1442] : memref<10000x64xf32, #tpu.memory_space<vmem_shared>> -> memref<80x64xf32, #tpu.memory_space<vmem_shared>>
        tpu.enqueue_dma source(%arg11 : memref<80x64xf32, #tpu.memory_space<vmem>>) target(%dma_start3A_1443 : memref<80x64xf32, #tpu.memory_space<vmem_shared>>) target_semaphore(%run_scoped3A : memref<!tpu.dma_semaphore, #tpu.memory_space<semaphore_mem>>)
        %dma_wait3A_1444 = arith.constant 0 : i32
        %dma_wait3A_1445 = tpu.memref_slice %arg12[%add3A_1439, %dma_wait3A_1444] : memref<10000x64xf32, #tpu.memory_space<vmem_shared>> -> memref<80x64xf32, #tpu.memory_space<vmem_shared>>
        %dma_wait3A_1446 = arith.constant 0 : i32
        %dma_wait3A_1447 = tpu.memref_slice %arg12[%add3A_1439, %dma_wait3A_1446] : memref<10000x64xf32, #tpu.memory_space<vmem_shared>> -> memref<80x64xf32, #tpu.memory_space<vmem_shared>>
        tpu.wait_dma2 semaphore(%run_scoped3A : memref<!tpu.dma_semaphore, #tpu.memory_space<semaphore_mem>>) src(%arg11 : memref<80x64xf32, #tpu.memory_space<vmem>>) dst(%dma_wait3A_1447 : memref<80x64xf32, #tpu.memory_space<vmem_shared>>)
        tpu.yield
      }) : () -> ()
    } else {
    }
    %eq3A = arith.constant 15 : i32
    %eq3A_9 = arith.cmpi eq, %arg1, %eq3A : i32
    %convert_element_type3A_10 = arith.extui %eq3A_9 : i1 to i32
    %cond3A_11 = arith.constant 0 : i32
    %cond3A_12 = arith.cmpi ne, %convert_element_type3A_10, %cond3A_11 : i32
    scf.if %cond3A_12 {
      %add3A_1424 = arith.constant 0 : i32
      %add3A_1425 = arith.addi %mul3A_2, %add3A_1424 : i32
      "tpu.region"() ({
        %run_scoped3A = tpu.sem_alloc : memref<!tpu.dma_semaphore, #tpu.memory_space<semaphore_mem>>
        %dma_start3A_1434 = arith.constant 0 : i32
        %dma_start3A_1435 = tpu.memref_slice %arg12[%add3A_1425, %dma_start3A_1434] : memref<10000x64xf32, #tpu.memory_space<vmem_shared>> -> memref<80x64xf32, #tpu.memory_space<vmem_shared>>
        %dma_start3A_1436 = arith.constant 0 : i32
        %dma_start3A_1437 = tpu.memref_slice %arg12[%add3A_1425, %dma_start3A_1436] : memref<10000x64xf32, #tpu.memory_space<vmem_shared>> -> memref<80x64xf32, #tpu.memory_space<vmem_shared>>
        tpu.enqueue_dma source(%arg11 : memref<80x64xf32, #tpu.memory_space<vmem>>) target(%dma_start3A_1437 : memref<80x64xf32, #tpu.memory_space<vmem_shared>>) target_semaphore(%run_scoped3A : memref<!tpu.dma_semaphore, #tpu.memory_space<semaphore_mem>>)
        %dma_wait3A_1438 = arith.constant 0 : i32
        %dma_wait3A_1439 = tpu.memref_slice %arg12[%add3A_1425, %dma_wait3A_1438] : memref<10000x64xf32, #tpu.memory_space<vmem_shared>> -> memref<80x64xf32, #tpu.memory_space<vmem_shared>>
        %dma_wait3A_1440 = arith.constant 0 : i32
        %dma_wait3A_1441 = tpu.memref_slice %arg12[%add3A_1425, %dma_wait3A_1440] : memref<10000x64xf32, #tpu.memory_space<vmem_shared>> -> memref<80x64xf32, #tpu.memory_space<vmem_shared>>
        tpu.wait_dma2 semaphore(%run_scoped3A : memref<!tpu.dma_semaphore, #tpu.memory_space<semaphore_mem>>) src(%arg11 : memref<80x64xf32, #tpu.memory_space<vmem>>) dst(%dma_wait3A_1441 : memref<80x64xf32, #tpu.memory_space<vmem_shared>>)
        tpu.yield
      }) : () -> ()
      %add3A_1426 = arith.constant 80 : i32
      %add3A_1427 = arith.addi %mul3A_2, %add3A_1426 : i32
      "tpu.region"() ({
        %run_scoped3A = tpu.sem_alloc : memref<!tpu.dma_semaphore, #tpu.memory_space<semaphore_mem>>
        %dma_start3A_1434 = arith.constant 0 : i32
        %dma_start3A_1435 = tpu.memref_slice %arg12[%add3A_1427, %dma_start3A_1434] : memref<10000x64xf32, #tpu.memory_space<vmem_shared>> -> memref<80x64xf32, #tpu.memory_space<vmem_shared>>
        %dma_start3A_1436 = arith.constant 0 : i32
        %dma_start3A_1437 = tpu.memref_slice %arg12[%add3A_1427, %dma_start3A_1436] : memref<10000x64xf32, #tpu.memory_space<vmem_shared>> -> memref<80x64xf32, #tpu.memory_space<vmem_shared>>
        tpu.enqueue_dma source(%arg11 : memref<80x64xf32, #tpu.memory_space<vmem>>) target(%dma_start3A_1437 : memref<80x64xf32, #tpu.memory_space<vmem_shared>>) target_semaphore(%run_scoped3A : memref<!tpu.dma_semaphore, #tpu.memory_space<semaphore_mem>>)
        %dma_wait3A_1438 = arith.constant 0 : i32
        %dma_wait3A_1439 = tpu.memref_slice %arg12[%add3A_1427, %dma_wait3A_1438] : memref<10000x64xf32, #tpu.memory_space<vmem_shared>> -> memref<80x64xf32, #tpu.memory_space<vmem_shared>>
        %dma_wait3A_1440 = arith.constant 0 : i32
        %dma_wait3A_1441 = tpu.memref_slice %arg12[%add3A_1427, %dma_wait3A_1440] : memref<10000x64xf32, #tpu.memory_space<vmem_shared>> -> memref<80x64xf32, #tpu.memory_space<vmem_shared>>
        tpu.wait_dma2 semaphore(%run_scoped3A : memref<!tpu.dma_semaphore, #tpu.memory_space<semaphore_mem>>) src(%arg11 : memref<80x64xf32, #tpu.memory_space<vmem>>) dst(%dma_wait3A_1441 : memref<80x64xf32, #tpu.memory_space<vmem_shared>>)
        tpu.yield
      }) : () -> ()
      %add3A_1428 = arith.constant 160 : i32
      %add3A_1429 = arith.addi %mul3A_2, %add3A_1428 : i32
      "tpu.region"() ({
        %run_scoped3A = tpu.sem_alloc : memref<!tpu.dma_semaphore, #tpu.memory_space<semaphore_mem>>
        %dma_start3A_1434 = arith.constant 0 : i32
        %dma_start3A_1435 = tpu.memref_slice %arg12[%add3A_1429, %dma_start3A_1434] : memref<10000x64xf32, #tpu.memory_space<vmem_shared>> -> memref<80x64xf32, #tpu.memory_space<vmem_shared>>
        %dma_start3A_1436 = arith.constant 0 : i32
        %dma_start3A_1437 = tpu.memref_slice %arg12[%add3A_1429, %dma_start3A_1436] : memref<10000x64xf32, #tpu.memory_space<vmem_shared>> -> memref<80x64xf32, #tpu.memory_space<vmem_shared>>
        tpu.enqueue_dma source(%arg11 : memref<80x64xf32, #tpu.memory_space<vmem>>) target(%dma_start3A_1437 : memref<80x64xf32, #tpu.memory_space<vmem_shared>>) target_semaphore(%run_scoped3A : memref<!tpu.dma_semaphore, #tpu.memory_space<semaphore_mem>>)
        %dma_wait3A_1438 = arith.constant 0 : i32
        %dma_wait3A_1439 = tpu.memref_slice %arg12[%add3A_1429, %dma_wait3A_1438] : memref<10000x64xf32, #tpu.memory_space<vmem_shared>> -> memref<80x64xf32, #tpu.memory_space<vmem_shared>>
        %dma_wait3A_1440 = arith.constant 0 : i32
        %dma_wait3A_1441 = tpu.memref_slice %arg12[%add3A_1429, %dma_wait3A_1440] : memref<10000x64xf32, #tpu.memory_space<vmem_shared>> -> memref<80x64xf32, #tpu.memory_space<vmem_shared>>
        tpu.wait_dma2 semaphore(%run_scoped3A : memref<!tpu.dma_semaphore, #tpu.memory_space<semaphore_mem>>) src(%arg11 : memref<80x64xf32, #tpu.memory_space<vmem>>) dst(%dma_wait3A_1441 : memref<80x64xf32, #tpu.memory_space<vmem_shared>>)
        tpu.yield
      }) : () -> ()
      %add3A_1430 = arith.constant 240 : i32
      %add3A_1431 = arith.addi %mul3A_2, %add3A_1430 : i32
      "tpu.region"() ({
        %run_scoped3A = tpu.sem_alloc : memref<!tpu.dma_semaphore, #tpu.memory_space<semaphore_mem>>
        %dma_start3A_1434 = arith.constant 0 : i32
        %dma_start3A_1435 = tpu.memref_slice %arg12[%add3A_1431, %dma_start3A_1434] : memref<10000x64xf32, #tpu.memory_space<vmem_shared>> -> memref<80x64xf32, #tpu.memory_space<vmem_shared>>
        %dma_start3A_1436 = arith.constant 0 : i32
        %dma_start3A_1437 = tpu.memref_slice %arg12[%add3A_1431, %dma_start3A_1436] : memref<10000x64xf32, #tpu.memory_space<vmem_shared>> -> memref<80x64xf32, #tpu.memory_space<vmem_shared>>
        tpu.enqueue_dma source(%arg11 : memref<80x64xf32, #tpu.memory_space<vmem>>) target(%dma_start3A_1437 : memref<80x64xf32, #tpu.memory_space<vmem_shared>>) target_semaphore(%run_scoped3A : memref<!tpu.dma_semaphore, #tpu.memory_space<semaphore_mem>>)
        %dma_wait3A_1438 = arith.constant 0 : i32
        %dma_wait3A_1439 = tpu.memref_slice %arg12[%add3A_1431, %dma_wait3A_1438] : memref<10000x64xf32, #tpu.memory_space<vmem_shared>> -> memref<80x64xf32, #tpu.memory_space<vmem_shared>>
        %dma_wait3A_1440 = arith.constant 0 : i32
        %dma_wait3A_1441 = tpu.memref_slice %arg12[%add3A_1431, %dma_wait3A_1440] : memref<10000x64xf32, #tpu.memory_space<vmem_shared>> -> memref<80x64xf32, #tpu.memory_space<vmem_shared>>
        tpu.wait_dma2 semaphore(%run_scoped3A : memref<!tpu.dma_semaphore, #tpu.memory_space<semaphore_mem>>) src(%arg11 : memref<80x64xf32, #tpu.memory_space<vmem>>) dst(%dma_wait3A_1441 : memref<80x64xf32, #tpu.memory_space<vmem_shared>>)
        tpu.yield
      }) : () -> ()
      %add3A_1432 = arith.constant 320 : i32
      %add3A_1433 = arith.addi %mul3A_2, %add3A_1432 : i32
      "tpu.region"() ({
        %run_scoped3A = tpu.sem_alloc : memref<!tpu.dma_semaphore, #tpu.memory_space<semaphore_mem>>
        %dma_start3A_1434 = arith.constant 0 : i32
        %dma_start3A_1435 = tpu.memref_slice %arg12[%add3A_1433, %dma_start3A_1434] : memref<10000x64xf32, #tpu.memory_space<vmem_shared>> -> memref<80x64xf32, #tpu.memory_space<vmem_shared>>
        %dma_start3A_1436 = arith.constant 0 : i32
        %dma_start3A_1437 = tpu.memref_slice %arg12[%add3A_1433, %dma_start3A_1436] : memref<10000x64xf32, #tpu.memory_space<vmem_shared>> -> memref<80x64xf32, #tpu.memory_space<vmem_shared>>
        tpu.enqueue_dma source(%arg11 : memref<80x64xf32, #tpu.memory_space<vmem>>) target(%dma_start3A_1437 : memref<80x64xf32, #tpu.memory_space<vmem_shared>>) target_semaphore(%run_scoped3A : memref<!tpu.dma_semaphore, #tpu.memory_space<semaphore_mem>>)
        %dma_wait3A_1438 = arith.constant 0 : i32
        %dma_wait3A_1439 = tpu.memref_slice %arg12[%add3A_1433, %dma_wait3A_1438] : memref<10000x64xf32, #tpu.memory_space<vmem_shared>> -> memref<80x64xf32, #tpu.memory_space<vmem_shared>>
        %dma_wait3A_1440 = arith.constant 0 : i32
        %dma_wait3A_1441 = tpu.memref_slice %arg12[%add3A_1433, %dma_wait3A_1440] : memref<10000x64xf32, #tpu.memory_space<vmem_shared>> -> memref<80x64xf32, #tpu.memory_space<vmem_shared>>
        tpu.wait_dma2 semaphore(%run_scoped3A : memref<!tpu.dma_semaphore, #tpu.memory_space<semaphore_mem>>) src(%arg11 : memref<80x64xf32, #tpu.memory_space<vmem>>) dst(%dma_wait3A_1441 : memref<80x64xf32, #tpu.memory_space<vmem_shared>>)
        tpu.yield
      }) : () -> ()
    } else {
    }
    %barrier3A = arith.constant 0 : index
    tpu.barrier barrier_id(%barrier3A)
    %mul3A_13 = arith.constant 20000 : i32
    %mul3A_14 = arith.muli %add3A, %mul3A_13 : i32
    %add3A_15 = arith.constant 0 : i32
    %add3A_16 = arith.addi %mul3A_14, %add3A_15 : i32
    %dma_start3A = arith.constant 0 : i32
    %dma_start3A_17 = tpu.memref_slice %arg3[%dma_start3A, %add3A_16] : memref<2x640000xi32, #tpu.memory_space<hbm>> -> memref<1x400xi32, #tpu.memory_space<hbm>>
    %dma_start3A_18 = tpu.memref_squeeze %dma_start3A_17 : memref<1x400xi32, #tpu.memory_space<hbm>> -> memref<400xi32, #tpu.memory_space<hbm>>
    %dma_start3A_19 = tpu.memref_slice %arg3[%dma_start3A, %add3A_16] : memref<2x640000xi32, #tpu.memory_space<hbm>> -> memref<1x400xi32, #tpu.memory_space<hbm>>
    %dma_start3A_20 = tpu.memref_squeeze %dma_start3A_19 : memref<1x400xi32, #tpu.memory_space<hbm>> -> memref<400xi32, #tpu.memory_space<hbm>>
    tpu.enqueue_dma source(%dma_start3A_20 : memref<400xi32, #tpu.memory_space<hbm>>) target(%arg5 : memref<400xi32, #tpu.memory_space<vmem>>) target_semaphore(%arg15 : memref<!tpu.dma_semaphore, #tpu.memory_space<semaphore_mem>>)
    %dma_start3A_21 = arith.constant 1 : i32
    %dma_start3A_22 = tpu.memref_slice %arg3[%dma_start3A_21, %add3A_16] : memref<2x640000xi32, #tpu.memory_space<hbm>> -> memref<1x400xi32, #tpu.memory_space<hbm>>
    %dma_start3A_23 = tpu.memref_squeeze %dma_start3A_22 : memref<1x400xi32, #tpu.memory_space<hbm>> -> memref<400xi32, #tpu.memory_space<hbm>>
    %dma_start3A_24 = tpu.memref_slice %arg3[%dma_start3A_21, %add3A_16] : memref<2x640000xi32, #tpu.memory_space<hbm>> -> memref<1x400xi32, #tpu.memory_space<hbm>>
    %dma_start3A_25 = tpu.memref_squeeze %dma_start3A_24 : memref<1x400xi32, #tpu.memory_space<hbm>> -> memref<400xi32, #tpu.memory_space<hbm>>
    tpu.enqueue_dma source(%dma_start3A_25 : memref<400xi32, #tpu.memory_space<hbm>>) target(%arg7 : memref<400xi32, #tpu.memory_space<vmem>>) target_semaphore(%arg15 : memref<!tpu.dma_semaphore, #tpu.memory_space<semaphore_mem>>)
    %dma_wait3A = arith.constant 0 : i32
    %dma_wait3A_26 = tpu.memref_slice %arg3[%dma_wait3A, %add3A_16] : memref<2x640000xi32, #tpu.memory_space<hbm>> -> memref<1x400xi32, #tpu.memory_space<hbm>>
    %dma_wait3A_27 = tpu.memref_squeeze %dma_wait3A_26 : memref<1x400xi32, #tpu.memory_space<hbm>> -> memref<400xi32, #tpu.memory_space<hbm>>
    %dma_wait3A_28 = tpu.memref_slice %arg3[%dma_wait3A, %add3A_16] : memref<2x640000xi32, #tpu.memory_space<hbm>> -> memref<1x400xi32, #tpu.memory_space<hbm>>
    %dma_wait3A_29 = tpu.memref_squeeze %dma_wait3A_28 : memref<1x400xi32, #tpu.memory_space<hbm>> -> memref<400xi32, #tpu.memory_space<hbm>>
    tpu.wait_dma2 semaphore(%arg15 : memref<!tpu.dma_semaphore, #tpu.memory_space<semaphore_mem>>) src(%dma_wait3A_29 : memref<400xi32, #tpu.memory_space<hbm>>) dst(%arg5 : memref<400xi32, #tpu.memory_space<vmem>>)
    %dma_wait3A_30 = arith.constant 1 : i32
    %dma_wait3A_31 = tpu.memref_slice %arg3[%dma_wait3A_30, %add3A_16] : memref<2x640000xi32, #tpu.memory_space<hbm>> -> memref<1x400xi32, #tpu.memory_space<hbm>>
    %dma_wait3A_32 = tpu.memref_squeeze %dma_wait3A_31 : memref<1x400xi32, #tpu.memory_space<hbm>> -> memref<400xi32, #tpu.memory_space<hbm>>
    %dma_wait3A_33 = tpu.memref_slice %arg3[%dma_wait3A_30, %add3A_16] : memref<2x640000xi32, #tpu.memory_space<hbm>> -> memref<1x400xi32, #tpu.memory_space<hbm>>
    %dma_wait3A_34 = tpu.memref_squeeze %dma_wait3A_33 : memref<1x400xi32, #tpu.memory_space<hbm>> -> memref<400xi32, #tpu.memory_space<hbm>>
    tpu.wait_dma2 semaphore(%arg15 : memref<!tpu.dma_semaphore, #tpu.memory_space<semaphore_mem>>) src(%dma_wait3A_34 : memref<400xi32, #tpu.memory_space<hbm>>) dst(%arg7 : memref<400xi32, #tpu.memory_space<vmem>>)
    %dma_start3A_35 = arith.constant 0 : i32
    %dma_start3A_36 = arith.constant 0 : i32
    %dma_start3A_37 = tpu.memref_slice %arg2[%dma_start3A_35, %dma_start3A_36] : memref<10000x64xf32, #tpu.memory_space<hbm>> -> memref<10000x64xf32, #tpu.memory_space<hbm>>
    tpu.enqueue_indirect_dma source(%dma_start3A_37 : memref<10000x64xf32, #tpu.memory_space<hbm>>) target(%arg9 : memref<400x64xf32, #tpu.memory_space<vmem>>) offsets(%arg5 : memref<400xi32, #tpu.memory_space<vmem>>) semaphore(%arg13 : memref<!tpu.dma_semaphore, #tpu.memory_space<semaphore_mem>>)
    %add3A_38 = arith.constant 400 : i32
    %add3A_39 = arith.addi %mul3A_14, %add3A_38 : i32
    %dma_start3A_40 = arith.constant 0 : i32
    %dma_start3A_41 = tpu.memref_slice %arg3[%dma_start3A_40, %add3A_39] : memref<2x640000xi32, #tpu.memory_space<hbm>> -> memref<1x400xi32, #tpu.memory_space<hbm>>
    %dma_start3A_42 = tpu.memref_squeeze %dma_start3A_41 : memref<1x400xi32, #tpu.memory_space<hbm>> -> memref<400xi32, #tpu.memory_space<hbm>>
    %dma_start3A_43 = tpu.memref_slice %arg3[%dma_start3A_40, %add3A_39] : memref<2x640000xi32, #tpu.memory_space<hbm>> -> memref<1x400xi32, #tpu.memory_space<hbm>>
    %dma_start3A_44 = tpu.memref_squeeze %dma_start3A_43 : memref<1x400xi32, #tpu.memory_space<hbm>> -> memref<400xi32, #tpu.memory_space<hbm>>
    tpu.enqueue_dma source(%dma_start3A_44 : memref<400xi32, #tpu.memory_space<hbm>>) target(%arg6 : memref<400xi32, #tpu.memory_space<vmem>>) target_semaphore(%arg16 : memref<!tpu.dma_semaphore, #tpu.memory_space<semaphore_mem>>)
    %dma_start3A_45 = arith.constant 1 : i32
    %dma_start3A_46 = tpu.memref_slice %arg3[%dma_start3A_45, %add3A_39] : memref<2x640000xi32, #tpu.memory_space<hbm>> -> memref<1x400xi32, #tpu.memory_space<hbm>>
    %dma_start3A_47 = tpu.memref_squeeze %dma_start3A_46 : memref<1x400xi32, #tpu.memory_space<hbm>> -> memref<400xi32, #tpu.memory_space<hbm>>
    %dma_start3A_48 = tpu.memref_slice %arg3[%dma_start3A_45, %add3A_39] : memref<2x640000xi32, #tpu.memory_space<hbm>> -> memref<1x400xi32, #tpu.memory_space<hbm>>
    %dma_start3A_49 = tpu.memref_squeeze %dma_start3A_48 : memref<1x400xi32, #tpu.memory_space<hbm>> -> memref<400xi32, #tpu.memory_space<hbm>>
    tpu.enqueue_dma source(%dma_start3A_49 : memref<400xi32, #tpu.memory_space<hbm>>) target(%arg8 : memref<400xi32, #tpu.memory_space<vmem>>) target_semaphore(%arg16 : memref<!tpu.dma_semaphore, #tpu.memory_space<semaphore_mem>>)
    %dma_wait3A_50 = arith.constant 0 : i32
    %dma_wait3A_51 = tpu.memref_slice %arg3[%dma_wait3A_50, %add3A_39] : memref<2x640000xi32, #tpu.memory_space<hbm>> -> memref<1x400xi32, #tpu.memory_space<hbm>>
    %dma_wait3A_52 = tpu.memref_squeeze %dma_wait3A_51 : memref<1x400xi32, #tpu.memory_space<hbm>> -> memref<400xi32, #tpu.memory_space<hbm>>
    %dma_wait3A_53 = tpu.memref_slice %arg3[%dma_wait3A_50, %add3A_39] : memref<2x640000xi32, #tpu.memory_space<hbm>> -> memref<1x400xi32, #tpu.memory_space<hbm>>
    %dma_wait3A_54 = tpu.memref_squeeze %dma_wait3A_53 : memref<1x400xi32, #tpu.memory_space<hbm>> -> memref<400xi32, #tpu.memory_space<hbm>>
    tpu.wait_dma2 semaphore(%arg16 : memref<!tpu.dma_semaphore, #tpu.memory_space<semaphore_mem>>) src(%dma_wait3A_54 : memref<400xi32, #tpu.memory_space<hbm>>) dst(%arg6 : memref<400xi32, #tpu.memory_space<vmem>>)
    %dma_wait3A_55 = arith.constant 1 : i32
    %dma_wait3A_56 = tpu.memref_slice %arg3[%dma_wait3A_55, %add3A_39] : memref<2x640000xi32, #tpu.memory_space<hbm>> -> memref<1x400xi32, #tpu.memory_space<hbm>>
    %dma_wait3A_57 = tpu.memref_squeeze %dma_wait3A_56 : memref<1x400xi32, #tpu.memory_space<hbm>> -> memref<400xi32, #tpu.memory_space<hbm>>
    %dma_wait3A_58 = tpu.memref_slice %arg3[%dma_wait3A_55, %add3A_39] : memref<2x640000xi32, #tpu.memory_space<hbm>> -> memref<1x400xi32, #tpu.memory_space<hbm>>
    %dma_wait3A_59 = tpu.memref_squeeze %dma_wait3A_58 : memref<1x400xi32, #tpu.memory_space<hbm>> -> memref<400xi32, #tpu.memory_space<hbm>>
    tpu.wait_dma2 semaphore(%arg16 : memref<!tpu.dma_semaphore, #tpu.memory_space<semaphore_mem>>) src(%dma_wait3A_59 : memref<400xi32, #tpu.memory_space<hbm>>) dst(%arg8 : memref<400xi32, #tpu.memory_space<vmem>>)
    %dma_start3A_60 = arith.constant 0 : i32
    %dma_start3A_61 = arith.constant 0 : i32
    %dma_start3A_62 = tpu.memref_slice %arg2[%dma_start3A_60, %dma_start3A_61] : memref<10000x64xf32, #tpu.memory_space<hbm>> -> memref<10000x64xf32, #tpu.memory_space<hbm>>
    tpu.enqueue_indirect_dma source(%dma_start3A_62 : memref<10000x64xf32, #tpu.memory_space<hbm>>) target(%arg10 : memref<400x64xf32, #tpu.memory_space<vmem>>) offsets(%arg6 : memref<400xi32, #tpu.memory_space<vmem>>) semaphore(%arg14 : memref<!tpu.dma_semaphore, #tpu.memory_space<semaphore_mem>>)
    %dma_wait3A_63 = arith.constant 0 : i32
    %dma_wait3A_64 = arith.constant 0 : i32
    %dma_wait3A_65 = tpu.memref_slice %arg2[%dma_wait3A_63, %dma_wait3A_64] : memref<10000x64xf32, #tpu.memory_space<hbm>> -> memref<10000x64xf32, #tpu.memory_space<hbm>>
    tpu.wait_indirect_dma semaphore(%arg13 : memref<!tpu.dma_semaphore, #tpu.memory_space<semaphore_mem>>) src(%dma_wait3A_65 : memref<10000x64xf32, #tpu.memory_space<hbm>>) dst(%arg9 : memref<400x64xf32, #tpu.memory_space<vmem>>)
    "tpu.region"() ({
      %run_scoped3A = tpu.sem_alloc : memref<!tpu.dma_semaphore, #tpu.memory_space<semaphore_mem>>
      %dma_start3A_1424 = arith.constant 0 : i32
      %dma_start3A_1425 = arith.constant 0 : i32
      %dma_start3A_1426 = tpu.memref_slice %arg12[%dma_start3A_1424, %dma_start3A_1425] : memref<10000x64xf32, #tpu.memory_space<vmem_shared>> -> memref<10000x64xf32, #tpu.memory_space<vmem_shared>>
      tpu.enqueue_indirect_dma source(%arg9 : memref<400x64xf32, #tpu.memory_space<vmem>>) target(%dma_start3A_1426 : memref<10000x64xf32, #tpu.memory_space<vmem_shared>>) offsets(%arg7 : memref<400xi32, #tpu.memory_space<vmem>>) semaphore(%run_scoped3A : memref<!tpu.dma_semaphore, #tpu.memory_space<semaphore_mem>>) {add = true}
      %dma_wait3A_1427 = arith.constant 0 : i32
      %dma_wait3A_1428 = arith.constant 0 : i32
      %dma_wait3A_1429 = tpu.memref_slice %arg12[%dma_wait3A_1427, %dma_wait3A_1428] : memref<10000x64xf32, #tpu.memory_space<vmem_shared>> -> memref<10000x64xf32, #tpu.memory_space<vmem_shared>>
      tpu.wait_indirect_dma semaphore(%run_scoped3A : memref<!tpu.dma_semaphore, #tpu.memory_space<semaphore_mem>>) src(%arg9 : memref<400x64xf32, #tpu.memory_space<vmem>>) dst(%dma_wait3A_1429 : memref<10000x64xf32, #tpu.memory_space<vmem_shared>>)
      tpu.yield
    }) : () -> ()
    %add3A_66 = arith.constant 800 : i32
    %add3A_67 = arith.addi %mul3A_14, %add3A_66 : i32
    %dma_start3A_68 = arith.constant 0 : i32
    %dma_start3A_69 = tpu.memref_slice %arg3[%dma_start3A_68, %add3A_67] : memref<2x640000xi32, #tpu.memory_space<hbm>> -> memref<1x400xi32, #tpu.memory_space<hbm>>
    %dma_start3A_70 = tpu.memref_squeeze %dma_start3A_69 : memref<1x400xi32, #tpu.memory_space<hbm>> -> memref<400xi32, #tpu.memory_space<hbm>>
    %dma_start3A_71 = tpu.memref_slice %arg3[%dma_start3A_68, %add3A_67] : memref<2x640000xi32, #tpu.memory_space<hbm>> -> memref<1x400xi32, #tpu.memory_space<hbm>>
    %dma_start3A_72 = tpu.memref_squeeze %dma_start3A_71 : memref<1x400xi32, #tpu.memory_space<hbm>> -> memref<400xi32, #tpu.memory_space<hbm>>
    tpu.enqueue_dma source(%dma_start3A_72 : memref<400xi32, #tpu.memory_space<hbm>>) target(%arg5 : memref<400xi32, #tpu.memory_space<vmem>>) target_semaphore(%arg15 : memref<!tpu.dma_semaphore, #tpu.memory_space<semaphore_mem>>)
    %dma_start3A_73 = arith.constant 1 : i32
    %dma_start3A_74 = tpu.memref_slice %arg3[%dma_start3A_73, %add3A_67] : memref<2x640000xi32, #tpu.memory_space<hbm>> -> memref<1x400xi32, #tpu.memory_space<hbm>>
    %dma_start3A_75 = tpu.memref_squeeze %dma_start3A_74 : memref<1x400xi32, #tpu.memory_space<hbm>> -> memref<400xi32, #tpu.memory_space<hbm>>
    %dma_start3A_76 = tpu.memref_slice %arg3[%dma_start3A_73, %add3A_67] : memref<2x640000xi32, #tpu.memory_space<hbm>> -> memref<1x400xi32, #tpu.memory_space<hbm>>
    %dma_start3A_77 = tpu.memref_squeeze %dma_start3A_76 : memref<1x400xi32, #tpu.memory_space<hbm>> -> memref<400xi32, #tpu.memory_space<hbm>>
    tpu.enqueue_dma source(%dma_start3A_77 : memref<400xi32, #tpu.memory_space<hbm>>) target(%arg7 : memref<400xi32, #tpu.memory_space<vmem>>) target_semaphore(%arg15 : memref<!tpu.dma_semaphore, #tpu.memory_space<semaphore_mem>>)
    %dma_wait3A_78 = arith.constant 0 : i32
    %dma_wait3A_79 = tpu.memref_slice %arg3[%dma_wait3A_78, %add3A_67] : memref<2x640000xi32, #tpu.memory_space<hbm>> -> memref<1x400xi32, #tpu.memory_space<hbm>>
    %dma_wait3A_80 = tpu.memref_squeeze %dma_wait3A_79 : memref<1x400xi32, #tpu.memory_space<hbm>> -> memref<400xi32, #tpu.memory_space<hbm>>
    %dma_wait3A_81 = tpu.memref_slice %arg3[%dma_wait3A_78, %add3A_67] : memref<2x640000xi32, #tpu.memory_space<hbm>> -> memref<1x400xi32, #tpu.memory_space<hbm>>
    %dma_wait3A_82 = tpu.memref_squeeze %dma_wait3A_81 : memref<1x400xi32, #tpu.memory_space<hbm>> -> memref<400xi32, #tpu.memory_space<hbm>>
    tpu.wait_dma2 semaphore(%arg15 : memref<!tpu.dma_semaphore, #tpu.memory_space<semaphore_mem>>) src(%dma_wait3A_82 : memref<400xi32, #tpu.memory_space<hbm>>) dst(%arg5 : memref<400xi32, #tpu.memory_space<vmem>>)
    %dma_wait3A_83 = arith.constant 1 : i32
    %dma_wait3A_84 = tpu.memref_slice %arg3[%dma_wait3A_83, %add3A_67] : memref<2x640000xi32, #tpu.memory_space<hbm>> -> memref<1x400xi32, #tpu.memory_space<hbm>>
    %dma_wait3A_85 = tpu.memref_squeeze %dma_wait3A_84 : memref<1x400xi32, #tpu.memory_space<hbm>> -> memref<400xi32, #tpu.memory_space<hbm>>
    %dma_wait3A_86 = tpu.memref_slice %arg3[%dma_wait3A_83, %add3A_67] : memref<2x640000xi32, #tpu.memory_space<hbm>> -> memref<1x400xi32, #tpu.memory_space<hbm>>
    %dma_wait3A_87 = tpu.memref_squeeze %dma_wait3A_86 : memref<1x400xi32, #tpu.memory_space<hbm>> -> memref<400xi32, #tpu.memory_space<hbm>>
    tpu.wait_dma2 semaphore(%arg15 : memref<!tpu.dma_semaphore, #tpu.memory_space<semaphore_mem>>) src(%dma_wait3A_87 : memref<400xi32, #tpu.memory_space<hbm>>) dst(%arg7 : memref<400xi32, #tpu.memory_space<vmem>>)
    %dma_start3A_88 = arith.constant 0 : i32
    %dma_start3A_89 = arith.constant 0 : i32
    %dma_start3A_90 = tpu.memref_slice %arg2[%dma_start3A_88, %dma_start3A_89] : memref<10000x64xf32, #tpu.memory_space<hbm>> -> memref<10000x64xf32, #tpu.memory_space<hbm>>
    tpu.enqueue_indirect_dma source(%dma_start3A_90 : memref<10000x64xf32, #tpu.memory_space<hbm>>) target(%arg9 : memref<400x64xf32, #tpu.memory_space<vmem>>) offsets(%arg5 : memref<400xi32, #tpu.memory_space<vmem>>) semaphore(%arg13 : memref<!tpu.dma_semaphore, #tpu.memory_space<semaphore_mem>>)
    %dma_wait3A_91 = arith.constant 0 : i32
    %dma_wait3A_92 = arith.constant 0 : i32
    %dma_wait3A_93 = tpu.memref_slice %arg2[%dma_wait3A_91, %dma_wait3A_92] : memref<10000x64xf32, #tpu.memory_space<hbm>> -> memref<10000x64xf32, #tpu.memory_space<hbm>>
    tpu.wait_indirect_dma semaphore(%arg14 : memref<!tpu.dma_semaphore, #tpu.memory_space<semaphore_mem>>) src(%dma_wait3A_93 : memref<10000x64xf32, #tpu.memory_space<hbm>>) dst(%arg10 : memref<400x64xf32, #tpu.memory_space<vmem>>)
    "tpu.region"() ({
      %run_scoped3A = tpu.sem_alloc : memref<!tpu.dma_semaphore, #tpu.memory_space<semaphore_mem>>
      %dma_start3A_1424 = arith.constant 0 : i32
      %dma_start3A_1425 = arith.constant 0 : i32
      %dma_start3A_1426 = tpu.memref_slice %arg12[%dma_start3A_1424, %dma_start3A_1425] : memref<10000x64xf32, #tpu.memory_space<vmem_shared>> -> memref<10000x64xf32, #tpu.memory_space<vmem_shared>>
      tpu.enqueue_indirect_dma source(%arg10 : memref<400x64xf32, #tpu.memory_space<vmem>>) target(%dma_start3A_1426 : memref<10000x64xf32, #tpu.memory_space<vmem_shared>>) offsets(%arg8 : memref<400xi32, #tpu.memory_space<vmem>>) semaphore(%run_scoped3A : memref<!tpu.dma_semaphore, #tpu.memory_space<semaphore_mem>>) {add = true}
      %dma_wait3A_1427 = arith.constant 0 : i32
      %dma_wait3A_1428 = arith.constant 0 : i32
      %dma_wait3A_1429 = tpu.memref_slice %arg12[%dma_wait3A_1427, %dma_wait3A_1428] : memref<10000x64xf32, #tpu.memory_space<vmem_shared>> -> memref<10000x64xf32, #tpu.memory_space<vmem_shared>>
      tpu.wait_indirect_dma semaphore(%run_scoped3A : memref<!tpu.dma_semaphore, #tpu.memory_space<semaphore_mem>>) src(%arg10 : memref<400x64xf32, #tpu.memory_space<vmem>>) dst(%dma_wait3A_1429 : memref<10000x64xf32, #tpu.memory_space<vmem_shared>>)
      tpu.yield
    }) : () -> ()
    %add3A_94 = arith.constant 1200 : i32
    %add3A_95 = arith.addi %mul3A_14, %add3A_94 : i32
    %dma_start3A_96 = arith.constant 0 : i32
    %dma_start3A_97 = tpu.memref_slice %arg3[%dma_start3A_96, %add3A_95] : memref<2x640000xi32, #tpu.memory_space<hbm>> -> memref<1x400xi32, #tpu.memory_space<hbm>>
    %dma_start3A_98 = tpu.memref_squeeze %dma_start3A_97 : memref<1x400xi32, #tpu.memory_space<hbm>> -> memref<400xi32, #tpu.memory_space<hbm>>
    %dma_start3A_99 = tpu.memref_slice %arg3[%dma_start3A_96, %add3A_95] : memref<2x640000xi32, #tpu.memory_space<hbm>> -> memref<1x400xi32, #tpu.memory_space<hbm>>
    %dma_start3A_100 = tpu.memref_squeeze %dma_start3A_99 : memref<1x400xi32, #tpu.memory_space<hbm>> -> memref<400xi32, #tpu.memory_space<hbm>>
    tpu.enqueue_dma source(%dma_start3A_100 : memref<400xi32, #tpu.memory_space<hbm>>) target(%arg6 : memref<400xi32, #tpu.memory_space<vmem>>) target_semaphore(%arg16 : memref<!tpu.dma_semaphore, #tpu.memory_space<semaphore_mem>>)
    %dma_start3A_101 = arith.constant 1 : i32
    %dma_start3A_102 = tpu.memref_slice %arg3[%dma_start3A_101, %add3A_95] : memref<2x640000xi32, #tpu.memory_space<hbm>> -> memref<1x400xi32, #tpu.memory_space<hbm>>
    %dma_start3A_103 = tpu.memref_squeeze %dma_start3A_102 : memref<1x400xi32, #tpu.memory_space<hbm>> -> memref<400xi32, #tpu.memory_space<hbm>>
    %dma_start3A_104 = tpu.memref_slice %arg3[%dma_start3A_101, %add3A_95] : memref<2x640000xi32, #tpu.memory_space<hbm>> -> memref<1x400xi32, #tpu.memory_space<hbm>>
    %dma_start3A_105 = tpu.memref_squeeze %dma_start3A_104 : memref<1x400xi32, #tpu.memory_space<hbm>> -> memref<400xi32, #tpu.memory_space<hbm>>
    tpu.enqueue_dma source(%dma_start3A_105 : memref<400xi32, #tpu.memory_space<hbm>>) target(%arg8 : memref<400xi32, #tpu.memory_space<vmem>>) target_semaphore(%arg16 : memref<!tpu.dma_semaphore, #tpu.memory_space<semaphore_mem>>)
    %dma_wait3A_106 = arith.constant 0 : i32
    %dma_wait3A_107 = tpu.memref_slice %arg3[%dma_wait3A_106, %add3A_95] : memref<2x640000xi32, #tpu.memory_space<hbm>> -> memref<1x400xi32, #tpu.memory_space<hbm>>
    %dma_wait3A_108 = tpu.memref_squeeze %dma_wait3A_107 : memref<1x400xi32, #tpu.memory_space<hbm>> -> memref<400xi32, #tpu.memory_space<hbm>>
    %dma_wait3A_109 = tpu.memref_slice %arg3[%dma_wait3A_106, %add3A_95] : memref<2x640000xi32, #tpu.memory_space<hbm>> -> memref<1x400xi32, #tpu.memory_space<hbm>>
    %dma_wait3A_110 = tpu.memref_squeeze %dma_wait3A_109 : memref<1x400xi32, #tpu.memory_space<hbm>> -> memref<400xi32, #tpu.memory_space<hbm>>
    tpu.wait_dma2 semaphore(%arg16 : memref<!tpu.dma_semaphore, #tpu.memory_space<semaphore_mem>>) src(%dma_wait3A_110 : memref<400xi32, #tpu.memory_space<hbm>>) dst(%arg6 : memref<400xi32, #tpu.memory_space<vmem>>)
    %dma_wait3A_111 = arith.constant 1 : i32
    %dma_wait3A_112 = tpu.memref_slice %arg3[%dma_wait3A_111, %add3A_95] : memref<2x640000xi32, #tpu.memory_space<hbm>> -> memref<1x400xi32, #tpu.memory_space<hbm>>
    %dma_wait3A_113 = tpu.memref_squeeze %dma_wait3A_112 : memref<1x400xi32, #tpu.memory_space<hbm>> -> memref<400xi32, #tpu.memory_space<hbm>>
    %dma_wait3A_114 = tpu.memref_slice %arg3[%dma_wait3A_111, %add3A_95] : memref<2x640000xi32, #tpu.memory_space<hbm>> -> memref<1x400xi32, #tpu.memory_space<hbm>>
    %dma_wait3A_115 = tpu.memref_squeeze %dma_wait3A_114 : memref<1x400xi32, #tpu.memory_space<hbm>> -> memref<400xi32, #tpu.memory_space<hbm>>
    tpu.wait_dma2 semaphore(%arg16 : memref<!tpu.dma_semaphore, #tpu.memory_space<semaphore_mem>>) src(%dma_wait3A_115 : memref<400xi32, #tpu.memory_space<hbm>>) dst(%arg8 : memref<400xi32, #tpu.memory_space<vmem>>)
    %dma_start3A_116 = arith.constant 0 : i32
    %dma_start3A_117 = arith.constant 0 : i32
    %dma_start3A_118 = tpu.memref_slice %arg2[%dma_start3A_116, %dma_start3A_117] : memref<10000x64xf32, #tpu.memory_space<hbm>> -> memref<10000x64xf32, #tpu.memory_space<hbm>>
    tpu.enqueue_indirect_dma source(%dma_start3A_118 : memref<10000x64xf32, #tpu.memory_space<hbm>>) target(%arg10 : memref<400x64xf32, #tpu.memory_space<vmem>>) offsets(%arg6 : memref<400xi32, #tpu.memory_space<vmem>>) semaphore(%arg14 : memref<!tpu.dma_semaphore, #tpu.memory_space<semaphore_mem>>)
    %dma_wait3A_119 = arith.constant 0 : i32
    %dma_wait3A_120 = arith.constant 0 : i32
    %dma_wait3A_121 = tpu.memref_slice %arg2[%dma_wait3A_119, %dma_wait3A_120] : memref<10000x64xf32, #tpu.memory_space<hbm>> -> memref<10000x64xf32, #tpu.memory_space<hbm>>
    tpu.wait_indirect_dma semaphore(%arg13 : memref<!tpu.dma_semaphore, #tpu.memory_space<semaphore_mem>>) src(%dma_wait3A_121 : memref<10000x64xf32, #tpu.memory_space<hbm>>) dst(%arg9 : memref<400x64xf32, #tpu.memory_space<vmem>>)
    "tpu.region"() ({
      %run_scoped3A = tpu.sem_alloc : memref<!tpu.dma_semaphore, #tpu.memory_space<semaphore_mem>>
      %dma_start3A_1424 = arith.constant 0 : i32
      %dma_start3A_1425 = arith.constant 0 : i32
      %dma_start3A_1426 = tpu.memref_slice %arg12[%dma_start3A_1424, %dma_start3A_1425] : memref<10000x64xf32, #tpu.memory_space<vmem_shared>> -> memref<10000x64xf32, #tpu.memory_space<vmem_shared>>
      tpu.enqueue_indirect_dma source(%arg9 : memref<400x64xf32, #tpu.memory_space<vmem>>) target(%dma_start3A_1426 : memref<10000x64xf32, #tpu.memory_space<vmem_shared>>) offsets(%arg7 : memref<400xi32, #tpu.memory_space<vmem>>) semaphore(%run_scoped3A : memref<!tpu.dma_semaphore, #tpu.memory_space<semaphore_mem>>) {add = true}
      %dma_wait3A_1427 = arith.constant 0 : i32
      %dma_wait3A_1428 = arith.constant 0 : i32
      %dma_wait3A_1429 = tpu.memref_slice %arg12[%dma_wait3A_1427, %dma_wait3A_1428] : memref<10000x64xf32, #tpu.memory_space<vmem_shared>> -> memref<10000x64xf32, #tpu.memory_space<vmem_shared>>
      tpu.wait_indirect_dma semaphore(%run_scoped3A : memref<!tpu.dma_semaphore, #tpu.memory_space<semaphore_mem>>) src(%arg9 : memref<400x64xf32, #tpu.memory_space<vmem>>) dst(%dma_wait3A_1429 : memref<10000x64xf32, #tpu.memory_space<vmem_shared>>)
      tpu.yield
    }) : () -> ()
    %add3A_122 = arith.constant 1600 : i32
    %add3A_123 = arith.addi %mul3A_14, %add3A_122 : i32
    %dma_start3A_124 = arith.constant 0 : i32
    %dma_start3A_125 = tpu.memref_slice %arg3[%dma_start3A_124, %add3A_123] : memref<2x640000xi32, #tpu.memory_space<hbm>> -> memref<1x400xi32, #tpu.memory_space<hbm>>
    %dma_start3A_126 = tpu.memref_squeeze %dma_start3A_125 : memref<1x400xi32, #tpu.memory_space<hbm>> -> memref<400xi32, #tpu.memory_space<hbm>>
    %dma_start3A_127 = tpu.memref_slice %arg3[%dma_start3A_124, %add3A_123] : memref<2x640000xi32, #tpu.memory_space<hbm>> -> memref<1x400xi32, #tpu.memory_space<hbm>>
    %dma_start3A_128 = tpu.memref_squeeze %dma_start3A_127 : memref<1x400xi32, #tpu.memory_space<hbm>> -> memref<400xi32, #tpu.memory_space<hbm>>
    tpu.enqueue_dma source(%dma_start3A_128 : memref<400xi32, #tpu.memory_space<hbm>>) target(%arg5 : memref<400xi32, #tpu.memory_space<vmem>>) target_semaphore(%arg15 : memref<!tpu.dma_semaphore, #tpu.memory_space<semaphore_mem>>)
    %dma_start3A_129 = arith.constant 1 : i32
    %dma_start3A_130 = tpu.memref_slice %arg3[%dma_start3A_129, %add3A_123] : memref<2x640000xi32, #tpu.memory_space<hbm>> -> memref<1x400xi32, #tpu.memory_space<hbm>>
    %dma_start3A_131 = tpu.memref_squeeze %dma_start3A_130 : memref<1x400xi32, #tpu.memory_space<hbm>> -> memref<400xi32, #tpu.memory_space<hbm>>
    %dma_start3A_132 = tpu.memref_slice %arg3[%dma_start3A_129, %add3A_123] : memref<2x640000xi32, #tpu.memory_space<hbm>> -> memref<1x400xi32, #tpu.memory_space<hbm>>
    %dma_start3A_133 = tpu.memref_squeeze %dma_start3A_132 : memref<1x400xi32, #tpu.memory_space<hbm>> -> memref<400xi32, #tpu.memory_space<hbm>>
    tpu.enqueue_dma source(%dma_start3A_133 : memref<400xi32, #tpu.memory_space<hbm>>) target(%arg7 : memref<400xi32, #tpu.memory_space<vmem>>) target_semaphore(%arg15 : memref<!tpu.dma_semaphore, #tpu.memory_space<semaphore_mem>>)
    %dma_wait3A_134 = arith.constant 0 : i32
    %dma_wait3A_135 = tpu.memref_slice %arg3[%dma_wait3A_134, %add3A_123] : memref<2x640000xi32, #tpu.memory_space<hbm>> -> memref<1x400xi32, #tpu.memory_space<hbm>>
    %dma_wait3A_136 = tpu.memref_squeeze %dma_wait3A_135 : memref<1x400xi32, #tpu.memory_space<hbm>> -> memref<400xi32, #tpu.memory_space<hbm>>
    %dma_wait3A_137 = tpu.memref_slice %arg3[%dma_wait3A_134, %add3A_123] : memref<2x640000xi32, #tpu.memory_space<hbm>> -> memref<1x400xi32, #tpu.memory_space<hbm>>
    %dma_wait3A_138 = tpu.memref_squeeze %dma_wait3A_137 : memref<1x400xi32, #tpu.memory_space<hbm>> -> memref<400xi32, #tpu.memory_space<hbm>>
    tpu.wait_dma2 semaphore(%arg15 : memref<!tpu.dma_semaphore, #tpu.memory_space<semaphore_mem>>) src(%dma_wait3A_138 : memref<400xi32, #tpu.memory_space<hbm>>) dst(%arg5 : memref<400xi32, #tpu.memory_space<vmem>>)
    %dma_wait3A_139 = arith.constant 1 : i32
    %dma_wait3A_140 = tpu.memref_slice %arg3[%dma_wait3A_139, %add3A_123] : memref<2x640000xi32, #tpu.memory_space<hbm>> -> memref<1x400xi32, #tpu.memory_space<hbm>>
    %dma_wait3A_141 = tpu.memref_squeeze %dma_wait3A_140 : memref<1x400xi32, #tpu.memory_space<hbm>> -> memref<400xi32, #tpu.memory_space<hbm>>
    %dma_wait3A_142 = tpu.memref_slice %arg3[%dma_wait3A_139, %add3A_123] : memref<2x640000xi32, #tpu.memory_space<hbm>> -> memref<1x400xi32, #tpu.memory_space<hbm>>
    %dma_wait3A_143 = tpu.memref_squeeze %dma_wait3A_142 : memref<1x400xi32, #tpu.memory_space<hbm>> -> memref<400xi32, #tpu.memory_space<hbm>>
    tpu.wait_dma2 semaphore(%arg15 : memref<!tpu.dma_semaphore, #tpu.memory_space<semaphore_mem>>) src(%dma_wait3A_143 : memref<400xi32, #tpu.memory_space<hbm>>) dst(%arg7 : memref<400xi32, #tpu.memory_space<vmem>>)
    %dma_start3A_144 = arith.constant 0 : i32
    %dma_start3A_145 = arith.constant 0 : i32
    %dma_start3A_146 = tpu.memref_slice %arg2[%dma_start3A_144, %dma_start3A_145] : memref<10000x64xf32, #tpu.memory_space<hbm>> -> memref<10000x64xf32, #tpu.memory_space<hbm>>
    tpu.enqueue_indirect_dma source(%dma_start3A_146 : memref<10000x64xf32, #tpu.memory_space<hbm>>) target(%arg9 : memref<400x64xf32, #tpu.memory_space<vmem>>) offsets(%arg5 : memref<400xi32, #tpu.memory_space<vmem>>) semaphore(%arg13 : memref<!tpu.dma_semaphore, #tpu.memory_space<semaphore_mem>>)
    %dma_wait3A_147 = arith.constant 0 : i32
    %dma_wait3A_148 = arith.constant 0 : i32
    %dma_wait3A_149 = tpu.memref_slice %arg2[%dma_wait3A_147, %dma_wait3A_148] : memref<10000x64xf32, #tpu.memory_space<hbm>> -> memref<10000x64xf32, #tpu.memory_space<hbm>>
    tpu.wait_indirect_dma semaphore(%arg14 : memref<!tpu.dma_semaphore, #tpu.memory_space<semaphore_mem>>) src(%dma_wait3A_149 : memref<10000x64xf32, #tpu.memory_space<hbm>>) dst(%arg10 : memref<400x64xf32, #tpu.memory_space<vmem>>)
    "tpu.region"() ({
      %run_scoped3A = tpu.sem_alloc : memref<!tpu.dma_semaphore, #tpu.memory_space<semaphore_mem>>
      %dma_start3A_1424 = arith.constant 0 : i32
      %dma_start3A_1425 = arith.constant 0 : i32
      %dma_start3A_1426 = tpu.memref_slice %arg12[%dma_start3A_1424, %dma_start3A_1425] : memref<10000x64xf32, #tpu.memory_space<vmem_shared>> -> memref<10000x64xf32, #tpu.memory_space<vmem_shared>>
      tpu.enqueue_indirect_dma source(%arg10 : memref<400x64xf32, #tpu.memory_space<vmem>>) target(%dma_start3A_1426 : memref<10000x64xf32, #tpu.memory_space<vmem_shared>>) offsets(%arg8 : memref<400xi32, #tpu.memory_space<vmem>>) semaphore(%run_scoped3A : memref<!tpu.dma_semaphore, #tpu.memory_space<semaphore_mem>>) {add = true}
      %dma_wait3A_1427 = arith.constant 0 : i32
      %dma_wait3A_1428 = arith.constant 0 : i32
      %dma_wait3A_1429 = tpu.memref_slice %arg12[%dma_wait3A_1427, %dma_wait3A_1428] : memref<10000x64xf32, #tpu.memory_space<vmem_shared>> -> memref<10000x64xf32, #tpu.memory_space<vmem_shared>>
      tpu.wait_indirect_dma semaphore(%run_scoped3A : memref<!tpu.dma_semaphore, #tpu.memory_space<semaphore_mem>>) src(%arg10 : memref<400x64xf32, #tpu.memory_space<vmem>>) dst(%dma_wait3A_1429 : memref<10000x64xf32, #tpu.memory_space<vmem_shared>>)
      tpu.yield
    }) : () -> ()
    %add3A_150 = arith.constant 2000 : i32
    %add3A_151 = arith.addi %mul3A_14, %add3A_150 : i32
    %dma_start3A_152 = arith.constant 0 : i32
    %dma_start3A_153 = tpu.memref_slice %arg3[%dma_start3A_152, %add3A_151] : memref<2x640000xi32, #tpu.memory_space<hbm>> -> memref<1x400xi32, #tpu.memory_space<hbm>>
    %dma_start3A_154 = tpu.memref_squeeze %dma_start3A_153 : memref<1x400xi32, #tpu.memory_space<hbm>> -> memref<400xi32, #tpu.memory_space<hbm>>
    %dma_start3A_155 = tpu.memref_slice %arg3[%dma_start3A_152, %add3A_151] : memref<2x640000xi32, #tpu.memory_space<hbm>> -> memref<1x400xi32, #tpu.memory_space<hbm>>
    %dma_start3A_156 = tpu.memref_squeeze %dma_start3A_155 : memref<1x400xi32, #tpu.memory_space<hbm>> -> memref<400xi32, #tpu.memory_space<hbm>>
    tpu.enqueue_dma source(%dma_start3A_156 : memref<400xi32, #tpu.memory_space<hbm>>) target(%arg6 : memref<400xi32, #tpu.memory_space<vmem>>) target_semaphore(%arg16 : memref<!tpu.dma_semaphore, #tpu.memory_space<semaphore_mem>>)
    %dma_start3A_157 = arith.constant 1 : i32
    %dma_start3A_158 = tpu.memref_slice %arg3[%dma_start3A_157, %add3A_151] : memref<2x640000xi32, #tpu.memory_space<hbm>> -> memref<1x400xi32, #tpu.memory_space<hbm>>
    %dma_start3A_159 = tpu.memref_squeeze %dma_start3A_158 : memref<1x400xi32, #tpu.memory_space<hbm>> -> memref<400xi32, #tpu.memory_space<hbm>>
    %dma_start3A_160 = tpu.memref_slice %arg3[%dma_start3A_157, %add3A_151] : memref<2x640000xi32, #tpu.memory_space<hbm>> -> memref<1x400xi32, #tpu.memory_space<hbm>>
    %dma_start3A_161 = tpu.memref_squeeze %dma_start3A_160 : memref<1x400xi32, #tpu.memory_space<hbm>> -> memref<400xi32, #tpu.memory_space<hbm>>
    tpu.enqueue_dma source(%dma_start3A_161 : memref<400xi32, #tpu.memory_space<hbm>>) target(%arg8 : memref<400xi32, #tpu.memory_space<vmem>>) target_semaphore(%arg16 : memref<!tpu.dma_semaphore, #tpu.memory_space<semaphore_mem>>)
    %dma_wait3A_162 = arith.constant 0 : i32
    %dma_wait3A_163 = tpu.memref_slice %arg3[%dma_wait3A_162, %add3A_151] : memref<2x640000xi32, #tpu.memory_space<hbm>> -> memref<1x400xi32, #tpu.memory_space<hbm>>
    %dma_wait3A_164 = tpu.memref_squeeze %dma_wait3A_163 : memref<1x400xi32, #tpu.memory_space<hbm>> -> memref<400xi32, #tpu.memory_space<hbm>>
    %dma_wait3A_165 = tpu.memref_slice %arg3[%dma_wait3A_162, %add3A_151] : memref<2x640000xi32, #tpu.memory_space<hbm>> -> memref<1x400xi32, #tpu.memory_space<hbm>>
    %dma_wait3A_166 = tpu.memref_squeeze %dma_wait3A_165 : memref<1x400xi32, #tpu.memory_space<hbm>> -> memref<400xi32, #tpu.memory_space<hbm>>
    tpu.wait_dma2 semaphore(%arg16 : memref<!tpu.dma_semaphore, #tpu.memory_space<semaphore_mem>>) src(%dma_wait3A_166 : memref<400xi32, #tpu.memory_space<hbm>>) dst(%arg6 : memref<400xi32, #tpu.memory_space<vmem>>)
    %dma_wait3A_167 = arith.constant 1 : i32
    %dma_wait3A_168 = tpu.memref_slice %arg3[%dma_wait3A_167, %add3A_151] : memref<2x640000xi32, #tpu.memory_space<hbm>> -> memref<1x400xi32, #tpu.memory_space<hbm>>
    %dma_wait3A_169 = tpu.memref_squeeze %dma_wait3A_168 : memref<1x400xi32, #tpu.memory_space<hbm>> -> memref<400xi32, #tpu.memory_space<hbm>>
    %dma_wait3A_170 = tpu.memref_slice %arg3[%dma_wait3A_167, %add3A_151] : memref<2x640000xi32, #tpu.memory_space<hbm>> -> memref<1x400xi32, #tpu.memory_space<hbm>>
    %dma_wait3A_171 = tpu.memref_squeeze %dma_wait3A_170 : memref<1x400xi32, #tpu.memory_space<hbm>> -> memref<400xi32, #tpu.memory_space<hbm>>
    tpu.wait_dma2 semaphore(%arg16 : memref<!tpu.dma_semaphore, #tpu.memory_space<semaphore_mem>>) src(%dma_wait3A_171 : memref<400xi32, #tpu.memory_space<hbm>>) dst(%arg8 : memref<400xi32, #tpu.memory_space<vmem>>)
    %dma_start3A_172 = arith.constant 0 : i32
    %dma_start3A_173 = arith.constant 0 : i32
    %dma_start3A_174 = tpu.memref_slice %arg2[%dma_start3A_172, %dma_start3A_173] : memref<10000x64xf32, #tpu.memory_space<hbm>> -> memref<10000x64xf32, #tpu.memory_space<hbm>>
    tpu.enqueue_indirect_dma source(%dma_start3A_174 : memref<10000x64xf32, #tpu.memory_space<hbm>>) target(%arg10 : memref<400x64xf32, #tpu.memory_space<vmem>>) offsets(%arg6 : memref<400xi32, #tpu.memory_space<vmem>>) semaphore(%arg14 : memref<!tpu.dma_semaphore, #tpu.memory_space<semaphore_mem>>)
    %dma_wait3A_175 = arith.constant 0 : i32
    %dma_wait3A_176 = arith.constant 0 : i32
    %dma_wait3A_177 = tpu.memref_slice %arg2[%dma_wait3A_175, %dma_wait3A_176] : memref<10000x64xf32, #tpu.memory_space<hbm>> -> memref<10000x64xf32, #tpu.memory_space<hbm>>
    tpu.wait_indirect_dma semaphore(%arg13 : memref<!tpu.dma_semaphore, #tpu.memory_space<semaphore_mem>>) src(%dma_wait3A_177 : memref<10000x64xf32, #tpu.memory_space<hbm>>) dst(%arg9 : memref<400x64xf32, #tpu.memory_space<vmem>>)
    "tpu.region"() ({
      %run_scoped3A = tpu.sem_alloc : memref<!tpu.dma_semaphore, #tpu.memory_space<semaphore_mem>>
      %dma_start3A_1424 = arith.constant 0 : i32
      %dma_start3A_1425 = arith.constant 0 : i32
      %dma_start3A_1426 = tpu.memref_slice %arg12[%dma_start3A_1424, %dma_start3A_1425] : memref<10000x64xf32, #tpu.memory_space<vmem_shared>> -> memref<10000x64xf32, #tpu.memory_space<vmem_shared>>
      tpu.enqueue_indirect_dma source(%arg9 : memref<400x64xf32, #tpu.memory_space<vmem>>) target(%dma_start3A_1426 : memref<10000x64xf32, #tpu.memory_space<vmem_shared>>) offsets(%arg7 : memref<400xi32, #tpu.memory_space<vmem>>) semaphore(%run_scoped3A : memref<!tpu.dma_semaphore, #tpu.memory_space<semaphore_mem>>) {add = true}
      %dma_wait3A_1427 = arith.constant 0 : i32
      %dma_wait3A_1428 = arith.constant 0 : i32
      %dma_wait3A_1429 = tpu.memref_slice %arg12[%dma_wait3A_1427, %dma_wait3A_1428] : memref<10000x64xf32, #tpu.memory_space<vmem_shared>> -> memref<10000x64xf32, #tpu.memory_space<vmem_shared>>
      tpu.wait_indirect_dma semaphore(%run_scoped3A : memref<!tpu.dma_semaphore, #tpu.memory_space<semaphore_mem>>) src(%arg9 : memref<400x64xf32, #tpu.memory_space<vmem>>) dst(%dma_wait3A_1429 : memref<10000x64xf32, #tpu.memory_space<vmem_shared>>)
      tpu.yield
    }) : () -> ()
    %add3A_178 = arith.constant 2400 : i32
    %add3A_179 = arith.addi %mul3A_14, %add3A_178 : i32
    %dma_start3A_180 = arith.constant 0 : i32
    %dma_start3A_181 = tpu.memref_slice %arg3[%dma_start3A_180, %add3A_179] : memref<2x640000xi32, #tpu.memory_space<hbm>> -> memref<1x400xi32, #tpu.memory_space<hbm>>
    %dma_start3A_182 = tpu.memref_squeeze %dma_start3A_181 : memref<1x400xi32, #tpu.memory_space<hbm>> -> memref<400xi32, #tpu.memory_space<hbm>>
    %dma_start3A_183 = tpu.memref_slice %arg3[%dma_start3A_180, %add3A_179] : memref<2x640000xi32, #tpu.memory_space<hbm>> -> memref<1x400xi32, #tpu.memory_space<hbm>>
    %dma_start3A_184 = tpu.memref_squeeze %dma_start3A_183 : memref<1x400xi32, #tpu.memory_space<hbm>> -> memref<400xi32, #tpu.memory_space<hbm>>
    tpu.enqueue_dma source(%dma_start3A_184 : memref<400xi32, #tpu.memory_space<hbm>>) target(%arg5 : memref<400xi32, #tpu.memory_space<vmem>>) target_semaphore(%arg15 : memref<!tpu.dma_semaphore, #tpu.memory_space<semaphore_mem>>)
    %dma_start3A_185 = arith.constant 1 : i32
    %dma_start3A_186 = tpu.memref_slice %arg3[%dma_start3A_185, %add3A_179] : memref<2x640000xi32, #tpu.memory_space<hbm>> -> memref<1x400xi32, #tpu.memory_space<hbm>>
    %dma_start3A_187 = tpu.memref_squeeze %dma_start3A_186 : memref<1x400xi32, #tpu.memory_space<hbm>> -> memref<400xi32, #tpu.memory_space<hbm>>
    %dma_start3A_188 = tpu.memref_slice %arg3[%dma_start3A_185, %add3A_179] : memref<2x640000xi32, #tpu.memory_space<hbm>> -> memref<1x400xi32, #tpu.memory_space<hbm>>
    %dma_start3A_189 = tpu.memref_squeeze %dma_start3A_188 : memref<1x400xi32, #tpu.memory_space<hbm>> -> memref<400xi32, #tpu.memory_space<hbm>>
    tpu.enqueue_dma source(%dma_start3A_189 : memref<400xi32, #tpu.memory_space<hbm>>) target(%arg7 : memref<400xi32, #tpu.memory_space<vmem>>) target_semaphore(%arg15 : memref<!tpu.dma_semaphore, #tpu.memory_space<semaphore_mem>>)
    %dma_wait3A_190 = arith.constant 0 : i32
    %dma_wait3A_191 = tpu.memref_slice %arg3[%dma_wait3A_190, %add3A_179] : memref<2x640000xi32, #tpu.memory_space<hbm>> -> memref<1x400xi32, #tpu.memory_space<hbm>>
    %dma_wait3A_192 = tpu.memref_squeeze %dma_wait3A_191 : memref<1x400xi32, #tpu.memory_space<hbm>> -> memref<400xi32, #tpu.memory_space<hbm>>
    %dma_wait3A_193 = tpu.memref_slice %arg3[%dma_wait3A_190, %add3A_179] : memref<2x640000xi32, #tpu.memory_space<hbm>> -> memref<1x400xi32, #tpu.memory_space<hbm>>
    %dma_wait3A_194 = tpu.memref_squeeze %dma_wait3A_193 : memref<1x400xi32, #tpu.memory_space<hbm>> -> memref<400xi32, #tpu.memory_space<hbm>>
    tpu.wait_dma2 semaphore(%arg15 : memref<!tpu.dma_semaphore, #tpu.memory_space<semaphore_mem>>) src(%dma_wait3A_194 : memref<400xi32, #tpu.memory_space<hbm>>) dst(%arg5 : memref<400xi32, #tpu.memory_space<vmem>>)
    %dma_wait3A_195 = arith.constant 1 : i32
    %dma_wait3A_196 = tpu.memref_slice %arg3[%dma_wait3A_195, %add3A_179] : memref<2x640000xi32, #tpu.memory_space<hbm>> -> memref<1x400xi32, #tpu.memory_space<hbm>>
    %dma_wait3A_197 = tpu.memref_squeeze %dma_wait3A_196 : memref<1x400xi32, #tpu.memory_space<hbm>> -> memref<400xi32, #tpu.memory_space<hbm>>
    %dma_wait3A_198 = tpu.memref_slice %arg3[%dma_wait3A_195, %add3A_179] : memref<2x640000xi32, #tpu.memory_space<hbm>> -> memref<1x400xi32, #tpu.memory_space<hbm>>
    %dma_wait3A_199 = tpu.memref_squeeze %dma_wait3A_198 : memref<1x400xi32, #tpu.memory_space<hbm>> -> memref<400xi32, #tpu.memory_space<hbm>>
    tpu.wait_dma2 semaphore(%arg15 : memref<!tpu.dma_semaphore, #tpu.memory_space<semaphore_mem>>) src(%dma_wait3A_199 : memref<400xi32, #tpu.memory_space<hbm>>) dst(%arg7 : memref<400xi32, #tpu.memory_space<vmem>>)
    %dma_start3A_200 = arith.constant 0 : i32
    %dma_start3A_201 = arith.constant 0 : i32
    %dma_start3A_202 = tpu.memref_slice %arg2[%dma_start3A_200, %dma_start3A_201] : memref<10000x64xf32, #tpu.memory_space<hbm>> -> memref<10000x64xf32, #tpu.memory_space<hbm>>
    tpu.enqueue_indirect_dma source(%dma_start3A_202 : memref<10000x64xf32, #tpu.memory_space<hbm>>) target(%arg9 : memref<400x64xf32, #tpu.memory_space<vmem>>) offsets(%arg5 : memref<400xi32, #tpu.memory_space<vmem>>) semaphore(%arg13 : memref<!tpu.dma_semaphore, #tpu.memory_space<semaphore_mem>>)
    %dma_wait3A_203 = arith.constant 0 : i32
    %dma_wait3A_204 = arith.constant 0 : i32
    %dma_wait3A_205 = tpu.memref_slice %arg2[%dma_wait3A_203, %dma_wait3A_204] : memref<10000x64xf32, #tpu.memory_space<hbm>> -> memref<10000x64xf32, #tpu.memory_space<hbm>>
    tpu.wait_indirect_dma semaphore(%arg14 : memref<!tpu.dma_semaphore, #tpu.memory_space<semaphore_mem>>) src(%dma_wait3A_205 : memref<10000x64xf32, #tpu.memory_space<hbm>>) dst(%arg10 : memref<400x64xf32, #tpu.memory_space<vmem>>)
    "tpu.region"() ({
      %run_scoped3A = tpu.sem_alloc : memref<!tpu.dma_semaphore, #tpu.memory_space<semaphore_mem>>
      %dma_start3A_1424 = arith.constant 0 : i32
      %dma_start3A_1425 = arith.constant 0 : i32
      %dma_start3A_1426 = tpu.memref_slice %arg12[%dma_start3A_1424, %dma_start3A_1425] : memref<10000x64xf32, #tpu.memory_space<vmem_shared>> -> memref<10000x64xf32, #tpu.memory_space<vmem_shared>>
      tpu.enqueue_indirect_dma source(%arg10 : memref<400x64xf32, #tpu.memory_space<vmem>>) target(%dma_start3A_1426 : memref<10000x64xf32, #tpu.memory_space<vmem_shared>>) offsets(%arg8 : memref<400xi32, #tpu.memory_space<vmem>>) semaphore(%run_scoped3A : memref<!tpu.dma_semaphore, #tpu.memory_space<semaphore_mem>>) {add = true}
      %dma_wait3A_1427 = arith.constant 0 : i32
      %dma_wait3A_1428 = arith.constant 0 : i32
      %dma_wait3A_1429 = tpu.memref_slice %arg12[%dma_wait3A_1427, %dma_wait3A_1428] : memref<10000x64xf32, #tpu.memory_space<vmem_shared>> -> memref<10000x64xf32, #tpu.memory_space<vmem_shared>>
      tpu.wait_indirect_dma semaphore(%run_scoped3A : memref<!tpu.dma_semaphore, #tpu.memory_space<semaphore_mem>>) src(%arg10 : memref<400x64xf32, #tpu.memory_space<vmem>>) dst(%dma_wait3A_1429 : memref<10000x64xf32, #tpu.memory_space<vmem_shared>>)
      tpu.yield
    }) : () -> ()
    %add3A_206 = arith.constant 2800 : i32
    %add3A_207 = arith.addi %mul3A_14, %add3A_206 : i32
    %dma_start3A_208 = arith.constant 0 : i32
    %dma_start3A_209 = tpu.memref_slice %arg3[%dma_start3A_208, %add3A_207] : memref<2x640000xi32, #tpu.memory_space<hbm>> -> memref<1x400xi32, #tpu.memory_space<hbm>>
    %dma_start3A_210 = tpu.memref_squeeze %dma_start3A_209 : memref<1x400xi32, #tpu.memory_space<hbm>> -> memref<400xi32, #tpu.memory_space<hbm>>
    %dma_start3A_211 = tpu.memref_slice %arg3[%dma_start3A_208, %add3A_207] : memref<2x640000xi32, #tpu.memory_space<hbm>> -> memref<1x400xi32, #tpu.memory_space<hbm>>
    %dma_start3A_212 = tpu.memref_squeeze %dma_start3A_211 : memref<1x400xi32, #tpu.memory_space<hbm>> -> memref<400xi32, #tpu.memory_space<hbm>>
    tpu.enqueue_dma source(%dma_start3A_212 : memref<400xi32, #tpu.memory_space<hbm>>) target(%arg6 : memref<400xi32, #tpu.memory_space<vmem>>) target_semaphore(%arg16 : memref<!tpu.dma_semaphore, #tpu.memory_space<semaphore_mem>>)
    %dma_start3A_213 = arith.constant 1 : i32
    %dma_start3A_214 = tpu.memref_slice %arg3[%dma_start3A_213, %add3A_207] : memref<2x640000xi32, #tpu.memory_space<hbm>> -> memref<1x400xi32, #tpu.memory_space<hbm>>
    %dma_start3A_215 = tpu.memref_squeeze %dma_start3A_214 : memref<1x400xi32, #tpu.memory_space<hbm>> -> memref<400xi32, #tpu.memory_space<hbm>>
    %dma_start3A_216 = tpu.memref_slice %arg3[%dma_start3A_213, %add3A_207] : memref<2x640000xi32, #tpu.memory_space<hbm>> -> memref<1x400xi32, #tpu.memory_space<hbm>>
    %dma_start3A_217 = tpu.memref_squeeze %dma_start3A_216 : memref<1x400xi32, #tpu.memory_space<hbm>> -> memref<400xi32, #tpu.memory_space<hbm>>
    tpu.enqueue_dma source(%dma_start3A_217 : memref<400xi32, #tpu.memory_space<hbm>>) target(%arg8 : memref<400xi32, #tpu.memory_space<vmem>>) target_semaphore(%arg16 : memref<!tpu.dma_semaphore, #tpu.memory_space<semaphore_mem>>)
    %dma_wait3A_218 = arith.constant 0 : i32
    %dma_wait3A_219 = tpu.memref_slice %arg3[%dma_wait3A_218, %add3A_207] : memref<2x640000xi32, #tpu.memory_space<hbm>> -> memref<1x400xi32, #tpu.memory_space<hbm>>
    %dma_wait3A_220 = tpu.memref_squeeze %dma_wait3A_219 : memref<1x400xi32, #tpu.memory_space<hbm>> -> memref<400xi32, #tpu.memory_space<hbm>>
    %dma_wait3A_221 = tpu.memref_slice %arg3[%dma_wait3A_218, %add3A_207] : memref<2x640000xi32, #tpu.memory_space<hbm>> -> memref<1x400xi32, #tpu.memory_space<hbm>>
    %dma_wait3A_222 = tpu.memref_squeeze %dma_wait3A_221 : memref<1x400xi32, #tpu.memory_space<hbm>> -> memref<400xi32, #tpu.memory_space<hbm>>
    tpu.wait_dma2 semaphore(%arg16 : memref<!tpu.dma_semaphore, #tpu.memory_space<semaphore_mem>>) src(%dma_wait3A_222 : memref<400xi32, #tpu.memory_space<hbm>>) dst(%arg6 : memref<400xi32, #tpu.memory_space<vmem>>)
    %dma_wait3A_223 = arith.constant 1 : i32
    %dma_wait3A_224 = tpu.memref_slice %arg3[%dma_wait3A_223, %add3A_207] : memref<2x640000xi32, #tpu.memory_space<hbm>> -> memref<1x400xi32, #tpu.memory_space<hbm>>
    %dma_wait3A_225 = tpu.memref_squeeze %dma_wait3A_224 : memref<1x400xi32, #tpu.memory_space<hbm>> -> memref<400xi32, #tpu.memory_space<hbm>>
    %dma_wait3A_226 = tpu.memref_slice %arg3[%dma_wait3A_223, %add3A_207] : memref<2x640000xi32, #tpu.memory_space<hbm>> -> memref<1x400xi32, #tpu.memory_space<hbm>>
    %dma_wait3A_227 = tpu.memref_squeeze %dma_wait3A_226 : memref<1x400xi32, #tpu.memory_space<hbm>> -> memref<400xi32, #tpu.memory_space<hbm>>
    tpu.wait_dma2 semaphore(%arg16 : memref<!tpu.dma_semaphore, #tpu.memory_space<semaphore_mem>>) src(%dma_wait3A_227 : memref<400xi32, #tpu.memory_space<hbm>>) dst(%arg8 : memref<400xi32, #tpu.memory_space<vmem>>)
    %dma_start3A_228 = arith.constant 0 : i32
    %dma_start3A_229 = arith.constant 0 : i32
    %dma_start3A_230 = tpu.memref_slice %arg2[%dma_start3A_228, %dma_start3A_229] : memref<10000x64xf32, #tpu.memory_space<hbm>> -> memref<10000x64xf32, #tpu.memory_space<hbm>>
    tpu.enqueue_indirect_dma source(%dma_start3A_230 : memref<10000x64xf32, #tpu.memory_space<hbm>>) target(%arg10 : memref<400x64xf32, #tpu.memory_space<vmem>>) offsets(%arg6 : memref<400xi32, #tpu.memory_space<vmem>>) semaphore(%arg14 : memref<!tpu.dma_semaphore, #tpu.memory_space<semaphore_mem>>)
    %dma_wait3A_231 = arith.constant 0 : i32
    %dma_wait3A_232 = arith.constant 0 : i32
    %dma_wait3A_233 = tpu.memref_slice %arg2[%dma_wait3A_231, %dma_wait3A_232] : memref<10000x64xf32, #tpu.memory_space<hbm>> -> memref<10000x64xf32, #tpu.memory_space<hbm>>
    tpu.wait_indirect_dma semaphore(%arg13 : memref<!tpu.dma_semaphore, #tpu.memory_space<semaphore_mem>>) src(%dma_wait3A_233 : memref<10000x64xf32, #tpu.memory_space<hbm>>) dst(%arg9 : memref<400x64xf32, #tpu.memory_space<vmem>>)
    "tpu.region"() ({
      %run_scoped3A = tpu.sem_alloc : memref<!tpu.dma_semaphore, #tpu.memory_space<semaphore_mem>>
      %dma_start3A_1424 = arith.constant 0 : i32
      %dma_start3A_1425 = arith.constant 0 : i32
      %dma_start3A_1426 = tpu.memref_slice %arg12[%dma_start3A_1424, %dma_start3A_1425] : memref<10000x64xf32, #tpu.memory_space<vmem_shared>> -> memref<10000x64xf32, #tpu.memory_space<vmem_shared>>
      tpu.enqueue_indirect_dma source(%arg9 : memref<400x64xf32, #tpu.memory_space<vmem>>) target(%dma_start3A_1426 : memref<10000x64xf32, #tpu.memory_space<vmem_shared>>) offsets(%arg7 : memref<400xi32, #tpu.memory_space<vmem>>) semaphore(%run_scoped3A : memref<!tpu.dma_semaphore, #tpu.memory_space<semaphore_mem>>) {add = true}
      %dma_wait3A_1427 = arith.constant 0 : i32
      %dma_wait3A_1428 = arith.constant 0 : i32
      %dma_wait3A_1429 = tpu.memref_slice %arg12[%dma_wait3A_1427, %dma_wait3A_1428] : memref<10000x64xf32, #tpu.memory_space<vmem_shared>> -> memref<10000x64xf32, #tpu.memory_space<vmem_shared>>
      tpu.wait_indirect_dma semaphore(%run_scoped3A : memref<!tpu.dma_semaphore, #tpu.memory_space<semaphore_mem>>) src(%arg9 : memref<400x64xf32, #tpu.memory_space<vmem>>) dst(%dma_wait3A_1429 : memref<10000x64xf32, #tpu.memory_space<vmem_shared>>)
      tpu.yield
    }) : () -> ()
    %add3A_234 = arith.constant 3200 : i32
    %add3A_235 = arith.addi %mul3A_14, %add3A_234 : i32
    %dma_start3A_236 = arith.constant 0 : i32
    %dma_start3A_237 = tpu.memref_slice %arg3[%dma_start3A_236, %add3A_235] : memref<2x640000xi32, #tpu.memory_space<hbm>> -> memref<1x400xi32, #tpu.memory_space<hbm>>
    %dma_start3A_238 = tpu.memref_squeeze %dma_start3A_237 : memref<1x400xi32, #tpu.memory_space<hbm>> -> memref<400xi32, #tpu.memory_space<hbm>>
    %dma_start3A_239 = tpu.memref_slice %arg3[%dma_start3A_236, %add3A_235] : memref<2x640000xi32, #tpu.memory_space<hbm>> -> memref<1x400xi32, #tpu.memory_space<hbm>>
    %dma_start3A_240 = tpu.memref_squeeze %dma_start3A_239 : memref<1x400xi32, #tpu.memory_space<hbm>> -> memref<400xi32, #tpu.memory_space<hbm>>
    tpu.enqueue_dma source(%dma_start3A_240 : memref<400xi32, #tpu.memory_space<hbm>>) target(%arg5 : memref<400xi32, #tpu.memory_space<vmem>>) target_semaphore(%arg15 : memref<!tpu.dma_semaphore, #tpu.memory_space<semaphore_mem>>)
    %dma_start3A_241 = arith.constant 1 : i32
    %dma_start3A_242 = tpu.memref_slice %arg3[%dma_start3A_241, %add3A_235] : memref<2x640000xi32, #tpu.memory_space<hbm>> -> memref<1x400xi32, #tpu.memory_space<hbm>>
    %dma_start3A_243 = tpu.memref_squeeze %dma_start3A_242 : memref<1x400xi32, #tpu.memory_space<hbm>> -> memref<400xi32, #tpu.memory_space<hbm>>
    %dma_start3A_244 = tpu.memref_slice %arg3[%dma_start3A_241, %add3A_235] : memref<2x640000xi32, #tpu.memory_space<hbm>> -> memref<1x400xi32, #tpu.memory_space<hbm>>
    %dma_start3A_245 = tpu.memref_squeeze %dma_start3A_244 : memref<1x400xi32, #tpu.memory_space<hbm>> -> memref<400xi32, #tpu.memory_space<hbm>>
    tpu.enqueue_dma source(%dma_start3A_245 : memref<400xi32, #tpu.memory_space<hbm>>) target(%arg7 : memref<400xi32, #tpu.memory_space<vmem>>) target_semaphore(%arg15 : memref<!tpu.dma_semaphore, #tpu.memory_space<semaphore_mem>>)
    %dma_wait3A_246 = arith.constant 0 : i32
    %dma_wait3A_247 = tpu.memref_slice %arg3[%dma_wait3A_246, %add3A_235] : memref<2x640000xi32, #tpu.memory_space<hbm>> -> memref<1x400xi32, #tpu.memory_space<hbm>>
    %dma_wait3A_248 = tpu.memref_squeeze %dma_wait3A_247 : memref<1x400xi32, #tpu.memory_space<hbm>> -> memref<400xi32, #tpu.memory_space<hbm>>
    %dma_wait3A_249 = tpu.memref_slice %arg3[%dma_wait3A_246, %add3A_235] : memref<2x640000xi32, #tpu.memory_space<hbm>> -> memref<1x400xi32, #tpu.memory_space<hbm>>
    %dma_wait3A_250 = tpu.memref_squeeze %dma_wait3A_249 : memref<1x400xi32, #tpu.memory_space<hbm>> -> memref<400xi32, #tpu.memory_space<hbm>>
    tpu.wait_dma2 semaphore(%arg15 : memref<!tpu.dma_semaphore, #tpu.memory_space<semaphore_mem>>) src(%dma_wait3A_250 : memref<400xi32, #tpu.memory_space<hbm>>) dst(%arg5 : memref<400xi32, #tpu.memory_space<vmem>>)
    %dma_wait3A_251 = arith.constant 1 : i32
    %dma_wait3A_252 = tpu.memref_slice %arg3[%dma_wait3A_251, %add3A_235] : memref<2x640000xi32, #tpu.memory_space<hbm>> -> memref<1x400xi32, #tpu.memory_space<hbm>>
    %dma_wait3A_253 = tpu.memref_squeeze %dma_wait3A_252 : memref<1x400xi32, #tpu.memory_space<hbm>> -> memref<400xi32, #tpu.memory_space<hbm>>
    %dma_wait3A_254 = tpu.memref_slice %arg3[%dma_wait3A_251, %add3A_235] : memref<2x640000xi32, #tpu.memory_space<hbm>> -> memref<1x400xi32, #tpu.memory_space<hbm>>
    %dma_wait3A_255 = tpu.memref_squeeze %dma_wait3A_254 : memref<1x400xi32, #tpu.memory_space<hbm>> -> memref<400xi32, #tpu.memory_space<hbm>>
    tpu.wait_dma2 semaphore(%arg15 : memref<!tpu.dma_semaphore, #tpu.memory_space<semaphore_mem>>) src(%dma_wait3A_255 : memref<400xi32, #tpu.memory_space<hbm>>) dst(%arg7 : memref<400xi32, #tpu.memory_space<vmem>>)
    %dma_start3A_256 = arith.constant 0 : i32
    %dma_start3A_257 = arith.constant 0 : i32
    %dma_start3A_258 = tpu.memref_slice %arg2[%dma_start3A_256, %dma_start3A_257] : memref<10000x64xf32, #tpu.memory_space<hbm>> -> memref<10000x64xf32, #tpu.memory_space<hbm>>
    tpu.enqueue_indirect_dma source(%dma_start3A_258 : memref<10000x64xf32, #tpu.memory_space<hbm>>) target(%arg9 : memref<400x64xf32, #tpu.memory_space<vmem>>) offsets(%arg5 : memref<400xi32, #tpu.memory_space<vmem>>) semaphore(%arg13 : memref<!tpu.dma_semaphore, #tpu.memory_space<semaphore_mem>>)
    %dma_wait3A_259 = arith.constant 0 : i32
    %dma_wait3A_260 = arith.constant 0 : i32
    %dma_wait3A_261 = tpu.memref_slice %arg2[%dma_wait3A_259, %dma_wait3A_260] : memref<10000x64xf32, #tpu.memory_space<hbm>> -> memref<10000x64xf32, #tpu.memory_space<hbm>>
    tpu.wait_indirect_dma semaphore(%arg14 : memref<!tpu.dma_semaphore, #tpu.memory_space<semaphore_mem>>) src(%dma_wait3A_261 : memref<10000x64xf32, #tpu.memory_space<hbm>>) dst(%arg10 : memref<400x64xf32, #tpu.memory_space<vmem>>)
    "tpu.region"() ({
      %run_scoped3A = tpu.sem_alloc : memref<!tpu.dma_semaphore, #tpu.memory_space<semaphore_mem>>
      %dma_start3A_1424 = arith.constant 0 : i32
      %dma_start3A_1425 = arith.constant 0 : i32
      %dma_start3A_1426 = tpu.memref_slice %arg12[%dma_start3A_1424, %dma_start3A_1425] : memref<10000x64xf32, #tpu.memory_space<vmem_shared>> -> memref<10000x64xf32, #tpu.memory_space<vmem_shared>>
      tpu.enqueue_indirect_dma source(%arg10 : memref<400x64xf32, #tpu.memory_space<vmem>>) target(%dma_start3A_1426 : memref<10000x64xf32, #tpu.memory_space<vmem_shared>>) offsets(%arg8 : memref<400xi32, #tpu.memory_space<vmem>>) semaphore(%run_scoped3A : memref<!tpu.dma_semaphore, #tpu.memory_space<semaphore_mem>>) {add = true}
      %dma_wait3A_1427 = arith.constant 0 : i32
      %dma_wait3A_1428 = arith.constant 0 : i32
      %dma_wait3A_1429 = tpu.memref_slice %arg12[%dma_wait3A_1427, %dma_wait3A_1428] : memref<10000x64xf32, #tpu.memory_space<vmem_shared>> -> memref<10000x64xf32, #tpu.memory_space<vmem_shared>>
      tpu.wait_indirect_dma semaphore(%run_scoped3A : memref<!tpu.dma_semaphore, #tpu.memory_space<semaphore_mem>>) src(%arg10 : memref<400x64xf32, #tpu.memory_space<vmem>>) dst(%dma_wait3A_1429 : memref<10000x64xf32, #tpu.memory_space<vmem_shared>>)
      tpu.yield
    }) : () -> ()
    %add3A_262 = arith.constant 3600 : i32
    %add3A_263 = arith.addi %mul3A_14, %add3A_262 : i32
    %dma_start3A_264 = arith.constant 0 : i32
    %dma_start3A_265 = tpu.memref_slice %arg3[%dma_start3A_264, %add3A_263] : memref<2x640000xi32, #tpu.memory_space<hbm>> -> memref<1x400xi32, #tpu.memory_space<hbm>>
    %dma_start3A_266 = tpu.memref_squeeze %dma_start3A_265 : memref<1x400xi32, #tpu.memory_space<hbm>> -> memref<400xi32, #tpu.memory_space<hbm>>
    %dma_start3A_267 = tpu.memref_slice %arg3[%dma_start3A_264, %add3A_263] : memref<2x640000xi32, #tpu.memory_space<hbm>> -> memref<1x400xi32, #tpu.memory_space<hbm>>
    %dma_start3A_268 = tpu.memref_squeeze %dma_start3A_267 : memref<1x400xi32, #tpu.memory_space<hbm>> -> memref<400xi32, #tpu.memory_space<hbm>>
    tpu.enqueue_dma source(%dma_start3A_268 : memref<400xi32, #tpu.memory_space<hbm>>) target(%arg6 : memref<400xi32, #tpu.memory_space<vmem>>) target_semaphore(%arg16 : memref<!tpu.dma_semaphore, #tpu.memory_space<semaphore_mem>>)
    %dma_start3A_269 = arith.constant 1 : i32
    %dma_start3A_270 = tpu.memref_slice %arg3[%dma_start3A_269, %add3A_263] : memref<2x640000xi32, #tpu.memory_space<hbm>> -> memref<1x400xi32, #tpu.memory_space<hbm>>
    %dma_start3A_271 = tpu.memref_squeeze %dma_start3A_270 : memref<1x400xi32, #tpu.memory_space<hbm>> -> memref<400xi32, #tpu.memory_space<hbm>>
    %dma_start3A_272 = tpu.memref_slice %arg3[%dma_start3A_269, %add3A_263] : memref<2x640000xi32, #tpu.memory_space<hbm>> -> memref<1x400xi32, #tpu.memory_space<hbm>>
    %dma_start3A_273 = tpu.memref_squeeze %dma_start3A_272 : memref<1x400xi32, #tpu.memory_space<hbm>> -> memref<400xi32, #tpu.memory_space<hbm>>
    tpu.enqueue_dma source(%dma_start3A_273 : memref<400xi32, #tpu.memory_space<hbm>>) target(%arg8 : memref<400xi32, #tpu.memory_space<vmem>>) target_semaphore(%arg16 : memref<!tpu.dma_semaphore, #tpu.memory_space<semaphore_mem>>)
    %dma_wait3A_274 = arith.constant 0 : i32
    %dma_wait3A_275 = tpu.memref_slice %arg3[%dma_wait3A_274, %add3A_263] : memref<2x640000xi32, #tpu.memory_space<hbm>> -> memref<1x400xi32, #tpu.memory_space<hbm>>
    %dma_wait3A_276 = tpu.memref_squeeze %dma_wait3A_275 : memref<1x400xi32, #tpu.memory_space<hbm>> -> memref<400xi32, #tpu.memory_space<hbm>>
    %dma_wait3A_277 = tpu.memref_slice %arg3[%dma_wait3A_274, %add3A_263] : memref<2x640000xi32, #tpu.memory_space<hbm>> -> memref<1x400xi32, #tpu.memory_space<hbm>>
    %dma_wait3A_278 = tpu.memref_squeeze %dma_wait3A_277 : memref<1x400xi32, #tpu.memory_space<hbm>> -> memref<400xi32, #tpu.memory_space<hbm>>
    tpu.wait_dma2 semaphore(%arg16 : memref<!tpu.dma_semaphore, #tpu.memory_space<semaphore_mem>>) src(%dma_wait3A_278 : memref<400xi32, #tpu.memory_space<hbm>>) dst(%arg6 : memref<400xi32, #tpu.memory_space<vmem>>)
    %dma_wait3A_279 = arith.constant 1 : i32
    %dma_wait3A_280 = tpu.memref_slice %arg3[%dma_wait3A_279, %add3A_263] : memref<2x640000xi32, #tpu.memory_space<hbm>> -> memref<1x400xi32, #tpu.memory_space<hbm>>
    %dma_wait3A_281 = tpu.memref_squeeze %dma_wait3A_280 : memref<1x400xi32, #tpu.memory_space<hbm>> -> memref<400xi32, #tpu.memory_space<hbm>>
    %dma_wait3A_282 = tpu.memref_slice %arg3[%dma_wait3A_279, %add3A_263] : memref<2x640000xi32, #tpu.memory_space<hbm>> -> memref<1x400xi32, #tpu.memory_space<hbm>>
    %dma_wait3A_283 = tpu.memref_squeeze %dma_wait3A_282 : memref<1x400xi32, #tpu.memory_space<hbm>> -> memref<400xi32, #tpu.memory_space<hbm>>
    tpu.wait_dma2 semaphore(%arg16 : memref<!tpu.dma_semaphore, #tpu.memory_space<semaphore_mem>>) src(%dma_wait3A_283 : memref<400xi32, #tpu.memory_space<hbm>>) dst(%arg8 : memref<400xi32, #tpu.memory_space<vmem>>)
    %dma_start3A_284 = arith.constant 0 : i32
    %dma_start3A_285 = arith.constant 0 : i32
    %dma_start3A_286 = tpu.memref_slice %arg2[%dma_start3A_284, %dma_start3A_285] : memref<10000x64xf32, #tpu.memory_space<hbm>> -> memref<10000x64xf32, #tpu.memory_space<hbm>>
    tpu.enqueue_indirect_dma source(%dma_start3A_286 : memref<10000x64xf32, #tpu.memory_space<hbm>>) target(%arg10 : memref<400x64xf32, #tpu.memory_space<vmem>>) offsets(%arg6 : memref<400xi32, #tpu.memory_space<vmem>>) semaphore(%arg14 : memref<!tpu.dma_semaphore, #tpu.memory_space<semaphore_mem>>)
    %dma_wait3A_287 = arith.constant 0 : i32
    %dma_wait3A_288 = arith.constant 0 : i32
    %dma_wait3A_289 = tpu.memref_slice %arg2[%dma_wait3A_287, %dma_wait3A_288] : memref<10000x64xf32, #tpu.memory_space<hbm>> -> memref<10000x64xf32, #tpu.memory_space<hbm>>
    tpu.wait_indirect_dma semaphore(%arg13 : memref<!tpu.dma_semaphore, #tpu.memory_space<semaphore_mem>>) src(%dma_wait3A_289 : memref<10000x64xf32, #tpu.memory_space<hbm>>) dst(%arg9 : memref<400x64xf32, #tpu.memory_space<vmem>>)
    "tpu.region"() ({
      %run_scoped3A = tpu.sem_alloc : memref<!tpu.dma_semaphore, #tpu.memory_space<semaphore_mem>>
      %dma_start3A_1424 = arith.constant 0 : i32
      %dma_start3A_1425 = arith.constant 0 : i32
      %dma_start3A_1426 = tpu.memref_slice %arg12[%dma_start3A_1424, %dma_start3A_1425] : memref<10000x64xf32, #tpu.memory_space<vmem_shared>> -> memref<10000x64xf32, #tpu.memory_space<vmem_shared>>
      tpu.enqueue_indirect_dma source(%arg9 : memref<400x64xf32, #tpu.memory_space<vmem>>) target(%dma_start3A_1426 : memref<10000x64xf32, #tpu.memory_space<vmem_shared>>) offsets(%arg7 : memref<400xi32, #tpu.memory_space<vmem>>) semaphore(%run_scoped3A : memref<!tpu.dma_semaphore, #tpu.memory_space<semaphore_mem>>) {add = true}
      %dma_wait3A_1427 = arith.constant 0 : i32
      %dma_wait3A_1428 = arith.constant 0 : i32
      %dma_wait3A_1429 = tpu.memref_slice %arg12[%dma_wait3A_1427, %dma_wait3A_1428] : memref<10000x64xf32, #tpu.memory_space<vmem_shared>> -> memref<10000x64xf32, #tpu.memory_space<vmem_shared>>
      tpu.wait_indirect_dma semaphore(%run_scoped3A : memref<!tpu.dma_semaphore, #tpu.memory_space<semaphore_mem>>) src(%arg9 : memref<400x64xf32, #tpu.memory_space<vmem>>) dst(%dma_wait3A_1429 : memref<10000x64xf32, #tpu.memory_space<vmem_shared>>)
      tpu.yield
    }) : () -> ()
    %add3A_290 = arith.constant 4000 : i32
    %add3A_291 = arith.addi %mul3A_14, %add3A_290 : i32
    %dma_start3A_292 = arith.constant 0 : i32
    %dma_start3A_293 = tpu.memref_slice %arg3[%dma_start3A_292, %add3A_291] : memref<2x640000xi32, #tpu.memory_space<hbm>> -> memref<1x400xi32, #tpu.memory_space<hbm>>
    %dma_start3A_294 = tpu.memref_squeeze %dma_start3A_293 : memref<1x400xi32, #tpu.memory_space<hbm>> -> memref<400xi32, #tpu.memory_space<hbm>>
    %dma_start3A_295 = tpu.memref_slice %arg3[%dma_start3A_292, %add3A_291] : memref<2x640000xi32, #tpu.memory_space<hbm>> -> memref<1x400xi32, #tpu.memory_space<hbm>>
    %dma_start3A_296 = tpu.memref_squeeze %dma_start3A_295 : memref<1x400xi32, #tpu.memory_space<hbm>> -> memref<400xi32, #tpu.memory_space<hbm>>
    tpu.enqueue_dma source(%dma_start3A_296 : memref<400xi32, #tpu.memory_space<hbm>>) target(%arg5 : memref<400xi32, #tpu.memory_space<vmem>>) target_semaphore(%arg15 : memref<!tpu.dma_semaphore, #tpu.memory_space<semaphore_mem>>)
    %dma_start3A_297 = arith.constant 1 : i32
    %dma_start3A_298 = tpu.memref_slice %arg3[%dma_start3A_297, %add3A_291] : memref<2x640000xi32, #tpu.memory_space<hbm>> -> memref<1x400xi32, #tpu.memory_space<hbm>>
    %dma_start3A_299 = tpu.memref_squeeze %dma_start3A_298 : memref<1x400xi32, #tpu.memory_space<hbm>> -> memref<400xi32, #tpu.memory_space<hbm>>
    %dma_start3A_300 = tpu.memref_slice %arg3[%dma_start3A_297, %add3A_291] : memref<2x640000xi32, #tpu.memory_space<hbm>> -> memref<1x400xi32, #tpu.memory_space<hbm>>
    %dma_start3A_301 = tpu.memref_squeeze %dma_start3A_300 : memref<1x400xi32, #tpu.memory_space<hbm>> -> memref<400xi32, #tpu.memory_space<hbm>>
    tpu.enqueue_dma source(%dma_start3A_301 : memref<400xi32, #tpu.memory_space<hbm>>) target(%arg7 : memref<400xi32, #tpu.memory_space<vmem>>) target_semaphore(%arg15 : memref<!tpu.dma_semaphore, #tpu.memory_space<semaphore_mem>>)
    %dma_wait3A_302 = arith.constant 0 : i32
    %dma_wait3A_303 = tpu.memref_slice %arg3[%dma_wait3A_302, %add3A_291] : memref<2x640000xi32, #tpu.memory_space<hbm>> -> memref<1x400xi32, #tpu.memory_space<hbm>>
    %dma_wait3A_304 = tpu.memref_squeeze %dma_wait3A_303 : memref<1x400xi32, #tpu.memory_space<hbm>> -> memref<400xi32, #tpu.memory_space<hbm>>
    %dma_wait3A_305 = tpu.memref_slice %arg3[%dma_wait3A_302, %add3A_291] : memref<2x640000xi32, #tpu.memory_space<hbm>> -> memref<1x400xi32, #tpu.memory_space<hbm>>
    %dma_wait3A_306 = tpu.memref_squeeze %dma_wait3A_305 : memref<1x400xi32, #tpu.memory_space<hbm>> -> memref<400xi32, #tpu.memory_space<hbm>>
    tpu.wait_dma2 semaphore(%arg15 : memref<!tpu.dma_semaphore, #tpu.memory_space<semaphore_mem>>) src(%dma_wait3A_306 : memref<400xi32, #tpu.memory_space<hbm>>) dst(%arg5 : memref<400xi32, #tpu.memory_space<vmem>>)
    %dma_wait3A_307 = arith.constant 1 : i32
    %dma_wait3A_308 = tpu.memref_slice %arg3[%dma_wait3A_307, %add3A_291] : memref<2x640000xi32, #tpu.memory_space<hbm>> -> memref<1x400xi32, #tpu.memory_space<hbm>>
    %dma_wait3A_309 = tpu.memref_squeeze %dma_wait3A_308 : memref<1x400xi32, #tpu.memory_space<hbm>> -> memref<400xi32, #tpu.memory_space<hbm>>
    %dma_wait3A_310 = tpu.memref_slice %arg3[%dma_wait3A_307, %add3A_291] : memref<2x640000xi32, #tpu.memory_space<hbm>> -> memref<1x400xi32, #tpu.memory_space<hbm>>
    %dma_wait3A_311 = tpu.memref_squeeze %dma_wait3A_310 : memref<1x400xi32, #tpu.memory_space<hbm>> -> memref<400xi32, #tpu.memory_space<hbm>>
    tpu.wait_dma2 semaphore(%arg15 : memref<!tpu.dma_semaphore, #tpu.memory_space<semaphore_mem>>) src(%dma_wait3A_311 : memref<400xi32, #tpu.memory_space<hbm>>) dst(%arg7 : memref<400xi32, #tpu.memory_space<vmem>>)
    %dma_start3A_312 = arith.constant 0 : i32
    %dma_start3A_313 = arith.constant 0 : i32
    %dma_start3A_314 = tpu.memref_slice %arg2[%dma_start3A_312, %dma_start3A_313] : memref<10000x64xf32, #tpu.memory_space<hbm>> -> memref<10000x64xf32, #tpu.memory_space<hbm>>
    tpu.enqueue_indirect_dma source(%dma_start3A_314 : memref<10000x64xf32, #tpu.memory_space<hbm>>) target(%arg9 : memref<400x64xf32, #tpu.memory_space<vmem>>) offsets(%arg5 : memref<400xi32, #tpu.memory_space<vmem>>) semaphore(%arg13 : memref<!tpu.dma_semaphore, #tpu.memory_space<semaphore_mem>>)
    %dma_wait3A_315 = arith.constant 0 : i32
    %dma_wait3A_316 = arith.constant 0 : i32
    %dma_wait3A_317 = tpu.memref_slice %arg2[%dma_wait3A_315, %dma_wait3A_316] : memref<10000x64xf32, #tpu.memory_space<hbm>> -> memref<10000x64xf32, #tpu.memory_space<hbm>>
    tpu.wait_indirect_dma semaphore(%arg14 : memref<!tpu.dma_semaphore, #tpu.memory_space<semaphore_mem>>) src(%dma_wait3A_317 : memref<10000x64xf32, #tpu.memory_space<hbm>>) dst(%arg10 : memref<400x64xf32, #tpu.memory_space<vmem>>)
    "tpu.region"() ({
      %run_scoped3A = tpu.sem_alloc : memref<!tpu.dma_semaphore, #tpu.memory_space<semaphore_mem>>
      %dma_start3A_1424 = arith.constant 0 : i32
      %dma_start3A_1425 = arith.constant 0 : i32
      %dma_start3A_1426 = tpu.memref_slice %arg12[%dma_start3A_1424, %dma_start3A_1425] : memref<10000x64xf32, #tpu.memory_space<vmem_shared>> -> memref<10000x64xf32, #tpu.memory_space<vmem_shared>>
      tpu.enqueue_indirect_dma source(%arg10 : memref<400x64xf32, #tpu.memory_space<vmem>>) target(%dma_start3A_1426 : memref<10000x64xf32, #tpu.memory_space<vmem_shared>>) offsets(%arg8 : memref<400xi32, #tpu.memory_space<vmem>>) semaphore(%run_scoped3A : memref<!tpu.dma_semaphore, #tpu.memory_space<semaphore_mem>>) {add = true}
      %dma_wait3A_1427 = arith.constant 0 : i32
      %dma_wait3A_1428 = arith.constant 0 : i32
      %dma_wait3A_1429 = tpu.memref_slice %arg12[%dma_wait3A_1427, %dma_wait3A_1428] : memref<10000x64xf32, #tpu.memory_space<vmem_shared>> -> memref<10000x64xf32, #tpu.memory_space<vmem_shared>>
      tpu.wait_indirect_dma semaphore(%run_scoped3A : memref<!tpu.dma_semaphore, #tpu.memory_space<semaphore_mem>>) src(%arg10 : memref<400x64xf32, #tpu.memory_space<vmem>>) dst(%dma_wait3A_1429 : memref<10000x64xf32, #tpu.memory_space<vmem_shared>>)
      tpu.yield
    }) : () -> ()
    %add3A_318 = arith.constant 4400 : i32
    %add3A_319 = arith.addi %mul3A_14, %add3A_318 : i32
    %dma_start3A_320 = arith.constant 0 : i32
    %dma_start3A_321 = tpu.memref_slice %arg3[%dma_start3A_320, %add3A_319] : memref<2x640000xi32, #tpu.memory_space<hbm>> -> memref<1x400xi32, #tpu.memory_space<hbm>>
    %dma_start3A_322 = tpu.memref_squeeze %dma_start3A_321 : memref<1x400xi32, #tpu.memory_space<hbm>> -> memref<400xi32, #tpu.memory_space<hbm>>
    %dma_start3A_323 = tpu.memref_slice %arg3[%dma_start3A_320, %add3A_319] : memref<2x640000xi32, #tpu.memory_space<hbm>> -> memref<1x400xi32, #tpu.memory_space<hbm>>
    %dma_start3A_324 = tpu.memref_squeeze %dma_start3A_323 : memref<1x400xi32, #tpu.memory_space<hbm>> -> memref<400xi32, #tpu.memory_space<hbm>>
    tpu.enqueue_dma source(%dma_start3A_324 : memref<400xi32, #tpu.memory_space<hbm>>) target(%arg6 : memref<400xi32, #tpu.memory_space<vmem>>) target_semaphore(%arg16 : memref<!tpu.dma_semaphore, #tpu.memory_space<semaphore_mem>>)
    %dma_start3A_325 = arith.constant 1 : i32
    %dma_start3A_326 = tpu.memref_slice %arg3[%dma_start3A_325, %add3A_319] : memref<2x640000xi32, #tpu.memory_space<hbm>> -> memref<1x400xi32, #tpu.memory_space<hbm>>
    %dma_start3A_327 = tpu.memref_squeeze %dma_start3A_326 : memref<1x400xi32, #tpu.memory_space<hbm>> -> memref<400xi32, #tpu.memory_space<hbm>>
    %dma_start3A_328 = tpu.memref_slice %arg3[%dma_start3A_325, %add3A_319] : memref<2x640000xi32, #tpu.memory_space<hbm>> -> memref<1x400xi32, #tpu.memory_space<hbm>>
    %dma_start3A_329 = tpu.memref_squeeze %dma_start3A_328 : memref<1x400xi32, #tpu.memory_space<hbm>> -> memref<400xi32, #tpu.memory_space<hbm>>
    tpu.enqueue_dma source(%dma_start3A_329 : memref<400xi32, #tpu.memory_space<hbm>>) target(%arg8 : memref<400xi32, #tpu.memory_space<vmem>>) target_semaphore(%arg16 : memref<!tpu.dma_semaphore, #tpu.memory_space<semaphore_mem>>)
    %dma_wait3A_330 = arith.constant 0 : i32
    %dma_wait3A_331 = tpu.memref_slice %arg3[%dma_wait3A_330, %add3A_319] : memref<2x640000xi32, #tpu.memory_space<hbm>> -> memref<1x400xi32, #tpu.memory_space<hbm>>
    %dma_wait3A_332 = tpu.memref_squeeze %dma_wait3A_331 : memref<1x400xi32, #tpu.memory_space<hbm>> -> memref<400xi32, #tpu.memory_space<hbm>>
    %dma_wait3A_333 = tpu.memref_slice %arg3[%dma_wait3A_330, %add3A_319] : memref<2x640000xi32, #tpu.memory_space<hbm>> -> memref<1x400xi32, #tpu.memory_space<hbm>>
    %dma_wait3A_334 = tpu.memref_squeeze %dma_wait3A_333 : memref<1x400xi32, #tpu.memory_space<hbm>> -> memref<400xi32, #tpu.memory_space<hbm>>
    tpu.wait_dma2 semaphore(%arg16 : memref<!tpu.dma_semaphore, #tpu.memory_space<semaphore_mem>>) src(%dma_wait3A_334 : memref<400xi32, #tpu.memory_space<hbm>>) dst(%arg6 : memref<400xi32, #tpu.memory_space<vmem>>)
    %dma_wait3A_335 = arith.constant 1 : i32
    %dma_wait3A_336 = tpu.memref_slice %arg3[%dma_wait3A_335, %add3A_319] : memref<2x640000xi32, #tpu.memory_space<hbm>> -> memref<1x400xi32, #tpu.memory_space<hbm>>
    %dma_wait3A_337 = tpu.memref_squeeze %dma_wait3A_336 : memref<1x400xi32, #tpu.memory_space<hbm>> -> memref<400xi32, #tpu.memory_space<hbm>>
    %dma_wait3A_338 = tpu.memref_slice %arg3[%dma_wait3A_335, %add3A_319] : memref<2x640000xi32, #tpu.memory_space<hbm>> -> memref<1x400xi32, #tpu.memory_space<hbm>>
    %dma_wait3A_339 = tpu.memref_squeeze %dma_wait3A_338 : memref<1x400xi32, #tpu.memory_space<hbm>> -> memref<400xi32, #tpu.memory_space<hbm>>
    tpu.wait_dma2 semaphore(%arg16 : memref<!tpu.dma_semaphore, #tpu.memory_space<semaphore_mem>>) src(%dma_wait3A_339 : memref<400xi32, #tpu.memory_space<hbm>>) dst(%arg8 : memref<400xi32, #tpu.memory_space<vmem>>)
    %dma_start3A_340 = arith.constant 0 : i32
    %dma_start3A_341 = arith.constant 0 : i32
    %dma_start3A_342 = tpu.memref_slice %arg2[%dma_start3A_340, %dma_start3A_341] : memref<10000x64xf32, #tpu.memory_space<hbm>> -> memref<10000x64xf32, #tpu.memory_space<hbm>>
    tpu.enqueue_indirect_dma source(%dma_start3A_342 : memref<10000x64xf32, #tpu.memory_space<hbm>>) target(%arg10 : memref<400x64xf32, #tpu.memory_space<vmem>>) offsets(%arg6 : memref<400xi32, #tpu.memory_space<vmem>>) semaphore(%arg14 : memref<!tpu.dma_semaphore, #tpu.memory_space<semaphore_mem>>)
    %dma_wait3A_343 = arith.constant 0 : i32
    %dma_wait3A_344 = arith.constant 0 : i32
    %dma_wait3A_345 = tpu.memref_slice %arg2[%dma_wait3A_343, %dma_wait3A_344] : memref<10000x64xf32, #tpu.memory_space<hbm>> -> memref<10000x64xf32, #tpu.memory_space<hbm>>
    tpu.wait_indirect_dma semaphore(%arg13 : memref<!tpu.dma_semaphore, #tpu.memory_space<semaphore_mem>>) src(%dma_wait3A_345 : memref<10000x64xf32, #tpu.memory_space<hbm>>) dst(%arg9 : memref<400x64xf32, #tpu.memory_space<vmem>>)
    "tpu.region"() ({
      %run_scoped3A = tpu.sem_alloc : memref<!tpu.dma_semaphore, #tpu.memory_space<semaphore_mem>>
      %dma_start3A_1424 = arith.constant 0 : i32
      %dma_start3A_1425 = arith.constant 0 : i32
      %dma_start3A_1426 = tpu.memref_slice %arg12[%dma_start3A_1424, %dma_start3A_1425] : memref<10000x64xf32, #tpu.memory_space<vmem_shared>> -> memref<10000x64xf32, #tpu.memory_space<vmem_shared>>
      tpu.enqueue_indirect_dma source(%arg9 : memref<400x64xf32, #tpu.memory_space<vmem>>) target(%dma_start3A_1426 : memref<10000x64xf32, #tpu.memory_space<vmem_shared>>) offsets(%arg7 : memref<400xi32, #tpu.memory_space<vmem>>) semaphore(%run_scoped3A : memref<!tpu.dma_semaphore, #tpu.memory_space<semaphore_mem>>) {add = true}
      %dma_wait3A_1427 = arith.constant 0 : i32
      %dma_wait3A_1428 = arith.constant 0 : i32
      %dma_wait3A_1429 = tpu.memref_slice %arg12[%dma_wait3A_1427, %dma_wait3A_1428] : memref<10000x64xf32, #tpu.memory_space<vmem_shared>> -> memref<10000x64xf32, #tpu.memory_space<vmem_shared>>
      tpu.wait_indirect_dma semaphore(%run_scoped3A : memref<!tpu.dma_semaphore, #tpu.memory_space<semaphore_mem>>) src(%arg9 : memref<400x64xf32, #tpu.memory_space<vmem>>) dst(%dma_wait3A_1429 : memref<10000x64xf32, #tpu.memory_space<vmem_shared>>)
      tpu.yield
    }) : () -> ()
    %add3A_346 = arith.constant 4800 : i32
    %add3A_347 = arith.addi %mul3A_14, %add3A_346 : i32
    %dma_start3A_348 = arith.constant 0 : i32
    %dma_start3A_349 = tpu.memref_slice %arg3[%dma_start3A_348, %add3A_347] : memref<2x640000xi32, #tpu.memory_space<hbm>> -> memref<1x400xi32, #tpu.memory_space<hbm>>
    %dma_start3A_350 = tpu.memref_squeeze %dma_start3A_349 : memref<1x400xi32, #tpu.memory_space<hbm>> -> memref<400xi32, #tpu.memory_space<hbm>>
    %dma_start3A_351 = tpu.memref_slice %arg3[%dma_start3A_348, %add3A_347] : memref<2x640000xi32, #tpu.memory_space<hbm>> -> memref<1x400xi32, #tpu.memory_space<hbm>>
    %dma_start3A_352 = tpu.memref_squeeze %dma_start3A_351 : memref<1x400xi32, #tpu.memory_space<hbm>> -> memref<400xi32, #tpu.memory_space<hbm>>
    tpu.enqueue_dma source(%dma_start3A_352 : memref<400xi32, #tpu.memory_space<hbm>>) target(%arg5 : memref<400xi32, #tpu.memory_space<vmem>>) target_semaphore(%arg15 : memref<!tpu.dma_semaphore, #tpu.memory_space<semaphore_mem>>)
    %dma_start3A_353 = arith.constant 1 : i32
    %dma_start3A_354 = tpu.memref_slice %arg3[%dma_start3A_353, %add3A_347] : memref<2x640000xi32, #tpu.memory_space<hbm>> -> memref<1x400xi32, #tpu.memory_space<hbm>>
    %dma_start3A_355 = tpu.memref_squeeze %dma_start3A_354 : memref<1x400xi32, #tpu.memory_space<hbm>> -> memref<400xi32, #tpu.memory_space<hbm>>
    %dma_start3A_356 = tpu.memref_slice %arg3[%dma_start3A_353, %add3A_347] : memref<2x640000xi32, #tpu.memory_space<hbm>> -> memref<1x400xi32, #tpu.memory_space<hbm>>
    %dma_start3A_357 = tpu.memref_squeeze %dma_start3A_356 : memref<1x400xi32, #tpu.memory_space<hbm>> -> memref<400xi32, #tpu.memory_space<hbm>>
    tpu.enqueue_dma source(%dma_start3A_357 : memref<400xi32, #tpu.memory_space<hbm>>) target(%arg7 : memref<400xi32, #tpu.memory_space<vmem>>) target_semaphore(%arg15 : memref<!tpu.dma_semaphore, #tpu.memory_space<semaphore_mem>>)
    %dma_wait3A_358 = arith.constant 0 : i32
    %dma_wait3A_359 = tpu.memref_slice %arg3[%dma_wait3A_358, %add3A_347] : memref<2x640000xi32, #tpu.memory_space<hbm>> -> memref<1x400xi32, #tpu.memory_space<hbm>>
    %dma_wait3A_360 = tpu.memref_squeeze %dma_wait3A_359 : memref<1x400xi32, #tpu.memory_space<hbm>> -> memref<400xi32, #tpu.memory_space<hbm>>
    %dma_wait3A_361 = tpu.memref_slice %arg3[%dma_wait3A_358, %add3A_347] : memref<2x640000xi32, #tpu.memory_space<hbm>> -> memref<1x400xi32, #tpu.memory_space<hbm>>
    %dma_wait3A_362 = tpu.memref_squeeze %dma_wait3A_361 : memref<1x400xi32, #tpu.memory_space<hbm>> -> memref<400xi32, #tpu.memory_space<hbm>>
    tpu.wait_dma2 semaphore(%arg15 : memref<!tpu.dma_semaphore, #tpu.memory_space<semaphore_mem>>) src(%dma_wait3A_362 : memref<400xi32, #tpu.memory_space<hbm>>) dst(%arg5 : memref<400xi32, #tpu.memory_space<vmem>>)
    %dma_wait3A_363 = arith.constant 1 : i32
    %dma_wait3A_364 = tpu.memref_slice %arg3[%dma_wait3A_363, %add3A_347] : memref<2x640000xi32, #tpu.memory_space<hbm>> -> memref<1x400xi32, #tpu.memory_space<hbm>>
    %dma_wait3A_365 = tpu.memref_squeeze %dma_wait3A_364 : memref<1x400xi32, #tpu.memory_space<hbm>> -> memref<400xi32, #tpu.memory_space<hbm>>
    %dma_wait3A_366 = tpu.memref_slice %arg3[%dma_wait3A_363, %add3A_347] : memref<2x640000xi32, #tpu.memory_space<hbm>> -> memref<1x400xi32, #tpu.memory_space<hbm>>
    %dma_wait3A_367 = tpu.memref_squeeze %dma_wait3A_366 : memref<1x400xi32, #tpu.memory_space<hbm>> -> memref<400xi32, #tpu.memory_space<hbm>>
    tpu.wait_dma2 semaphore(%arg15 : memref<!tpu.dma_semaphore, #tpu.memory_space<semaphore_mem>>) src(%dma_wait3A_367 : memref<400xi32, #tpu.memory_space<hbm>>) dst(%arg7 : memref<400xi32, #tpu.memory_space<vmem>>)
    %dma_start3A_368 = arith.constant 0 : i32
    %dma_start3A_369 = arith.constant 0 : i32
    %dma_start3A_370 = tpu.memref_slice %arg2[%dma_start3A_368, %dma_start3A_369] : memref<10000x64xf32, #tpu.memory_space<hbm>> -> memref<10000x64xf32, #tpu.memory_space<hbm>>
    tpu.enqueue_indirect_dma source(%dma_start3A_370 : memref<10000x64xf32, #tpu.memory_space<hbm>>) target(%arg9 : memref<400x64xf32, #tpu.memory_space<vmem>>) offsets(%arg5 : memref<400xi32, #tpu.memory_space<vmem>>) semaphore(%arg13 : memref<!tpu.dma_semaphore, #tpu.memory_space<semaphore_mem>>)
    %dma_wait3A_371 = arith.constant 0 : i32
    %dma_wait3A_372 = arith.constant 0 : i32
    %dma_wait3A_373 = tpu.memref_slice %arg2[%dma_wait3A_371, %dma_wait3A_372] : memref<10000x64xf32, #tpu.memory_space<hbm>> -> memref<10000x64xf32, #tpu.memory_space<hbm>>
    tpu.wait_indirect_dma semaphore(%arg14 : memref<!tpu.dma_semaphore, #tpu.memory_space<semaphore_mem>>) src(%dma_wait3A_373 : memref<10000x64xf32, #tpu.memory_space<hbm>>) dst(%arg10 : memref<400x64xf32, #tpu.memory_space<vmem>>)
    "tpu.region"() ({
      %run_scoped3A = tpu.sem_alloc : memref<!tpu.dma_semaphore, #tpu.memory_space<semaphore_mem>>
      %dma_start3A_1424 = arith.constant 0 : i32
      %dma_start3A_1425 = arith.constant 0 : i32
      %dma_start3A_1426 = tpu.memref_slice %arg12[%dma_start3A_1424, %dma_start3A_1425] : memref<10000x64xf32, #tpu.memory_space<vmem_shared>> -> memref<10000x64xf32, #tpu.memory_space<vmem_shared>>
      tpu.enqueue_indirect_dma source(%arg10 : memref<400x64xf32, #tpu.memory_space<vmem>>) target(%dma_start3A_1426 : memref<10000x64xf32, #tpu.memory_space<vmem_shared>>) offsets(%arg8 : memref<400xi32, #tpu.memory_space<vmem>>) semaphore(%run_scoped3A : memref<!tpu.dma_semaphore, #tpu.memory_space<semaphore_mem>>) {add = true}
      %dma_wait3A_1427 = arith.constant 0 : i32
      %dma_wait3A_1428 = arith.constant 0 : i32
      %dma_wait3A_1429 = tpu.memref_slice %arg12[%dma_wait3A_1427, %dma_wait3A_1428] : memref<10000x64xf32, #tpu.memory_space<vmem_shared>> -> memref<10000x64xf32, #tpu.memory_space<vmem_shared>>
      tpu.wait_indirect_dma semaphore(%run_scoped3A : memref<!tpu.dma_semaphore, #tpu.memory_space<semaphore_mem>>) src(%arg10 : memref<400x64xf32, #tpu.memory_space<vmem>>) dst(%dma_wait3A_1429 : memref<10000x64xf32, #tpu.memory_space<vmem_shared>>)
      tpu.yield
    }) : () -> ()
    %add3A_374 = arith.constant 5200 : i32
    %add3A_375 = arith.addi %mul3A_14, %add3A_374 : i32
    %dma_start3A_376 = arith.constant 0 : i32
    %dma_start3A_377 = tpu.memref_slice %arg3[%dma_start3A_376, %add3A_375] : memref<2x640000xi32, #tpu.memory_space<hbm>> -> memref<1x400xi32, #tpu.memory_space<hbm>>
    %dma_start3A_378 = tpu.memref_squeeze %dma_start3A_377 : memref<1x400xi32, #tpu.memory_space<hbm>> -> memref<400xi32, #tpu.memory_space<hbm>>
    %dma_start3A_379 = tpu.memref_slice %arg3[%dma_start3A_376, %add3A_375] : memref<2x640000xi32, #tpu.memory_space<hbm>> -> memref<1x400xi32, #tpu.memory_space<hbm>>
    %dma_start3A_380 = tpu.memref_squeeze %dma_start3A_379 : memref<1x400xi32, #tpu.memory_space<hbm>> -> memref<400xi32, #tpu.memory_space<hbm>>
    tpu.enqueue_dma source(%dma_start3A_380 : memref<400xi32, #tpu.memory_space<hbm>>) target(%arg6 : memref<400xi32, #tpu.memory_space<vmem>>) target_semaphore(%arg16 : memref<!tpu.dma_semaphore, #tpu.memory_space<semaphore_mem>>)
    %dma_start3A_381 = arith.constant 1 : i32
    %dma_start3A_382 = tpu.memref_slice %arg3[%dma_start3A_381, %add3A_375] : memref<2x640000xi32, #tpu.memory_space<hbm>> -> memref<1x400xi32, #tpu.memory_space<hbm>>
    %dma_start3A_383 = tpu.memref_squeeze %dma_start3A_382 : memref<1x400xi32, #tpu.memory_space<hbm>> -> memref<400xi32, #tpu.memory_space<hbm>>
    %dma_start3A_384 = tpu.memref_slice %arg3[%dma_start3A_381, %add3A_375] : memref<2x640000xi32, #tpu.memory_space<hbm>> -> memref<1x400xi32, #tpu.memory_space<hbm>>
    %dma_start3A_385 = tpu.memref_squeeze %dma_start3A_384 : memref<1x400xi32, #tpu.memory_space<hbm>> -> memref<400xi32, #tpu.memory_space<hbm>>
    tpu.enqueue_dma source(%dma_start3A_385 : memref<400xi32, #tpu.memory_space<hbm>>) target(%arg8 : memref<400xi32, #tpu.memory_space<vmem>>) target_semaphore(%arg16 : memref<!tpu.dma_semaphore, #tpu.memory_space<semaphore_mem>>)
    %dma_wait3A_386 = arith.constant 0 : i32
    %dma_wait3A_387 = tpu.memref_slice %arg3[%dma_wait3A_386, %add3A_375] : memref<2x640000xi32, #tpu.memory_space<hbm>> -> memref<1x400xi32, #tpu.memory_space<hbm>>
    %dma_wait3A_388 = tpu.memref_squeeze %dma_wait3A_387 : memref<1x400xi32, #tpu.memory_space<hbm>> -> memref<400xi32, #tpu.memory_space<hbm>>
    %dma_wait3A_389 = tpu.memref_slice %arg3[%dma_wait3A_386, %add3A_375] : memref<2x640000xi32, #tpu.memory_space<hbm>> -> memref<1x400xi32, #tpu.memory_space<hbm>>
    %dma_wait3A_390 = tpu.memref_squeeze %dma_wait3A_389 : memref<1x400xi32, #tpu.memory_space<hbm>> -> memref<400xi32, #tpu.memory_space<hbm>>
    tpu.wait_dma2 semaphore(%arg16 : memref<!tpu.dma_semaphore, #tpu.memory_space<semaphore_mem>>) src(%dma_wait3A_390 : memref<400xi32, #tpu.memory_space<hbm>>) dst(%arg6 : memref<400xi32, #tpu.memory_space<vmem>>)
    %dma_wait3A_391 = arith.constant 1 : i32
    %dma_wait3A_392 = tpu.memref_slice %arg3[%dma_wait3A_391, %add3A_375] : memref<2x640000xi32, #tpu.memory_space<hbm>> -> memref<1x400xi32, #tpu.memory_space<hbm>>
    %dma_wait3A_393 = tpu.memref_squeeze %dma_wait3A_392 : memref<1x400xi32, #tpu.memory_space<hbm>> -> memref<400xi32, #tpu.memory_space<hbm>>
    %dma_wait3A_394 = tpu.memref_slice %arg3[%dma_wait3A_391, %add3A_375] : memref<2x640000xi32, #tpu.memory_space<hbm>> -> memref<1x400xi32, #tpu.memory_space<hbm>>
    %dma_wait3A_395 = tpu.memref_squeeze %dma_wait3A_394 : memref<1x400xi32, #tpu.memory_space<hbm>> -> memref<400xi32, #tpu.memory_space<hbm>>
    tpu.wait_dma2 semaphore(%arg16 : memref<!tpu.dma_semaphore, #tpu.memory_space<semaphore_mem>>) src(%dma_wait3A_395 : memref<400xi32, #tpu.memory_space<hbm>>) dst(%arg8 : memref<400xi32, #tpu.memory_space<vmem>>)
    %dma_start3A_396 = arith.constant 0 : i32
    %dma_start3A_397 = arith.constant 0 : i32
    %dma_start3A_398 = tpu.memref_slice %arg2[%dma_start3A_396, %dma_start3A_397] : memref<10000x64xf32, #tpu.memory_space<hbm>> -> memref<10000x64xf32, #tpu.memory_space<hbm>>
    tpu.enqueue_indirect_dma source(%dma_start3A_398 : memref<10000x64xf32, #tpu.memory_space<hbm>>) target(%arg10 : memref<400x64xf32, #tpu.memory_space<vmem>>) offsets(%arg6 : memref<400xi32, #tpu.memory_space<vmem>>) semaphore(%arg14 : memref<!tpu.dma_semaphore, #tpu.memory_space<semaphore_mem>>)
    %dma_wait3A_399 = arith.constant 0 : i32
    %dma_wait3A_400 = arith.constant 0 : i32
    %dma_wait3A_401 = tpu.memref_slice %arg2[%dma_wait3A_399, %dma_wait3A_400] : memref<10000x64xf32, #tpu.memory_space<hbm>> -> memref<10000x64xf32, #tpu.memory_space<hbm>>
    tpu.wait_indirect_dma semaphore(%arg13 : memref<!tpu.dma_semaphore, #tpu.memory_space<semaphore_mem>>) src(%dma_wait3A_401 : memref<10000x64xf32, #tpu.memory_space<hbm>>) dst(%arg9 : memref<400x64xf32, #tpu.memory_space<vmem>>)
    "tpu.region"() ({
      %run_scoped3A = tpu.sem_alloc : memref<!tpu.dma_semaphore, #tpu.memory_space<semaphore_mem>>
      %dma_start3A_1424 = arith.constant 0 : i32
      %dma_start3A_1425 = arith.constant 0 : i32
      %dma_start3A_1426 = tpu.memref_slice %arg12[%dma_start3A_1424, %dma_start3A_1425] : memref<10000x64xf32, #tpu.memory_space<vmem_shared>> -> memref<10000x64xf32, #tpu.memory_space<vmem_shared>>
      tpu.enqueue_indirect_dma source(%arg9 : memref<400x64xf32, #tpu.memory_space<vmem>>) target(%dma_start3A_1426 : memref<10000x64xf32, #tpu.memory_space<vmem_shared>>) offsets(%arg7 : memref<400xi32, #tpu.memory_space<vmem>>) semaphore(%run_scoped3A : memref<!tpu.dma_semaphore, #tpu.memory_space<semaphore_mem>>) {add = true}
      %dma_wait3A_1427 = arith.constant 0 : i32
      %dma_wait3A_1428 = arith.constant 0 : i32
      %dma_wait3A_1429 = tpu.memref_slice %arg12[%dma_wait3A_1427, %dma_wait3A_1428] : memref<10000x64xf32, #tpu.memory_space<vmem_shared>> -> memref<10000x64xf32, #tpu.memory_space<vmem_shared>>
      tpu.wait_indirect_dma semaphore(%run_scoped3A : memref<!tpu.dma_semaphore, #tpu.memory_space<semaphore_mem>>) src(%arg9 : memref<400x64xf32, #tpu.memory_space<vmem>>) dst(%dma_wait3A_1429 : memref<10000x64xf32, #tpu.memory_space<vmem_shared>>)
      tpu.yield
    }) : () -> ()
    %add3A_402 = arith.constant 5600 : i32
    %add3A_403 = arith.addi %mul3A_14, %add3A_402 : i32
    %dma_start3A_404 = arith.constant 0 : i32
    %dma_start3A_405 = tpu.memref_slice %arg3[%dma_start3A_404, %add3A_403] : memref<2x640000xi32, #tpu.memory_space<hbm>> -> memref<1x400xi32, #tpu.memory_space<hbm>>
    %dma_start3A_406 = tpu.memref_squeeze %dma_start3A_405 : memref<1x400xi32, #tpu.memory_space<hbm>> -> memref<400xi32, #tpu.memory_space<hbm>>
    %dma_start3A_407 = tpu.memref_slice %arg3[%dma_start3A_404, %add3A_403] : memref<2x640000xi32, #tpu.memory_space<hbm>> -> memref<1x400xi32, #tpu.memory_space<hbm>>
    %dma_start3A_408 = tpu.memref_squeeze %dma_start3A_407 : memref<1x400xi32, #tpu.memory_space<hbm>> -> memref<400xi32, #tpu.memory_space<hbm>>
    tpu.enqueue_dma source(%dma_start3A_408 : memref<400xi32, #tpu.memory_space<hbm>>) target(%arg5 : memref<400xi32, #tpu.memory_space<vmem>>) target_semaphore(%arg15 : memref<!tpu.dma_semaphore, #tpu.memory_space<semaphore_mem>>)
    %dma_start3A_409 = arith.constant 1 : i32
    %dma_start3A_410 = tpu.memref_slice %arg3[%dma_start3A_409, %add3A_403] : memref<2x640000xi32, #tpu.memory_space<hbm>> -> memref<1x400xi32, #tpu.memory_space<hbm>>
    %dma_start3A_411 = tpu.memref_squeeze %dma_start3A_410 : memref<1x400xi32, #tpu.memory_space<hbm>> -> memref<400xi32, #tpu.memory_space<hbm>>
    %dma_start3A_412 = tpu.memref_slice %arg3[%dma_start3A_409, %add3A_403] : memref<2x640000xi32, #tpu.memory_space<hbm>> -> memref<1x400xi32, #tpu.memory_space<hbm>>
    %dma_start3A_413 = tpu.memref_squeeze %dma_start3A_412 : memref<1x400xi32, #tpu.memory_space<hbm>> -> memref<400xi32, #tpu.memory_space<hbm>>
    tpu.enqueue_dma source(%dma_start3A_413 : memref<400xi32, #tpu.memory_space<hbm>>) target(%arg7 : memref<400xi32, #tpu.memory_space<vmem>>) target_semaphore(%arg15 : memref<!tpu.dma_semaphore, #tpu.memory_space<semaphore_mem>>)
    %dma_wait3A_414 = arith.constant 0 : i32
    %dma_wait3A_415 = tpu.memref_slice %arg3[%dma_wait3A_414, %add3A_403] : memref<2x640000xi32, #tpu.memory_space<hbm>> -> memref<1x400xi32, #tpu.memory_space<hbm>>
    %dma_wait3A_416 = tpu.memref_squeeze %dma_wait3A_415 : memref<1x400xi32, #tpu.memory_space<hbm>> -> memref<400xi32, #tpu.memory_space<hbm>>
    %dma_wait3A_417 = tpu.memref_slice %arg3[%dma_wait3A_414, %add3A_403] : memref<2x640000xi32, #tpu.memory_space<hbm>> -> memref<1x400xi32, #tpu.memory_space<hbm>>
    %dma_wait3A_418 = tpu.memref_squeeze %dma_wait3A_417 : memref<1x400xi32, #tpu.memory_space<hbm>> -> memref<400xi32, #tpu.memory_space<hbm>>
    tpu.wait_dma2 semaphore(%arg15 : memref<!tpu.dma_semaphore, #tpu.memory_space<semaphore_mem>>) src(%dma_wait3A_418 : memref<400xi32, #tpu.memory_space<hbm>>) dst(%arg5 : memref<400xi32, #tpu.memory_space<vmem>>)
    %dma_wait3A_419 = arith.constant 1 : i32
    %dma_wait3A_420 = tpu.memref_slice %arg3[%dma_wait3A_419, %add3A_403] : memref<2x640000xi32, #tpu.memory_space<hbm>> -> memref<1x400xi32, #tpu.memory_space<hbm>>
    %dma_wait3A_421 = tpu.memref_squeeze %dma_wait3A_420 : memref<1x400xi32, #tpu.memory_space<hbm>> -> memref<400xi32, #tpu.memory_space<hbm>>
    %dma_wait3A_422 = tpu.memref_slice %arg3[%dma_wait3A_419, %add3A_403] : memref<2x640000xi32, #tpu.memory_space<hbm>> -> memref<1x400xi32, #tpu.memory_space<hbm>>
    %dma_wait3A_423 = tpu.memref_squeeze %dma_wait3A_422 : memref<1x400xi32, #tpu.memory_space<hbm>> -> memref<400xi32, #tpu.memory_space<hbm>>
    tpu.wait_dma2 semaphore(%arg15 : memref<!tpu.dma_semaphore, #tpu.memory_space<semaphore_mem>>) src(%dma_wait3A_423 : memref<400xi32, #tpu.memory_space<hbm>>) dst(%arg7 : memref<400xi32, #tpu.memory_space<vmem>>)
    %dma_start3A_424 = arith.constant 0 : i32
    %dma_start3A_425 = arith.constant 0 : i32
    %dma_start3A_426 = tpu.memref_slice %arg2[%dma_start3A_424, %dma_start3A_425] : memref<10000x64xf32, #tpu.memory_space<hbm>> -> memref<10000x64xf32, #tpu.memory_space<hbm>>
    tpu.enqueue_indirect_dma source(%dma_start3A_426 : memref<10000x64xf32, #tpu.memory_space<hbm>>) target(%arg9 : memref<400x64xf32, #tpu.memory_space<vmem>>) offsets(%arg5 : memref<400xi32, #tpu.memory_space<vmem>>) semaphore(%arg13 : memref<!tpu.dma_semaphore, #tpu.memory_space<semaphore_mem>>)
    %dma_wait3A_427 = arith.constant 0 : i32
    %dma_wait3A_428 = arith.constant 0 : i32
    %dma_wait3A_429 = tpu.memref_slice %arg2[%dma_wait3A_427, %dma_wait3A_428] : memref<10000x64xf32, #tpu.memory_space<hbm>> -> memref<10000x64xf32, #tpu.memory_space<hbm>>
    tpu.wait_indirect_dma semaphore(%arg14 : memref<!tpu.dma_semaphore, #tpu.memory_space<semaphore_mem>>) src(%dma_wait3A_429 : memref<10000x64xf32, #tpu.memory_space<hbm>>) dst(%arg10 : memref<400x64xf32, #tpu.memory_space<vmem>>)
    "tpu.region"() ({
      %run_scoped3A = tpu.sem_alloc : memref<!tpu.dma_semaphore, #tpu.memory_space<semaphore_mem>>
      %dma_start3A_1424 = arith.constant 0 : i32
      %dma_start3A_1425 = arith.constant 0 : i32
      %dma_start3A_1426 = tpu.memref_slice %arg12[%dma_start3A_1424, %dma_start3A_1425] : memref<10000x64xf32, #tpu.memory_space<vmem_shared>> -> memref<10000x64xf32, #tpu.memory_space<vmem_shared>>
      tpu.enqueue_indirect_dma source(%arg10 : memref<400x64xf32, #tpu.memory_space<vmem>>) target(%dma_start3A_1426 : memref<10000x64xf32, #tpu.memory_space<vmem_shared>>) offsets(%arg8 : memref<400xi32, #tpu.memory_space<vmem>>) semaphore(%run_scoped3A : memref<!tpu.dma_semaphore, #tpu.memory_space<semaphore_mem>>) {add = true}
      %dma_wait3A_1427 = arith.constant 0 : i32
      %dma_wait3A_1428 = arith.constant 0 : i32
      %dma_wait3A_1429 = tpu.memref_slice %arg12[%dma_wait3A_1427, %dma_wait3A_1428] : memref<10000x64xf32, #tpu.memory_space<vmem_shared>> -> memref<10000x64xf32, #tpu.memory_space<vmem_shared>>
      tpu.wait_indirect_dma semaphore(%run_scoped3A : memref<!tpu.dma_semaphore, #tpu.memory_space<semaphore_mem>>) src(%arg10 : memref<400x64xf32, #tpu.memory_space<vmem>>) dst(%dma_wait3A_1429 : memref<10000x64xf32, #tpu.memory_space<vmem_shared>>)
      tpu.yield
    }) : () -> ()
    %add3A_430 = arith.constant 6000 : i32
    %add3A_431 = arith.addi %mul3A_14, %add3A_430 : i32
    %dma_start3A_432 = arith.constant 0 : i32
    %dma_start3A_433 = tpu.memref_slice %arg3[%dma_start3A_432, %add3A_431] : memref<2x640000xi32, #tpu.memory_space<hbm>> -> memref<1x400xi32, #tpu.memory_space<hbm>>
    %dma_start3A_434 = tpu.memref_squeeze %dma_start3A_433 : memref<1x400xi32, #tpu.memory_space<hbm>> -> memref<400xi32, #tpu.memory_space<hbm>>
    %dma_start3A_435 = tpu.memref_slice %arg3[%dma_start3A_432, %add3A_431] : memref<2x640000xi32, #tpu.memory_space<hbm>> -> memref<1x400xi32, #tpu.memory_space<hbm>>
    %dma_start3A_436 = tpu.memref_squeeze %dma_start3A_435 : memref<1x400xi32, #tpu.memory_space<hbm>> -> memref<400xi32, #tpu.memory_space<hbm>>
    tpu.enqueue_dma source(%dma_start3A_436 : memref<400xi32, #tpu.memory_space<hbm>>) target(%arg6 : memref<400xi32, #tpu.memory_space<vmem>>) target_semaphore(%arg16 : memref<!tpu.dma_semaphore, #tpu.memory_space<semaphore_mem>>)
    %dma_start3A_437 = arith.constant 1 : i32
    %dma_start3A_438 = tpu.memref_slice %arg3[%dma_start3A_437, %add3A_431] : memref<2x640000xi32, #tpu.memory_space<hbm>> -> memref<1x400xi32, #tpu.memory_space<hbm>>
    %dma_start3A_439 = tpu.memref_squeeze %dma_start3A_438 : memref<1x400xi32, #tpu.memory_space<hbm>> -> memref<400xi32, #tpu.memory_space<hbm>>
    %dma_start3A_440 = tpu.memref_slice %arg3[%dma_start3A_437, %add3A_431] : memref<2x640000xi32, #tpu.memory_space<hbm>> -> memref<1x400xi32, #tpu.memory_space<hbm>>
    %dma_start3A_441 = tpu.memref_squeeze %dma_start3A_440 : memref<1x400xi32, #tpu.memory_space<hbm>> -> memref<400xi32, #tpu.memory_space<hbm>>
    tpu.enqueue_dma source(%dma_start3A_441 : memref<400xi32, #tpu.memory_space<hbm>>) target(%arg8 : memref<400xi32, #tpu.memory_space<vmem>>) target_semaphore(%arg16 : memref<!tpu.dma_semaphore, #tpu.memory_space<semaphore_mem>>)
    %dma_wait3A_442 = arith.constant 0 : i32
    %dma_wait3A_443 = tpu.memref_slice %arg3[%dma_wait3A_442, %add3A_431] : memref<2x640000xi32, #tpu.memory_space<hbm>> -> memref<1x400xi32, #tpu.memory_space<hbm>>
    %dma_wait3A_444 = tpu.memref_squeeze %dma_wait3A_443 : memref<1x400xi32, #tpu.memory_space<hbm>> -> memref<400xi32, #tpu.memory_space<hbm>>
    %dma_wait3A_445 = tpu.memref_slice %arg3[%dma_wait3A_442, %add3A_431] : memref<2x640000xi32, #tpu.memory_space<hbm>> -> memref<1x400xi32, #tpu.memory_space<hbm>>
    %dma_wait3A_446 = tpu.memref_squeeze %dma_wait3A_445 : memref<1x400xi32, #tpu.memory_space<hbm>> -> memref<400xi32, #tpu.memory_space<hbm>>
    tpu.wait_dma2 semaphore(%arg16 : memref<!tpu.dma_semaphore, #tpu.memory_space<semaphore_mem>>) src(%dma_wait3A_446 : memref<400xi32, #tpu.memory_space<hbm>>) dst(%arg6 : memref<400xi32, #tpu.memory_space<vmem>>)
    %dma_wait3A_447 = arith.constant 1 : i32
    %dma_wait3A_448 = tpu.memref_slice %arg3[%dma_wait3A_447, %add3A_431] : memref<2x640000xi32, #tpu.memory_space<hbm>> -> memref<1x400xi32, #tpu.memory_space<hbm>>
    %dma_wait3A_449 = tpu.memref_squeeze %dma_wait3A_448 : memref<1x400xi32, #tpu.memory_space<hbm>> -> memref<400xi32, #tpu.memory_space<hbm>>
    %dma_wait3A_450 = tpu.memref_slice %arg3[%dma_wait3A_447, %add3A_431] : memref<2x640000xi32, #tpu.memory_space<hbm>> -> memref<1x400xi32, #tpu.memory_space<hbm>>
    %dma_wait3A_451 = tpu.memref_squeeze %dma_wait3A_450 : memref<1x400xi32, #tpu.memory_space<hbm>> -> memref<400xi32, #tpu.memory_space<hbm>>
    tpu.wait_dma2 semaphore(%arg16 : memref<!tpu.dma_semaphore, #tpu.memory_space<semaphore_mem>>) src(%dma_wait3A_451 : memref<400xi32, #tpu.memory_space<hbm>>) dst(%arg8 : memref<400xi32, #tpu.memory_space<vmem>>)
    %dma_start3A_452 = arith.constant 0 : i32
    %dma_start3A_453 = arith.constant 0 : i32
    %dma_start3A_454 = tpu.memref_slice %arg2[%dma_start3A_452, %dma_start3A_453] : memref<10000x64xf32, #tpu.memory_space<hbm>> -> memref<10000x64xf32, #tpu.memory_space<hbm>>
    tpu.enqueue_indirect_dma source(%dma_start3A_454 : memref<10000x64xf32, #tpu.memory_space<hbm>>) target(%arg10 : memref<400x64xf32, #tpu.memory_space<vmem>>) offsets(%arg6 : memref<400xi32, #tpu.memory_space<vmem>>) semaphore(%arg14 : memref<!tpu.dma_semaphore, #tpu.memory_space<semaphore_mem>>)
    %dma_wait3A_455 = arith.constant 0 : i32
    %dma_wait3A_456 = arith.constant 0 : i32
    %dma_wait3A_457 = tpu.memref_slice %arg2[%dma_wait3A_455, %dma_wait3A_456] : memref<10000x64xf32, #tpu.memory_space<hbm>> -> memref<10000x64xf32, #tpu.memory_space<hbm>>
    tpu.wait_indirect_dma semaphore(%arg13 : memref<!tpu.dma_semaphore, #tpu.memory_space<semaphore_mem>>) src(%dma_wait3A_457 : memref<10000x64xf32, #tpu.memory_space<hbm>>) dst(%arg9 : memref<400x64xf32, #tpu.memory_space<vmem>>)
    "tpu.region"() ({
      %run_scoped3A = tpu.sem_alloc : memref<!tpu.dma_semaphore, #tpu.memory_space<semaphore_mem>>
      %dma_start3A_1424 = arith.constant 0 : i32
      %dma_start3A_1425 = arith.constant 0 : i32
      %dma_start3A_1426 = tpu.memref_slice %arg12[%dma_start3A_1424, %dma_start3A_1425] : memref<10000x64xf32, #tpu.memory_space<vmem_shared>> -> memref<10000x64xf32, #tpu.memory_space<vmem_shared>>
      tpu.enqueue_indirect_dma source(%arg9 : memref<400x64xf32, #tpu.memory_space<vmem>>) target(%dma_start3A_1426 : memref<10000x64xf32, #tpu.memory_space<vmem_shared>>) offsets(%arg7 : memref<400xi32, #tpu.memory_space<vmem>>) semaphore(%run_scoped3A : memref<!tpu.dma_semaphore, #tpu.memory_space<semaphore_mem>>) {add = true}
      %dma_wait3A_1427 = arith.constant 0 : i32
      %dma_wait3A_1428 = arith.constant 0 : i32
      %dma_wait3A_1429 = tpu.memref_slice %arg12[%dma_wait3A_1427, %dma_wait3A_1428] : memref<10000x64xf32, #tpu.memory_space<vmem_shared>> -> memref<10000x64xf32, #tpu.memory_space<vmem_shared>>
      tpu.wait_indirect_dma semaphore(%run_scoped3A : memref<!tpu.dma_semaphore, #tpu.memory_space<semaphore_mem>>) src(%arg9 : memref<400x64xf32, #tpu.memory_space<vmem>>) dst(%dma_wait3A_1429 : memref<10000x64xf32, #tpu.memory_space<vmem_shared>>)
      tpu.yield
    }) : () -> ()
    %add3A_458 = arith.constant 6400 : i32
    %add3A_459 = arith.addi %mul3A_14, %add3A_458 : i32
    %dma_start3A_460 = arith.constant 0 : i32
    %dma_start3A_461 = tpu.memref_slice %arg3[%dma_start3A_460, %add3A_459] : memref<2x640000xi32, #tpu.memory_space<hbm>> -> memref<1x400xi32, #tpu.memory_space<hbm>>
    %dma_start3A_462 = tpu.memref_squeeze %dma_start3A_461 : memref<1x400xi32, #tpu.memory_space<hbm>> -> memref<400xi32, #tpu.memory_space<hbm>>
    %dma_start3A_463 = tpu.memref_slice %arg3[%dma_start3A_460, %add3A_459] : memref<2x640000xi32, #tpu.memory_space<hbm>> -> memref<1x400xi32, #tpu.memory_space<hbm>>
    %dma_start3A_464 = tpu.memref_squeeze %dma_start3A_463 : memref<1x400xi32, #tpu.memory_space<hbm>> -> memref<400xi32, #tpu.memory_space<hbm>>
    tpu.enqueue_dma source(%dma_start3A_464 : memref<400xi32, #tpu.memory_space<hbm>>) target(%arg5 : memref<400xi32, #tpu.memory_space<vmem>>) target_semaphore(%arg15 : memref<!tpu.dma_semaphore, #tpu.memory_space<semaphore_mem>>)
    %dma_start3A_465 = arith.constant 1 : i32
    %dma_start3A_466 = tpu.memref_slice %arg3[%dma_start3A_465, %add3A_459] : memref<2x640000xi32, #tpu.memory_space<hbm>> -> memref<1x400xi32, #tpu.memory_space<hbm>>
    %dma_start3A_467 = tpu.memref_squeeze %dma_start3A_466 : memref<1x400xi32, #tpu.memory_space<hbm>> -> memref<400xi32, #tpu.memory_space<hbm>>
    %dma_start3A_468 = tpu.memref_slice %arg3[%dma_start3A_465, %add3A_459] : memref<2x640000xi32, #tpu.memory_space<hbm>> -> memref<1x400xi32, #tpu.memory_space<hbm>>
    %dma_start3A_469 = tpu.memref_squeeze %dma_start3A_468 : memref<1x400xi32, #tpu.memory_space<hbm>> -> memref<400xi32, #tpu.memory_space<hbm>>
    tpu.enqueue_dma source(%dma_start3A_469 : memref<400xi32, #tpu.memory_space<hbm>>) target(%arg7 : memref<400xi32, #tpu.memory_space<vmem>>) target_semaphore(%arg15 : memref<!tpu.dma_semaphore, #tpu.memory_space<semaphore_mem>>)
    %dma_wait3A_470 = arith.constant 0 : i32
    %dma_wait3A_471 = tpu.memref_slice %arg3[%dma_wait3A_470, %add3A_459] : memref<2x640000xi32, #tpu.memory_space<hbm>> -> memref<1x400xi32, #tpu.memory_space<hbm>>
    %dma_wait3A_472 = tpu.memref_squeeze %dma_wait3A_471 : memref<1x400xi32, #tpu.memory_space<hbm>> -> memref<400xi32, #tpu.memory_space<hbm>>
    %dma_wait3A_473 = tpu.memref_slice %arg3[%dma_wait3A_470, %add3A_459] : memref<2x640000xi32, #tpu.memory_space<hbm>> -> memref<1x400xi32, #tpu.memory_space<hbm>>
    %dma_wait3A_474 = tpu.memref_squeeze %dma_wait3A_473 : memref<1x400xi32, #tpu.memory_space<hbm>> -> memref<400xi32, #tpu.memory_space<hbm>>
    tpu.wait_dma2 semaphore(%arg15 : memref<!tpu.dma_semaphore, #tpu.memory_space<semaphore_mem>>) src(%dma_wait3A_474 : memref<400xi32, #tpu.memory_space<hbm>>) dst(%arg5 : memref<400xi32, #tpu.memory_space<vmem>>)
    %dma_wait3A_475 = arith.constant 1 : i32
    %dma_wait3A_476 = tpu.memref_slice %arg3[%dma_wait3A_475, %add3A_459] : memref<2x640000xi32, #tpu.memory_space<hbm>> -> memref<1x400xi32, #tpu.memory_space<hbm>>
    %dma_wait3A_477 = tpu.memref_squeeze %dma_wait3A_476 : memref<1x400xi32, #tpu.memory_space<hbm>> -> memref<400xi32, #tpu.memory_space<hbm>>
    %dma_wait3A_478 = tpu.memref_slice %arg3[%dma_wait3A_475, %add3A_459] : memref<2x640000xi32, #tpu.memory_space<hbm>> -> memref<1x400xi32, #tpu.memory_space<hbm>>
    %dma_wait3A_479 = tpu.memref_squeeze %dma_wait3A_478 : memref<1x400xi32, #tpu.memory_space<hbm>> -> memref<400xi32, #tpu.memory_space<hbm>>
    tpu.wait_dma2 semaphore(%arg15 : memref<!tpu.dma_semaphore, #tpu.memory_space<semaphore_mem>>) src(%dma_wait3A_479 : memref<400xi32, #tpu.memory_space<hbm>>) dst(%arg7 : memref<400xi32, #tpu.memory_space<vmem>>)
    %dma_start3A_480 = arith.constant 0 : i32
    %dma_start3A_481 = arith.constant 0 : i32
    %dma_start3A_482 = tpu.memref_slice %arg2[%dma_start3A_480, %dma_start3A_481] : memref<10000x64xf32, #tpu.memory_space<hbm>> -> memref<10000x64xf32, #tpu.memory_space<hbm>>
    tpu.enqueue_indirect_dma source(%dma_start3A_482 : memref<10000x64xf32, #tpu.memory_space<hbm>>) target(%arg9 : memref<400x64xf32, #tpu.memory_space<vmem>>) offsets(%arg5 : memref<400xi32, #tpu.memory_space<vmem>>) semaphore(%arg13 : memref<!tpu.dma_semaphore, #tpu.memory_space<semaphore_mem>>)
    %dma_wait3A_483 = arith.constant 0 : i32
    %dma_wait3A_484 = arith.constant 0 : i32
    %dma_wait3A_485 = tpu.memref_slice %arg2[%dma_wait3A_483, %dma_wait3A_484] : memref<10000x64xf32, #tpu.memory_space<hbm>> -> memref<10000x64xf32, #tpu.memory_space<hbm>>
    tpu.wait_indirect_dma semaphore(%arg14 : memref<!tpu.dma_semaphore, #tpu.memory_space<semaphore_mem>>) src(%dma_wait3A_485 : memref<10000x64xf32, #tpu.memory_space<hbm>>) dst(%arg10 : memref<400x64xf32, #tpu.memory_space<vmem>>)
    "tpu.region"() ({
      %run_scoped3A = tpu.sem_alloc : memref<!tpu.dma_semaphore, #tpu.memory_space<semaphore_mem>>
      %dma_start3A_1424 = arith.constant 0 : i32
      %dma_start3A_1425 = arith.constant 0 : i32
      %dma_start3A_1426 = tpu.memref_slice %arg12[%dma_start3A_1424, %dma_start3A_1425] : memref<10000x64xf32, #tpu.memory_space<vmem_shared>> -> memref<10000x64xf32, #tpu.memory_space<vmem_shared>>
      tpu.enqueue_indirect_dma source(%arg10 : memref<400x64xf32, #tpu.memory_space<vmem>>) target(%dma_start3A_1426 : memref<10000x64xf32, #tpu.memory_space<vmem_shared>>) offsets(%arg8 : memref<400xi32, #tpu.memory_space<vmem>>) semaphore(%run_scoped3A : memref<!tpu.dma_semaphore, #tpu.memory_space<semaphore_mem>>) {add = true}
      %dma_wait3A_1427 = arith.constant 0 : i32
      %dma_wait3A_1428 = arith.constant 0 : i32
      %dma_wait3A_1429 = tpu.memref_slice %arg12[%dma_wait3A_1427, %dma_wait3A_1428] : memref<10000x64xf32, #tpu.memory_space<vmem_shared>> -> memref<10000x64xf32, #tpu.memory_space<vmem_shared>>
      tpu.wait_indirect_dma semaphore(%run_scoped3A : memref<!tpu.dma_semaphore, #tpu.memory_space<semaphore_mem>>) src(%arg10 : memref<400x64xf32, #tpu.memory_space<vmem>>) dst(%dma_wait3A_1429 : memref<10000x64xf32, #tpu.memory_space<vmem_shared>>)
      tpu.yield
    }) : () -> ()
    %add3A_486 = arith.constant 6800 : i32
    %add3A_487 = arith.addi %mul3A_14, %add3A_486 : i32
    %dma_start3A_488 = arith.constant 0 : i32
    %dma_start3A_489 = tpu.memref_slice %arg3[%dma_start3A_488, %add3A_487] : memref<2x640000xi32, #tpu.memory_space<hbm>> -> memref<1x400xi32, #tpu.memory_space<hbm>>
    %dma_start3A_490 = tpu.memref_squeeze %dma_start3A_489 : memref<1x400xi32, #tpu.memory_space<hbm>> -> memref<400xi32, #tpu.memory_space<hbm>>
    %dma_start3A_491 = tpu.memref_slice %arg3[%dma_start3A_488, %add3A_487] : memref<2x640000xi32, #tpu.memory_space<hbm>> -> memref<1x400xi32, #tpu.memory_space<hbm>>
    %dma_start3A_492 = tpu.memref_squeeze %dma_start3A_491 : memref<1x400xi32, #tpu.memory_space<hbm>> -> memref<400xi32, #tpu.memory_space<hbm>>
    tpu.enqueue_dma source(%dma_start3A_492 : memref<400xi32, #tpu.memory_space<hbm>>) target(%arg6 : memref<400xi32, #tpu.memory_space<vmem>>) target_semaphore(%arg16 : memref<!tpu.dma_semaphore, #tpu.memory_space<semaphore_mem>>)
    %dma_start3A_493 = arith.constant 1 : i32
    %dma_start3A_494 = tpu.memref_slice %arg3[%dma_start3A_493, %add3A_487] : memref<2x640000xi32, #tpu.memory_space<hbm>> -> memref<1x400xi32, #tpu.memory_space<hbm>>
    %dma_start3A_495 = tpu.memref_squeeze %dma_start3A_494 : memref<1x400xi32, #tpu.memory_space<hbm>> -> memref<400xi32, #tpu.memory_space<hbm>>
    %dma_start3A_496 = tpu.memref_slice %arg3[%dma_start3A_493, %add3A_487] : memref<2x640000xi32, #tpu.memory_space<hbm>> -> memref<1x400xi32, #tpu.memory_space<hbm>>
    %dma_start3A_497 = tpu.memref_squeeze %dma_start3A_496 : memref<1x400xi32, #tpu.memory_space<hbm>> -> memref<400xi32, #tpu.memory_space<hbm>>
    tpu.enqueue_dma source(%dma_start3A_497 : memref<400xi32, #tpu.memory_space<hbm>>) target(%arg8 : memref<400xi32, #tpu.memory_space<vmem>>) target_semaphore(%arg16 : memref<!tpu.dma_semaphore, #tpu.memory_space<semaphore_mem>>)
    %dma_wait3A_498 = arith.constant 0 : i32
    %dma_wait3A_499 = tpu.memref_slice %arg3[%dma_wait3A_498, %add3A_487] : memref<2x640000xi32, #tpu.memory_space<hbm>> -> memref<1x400xi32, #tpu.memory_space<hbm>>
    %dma_wait3A_500 = tpu.memref_squeeze %dma_wait3A_499 : memref<1x400xi32, #tpu.memory_space<hbm>> -> memref<400xi32, #tpu.memory_space<hbm>>
    %dma_wait3A_501 = tpu.memref_slice %arg3[%dma_wait3A_498, %add3A_487] : memref<2x640000xi32, #tpu.memory_space<hbm>> -> memref<1x400xi32, #tpu.memory_space<hbm>>
    %dma_wait3A_502 = tpu.memref_squeeze %dma_wait3A_501 : memref<1x400xi32, #tpu.memory_space<hbm>> -> memref<400xi32, #tpu.memory_space<hbm>>
    tpu.wait_dma2 semaphore(%arg16 : memref<!tpu.dma_semaphore, #tpu.memory_space<semaphore_mem>>) src(%dma_wait3A_502 : memref<400xi32, #tpu.memory_space<hbm>>) dst(%arg6 : memref<400xi32, #tpu.memory_space<vmem>>)
    %dma_wait3A_503 = arith.constant 1 : i32
    %dma_wait3A_504 = tpu.memref_slice %arg3[%dma_wait3A_503, %add3A_487] : memref<2x640000xi32, #tpu.memory_space<hbm>> -> memref<1x400xi32, #tpu.memory_space<hbm>>
    %dma_wait3A_505 = tpu.memref_squeeze %dma_wait3A_504 : memref<1x400xi32, #tpu.memory_space<hbm>> -> memref<400xi32, #tpu.memory_space<hbm>>
    %dma_wait3A_506 = tpu.memref_slice %arg3[%dma_wait3A_503, %add3A_487] : memref<2x640000xi32, #tpu.memory_space<hbm>> -> memref<1x400xi32, #tpu.memory_space<hbm>>
    %dma_wait3A_507 = tpu.memref_squeeze %dma_wait3A_506 : memref<1x400xi32, #tpu.memory_space<hbm>> -> memref<400xi32, #tpu.memory_space<hbm>>
    tpu.wait_dma2 semaphore(%arg16 : memref<!tpu.dma_semaphore, #tpu.memory_space<semaphore_mem>>) src(%dma_wait3A_507 : memref<400xi32, #tpu.memory_space<hbm>>) dst(%arg8 : memref<400xi32, #tpu.memory_space<vmem>>)
    %dma_start3A_508 = arith.constant 0 : i32
    %dma_start3A_509 = arith.constant 0 : i32
    %dma_start3A_510 = tpu.memref_slice %arg2[%dma_start3A_508, %dma_start3A_509] : memref<10000x64xf32, #tpu.memory_space<hbm>> -> memref<10000x64xf32, #tpu.memory_space<hbm>>
    tpu.enqueue_indirect_dma source(%dma_start3A_510 : memref<10000x64xf32, #tpu.memory_space<hbm>>) target(%arg10 : memref<400x64xf32, #tpu.memory_space<vmem>>) offsets(%arg6 : memref<400xi32, #tpu.memory_space<vmem>>) semaphore(%arg14 : memref<!tpu.dma_semaphore, #tpu.memory_space<semaphore_mem>>)
    %dma_wait3A_511 = arith.constant 0 : i32
    %dma_wait3A_512 = arith.constant 0 : i32
    %dma_wait3A_513 = tpu.memref_slice %arg2[%dma_wait3A_511, %dma_wait3A_512] : memref<10000x64xf32, #tpu.memory_space<hbm>> -> memref<10000x64xf32, #tpu.memory_space<hbm>>
    tpu.wait_indirect_dma semaphore(%arg13 : memref<!tpu.dma_semaphore, #tpu.memory_space<semaphore_mem>>) src(%dma_wait3A_513 : memref<10000x64xf32, #tpu.memory_space<hbm>>) dst(%arg9 : memref<400x64xf32, #tpu.memory_space<vmem>>)
    "tpu.region"() ({
      %run_scoped3A = tpu.sem_alloc : memref<!tpu.dma_semaphore, #tpu.memory_space<semaphore_mem>>
      %dma_start3A_1424 = arith.constant 0 : i32
      %dma_start3A_1425 = arith.constant 0 : i32
      %dma_start3A_1426 = tpu.memref_slice %arg12[%dma_start3A_1424, %dma_start3A_1425] : memref<10000x64xf32, #tpu.memory_space<vmem_shared>> -> memref<10000x64xf32, #tpu.memory_space<vmem_shared>>
      tpu.enqueue_indirect_dma source(%arg9 : memref<400x64xf32, #tpu.memory_space<vmem>>) target(%dma_start3A_1426 : memref<10000x64xf32, #tpu.memory_space<vmem_shared>>) offsets(%arg7 : memref<400xi32, #tpu.memory_space<vmem>>) semaphore(%run_scoped3A : memref<!tpu.dma_semaphore, #tpu.memory_space<semaphore_mem>>) {add = true}
      %dma_wait3A_1427 = arith.constant 0 : i32
      %dma_wait3A_1428 = arith.constant 0 : i32
      %dma_wait3A_1429 = tpu.memref_slice %arg12[%dma_wait3A_1427, %dma_wait3A_1428] : memref<10000x64xf32, #tpu.memory_space<vmem_shared>> -> memref<10000x64xf32, #tpu.memory_space<vmem_shared>>
      tpu.wait_indirect_dma semaphore(%run_scoped3A : memref<!tpu.dma_semaphore, #tpu.memory_space<semaphore_mem>>) src(%arg9 : memref<400x64xf32, #tpu.memory_space<vmem>>) dst(%dma_wait3A_1429 : memref<10000x64xf32, #tpu.memory_space<vmem_shared>>)
      tpu.yield
    }) : () -> ()
    %add3A_514 = arith.constant 7200 : i32
    %add3A_515 = arith.addi %mul3A_14, %add3A_514 : i32
    %dma_start3A_516 = arith.constant 0 : i32
    %dma_start3A_517 = tpu.memref_slice %arg3[%dma_start3A_516, %add3A_515] : memref<2x640000xi32, #tpu.memory_space<hbm>> -> memref<1x400xi32, #tpu.memory_space<hbm>>
    %dma_start3A_518 = tpu.memref_squeeze %dma_start3A_517 : memref<1x400xi32, #tpu.memory_space<hbm>> -> memref<400xi32, #tpu.memory_space<hbm>>
    %dma_start3A_519 = tpu.memref_slice %arg3[%dma_start3A_516, %add3A_515] : memref<2x640000xi32, #tpu.memory_space<hbm>> -> memref<1x400xi32, #tpu.memory_space<hbm>>
    %dma_start3A_520 = tpu.memref_squeeze %dma_start3A_519 : memref<1x400xi32, #tpu.memory_space<hbm>> -> memref<400xi32, #tpu.memory_space<hbm>>
    tpu.enqueue_dma source(%dma_start3A_520 : memref<400xi32, #tpu.memory_space<hbm>>) target(%arg5 : memref<400xi32, #tpu.memory_space<vmem>>) target_semaphore(%arg15 : memref<!tpu.dma_semaphore, #tpu.memory_space<semaphore_mem>>)
    %dma_start3A_521 = arith.constant 1 : i32
    %dma_start3A_522 = tpu.memref_slice %arg3[%dma_start3A_521, %add3A_515] : memref<2x640000xi32, #tpu.memory_space<hbm>> -> memref<1x400xi32, #tpu.memory_space<hbm>>
    %dma_start3A_523 = tpu.memref_squeeze %dma_start3A_522 : memref<1x400xi32, #tpu.memory_space<hbm>> -> memref<400xi32, #tpu.memory_space<hbm>>
    %dma_start3A_524 = tpu.memref_slice %arg3[%dma_start3A_521, %add3A_515] : memref<2x640000xi32, #tpu.memory_space<hbm>> -> memref<1x400xi32, #tpu.memory_space<hbm>>
    %dma_start3A_525 = tpu.memref_squeeze %dma_start3A_524 : memref<1x400xi32, #tpu.memory_space<hbm>> -> memref<400xi32, #tpu.memory_space<hbm>>
    tpu.enqueue_dma source(%dma_start3A_525 : memref<400xi32, #tpu.memory_space<hbm>>) target(%arg7 : memref<400xi32, #tpu.memory_space<vmem>>) target_semaphore(%arg15 : memref<!tpu.dma_semaphore, #tpu.memory_space<semaphore_mem>>)
    %dma_wait3A_526 = arith.constant 0 : i32
    %dma_wait3A_527 = tpu.memref_slice %arg3[%dma_wait3A_526, %add3A_515] : memref<2x640000xi32, #tpu.memory_space<hbm>> -> memref<1x400xi32, #tpu.memory_space<hbm>>
    %dma_wait3A_528 = tpu.memref_squeeze %dma_wait3A_527 : memref<1x400xi32, #tpu.memory_space<hbm>> -> memref<400xi32, #tpu.memory_space<hbm>>
    %dma_wait3A_529 = tpu.memref_slice %arg3[%dma_wait3A_526, %add3A_515] : memref<2x640000xi32, #tpu.memory_space<hbm>> -> memref<1x400xi32, #tpu.memory_space<hbm>>
    %dma_wait3A_530 = tpu.memref_squeeze %dma_wait3A_529 : memref<1x400xi32, #tpu.memory_space<hbm>> -> memref<400xi32, #tpu.memory_space<hbm>>
    tpu.wait_dma2 semaphore(%arg15 : memref<!tpu.dma_semaphore, #tpu.memory_space<semaphore_mem>>) src(%dma_wait3A_530 : memref<400xi32, #tpu.memory_space<hbm>>) dst(%arg5 : memref<400xi32, #tpu.memory_space<vmem>>)
    %dma_wait3A_531 = arith.constant 1 : i32
    %dma_wait3A_532 = tpu.memref_slice %arg3[%dma_wait3A_531, %add3A_515] : memref<2x640000xi32, #tpu.memory_space<hbm>> -> memref<1x400xi32, #tpu.memory_space<hbm>>
    %dma_wait3A_533 = tpu.memref_squeeze %dma_wait3A_532 : memref<1x400xi32, #tpu.memory_space<hbm>> -> memref<400xi32, #tpu.memory_space<hbm>>
    %dma_wait3A_534 = tpu.memref_slice %arg3[%dma_wait3A_531, %add3A_515] : memref<2x640000xi32, #tpu.memory_space<hbm>> -> memref<1x400xi32, #tpu.memory_space<hbm>>
    %dma_wait3A_535 = tpu.memref_squeeze %dma_wait3A_534 : memref<1x400xi32, #tpu.memory_space<hbm>> -> memref<400xi32, #tpu.memory_space<hbm>>
    tpu.wait_dma2 semaphore(%arg15 : memref<!tpu.dma_semaphore, #tpu.memory_space<semaphore_mem>>) src(%dma_wait3A_535 : memref<400xi32, #tpu.memory_space<hbm>>) dst(%arg7 : memref<400xi32, #tpu.memory_space<vmem>>)
    %dma_start3A_536 = arith.constant 0 : i32
    %dma_start3A_537 = arith.constant 0 : i32
    %dma_start3A_538 = tpu.memref_slice %arg2[%dma_start3A_536, %dma_start3A_537] : memref<10000x64xf32, #tpu.memory_space<hbm>> -> memref<10000x64xf32, #tpu.memory_space<hbm>>
    tpu.enqueue_indirect_dma source(%dma_start3A_538 : memref<10000x64xf32, #tpu.memory_space<hbm>>) target(%arg9 : memref<400x64xf32, #tpu.memory_space<vmem>>) offsets(%arg5 : memref<400xi32, #tpu.memory_space<vmem>>) semaphore(%arg13 : memref<!tpu.dma_semaphore, #tpu.memory_space<semaphore_mem>>)
    %dma_wait3A_539 = arith.constant 0 : i32
    %dma_wait3A_540 = arith.constant 0 : i32
    %dma_wait3A_541 = tpu.memref_slice %arg2[%dma_wait3A_539, %dma_wait3A_540] : memref<10000x64xf32, #tpu.memory_space<hbm>> -> memref<10000x64xf32, #tpu.memory_space<hbm>>
    tpu.wait_indirect_dma semaphore(%arg14 : memref<!tpu.dma_semaphore, #tpu.memory_space<semaphore_mem>>) src(%dma_wait3A_541 : memref<10000x64xf32, #tpu.memory_space<hbm>>) dst(%arg10 : memref<400x64xf32, #tpu.memory_space<vmem>>)
    "tpu.region"() ({
      %run_scoped3A = tpu.sem_alloc : memref<!tpu.dma_semaphore, #tpu.memory_space<semaphore_mem>>
      %dma_start3A_1424 = arith.constant 0 : i32
      %dma_start3A_1425 = arith.constant 0 : i32
      %dma_start3A_1426 = tpu.memref_slice %arg12[%dma_start3A_1424, %dma_start3A_1425] : memref<10000x64xf32, #tpu.memory_space<vmem_shared>> -> memref<10000x64xf32, #tpu.memory_space<vmem_shared>>
      tpu.enqueue_indirect_dma source(%arg10 : memref<400x64xf32, #tpu.memory_space<vmem>>) target(%dma_start3A_1426 : memref<10000x64xf32, #tpu.memory_space<vmem_shared>>) offsets(%arg8 : memref<400xi32, #tpu.memory_space<vmem>>) semaphore(%run_scoped3A : memref<!tpu.dma_semaphore, #tpu.memory_space<semaphore_mem>>) {add = true}
      %dma_wait3A_1427 = arith.constant 0 : i32
      %dma_wait3A_1428 = arith.constant 0 : i32
      %dma_wait3A_1429 = tpu.memref_slice %arg12[%dma_wait3A_1427, %dma_wait3A_1428] : memref<10000x64xf32, #tpu.memory_space<vmem_shared>> -> memref<10000x64xf32, #tpu.memory_space<vmem_shared>>
      tpu.wait_indirect_dma semaphore(%run_scoped3A : memref<!tpu.dma_semaphore, #tpu.memory_space<semaphore_mem>>) src(%arg10 : memref<400x64xf32, #tpu.memory_space<vmem>>) dst(%dma_wait3A_1429 : memref<10000x64xf32, #tpu.memory_space<vmem_shared>>)
      tpu.yield
    }) : () -> ()
    %add3A_542 = arith.constant 7600 : i32
    %add3A_543 = arith.addi %mul3A_14, %add3A_542 : i32
    %dma_start3A_544 = arith.constant 0 : i32
    %dma_start3A_545 = tpu.memref_slice %arg3[%dma_start3A_544, %add3A_543] : memref<2x640000xi32, #tpu.memory_space<hbm>> -> memref<1x400xi32, #tpu.memory_space<hbm>>
    %dma_start3A_546 = tpu.memref_squeeze %dma_start3A_545 : memref<1x400xi32, #tpu.memory_space<hbm>> -> memref<400xi32, #tpu.memory_space<hbm>>
    %dma_start3A_547 = tpu.memref_slice %arg3[%dma_start3A_544, %add3A_543] : memref<2x640000xi32, #tpu.memory_space<hbm>> -> memref<1x400xi32, #tpu.memory_space<hbm>>
    %dma_start3A_548 = tpu.memref_squeeze %dma_start3A_547 : memref<1x400xi32, #tpu.memory_space<hbm>> -> memref<400xi32, #tpu.memory_space<hbm>>
    tpu.enqueue_dma source(%dma_start3A_548 : memref<400xi32, #tpu.memory_space<hbm>>) target(%arg6 : memref<400xi32, #tpu.memory_space<vmem>>) target_semaphore(%arg16 : memref<!tpu.dma_semaphore, #tpu.memory_space<semaphore_mem>>)
    %dma_start3A_549 = arith.constant 1 : i32
    %dma_start3A_550 = tpu.memref_slice %arg3[%dma_start3A_549, %add3A_543] : memref<2x640000xi32, #tpu.memory_space<hbm>> -> memref<1x400xi32, #tpu.memory_space<hbm>>
    %dma_start3A_551 = tpu.memref_squeeze %dma_start3A_550 : memref<1x400xi32, #tpu.memory_space<hbm>> -> memref<400xi32, #tpu.memory_space<hbm>>
    %dma_start3A_552 = tpu.memref_slice %arg3[%dma_start3A_549, %add3A_543] : memref<2x640000xi32, #tpu.memory_space<hbm>> -> memref<1x400xi32, #tpu.memory_space<hbm>>
    %dma_start3A_553 = tpu.memref_squeeze %dma_start3A_552 : memref<1x400xi32, #tpu.memory_space<hbm>> -> memref<400xi32, #tpu.memory_space<hbm>>
    tpu.enqueue_dma source(%dma_start3A_553 : memref<400xi32, #tpu.memory_space<hbm>>) target(%arg8 : memref<400xi32, #tpu.memory_space<vmem>>) target_semaphore(%arg16 : memref<!tpu.dma_semaphore, #tpu.memory_space<semaphore_mem>>)
    %dma_wait3A_554 = arith.constant 0 : i32
    %dma_wait3A_555 = tpu.memref_slice %arg3[%dma_wait3A_554, %add3A_543] : memref<2x640000xi32, #tpu.memory_space<hbm>> -> memref<1x400xi32, #tpu.memory_space<hbm>>
    %dma_wait3A_556 = tpu.memref_squeeze %dma_wait3A_555 : memref<1x400xi32, #tpu.memory_space<hbm>> -> memref<400xi32, #tpu.memory_space<hbm>>
    %dma_wait3A_557 = tpu.memref_slice %arg3[%dma_wait3A_554, %add3A_543] : memref<2x640000xi32, #tpu.memory_space<hbm>> -> memref<1x400xi32, #tpu.memory_space<hbm>>
    %dma_wait3A_558 = tpu.memref_squeeze %dma_wait3A_557 : memref<1x400xi32, #tpu.memory_space<hbm>> -> memref<400xi32, #tpu.memory_space<hbm>>
    tpu.wait_dma2 semaphore(%arg16 : memref<!tpu.dma_semaphore, #tpu.memory_space<semaphore_mem>>) src(%dma_wait3A_558 : memref<400xi32, #tpu.memory_space<hbm>>) dst(%arg6 : memref<400xi32, #tpu.memory_space<vmem>>)
    %dma_wait3A_559 = arith.constant 1 : i32
    %dma_wait3A_560 = tpu.memref_slice %arg3[%dma_wait3A_559, %add3A_543] : memref<2x640000xi32, #tpu.memory_space<hbm>> -> memref<1x400xi32, #tpu.memory_space<hbm>>
    %dma_wait3A_561 = tpu.memref_squeeze %dma_wait3A_560 : memref<1x400xi32, #tpu.memory_space<hbm>> -> memref<400xi32, #tpu.memory_space<hbm>>
    %dma_wait3A_562 = tpu.memref_slice %arg3[%dma_wait3A_559, %add3A_543] : memref<2x640000xi32, #tpu.memory_space<hbm>> -> memref<1x400xi32, #tpu.memory_space<hbm>>
    %dma_wait3A_563 = tpu.memref_squeeze %dma_wait3A_562 : memref<1x400xi32, #tpu.memory_space<hbm>> -> memref<400xi32, #tpu.memory_space<hbm>>
    tpu.wait_dma2 semaphore(%arg16 : memref<!tpu.dma_semaphore, #tpu.memory_space<semaphore_mem>>) src(%dma_wait3A_563 : memref<400xi32, #tpu.memory_space<hbm>>) dst(%arg8 : memref<400xi32, #tpu.memory_space<vmem>>)
    %dma_start3A_564 = arith.constant 0 : i32
    %dma_start3A_565 = arith.constant 0 : i32
    %dma_start3A_566 = tpu.memref_slice %arg2[%dma_start3A_564, %dma_start3A_565] : memref<10000x64xf32, #tpu.memory_space<hbm>> -> memref<10000x64xf32, #tpu.memory_space<hbm>>
    tpu.enqueue_indirect_dma source(%dma_start3A_566 : memref<10000x64xf32, #tpu.memory_space<hbm>>) target(%arg10 : memref<400x64xf32, #tpu.memory_space<vmem>>) offsets(%arg6 : memref<400xi32, #tpu.memory_space<vmem>>) semaphore(%arg14 : memref<!tpu.dma_semaphore, #tpu.memory_space<semaphore_mem>>)
    %dma_wait3A_567 = arith.constant 0 : i32
    %dma_wait3A_568 = arith.constant 0 : i32
    %dma_wait3A_569 = tpu.memref_slice %arg2[%dma_wait3A_567, %dma_wait3A_568] : memref<10000x64xf32, #tpu.memory_space<hbm>> -> memref<10000x64xf32, #tpu.memory_space<hbm>>
    tpu.wait_indirect_dma semaphore(%arg13 : memref<!tpu.dma_semaphore, #tpu.memory_space<semaphore_mem>>) src(%dma_wait3A_569 : memref<10000x64xf32, #tpu.memory_space<hbm>>) dst(%arg9 : memref<400x64xf32, #tpu.memory_space<vmem>>)
    "tpu.region"() ({
      %run_scoped3A = tpu.sem_alloc : memref<!tpu.dma_semaphore, #tpu.memory_space<semaphore_mem>>
      %dma_start3A_1424 = arith.constant 0 : i32
      %dma_start3A_1425 = arith.constant 0 : i32
      %dma_start3A_1426 = tpu.memref_slice %arg12[%dma_start3A_1424, %dma_start3A_1425] : memref<10000x64xf32, #tpu.memory_space<vmem_shared>> -> memref<10000x64xf32, #tpu.memory_space<vmem_shared>>
      tpu.enqueue_indirect_dma source(%arg9 : memref<400x64xf32, #tpu.memory_space<vmem>>) target(%dma_start3A_1426 : memref<10000x64xf32, #tpu.memory_space<vmem_shared>>) offsets(%arg7 : memref<400xi32, #tpu.memory_space<vmem>>) semaphore(%run_scoped3A : memref<!tpu.dma_semaphore, #tpu.memory_space<semaphore_mem>>) {add = true}
      %dma_wait3A_1427 = arith.constant 0 : i32
      %dma_wait3A_1428 = arith.constant 0 : i32
      %dma_wait3A_1429 = tpu.memref_slice %arg12[%dma_wait3A_1427, %dma_wait3A_1428] : memref<10000x64xf32, #tpu.memory_space<vmem_shared>> -> memref<10000x64xf32, #tpu.memory_space<vmem_shared>>
      tpu.wait_indirect_dma semaphore(%run_scoped3A : memref<!tpu.dma_semaphore, #tpu.memory_space<semaphore_mem>>) src(%arg9 : memref<400x64xf32, #tpu.memory_space<vmem>>) dst(%dma_wait3A_1429 : memref<10000x64xf32, #tpu.memory_space<vmem_shared>>)
      tpu.yield
    }) : () -> ()
    %add3A_570 = arith.constant 8000 : i32
    %add3A_571 = arith.addi %mul3A_14, %add3A_570 : i32
    %dma_start3A_572 = arith.constant 0 : i32
    %dma_start3A_573 = tpu.memref_slice %arg3[%dma_start3A_572, %add3A_571] : memref<2x640000xi32, #tpu.memory_space<hbm>> -> memref<1x400xi32, #tpu.memory_space<hbm>>
    %dma_start3A_574 = tpu.memref_squeeze %dma_start3A_573 : memref<1x400xi32, #tpu.memory_space<hbm>> -> memref<400xi32, #tpu.memory_space<hbm>>
    %dma_start3A_575 = tpu.memref_slice %arg3[%dma_start3A_572, %add3A_571] : memref<2x640000xi32, #tpu.memory_space<hbm>> -> memref<1x400xi32, #tpu.memory_space<hbm>>
    %dma_start3A_576 = tpu.memref_squeeze %dma_start3A_575 : memref<1x400xi32, #tpu.memory_space<hbm>> -> memref<400xi32, #tpu.memory_space<hbm>>
    tpu.enqueue_dma source(%dma_start3A_576 : memref<400xi32, #tpu.memory_space<hbm>>) target(%arg5 : memref<400xi32, #tpu.memory_space<vmem>>) target_semaphore(%arg15 : memref<!tpu.dma_semaphore, #tpu.memory_space<semaphore_mem>>)
    %dma_start3A_577 = arith.constant 1 : i32
    %dma_start3A_578 = tpu.memref_slice %arg3[%dma_start3A_577, %add3A_571] : memref<2x640000xi32, #tpu.memory_space<hbm>> -> memref<1x400xi32, #tpu.memory_space<hbm>>
    %dma_start3A_579 = tpu.memref_squeeze %dma_start3A_578 : memref<1x400xi32, #tpu.memory_space<hbm>> -> memref<400xi32, #tpu.memory_space<hbm>>
    %dma_start3A_580 = tpu.memref_slice %arg3[%dma_start3A_577, %add3A_571] : memref<2x640000xi32, #tpu.memory_space<hbm>> -> memref<1x400xi32, #tpu.memory_space<hbm>>
    %dma_start3A_581 = tpu.memref_squeeze %dma_start3A_580 : memref<1x400xi32, #tpu.memory_space<hbm>> -> memref<400xi32, #tpu.memory_space<hbm>>
    tpu.enqueue_dma source(%dma_start3A_581 : memref<400xi32, #tpu.memory_space<hbm>>) target(%arg7 : memref<400xi32, #tpu.memory_space<vmem>>) target_semaphore(%arg15 : memref<!tpu.dma_semaphore, #tpu.memory_space<semaphore_mem>>)
    %dma_wait3A_582 = arith.constant 0 : i32
    %dma_wait3A_583 = tpu.memref_slice %arg3[%dma_wait3A_582, %add3A_571] : memref<2x640000xi32, #tpu.memory_space<hbm>> -> memref<1x400xi32, #tpu.memory_space<hbm>>
    %dma_wait3A_584 = tpu.memref_squeeze %dma_wait3A_583 : memref<1x400xi32, #tpu.memory_space<hbm>> -> memref<400xi32, #tpu.memory_space<hbm>>
    %dma_wait3A_585 = tpu.memref_slice %arg3[%dma_wait3A_582, %add3A_571] : memref<2x640000xi32, #tpu.memory_space<hbm>> -> memref<1x400xi32, #tpu.memory_space<hbm>>
    %dma_wait3A_586 = tpu.memref_squeeze %dma_wait3A_585 : memref<1x400xi32, #tpu.memory_space<hbm>> -> memref<400xi32, #tpu.memory_space<hbm>>
    tpu.wait_dma2 semaphore(%arg15 : memref<!tpu.dma_semaphore, #tpu.memory_space<semaphore_mem>>) src(%dma_wait3A_586 : memref<400xi32, #tpu.memory_space<hbm>>) dst(%arg5 : memref<400xi32, #tpu.memory_space<vmem>>)
    %dma_wait3A_587 = arith.constant 1 : i32
    %dma_wait3A_588 = tpu.memref_slice %arg3[%dma_wait3A_587, %add3A_571] : memref<2x640000xi32, #tpu.memory_space<hbm>> -> memref<1x400xi32, #tpu.memory_space<hbm>>
    %dma_wait3A_589 = tpu.memref_squeeze %dma_wait3A_588 : memref<1x400xi32, #tpu.memory_space<hbm>> -> memref<400xi32, #tpu.memory_space<hbm>>
    %dma_wait3A_590 = tpu.memref_slice %arg3[%dma_wait3A_587, %add3A_571] : memref<2x640000xi32, #tpu.memory_space<hbm>> -> memref<1x400xi32, #tpu.memory_space<hbm>>
    %dma_wait3A_591 = tpu.memref_squeeze %dma_wait3A_590 : memref<1x400xi32, #tpu.memory_space<hbm>> -> memref<400xi32, #tpu.memory_space<hbm>>
    tpu.wait_dma2 semaphore(%arg15 : memref<!tpu.dma_semaphore, #tpu.memory_space<semaphore_mem>>) src(%dma_wait3A_591 : memref<400xi32, #tpu.memory_space<hbm>>) dst(%arg7 : memref<400xi32, #tpu.memory_space<vmem>>)
    %dma_start3A_592 = arith.constant 0 : i32
    %dma_start3A_593 = arith.constant 0 : i32
    %dma_start3A_594 = tpu.memref_slice %arg2[%dma_start3A_592, %dma_start3A_593] : memref<10000x64xf32, #tpu.memory_space<hbm>> -> memref<10000x64xf32, #tpu.memory_space<hbm>>
    tpu.enqueue_indirect_dma source(%dma_start3A_594 : memref<10000x64xf32, #tpu.memory_space<hbm>>) target(%arg9 : memref<400x64xf32, #tpu.memory_space<vmem>>) offsets(%arg5 : memref<400xi32, #tpu.memory_space<vmem>>) semaphore(%arg13 : memref<!tpu.dma_semaphore, #tpu.memory_space<semaphore_mem>>)
    %dma_wait3A_595 = arith.constant 0 : i32
    %dma_wait3A_596 = arith.constant 0 : i32
    %dma_wait3A_597 = tpu.memref_slice %arg2[%dma_wait3A_595, %dma_wait3A_596] : memref<10000x64xf32, #tpu.memory_space<hbm>> -> memref<10000x64xf32, #tpu.memory_space<hbm>>
    tpu.wait_indirect_dma semaphore(%arg14 : memref<!tpu.dma_semaphore, #tpu.memory_space<semaphore_mem>>) src(%dma_wait3A_597 : memref<10000x64xf32, #tpu.memory_space<hbm>>) dst(%arg10 : memref<400x64xf32, #tpu.memory_space<vmem>>)
    "tpu.region"() ({
      %run_scoped3A = tpu.sem_alloc : memref<!tpu.dma_semaphore, #tpu.memory_space<semaphore_mem>>
      %dma_start3A_1424 = arith.constant 0 : i32
      %dma_start3A_1425 = arith.constant 0 : i32
      %dma_start3A_1426 = tpu.memref_slice %arg12[%dma_start3A_1424, %dma_start3A_1425] : memref<10000x64xf32, #tpu.memory_space<vmem_shared>> -> memref<10000x64xf32, #tpu.memory_space<vmem_shared>>
      tpu.enqueue_indirect_dma source(%arg10 : memref<400x64xf32, #tpu.memory_space<vmem>>) target(%dma_start3A_1426 : memref<10000x64xf32, #tpu.memory_space<vmem_shared>>) offsets(%arg8 : memref<400xi32, #tpu.memory_space<vmem>>) semaphore(%run_scoped3A : memref<!tpu.dma_semaphore, #tpu.memory_space<semaphore_mem>>) {add = true}
      %dma_wait3A_1427 = arith.constant 0 : i32
      %dma_wait3A_1428 = arith.constant 0 : i32
      %dma_wait3A_1429 = tpu.memref_slice %arg12[%dma_wait3A_1427, %dma_wait3A_1428] : memref<10000x64xf32, #tpu.memory_space<vmem_shared>> -> memref<10000x64xf32, #tpu.memory_space<vmem_shared>>
      tpu.wait_indirect_dma semaphore(%run_scoped3A : memref<!tpu.dma_semaphore, #tpu.memory_space<semaphore_mem>>) src(%arg10 : memref<400x64xf32, #tpu.memory_space<vmem>>) dst(%dma_wait3A_1429 : memref<10000x64xf32, #tpu.memory_space<vmem_shared>>)
      tpu.yield
    }) : () -> ()
    %add3A_598 = arith.constant 8400 : i32
    %add3A_599 = arith.addi %mul3A_14, %add3A_598 : i32
    %dma_start3A_600 = arith.constant 0 : i32
    %dma_start3A_601 = tpu.memref_slice %arg3[%dma_start3A_600, %add3A_599] : memref<2x640000xi32, #tpu.memory_space<hbm>> -> memref<1x400xi32, #tpu.memory_space<hbm>>
    %dma_start3A_602 = tpu.memref_squeeze %dma_start3A_601 : memref<1x400xi32, #tpu.memory_space<hbm>> -> memref<400xi32, #tpu.memory_space<hbm>>
    %dma_start3A_603 = tpu.memref_slice %arg3[%dma_start3A_600, %add3A_599] : memref<2x640000xi32, #tpu.memory_space<hbm>> -> memref<1x400xi32, #tpu.memory_space<hbm>>
    %dma_start3A_604 = tpu.memref_squeeze %dma_start3A_603 : memref<1x400xi32, #tpu.memory_space<hbm>> -> memref<400xi32, #tpu.memory_space<hbm>>
    tpu.enqueue_dma source(%dma_start3A_604 : memref<400xi32, #tpu.memory_space<hbm>>) target(%arg6 : memref<400xi32, #tpu.memory_space<vmem>>) target_semaphore(%arg16 : memref<!tpu.dma_semaphore, #tpu.memory_space<semaphore_mem>>)
    %dma_start3A_605 = arith.constant 1 : i32
    %dma_start3A_606 = tpu.memref_slice %arg3[%dma_start3A_605, %add3A_599] : memref<2x640000xi32, #tpu.memory_space<hbm>> -> memref<1x400xi32, #tpu.memory_space<hbm>>
    %dma_start3A_607 = tpu.memref_squeeze %dma_start3A_606 : memref<1x400xi32, #tpu.memory_space<hbm>> -> memref<400xi32, #tpu.memory_space<hbm>>
    %dma_start3A_608 = tpu.memref_slice %arg3[%dma_start3A_605, %add3A_599] : memref<2x640000xi32, #tpu.memory_space<hbm>> -> memref<1x400xi32, #tpu.memory_space<hbm>>
    %dma_start3A_609 = tpu.memref_squeeze %dma_start3A_608 : memref<1x400xi32, #tpu.memory_space<hbm>> -> memref<400xi32, #tpu.memory_space<hbm>>
    tpu.enqueue_dma source(%dma_start3A_609 : memref<400xi32, #tpu.memory_space<hbm>>) target(%arg8 : memref<400xi32, #tpu.memory_space<vmem>>) target_semaphore(%arg16 : memref<!tpu.dma_semaphore, #tpu.memory_space<semaphore_mem>>)
    %dma_wait3A_610 = arith.constant 0 : i32
    %dma_wait3A_611 = tpu.memref_slice %arg3[%dma_wait3A_610, %add3A_599] : memref<2x640000xi32, #tpu.memory_space<hbm>> -> memref<1x400xi32, #tpu.memory_space<hbm>>
    %dma_wait3A_612 = tpu.memref_squeeze %dma_wait3A_611 : memref<1x400xi32, #tpu.memory_space<hbm>> -> memref<400xi32, #tpu.memory_space<hbm>>
    %dma_wait3A_613 = tpu.memref_slice %arg3[%dma_wait3A_610, %add3A_599] : memref<2x640000xi32, #tpu.memory_space<hbm>> -> memref<1x400xi32, #tpu.memory_space<hbm>>
    %dma_wait3A_614 = tpu.memref_squeeze %dma_wait3A_613 : memref<1x400xi32, #tpu.memory_space<hbm>> -> memref<400xi32, #tpu.memory_space<hbm>>
    tpu.wait_dma2 semaphore(%arg16 : memref<!tpu.dma_semaphore, #tpu.memory_space<semaphore_mem>>) src(%dma_wait3A_614 : memref<400xi32, #tpu.memory_space<hbm>>) dst(%arg6 : memref<400xi32, #tpu.memory_space<vmem>>)
    %dma_wait3A_615 = arith.constant 1 : i32
    %dma_wait3A_616 = tpu.memref_slice %arg3[%dma_wait3A_615, %add3A_599] : memref<2x640000xi32, #tpu.memory_space<hbm>> -> memref<1x400xi32, #tpu.memory_space<hbm>>
    %dma_wait3A_617 = tpu.memref_squeeze %dma_wait3A_616 : memref<1x400xi32, #tpu.memory_space<hbm>> -> memref<400xi32, #tpu.memory_space<hbm>>
    %dma_wait3A_618 = tpu.memref_slice %arg3[%dma_wait3A_615, %add3A_599] : memref<2x640000xi32, #tpu.memory_space<hbm>> -> memref<1x400xi32, #tpu.memory_space<hbm>>
    %dma_wait3A_619 = tpu.memref_squeeze %dma_wait3A_618 : memref<1x400xi32, #tpu.memory_space<hbm>> -> memref<400xi32, #tpu.memory_space<hbm>>
    tpu.wait_dma2 semaphore(%arg16 : memref<!tpu.dma_semaphore, #tpu.memory_space<semaphore_mem>>) src(%dma_wait3A_619 : memref<400xi32, #tpu.memory_space<hbm>>) dst(%arg8 : memref<400xi32, #tpu.memory_space<vmem>>)
    %dma_start3A_620 = arith.constant 0 : i32
    %dma_start3A_621 = arith.constant 0 : i32
    %dma_start3A_622 = tpu.memref_slice %arg2[%dma_start3A_620, %dma_start3A_621] : memref<10000x64xf32, #tpu.memory_space<hbm>> -> memref<10000x64xf32, #tpu.memory_space<hbm>>
    tpu.enqueue_indirect_dma source(%dma_start3A_622 : memref<10000x64xf32, #tpu.memory_space<hbm>>) target(%arg10 : memref<400x64xf32, #tpu.memory_space<vmem>>) offsets(%arg6 : memref<400xi32, #tpu.memory_space<vmem>>) semaphore(%arg14 : memref<!tpu.dma_semaphore, #tpu.memory_space<semaphore_mem>>)
    %dma_wait3A_623 = arith.constant 0 : i32
    %dma_wait3A_624 = arith.constant 0 : i32
    %dma_wait3A_625 = tpu.memref_slice %arg2[%dma_wait3A_623, %dma_wait3A_624] : memref<10000x64xf32, #tpu.memory_space<hbm>> -> memref<10000x64xf32, #tpu.memory_space<hbm>>
    tpu.wait_indirect_dma semaphore(%arg13 : memref<!tpu.dma_semaphore, #tpu.memory_space<semaphore_mem>>) src(%dma_wait3A_625 : memref<10000x64xf32, #tpu.memory_space<hbm>>) dst(%arg9 : memref<400x64xf32, #tpu.memory_space<vmem>>)
    "tpu.region"() ({
      %run_scoped3A = tpu.sem_alloc : memref<!tpu.dma_semaphore, #tpu.memory_space<semaphore_mem>>
      %dma_start3A_1424 = arith.constant 0 : i32
      %dma_start3A_1425 = arith.constant 0 : i32
      %dma_start3A_1426 = tpu.memref_slice %arg12[%dma_start3A_1424, %dma_start3A_1425] : memref<10000x64xf32, #tpu.memory_space<vmem_shared>> -> memref<10000x64xf32, #tpu.memory_space<vmem_shared>>
      tpu.enqueue_indirect_dma source(%arg9 : memref<400x64xf32, #tpu.memory_space<vmem>>) target(%dma_start3A_1426 : memref<10000x64xf32, #tpu.memory_space<vmem_shared>>) offsets(%arg7 : memref<400xi32, #tpu.memory_space<vmem>>) semaphore(%run_scoped3A : memref<!tpu.dma_semaphore, #tpu.memory_space<semaphore_mem>>) {add = true}
      %dma_wait3A_1427 = arith.constant 0 : i32
      %dma_wait3A_1428 = arith.constant 0 : i32
      %dma_wait3A_1429 = tpu.memref_slice %arg12[%dma_wait3A_1427, %dma_wait3A_1428] : memref<10000x64xf32, #tpu.memory_space<vmem_shared>> -> memref<10000x64xf32, #tpu.memory_space<vmem_shared>>
      tpu.wait_indirect_dma semaphore(%run_scoped3A : memref<!tpu.dma_semaphore, #tpu.memory_space<semaphore_mem>>) src(%arg9 : memref<400x64xf32, #tpu.memory_space<vmem>>) dst(%dma_wait3A_1429 : memref<10000x64xf32, #tpu.memory_space<vmem_shared>>)
      tpu.yield
    }) : () -> ()
    %add3A_626 = arith.constant 8800 : i32
    %add3A_627 = arith.addi %mul3A_14, %add3A_626 : i32
    %dma_start3A_628 = arith.constant 0 : i32
    %dma_start3A_629 = tpu.memref_slice %arg3[%dma_start3A_628, %add3A_627] : memref<2x640000xi32, #tpu.memory_space<hbm>> -> memref<1x400xi32, #tpu.memory_space<hbm>>
    %dma_start3A_630 = tpu.memref_squeeze %dma_start3A_629 : memref<1x400xi32, #tpu.memory_space<hbm>> -> memref<400xi32, #tpu.memory_space<hbm>>
    %dma_start3A_631 = tpu.memref_slice %arg3[%dma_start3A_628, %add3A_627] : memref<2x640000xi32, #tpu.memory_space<hbm>> -> memref<1x400xi32, #tpu.memory_space<hbm>>
    %dma_start3A_632 = tpu.memref_squeeze %dma_start3A_631 : memref<1x400xi32, #tpu.memory_space<hbm>> -> memref<400xi32, #tpu.memory_space<hbm>>
    tpu.enqueue_dma source(%dma_start3A_632 : memref<400xi32, #tpu.memory_space<hbm>>) target(%arg5 : memref<400xi32, #tpu.memory_space<vmem>>) target_semaphore(%arg15 : memref<!tpu.dma_semaphore, #tpu.memory_space<semaphore_mem>>)
    %dma_start3A_633 = arith.constant 1 : i32
    %dma_start3A_634 = tpu.memref_slice %arg3[%dma_start3A_633, %add3A_627] : memref<2x640000xi32, #tpu.memory_space<hbm>> -> memref<1x400xi32, #tpu.memory_space<hbm>>
    %dma_start3A_635 = tpu.memref_squeeze %dma_start3A_634 : memref<1x400xi32, #tpu.memory_space<hbm>> -> memref<400xi32, #tpu.memory_space<hbm>>
    %dma_start3A_636 = tpu.memref_slice %arg3[%dma_start3A_633, %add3A_627] : memref<2x640000xi32, #tpu.memory_space<hbm>> -> memref<1x400xi32, #tpu.memory_space<hbm>>
    %dma_start3A_637 = tpu.memref_squeeze %dma_start3A_636 : memref<1x400xi32, #tpu.memory_space<hbm>> -> memref<400xi32, #tpu.memory_space<hbm>>
    tpu.enqueue_dma source(%dma_start3A_637 : memref<400xi32, #tpu.memory_space<hbm>>) target(%arg7 : memref<400xi32, #tpu.memory_space<vmem>>) target_semaphore(%arg15 : memref<!tpu.dma_semaphore, #tpu.memory_space<semaphore_mem>>)
    %dma_wait3A_638 = arith.constant 0 : i32
    %dma_wait3A_639 = tpu.memref_slice %arg3[%dma_wait3A_638, %add3A_627] : memref<2x640000xi32, #tpu.memory_space<hbm>> -> memref<1x400xi32, #tpu.memory_space<hbm>>
    %dma_wait3A_640 = tpu.memref_squeeze %dma_wait3A_639 : memref<1x400xi32, #tpu.memory_space<hbm>> -> memref<400xi32, #tpu.memory_space<hbm>>
    %dma_wait3A_641 = tpu.memref_slice %arg3[%dma_wait3A_638, %add3A_627] : memref<2x640000xi32, #tpu.memory_space<hbm>> -> memref<1x400xi32, #tpu.memory_space<hbm>>
    %dma_wait3A_642 = tpu.memref_squeeze %dma_wait3A_641 : memref<1x400xi32, #tpu.memory_space<hbm>> -> memref<400xi32, #tpu.memory_space<hbm>>
    tpu.wait_dma2 semaphore(%arg15 : memref<!tpu.dma_semaphore, #tpu.memory_space<semaphore_mem>>) src(%dma_wait3A_642 : memref<400xi32, #tpu.memory_space<hbm>>) dst(%arg5 : memref<400xi32, #tpu.memory_space<vmem>>)
    %dma_wait3A_643 = arith.constant 1 : i32
    %dma_wait3A_644 = tpu.memref_slice %arg3[%dma_wait3A_643, %add3A_627] : memref<2x640000xi32, #tpu.memory_space<hbm>> -> memref<1x400xi32, #tpu.memory_space<hbm>>
    %dma_wait3A_645 = tpu.memref_squeeze %dma_wait3A_644 : memref<1x400xi32, #tpu.memory_space<hbm>> -> memref<400xi32, #tpu.memory_space<hbm>>
    %dma_wait3A_646 = tpu.memref_slice %arg3[%dma_wait3A_643, %add3A_627] : memref<2x640000xi32, #tpu.memory_space<hbm>> -> memref<1x400xi32, #tpu.memory_space<hbm>>
    %dma_wait3A_647 = tpu.memref_squeeze %dma_wait3A_646 : memref<1x400xi32, #tpu.memory_space<hbm>> -> memref<400xi32, #tpu.memory_space<hbm>>
    tpu.wait_dma2 semaphore(%arg15 : memref<!tpu.dma_semaphore, #tpu.memory_space<semaphore_mem>>) src(%dma_wait3A_647 : memref<400xi32, #tpu.memory_space<hbm>>) dst(%arg7 : memref<400xi32, #tpu.memory_space<vmem>>)
    %dma_start3A_648 = arith.constant 0 : i32
    %dma_start3A_649 = arith.constant 0 : i32
    %dma_start3A_650 = tpu.memref_slice %arg2[%dma_start3A_648, %dma_start3A_649] : memref<10000x64xf32, #tpu.memory_space<hbm>> -> memref<10000x64xf32, #tpu.memory_space<hbm>>
    tpu.enqueue_indirect_dma source(%dma_start3A_650 : memref<10000x64xf32, #tpu.memory_space<hbm>>) target(%arg9 : memref<400x64xf32, #tpu.memory_space<vmem>>) offsets(%arg5 : memref<400xi32, #tpu.memory_space<vmem>>) semaphore(%arg13 : memref<!tpu.dma_semaphore, #tpu.memory_space<semaphore_mem>>)
    %dma_wait3A_651 = arith.constant 0 : i32
    %dma_wait3A_652 = arith.constant 0 : i32
    %dma_wait3A_653 = tpu.memref_slice %arg2[%dma_wait3A_651, %dma_wait3A_652] : memref<10000x64xf32, #tpu.memory_space<hbm>> -> memref<10000x64xf32, #tpu.memory_space<hbm>>
    tpu.wait_indirect_dma semaphore(%arg14 : memref<!tpu.dma_semaphore, #tpu.memory_space<semaphore_mem>>) src(%dma_wait3A_653 : memref<10000x64xf32, #tpu.memory_space<hbm>>) dst(%arg10 : memref<400x64xf32, #tpu.memory_space<vmem>>)
    "tpu.region"() ({
      %run_scoped3A = tpu.sem_alloc : memref<!tpu.dma_semaphore, #tpu.memory_space<semaphore_mem>>
      %dma_start3A_1424 = arith.constant 0 : i32
      %dma_start3A_1425 = arith.constant 0 : i32
      %dma_start3A_1426 = tpu.memref_slice %arg12[%dma_start3A_1424, %dma_start3A_1425] : memref<10000x64xf32, #tpu.memory_space<vmem_shared>> -> memref<10000x64xf32, #tpu.memory_space<vmem_shared>>
      tpu.enqueue_indirect_dma source(%arg10 : memref<400x64xf32, #tpu.memory_space<vmem>>) target(%dma_start3A_1426 : memref<10000x64xf32, #tpu.memory_space<vmem_shared>>) offsets(%arg8 : memref<400xi32, #tpu.memory_space<vmem>>) semaphore(%run_scoped3A : memref<!tpu.dma_semaphore, #tpu.memory_space<semaphore_mem>>) {add = true}
      %dma_wait3A_1427 = arith.constant 0 : i32
      %dma_wait3A_1428 = arith.constant 0 : i32
      %dma_wait3A_1429 = tpu.memref_slice %arg12[%dma_wait3A_1427, %dma_wait3A_1428] : memref<10000x64xf32, #tpu.memory_space<vmem_shared>> -> memref<10000x64xf32, #tpu.memory_space<vmem_shared>>
      tpu.wait_indirect_dma semaphore(%run_scoped3A : memref<!tpu.dma_semaphore, #tpu.memory_space<semaphore_mem>>) src(%arg10 : memref<400x64xf32, #tpu.memory_space<vmem>>) dst(%dma_wait3A_1429 : memref<10000x64xf32, #tpu.memory_space<vmem_shared>>)
      tpu.yield
    }) : () -> ()
    %add3A_654 = arith.constant 9200 : i32
    %add3A_655 = arith.addi %mul3A_14, %add3A_654 : i32
    %dma_start3A_656 = arith.constant 0 : i32
    %dma_start3A_657 = tpu.memref_slice %arg3[%dma_start3A_656, %add3A_655] : memref<2x640000xi32, #tpu.memory_space<hbm>> -> memref<1x400xi32, #tpu.memory_space<hbm>>
    %dma_start3A_658 = tpu.memref_squeeze %dma_start3A_657 : memref<1x400xi32, #tpu.memory_space<hbm>> -> memref<400xi32, #tpu.memory_space<hbm>>
    %dma_start3A_659 = tpu.memref_slice %arg3[%dma_start3A_656, %add3A_655] : memref<2x640000xi32, #tpu.memory_space<hbm>> -> memref<1x400xi32, #tpu.memory_space<hbm>>
    %dma_start3A_660 = tpu.memref_squeeze %dma_start3A_659 : memref<1x400xi32, #tpu.memory_space<hbm>> -> memref<400xi32, #tpu.memory_space<hbm>>
    tpu.enqueue_dma source(%dma_start3A_660 : memref<400xi32, #tpu.memory_space<hbm>>) target(%arg6 : memref<400xi32, #tpu.memory_space<vmem>>) target_semaphore(%arg16 : memref<!tpu.dma_semaphore, #tpu.memory_space<semaphore_mem>>)
    %dma_start3A_661 = arith.constant 1 : i32
    %dma_start3A_662 = tpu.memref_slice %arg3[%dma_start3A_661, %add3A_655] : memref<2x640000xi32, #tpu.memory_space<hbm>> -> memref<1x400xi32, #tpu.memory_space<hbm>>
    %dma_start3A_663 = tpu.memref_squeeze %dma_start3A_662 : memref<1x400xi32, #tpu.memory_space<hbm>> -> memref<400xi32, #tpu.memory_space<hbm>>
    %dma_start3A_664 = tpu.memref_slice %arg3[%dma_start3A_661, %add3A_655] : memref<2x640000xi32, #tpu.memory_space<hbm>> -> memref<1x400xi32, #tpu.memory_space<hbm>>
    %dma_start3A_665 = tpu.memref_squeeze %dma_start3A_664 : memref<1x400xi32, #tpu.memory_space<hbm>> -> memref<400xi32, #tpu.memory_space<hbm>>
    tpu.enqueue_dma source(%dma_start3A_665 : memref<400xi32, #tpu.memory_space<hbm>>) target(%arg8 : memref<400xi32, #tpu.memory_space<vmem>>) target_semaphore(%arg16 : memref<!tpu.dma_semaphore, #tpu.memory_space<semaphore_mem>>)
    %dma_wait3A_666 = arith.constant 0 : i32
    %dma_wait3A_667 = tpu.memref_slice %arg3[%dma_wait3A_666, %add3A_655] : memref<2x640000xi32, #tpu.memory_space<hbm>> -> memref<1x400xi32, #tpu.memory_space<hbm>>
    %dma_wait3A_668 = tpu.memref_squeeze %dma_wait3A_667 : memref<1x400xi32, #tpu.memory_space<hbm>> -> memref<400xi32, #tpu.memory_space<hbm>>
    %dma_wait3A_669 = tpu.memref_slice %arg3[%dma_wait3A_666, %add3A_655] : memref<2x640000xi32, #tpu.memory_space<hbm>> -> memref<1x400xi32, #tpu.memory_space<hbm>>
    %dma_wait3A_670 = tpu.memref_squeeze %dma_wait3A_669 : memref<1x400xi32, #tpu.memory_space<hbm>> -> memref<400xi32, #tpu.memory_space<hbm>>
    tpu.wait_dma2 semaphore(%arg16 : memref<!tpu.dma_semaphore, #tpu.memory_space<semaphore_mem>>) src(%dma_wait3A_670 : memref<400xi32, #tpu.memory_space<hbm>>) dst(%arg6 : memref<400xi32, #tpu.memory_space<vmem>>)
    %dma_wait3A_671 = arith.constant 1 : i32
    %dma_wait3A_672 = tpu.memref_slice %arg3[%dma_wait3A_671, %add3A_655] : memref<2x640000xi32, #tpu.memory_space<hbm>> -> memref<1x400xi32, #tpu.memory_space<hbm>>
    %dma_wait3A_673 = tpu.memref_squeeze %dma_wait3A_672 : memref<1x400xi32, #tpu.memory_space<hbm>> -> memref<400xi32, #tpu.memory_space<hbm>>
    %dma_wait3A_674 = tpu.memref_slice %arg3[%dma_wait3A_671, %add3A_655] : memref<2x640000xi32, #tpu.memory_space<hbm>> -> memref<1x400xi32, #tpu.memory_space<hbm>>
    %dma_wait3A_675 = tpu.memref_squeeze %dma_wait3A_674 : memref<1x400xi32, #tpu.memory_space<hbm>> -> memref<400xi32, #tpu.memory_space<hbm>>
    tpu.wait_dma2 semaphore(%arg16 : memref<!tpu.dma_semaphore, #tpu.memory_space<semaphore_mem>>) src(%dma_wait3A_675 : memref<400xi32, #tpu.memory_space<hbm>>) dst(%arg8 : memref<400xi32, #tpu.memory_space<vmem>>)
    %dma_start3A_676 = arith.constant 0 : i32
    %dma_start3A_677 = arith.constant 0 : i32
    %dma_start3A_678 = tpu.memref_slice %arg2[%dma_start3A_676, %dma_start3A_677] : memref<10000x64xf32, #tpu.memory_space<hbm>> -> memref<10000x64xf32, #tpu.memory_space<hbm>>
    tpu.enqueue_indirect_dma source(%dma_start3A_678 : memref<10000x64xf32, #tpu.memory_space<hbm>>) target(%arg10 : memref<400x64xf32, #tpu.memory_space<vmem>>) offsets(%arg6 : memref<400xi32, #tpu.memory_space<vmem>>) semaphore(%arg14 : memref<!tpu.dma_semaphore, #tpu.memory_space<semaphore_mem>>)
    %dma_wait3A_679 = arith.constant 0 : i32
    %dma_wait3A_680 = arith.constant 0 : i32
    %dma_wait3A_681 = tpu.memref_slice %arg2[%dma_wait3A_679, %dma_wait3A_680] : memref<10000x64xf32, #tpu.memory_space<hbm>> -> memref<10000x64xf32, #tpu.memory_space<hbm>>
    tpu.wait_indirect_dma semaphore(%arg13 : memref<!tpu.dma_semaphore, #tpu.memory_space<semaphore_mem>>) src(%dma_wait3A_681 : memref<10000x64xf32, #tpu.memory_space<hbm>>) dst(%arg9 : memref<400x64xf32, #tpu.memory_space<vmem>>)
    "tpu.region"() ({
      %run_scoped3A = tpu.sem_alloc : memref<!tpu.dma_semaphore, #tpu.memory_space<semaphore_mem>>
      %dma_start3A_1424 = arith.constant 0 : i32
      %dma_start3A_1425 = arith.constant 0 : i32
      %dma_start3A_1426 = tpu.memref_slice %arg12[%dma_start3A_1424, %dma_start3A_1425] : memref<10000x64xf32, #tpu.memory_space<vmem_shared>> -> memref<10000x64xf32, #tpu.memory_space<vmem_shared>>
      tpu.enqueue_indirect_dma source(%arg9 : memref<400x64xf32, #tpu.memory_space<vmem>>) target(%dma_start3A_1426 : memref<10000x64xf32, #tpu.memory_space<vmem_shared>>) offsets(%arg7 : memref<400xi32, #tpu.memory_space<vmem>>) semaphore(%run_scoped3A : memref<!tpu.dma_semaphore, #tpu.memory_space<semaphore_mem>>) {add = true}
      %dma_wait3A_1427 = arith.constant 0 : i32
      %dma_wait3A_1428 = arith.constant 0 : i32
      %dma_wait3A_1429 = tpu.memref_slice %arg12[%dma_wait3A_1427, %dma_wait3A_1428] : memref<10000x64xf32, #tpu.memory_space<vmem_shared>> -> memref<10000x64xf32, #tpu.memory_space<vmem_shared>>
      tpu.wait_indirect_dma semaphore(%run_scoped3A : memref<!tpu.dma_semaphore, #tpu.memory_space<semaphore_mem>>) src(%arg9 : memref<400x64xf32, #tpu.memory_space<vmem>>) dst(%dma_wait3A_1429 : memref<10000x64xf32, #tpu.memory_space<vmem_shared>>)
      tpu.yield
    }) : () -> ()
    %add3A_682 = arith.constant 9600 : i32
    %add3A_683 = arith.addi %mul3A_14, %add3A_682 : i32
    %dma_start3A_684 = arith.constant 0 : i32
    %dma_start3A_685 = tpu.memref_slice %arg3[%dma_start3A_684, %add3A_683] : memref<2x640000xi32, #tpu.memory_space<hbm>> -> memref<1x400xi32, #tpu.memory_space<hbm>>
    %dma_start3A_686 = tpu.memref_squeeze %dma_start3A_685 : memref<1x400xi32, #tpu.memory_space<hbm>> -> memref<400xi32, #tpu.memory_space<hbm>>
    %dma_start3A_687 = tpu.memref_slice %arg3[%dma_start3A_684, %add3A_683] : memref<2x640000xi32, #tpu.memory_space<hbm>> -> memref<1x400xi32, #tpu.memory_space<hbm>>
    %dma_start3A_688 = tpu.memref_squeeze %dma_start3A_687 : memref<1x400xi32, #tpu.memory_space<hbm>> -> memref<400xi32, #tpu.memory_space<hbm>>
    tpu.enqueue_dma source(%dma_start3A_688 : memref<400xi32, #tpu.memory_space<hbm>>) target(%arg5 : memref<400xi32, #tpu.memory_space<vmem>>) target_semaphore(%arg15 : memref<!tpu.dma_semaphore, #tpu.memory_space<semaphore_mem>>)
    %dma_start3A_689 = arith.constant 1 : i32
    %dma_start3A_690 = tpu.memref_slice %arg3[%dma_start3A_689, %add3A_683] : memref<2x640000xi32, #tpu.memory_space<hbm>> -> memref<1x400xi32, #tpu.memory_space<hbm>>
    %dma_start3A_691 = tpu.memref_squeeze %dma_start3A_690 : memref<1x400xi32, #tpu.memory_space<hbm>> -> memref<400xi32, #tpu.memory_space<hbm>>
    %dma_start3A_692 = tpu.memref_slice %arg3[%dma_start3A_689, %add3A_683] : memref<2x640000xi32, #tpu.memory_space<hbm>> -> memref<1x400xi32, #tpu.memory_space<hbm>>
    %dma_start3A_693 = tpu.memref_squeeze %dma_start3A_692 : memref<1x400xi32, #tpu.memory_space<hbm>> -> memref<400xi32, #tpu.memory_space<hbm>>
    tpu.enqueue_dma source(%dma_start3A_693 : memref<400xi32, #tpu.memory_space<hbm>>) target(%arg7 : memref<400xi32, #tpu.memory_space<vmem>>) target_semaphore(%arg15 : memref<!tpu.dma_semaphore, #tpu.memory_space<semaphore_mem>>)
    %dma_wait3A_694 = arith.constant 0 : i32
    %dma_wait3A_695 = tpu.memref_slice %arg3[%dma_wait3A_694, %add3A_683] : memref<2x640000xi32, #tpu.memory_space<hbm>> -> memref<1x400xi32, #tpu.memory_space<hbm>>
    %dma_wait3A_696 = tpu.memref_squeeze %dma_wait3A_695 : memref<1x400xi32, #tpu.memory_space<hbm>> -> memref<400xi32, #tpu.memory_space<hbm>>
    %dma_wait3A_697 = tpu.memref_slice %arg3[%dma_wait3A_694, %add3A_683] : memref<2x640000xi32, #tpu.memory_space<hbm>> -> memref<1x400xi32, #tpu.memory_space<hbm>>
    %dma_wait3A_698 = tpu.memref_squeeze %dma_wait3A_697 : memref<1x400xi32, #tpu.memory_space<hbm>> -> memref<400xi32, #tpu.memory_space<hbm>>
    tpu.wait_dma2 semaphore(%arg15 : memref<!tpu.dma_semaphore, #tpu.memory_space<semaphore_mem>>) src(%dma_wait3A_698 : memref<400xi32, #tpu.memory_space<hbm>>) dst(%arg5 : memref<400xi32, #tpu.memory_space<vmem>>)
    %dma_wait3A_699 = arith.constant 1 : i32
    %dma_wait3A_700 = tpu.memref_slice %arg3[%dma_wait3A_699, %add3A_683] : memref<2x640000xi32, #tpu.memory_space<hbm>> -> memref<1x400xi32, #tpu.memory_space<hbm>>
    %dma_wait3A_701 = tpu.memref_squeeze %dma_wait3A_700 : memref<1x400xi32, #tpu.memory_space<hbm>> -> memref<400xi32, #tpu.memory_space<hbm>>
    %dma_wait3A_702 = tpu.memref_slice %arg3[%dma_wait3A_699, %add3A_683] : memref<2x640000xi32, #tpu.memory_space<hbm>> -> memref<1x400xi32, #tpu.memory_space<hbm>>
    %dma_wait3A_703 = tpu.memref_squeeze %dma_wait3A_702 : memref<1x400xi32, #tpu.memory_space<hbm>> -> memref<400xi32, #tpu.memory_space<hbm>>
    tpu.wait_dma2 semaphore(%arg15 : memref<!tpu.dma_semaphore, #tpu.memory_space<semaphore_mem>>) src(%dma_wait3A_703 : memref<400xi32, #tpu.memory_space<hbm>>) dst(%arg7 : memref<400xi32, #tpu.memory_space<vmem>>)
    %dma_start3A_704 = arith.constant 0 : i32
    %dma_start3A_705 = arith.constant 0 : i32
    %dma_start3A_706 = tpu.memref_slice %arg2[%dma_start3A_704, %dma_start3A_705] : memref<10000x64xf32, #tpu.memory_space<hbm>> -> memref<10000x64xf32, #tpu.memory_space<hbm>>
    tpu.enqueue_indirect_dma source(%dma_start3A_706 : memref<10000x64xf32, #tpu.memory_space<hbm>>) target(%arg9 : memref<400x64xf32, #tpu.memory_space<vmem>>) offsets(%arg5 : memref<400xi32, #tpu.memory_space<vmem>>) semaphore(%arg13 : memref<!tpu.dma_semaphore, #tpu.memory_space<semaphore_mem>>)
    %dma_wait3A_707 = arith.constant 0 : i32
    %dma_wait3A_708 = arith.constant 0 : i32
    %dma_wait3A_709 = tpu.memref_slice %arg2[%dma_wait3A_707, %dma_wait3A_708] : memref<10000x64xf32, #tpu.memory_space<hbm>> -> memref<10000x64xf32, #tpu.memory_space<hbm>>
    tpu.wait_indirect_dma semaphore(%arg14 : memref<!tpu.dma_semaphore, #tpu.memory_space<semaphore_mem>>) src(%dma_wait3A_709 : memref<10000x64xf32, #tpu.memory_space<hbm>>) dst(%arg10 : memref<400x64xf32, #tpu.memory_space<vmem>>)
    "tpu.region"() ({
      %run_scoped3A = tpu.sem_alloc : memref<!tpu.dma_semaphore, #tpu.memory_space<semaphore_mem>>
      %dma_start3A_1424 = arith.constant 0 : i32
      %dma_start3A_1425 = arith.constant 0 : i32
      %dma_start3A_1426 = tpu.memref_slice %arg12[%dma_start3A_1424, %dma_start3A_1425] : memref<10000x64xf32, #tpu.memory_space<vmem_shared>> -> memref<10000x64xf32, #tpu.memory_space<vmem_shared>>
      tpu.enqueue_indirect_dma source(%arg10 : memref<400x64xf32, #tpu.memory_space<vmem>>) target(%dma_start3A_1426 : memref<10000x64xf32, #tpu.memory_space<vmem_shared>>) offsets(%arg8 : memref<400xi32, #tpu.memory_space<vmem>>) semaphore(%run_scoped3A : memref<!tpu.dma_semaphore, #tpu.memory_space<semaphore_mem>>) {add = true}
      %dma_wait3A_1427 = arith.constant 0 : i32
      %dma_wait3A_1428 = arith.constant 0 : i32
      %dma_wait3A_1429 = tpu.memref_slice %arg12[%dma_wait3A_1427, %dma_wait3A_1428] : memref<10000x64xf32, #tpu.memory_space<vmem_shared>> -> memref<10000x64xf32, #tpu.memory_space<vmem_shared>>
      tpu.wait_indirect_dma semaphore(%run_scoped3A : memref<!tpu.dma_semaphore, #tpu.memory_space<semaphore_mem>>) src(%arg10 : memref<400x64xf32, #tpu.memory_space<vmem>>) dst(%dma_wait3A_1429 : memref<10000x64xf32, #tpu.memory_space<vmem_shared>>)
      tpu.yield
    }) : () -> ()
    %add3A_710 = arith.constant 10000 : i32
    %add3A_711 = arith.addi %mul3A_14, %add3A_710 : i32
    %dma_start3A_712 = arith.constant 0 : i32
    %dma_start3A_713 = tpu.memref_slice %arg3[%dma_start3A_712, %add3A_711] : memref<2x640000xi32, #tpu.memory_space<hbm>> -> memref<1x400xi32, #tpu.memory_space<hbm>>
    %dma_start3A_714 = tpu.memref_squeeze %dma_start3A_713 : memref<1x400xi32, #tpu.memory_space<hbm>> -> memref<400xi32, #tpu.memory_space<hbm>>
    %dma_start3A_715 = tpu.memref_slice %arg3[%dma_start3A_712, %add3A_711] : memref<2x640000xi32, #tpu.memory_space<hbm>> -> memref<1x400xi32, #tpu.memory_space<hbm>>
    %dma_start3A_716 = tpu.memref_squeeze %dma_start3A_715 : memref<1x400xi32, #tpu.memory_space<hbm>> -> memref<400xi32, #tpu.memory_space<hbm>>
    tpu.enqueue_dma source(%dma_start3A_716 : memref<400xi32, #tpu.memory_space<hbm>>) target(%arg6 : memref<400xi32, #tpu.memory_space<vmem>>) target_semaphore(%arg16 : memref<!tpu.dma_semaphore, #tpu.memory_space<semaphore_mem>>)
    %dma_start3A_717 = arith.constant 1 : i32
    %dma_start3A_718 = tpu.memref_slice %arg3[%dma_start3A_717, %add3A_711] : memref<2x640000xi32, #tpu.memory_space<hbm>> -> memref<1x400xi32, #tpu.memory_space<hbm>>
    %dma_start3A_719 = tpu.memref_squeeze %dma_start3A_718 : memref<1x400xi32, #tpu.memory_space<hbm>> -> memref<400xi32, #tpu.memory_space<hbm>>
    %dma_start3A_720 = tpu.memref_slice %arg3[%dma_start3A_717, %add3A_711] : memref<2x640000xi32, #tpu.memory_space<hbm>> -> memref<1x400xi32, #tpu.memory_space<hbm>>
    %dma_start3A_721 = tpu.memref_squeeze %dma_start3A_720 : memref<1x400xi32, #tpu.memory_space<hbm>> -> memref<400xi32, #tpu.memory_space<hbm>>
    tpu.enqueue_dma source(%dma_start3A_721 : memref<400xi32, #tpu.memory_space<hbm>>) target(%arg8 : memref<400xi32, #tpu.memory_space<vmem>>) target_semaphore(%arg16 : memref<!tpu.dma_semaphore, #tpu.memory_space<semaphore_mem>>)
    %dma_wait3A_722 = arith.constant 0 : i32
    %dma_wait3A_723 = tpu.memref_slice %arg3[%dma_wait3A_722, %add3A_711] : memref<2x640000xi32, #tpu.memory_space<hbm>> -> memref<1x400xi32, #tpu.memory_space<hbm>>
    %dma_wait3A_724 = tpu.memref_squeeze %dma_wait3A_723 : memref<1x400xi32, #tpu.memory_space<hbm>> -> memref<400xi32, #tpu.memory_space<hbm>>
    %dma_wait3A_725 = tpu.memref_slice %arg3[%dma_wait3A_722, %add3A_711] : memref<2x640000xi32, #tpu.memory_space<hbm>> -> memref<1x400xi32, #tpu.memory_space<hbm>>
    %dma_wait3A_726 = tpu.memref_squeeze %dma_wait3A_725 : memref<1x400xi32, #tpu.memory_space<hbm>> -> memref<400xi32, #tpu.memory_space<hbm>>
    tpu.wait_dma2 semaphore(%arg16 : memref<!tpu.dma_semaphore, #tpu.memory_space<semaphore_mem>>) src(%dma_wait3A_726 : memref<400xi32, #tpu.memory_space<hbm>>) dst(%arg6 : memref<400xi32, #tpu.memory_space<vmem>>)
    %dma_wait3A_727 = arith.constant 1 : i32
    %dma_wait3A_728 = tpu.memref_slice %arg3[%dma_wait3A_727, %add3A_711] : memref<2x640000xi32, #tpu.memory_space<hbm>> -> memref<1x400xi32, #tpu.memory_space<hbm>>
    %dma_wait3A_729 = tpu.memref_squeeze %dma_wait3A_728 : memref<1x400xi32, #tpu.memory_space<hbm>> -> memref<400xi32, #tpu.memory_space<hbm>>
    %dma_wait3A_730 = tpu.memref_slice %arg3[%dma_wait3A_727, %add3A_711] : memref<2x640000xi32, #tpu.memory_space<hbm>> -> memref<1x400xi32, #tpu.memory_space<hbm>>
    %dma_wait3A_731 = tpu.memref_squeeze %dma_wait3A_730 : memref<1x400xi32, #tpu.memory_space<hbm>> -> memref<400xi32, #tpu.memory_space<hbm>>
    tpu.wait_dma2 semaphore(%arg16 : memref<!tpu.dma_semaphore, #tpu.memory_space<semaphore_mem>>) src(%dma_wait3A_731 : memref<400xi32, #tpu.memory_space<hbm>>) dst(%arg8 : memref<400xi32, #tpu.memory_space<vmem>>)
    %dma_start3A_732 = arith.constant 0 : i32
    %dma_start3A_733 = arith.constant 0 : i32
    %dma_start3A_734 = tpu.memref_slice %arg2[%dma_start3A_732, %dma_start3A_733] : memref<10000x64xf32, #tpu.memory_space<hbm>> -> memref<10000x64xf32, #tpu.memory_space<hbm>>
    tpu.enqueue_indirect_dma source(%dma_start3A_734 : memref<10000x64xf32, #tpu.memory_space<hbm>>) target(%arg10 : memref<400x64xf32, #tpu.memory_space<vmem>>) offsets(%arg6 : memref<400xi32, #tpu.memory_space<vmem>>) semaphore(%arg14 : memref<!tpu.dma_semaphore, #tpu.memory_space<semaphore_mem>>)
    %dma_wait3A_735 = arith.constant 0 : i32
    %dma_wait3A_736 = arith.constant 0 : i32
    %dma_wait3A_737 = tpu.memref_slice %arg2[%dma_wait3A_735, %dma_wait3A_736] : memref<10000x64xf32, #tpu.memory_space<hbm>> -> memref<10000x64xf32, #tpu.memory_space<hbm>>
    tpu.wait_indirect_dma semaphore(%arg13 : memref<!tpu.dma_semaphore, #tpu.memory_space<semaphore_mem>>) src(%dma_wait3A_737 : memref<10000x64xf32, #tpu.memory_space<hbm>>) dst(%arg9 : memref<400x64xf32, #tpu.memory_space<vmem>>)
    "tpu.region"() ({
      %run_scoped3A = tpu.sem_alloc : memref<!tpu.dma_semaphore, #tpu.memory_space<semaphore_mem>>
      %dma_start3A_1424 = arith.constant 0 : i32
      %dma_start3A_1425 = arith.constant 0 : i32
      %dma_start3A_1426 = tpu.memref_slice %arg12[%dma_start3A_1424, %dma_start3A_1425] : memref<10000x64xf32, #tpu.memory_space<vmem_shared>> -> memref<10000x64xf32, #tpu.memory_space<vmem_shared>>
      tpu.enqueue_indirect_dma source(%arg9 : memref<400x64xf32, #tpu.memory_space<vmem>>) target(%dma_start3A_1426 : memref<10000x64xf32, #tpu.memory_space<vmem_shared>>) offsets(%arg7 : memref<400xi32, #tpu.memory_space<vmem>>) semaphore(%run_scoped3A : memref<!tpu.dma_semaphore, #tpu.memory_space<semaphore_mem>>) {add = true}
      %dma_wait3A_1427 = arith.constant 0 : i32
      %dma_wait3A_1428 = arith.constant 0 : i32
      %dma_wait3A_1429 = tpu.memref_slice %arg12[%dma_wait3A_1427, %dma_wait3A_1428] : memref<10000x64xf32, #tpu.memory_space<vmem_shared>> -> memref<10000x64xf32, #tpu.memory_space<vmem_shared>>
      tpu.wait_indirect_dma semaphore(%run_scoped3A : memref<!tpu.dma_semaphore, #tpu.memory_space<semaphore_mem>>) src(%arg9 : memref<400x64xf32, #tpu.memory_space<vmem>>) dst(%dma_wait3A_1429 : memref<10000x64xf32, #tpu.memory_space<vmem_shared>>)
      tpu.yield
    }) : () -> ()
    %add3A_738 = arith.constant 10400 : i32
    %add3A_739 = arith.addi %mul3A_14, %add3A_738 : i32
    %dma_start3A_740 = arith.constant 0 : i32
    %dma_start3A_741 = tpu.memref_slice %arg3[%dma_start3A_740, %add3A_739] : memref<2x640000xi32, #tpu.memory_space<hbm>> -> memref<1x400xi32, #tpu.memory_space<hbm>>
    %dma_start3A_742 = tpu.memref_squeeze %dma_start3A_741 : memref<1x400xi32, #tpu.memory_space<hbm>> -> memref<400xi32, #tpu.memory_space<hbm>>
    %dma_start3A_743 = tpu.memref_slice %arg3[%dma_start3A_740, %add3A_739] : memref<2x640000xi32, #tpu.memory_space<hbm>> -> memref<1x400xi32, #tpu.memory_space<hbm>>
    %dma_start3A_744 = tpu.memref_squeeze %dma_start3A_743 : memref<1x400xi32, #tpu.memory_space<hbm>> -> memref<400xi32, #tpu.memory_space<hbm>>
    tpu.enqueue_dma source(%dma_start3A_744 : memref<400xi32, #tpu.memory_space<hbm>>) target(%arg5 : memref<400xi32, #tpu.memory_space<vmem>>) target_semaphore(%arg15 : memref<!tpu.dma_semaphore, #tpu.memory_space<semaphore_mem>>)
    %dma_start3A_745 = arith.constant 1 : i32
    %dma_start3A_746 = tpu.memref_slice %arg3[%dma_start3A_745, %add3A_739] : memref<2x640000xi32, #tpu.memory_space<hbm>> -> memref<1x400xi32, #tpu.memory_space<hbm>>
    %dma_start3A_747 = tpu.memref_squeeze %dma_start3A_746 : memref<1x400xi32, #tpu.memory_space<hbm>> -> memref<400xi32, #tpu.memory_space<hbm>>
    %dma_start3A_748 = tpu.memref_slice %arg3[%dma_start3A_745, %add3A_739] : memref<2x640000xi32, #tpu.memory_space<hbm>> -> memref<1x400xi32, #tpu.memory_space<hbm>>
    %dma_start3A_749 = tpu.memref_squeeze %dma_start3A_748 : memref<1x400xi32, #tpu.memory_space<hbm>> -> memref<400xi32, #tpu.memory_space<hbm>>
    tpu.enqueue_dma source(%dma_start3A_749 : memref<400xi32, #tpu.memory_space<hbm>>) target(%arg7 : memref<400xi32, #tpu.memory_space<vmem>>) target_semaphore(%arg15 : memref<!tpu.dma_semaphore, #tpu.memory_space<semaphore_mem>>)
    %dma_wait3A_750 = arith.constant 0 : i32
    %dma_wait3A_751 = tpu.memref_slice %arg3[%dma_wait3A_750, %add3A_739] : memref<2x640000xi32, #tpu.memory_space<hbm>> -> memref<1x400xi32, #tpu.memory_space<hbm>>
    %dma_wait3A_752 = tpu.memref_squeeze %dma_wait3A_751 : memref<1x400xi32, #tpu.memory_space<hbm>> -> memref<400xi32, #tpu.memory_space<hbm>>
    %dma_wait3A_753 = tpu.memref_slice %arg3[%dma_wait3A_750, %add3A_739] : memref<2x640000xi32, #tpu.memory_space<hbm>> -> memref<1x400xi32, #tpu.memory_space<hbm>>
    %dma_wait3A_754 = tpu.memref_squeeze %dma_wait3A_753 : memref<1x400xi32, #tpu.memory_space<hbm>> -> memref<400xi32, #tpu.memory_space<hbm>>
    tpu.wait_dma2 semaphore(%arg15 : memref<!tpu.dma_semaphore, #tpu.memory_space<semaphore_mem>>) src(%dma_wait3A_754 : memref<400xi32, #tpu.memory_space<hbm>>) dst(%arg5 : memref<400xi32, #tpu.memory_space<vmem>>)
    %dma_wait3A_755 = arith.constant 1 : i32
    %dma_wait3A_756 = tpu.memref_slice %arg3[%dma_wait3A_755, %add3A_739] : memref<2x640000xi32, #tpu.memory_space<hbm>> -> memref<1x400xi32, #tpu.memory_space<hbm>>
    %dma_wait3A_757 = tpu.memref_squeeze %dma_wait3A_756 : memref<1x400xi32, #tpu.memory_space<hbm>> -> memref<400xi32, #tpu.memory_space<hbm>>
    %dma_wait3A_758 = tpu.memref_slice %arg3[%dma_wait3A_755, %add3A_739] : memref<2x640000xi32, #tpu.memory_space<hbm>> -> memref<1x400xi32, #tpu.memory_space<hbm>>
    %dma_wait3A_759 = tpu.memref_squeeze %dma_wait3A_758 : memref<1x400xi32, #tpu.memory_space<hbm>> -> memref<400xi32, #tpu.memory_space<hbm>>
    tpu.wait_dma2 semaphore(%arg15 : memref<!tpu.dma_semaphore, #tpu.memory_space<semaphore_mem>>) src(%dma_wait3A_759 : memref<400xi32, #tpu.memory_space<hbm>>) dst(%arg7 : memref<400xi32, #tpu.memory_space<vmem>>)
    %dma_start3A_760 = arith.constant 0 : i32
    %dma_start3A_761 = arith.constant 0 : i32
    %dma_start3A_762 = tpu.memref_slice %arg2[%dma_start3A_760, %dma_start3A_761] : memref<10000x64xf32, #tpu.memory_space<hbm>> -> memref<10000x64xf32, #tpu.memory_space<hbm>>
    tpu.enqueue_indirect_dma source(%dma_start3A_762 : memref<10000x64xf32, #tpu.memory_space<hbm>>) target(%arg9 : memref<400x64xf32, #tpu.memory_space<vmem>>) offsets(%arg5 : memref<400xi32, #tpu.memory_space<vmem>>) semaphore(%arg13 : memref<!tpu.dma_semaphore, #tpu.memory_space<semaphore_mem>>)
    %dma_wait3A_763 = arith.constant 0 : i32
    %dma_wait3A_764 = arith.constant 0 : i32
    %dma_wait3A_765 = tpu.memref_slice %arg2[%dma_wait3A_763, %dma_wait3A_764] : memref<10000x64xf32, #tpu.memory_space<hbm>> -> memref<10000x64xf32, #tpu.memory_space<hbm>>
    tpu.wait_indirect_dma semaphore(%arg14 : memref<!tpu.dma_semaphore, #tpu.memory_space<semaphore_mem>>) src(%dma_wait3A_765 : memref<10000x64xf32, #tpu.memory_space<hbm>>) dst(%arg10 : memref<400x64xf32, #tpu.memory_space<vmem>>)
    "tpu.region"() ({
      %run_scoped3A = tpu.sem_alloc : memref<!tpu.dma_semaphore, #tpu.memory_space<semaphore_mem>>
      %dma_start3A_1424 = arith.constant 0 : i32
      %dma_start3A_1425 = arith.constant 0 : i32
      %dma_start3A_1426 = tpu.memref_slice %arg12[%dma_start3A_1424, %dma_start3A_1425] : memref<10000x64xf32, #tpu.memory_space<vmem_shared>> -> memref<10000x64xf32, #tpu.memory_space<vmem_shared>>
      tpu.enqueue_indirect_dma source(%arg10 : memref<400x64xf32, #tpu.memory_space<vmem>>) target(%dma_start3A_1426 : memref<10000x64xf32, #tpu.memory_space<vmem_shared>>) offsets(%arg8 : memref<400xi32, #tpu.memory_space<vmem>>) semaphore(%run_scoped3A : memref<!tpu.dma_semaphore, #tpu.memory_space<semaphore_mem>>) {add = true}
      %dma_wait3A_1427 = arith.constant 0 : i32
      %dma_wait3A_1428 = arith.constant 0 : i32
      %dma_wait3A_1429 = tpu.memref_slice %arg12[%dma_wait3A_1427, %dma_wait3A_1428] : memref<10000x64xf32, #tpu.memory_space<vmem_shared>> -> memref<10000x64xf32, #tpu.memory_space<vmem_shared>>
      tpu.wait_indirect_dma semaphore(%run_scoped3A : memref<!tpu.dma_semaphore, #tpu.memory_space<semaphore_mem>>) src(%arg10 : memref<400x64xf32, #tpu.memory_space<vmem>>) dst(%dma_wait3A_1429 : memref<10000x64xf32, #tpu.memory_space<vmem_shared>>)
      tpu.yield
    }) : () -> ()
    %add3A_766 = arith.constant 10800 : i32
    %add3A_767 = arith.addi %mul3A_14, %add3A_766 : i32
    %dma_start3A_768 = arith.constant 0 : i32
    %dma_start3A_769 = tpu.memref_slice %arg3[%dma_start3A_768, %add3A_767] : memref<2x640000xi32, #tpu.memory_space<hbm>> -> memref<1x400xi32, #tpu.memory_space<hbm>>
    %dma_start3A_770 = tpu.memref_squeeze %dma_start3A_769 : memref<1x400xi32, #tpu.memory_space<hbm>> -> memref<400xi32, #tpu.memory_space<hbm>>
    %dma_start3A_771 = tpu.memref_slice %arg3[%dma_start3A_768, %add3A_767] : memref<2x640000xi32, #tpu.memory_space<hbm>> -> memref<1x400xi32, #tpu.memory_space<hbm>>
    %dma_start3A_772 = tpu.memref_squeeze %dma_start3A_771 : memref<1x400xi32, #tpu.memory_space<hbm>> -> memref<400xi32, #tpu.memory_space<hbm>>
    tpu.enqueue_dma source(%dma_start3A_772 : memref<400xi32, #tpu.memory_space<hbm>>) target(%arg6 : memref<400xi32, #tpu.memory_space<vmem>>) target_semaphore(%arg16 : memref<!tpu.dma_semaphore, #tpu.memory_space<semaphore_mem>>)
    %dma_start3A_773 = arith.constant 1 : i32
    %dma_start3A_774 = tpu.memref_slice %arg3[%dma_start3A_773, %add3A_767] : memref<2x640000xi32, #tpu.memory_space<hbm>> -> memref<1x400xi32, #tpu.memory_space<hbm>>
    %dma_start3A_775 = tpu.memref_squeeze %dma_start3A_774 : memref<1x400xi32, #tpu.memory_space<hbm>> -> memref<400xi32, #tpu.memory_space<hbm>>
    %dma_start3A_776 = tpu.memref_slice %arg3[%dma_start3A_773, %add3A_767] : memref<2x640000xi32, #tpu.memory_space<hbm>> -> memref<1x400xi32, #tpu.memory_space<hbm>>
    %dma_start3A_777 = tpu.memref_squeeze %dma_start3A_776 : memref<1x400xi32, #tpu.memory_space<hbm>> -> memref<400xi32, #tpu.memory_space<hbm>>
    tpu.enqueue_dma source(%dma_start3A_777 : memref<400xi32, #tpu.memory_space<hbm>>) target(%arg8 : memref<400xi32, #tpu.memory_space<vmem>>) target_semaphore(%arg16 : memref<!tpu.dma_semaphore, #tpu.memory_space<semaphore_mem>>)
    %dma_wait3A_778 = arith.constant 0 : i32
    %dma_wait3A_779 = tpu.memref_slice %arg3[%dma_wait3A_778, %add3A_767] : memref<2x640000xi32, #tpu.memory_space<hbm>> -> memref<1x400xi32, #tpu.memory_space<hbm>>
    %dma_wait3A_780 = tpu.memref_squeeze %dma_wait3A_779 : memref<1x400xi32, #tpu.memory_space<hbm>> -> memref<400xi32, #tpu.memory_space<hbm>>
    %dma_wait3A_781 = tpu.memref_slice %arg3[%dma_wait3A_778, %add3A_767] : memref<2x640000xi32, #tpu.memory_space<hbm>> -> memref<1x400xi32, #tpu.memory_space<hbm>>
    %dma_wait3A_782 = tpu.memref_squeeze %dma_wait3A_781 : memref<1x400xi32, #tpu.memory_space<hbm>> -> memref<400xi32, #tpu.memory_space<hbm>>
    tpu.wait_dma2 semaphore(%arg16 : memref<!tpu.dma_semaphore, #tpu.memory_space<semaphore_mem>>) src(%dma_wait3A_782 : memref<400xi32, #tpu.memory_space<hbm>>) dst(%arg6 : memref<400xi32, #tpu.memory_space<vmem>>)
    %dma_wait3A_783 = arith.constant 1 : i32
    %dma_wait3A_784 = tpu.memref_slice %arg3[%dma_wait3A_783, %add3A_767] : memref<2x640000xi32, #tpu.memory_space<hbm>> -> memref<1x400xi32, #tpu.memory_space<hbm>>
    %dma_wait3A_785 = tpu.memref_squeeze %dma_wait3A_784 : memref<1x400xi32, #tpu.memory_space<hbm>> -> memref<400xi32, #tpu.memory_space<hbm>>
    %dma_wait3A_786 = tpu.memref_slice %arg3[%dma_wait3A_783, %add3A_767] : memref<2x640000xi32, #tpu.memory_space<hbm>> -> memref<1x400xi32, #tpu.memory_space<hbm>>
    %dma_wait3A_787 = tpu.memref_squeeze %dma_wait3A_786 : memref<1x400xi32, #tpu.memory_space<hbm>> -> memref<400xi32, #tpu.memory_space<hbm>>
    tpu.wait_dma2 semaphore(%arg16 : memref<!tpu.dma_semaphore, #tpu.memory_space<semaphore_mem>>) src(%dma_wait3A_787 : memref<400xi32, #tpu.memory_space<hbm>>) dst(%arg8 : memref<400xi32, #tpu.memory_space<vmem>>)
    %dma_start3A_788 = arith.constant 0 : i32
    %dma_start3A_789 = arith.constant 0 : i32
    %dma_start3A_790 = tpu.memref_slice %arg2[%dma_start3A_788, %dma_start3A_789] : memref<10000x64xf32, #tpu.memory_space<hbm>> -> memref<10000x64xf32, #tpu.memory_space<hbm>>
    tpu.enqueue_indirect_dma source(%dma_start3A_790 : memref<10000x64xf32, #tpu.memory_space<hbm>>) target(%arg10 : memref<400x64xf32, #tpu.memory_space<vmem>>) offsets(%arg6 : memref<400xi32, #tpu.memory_space<vmem>>) semaphore(%arg14 : memref<!tpu.dma_semaphore, #tpu.memory_space<semaphore_mem>>)
    %dma_wait3A_791 = arith.constant 0 : i32
    %dma_wait3A_792 = arith.constant 0 : i32
    %dma_wait3A_793 = tpu.memref_slice %arg2[%dma_wait3A_791, %dma_wait3A_792] : memref<10000x64xf32, #tpu.memory_space<hbm>> -> memref<10000x64xf32, #tpu.memory_space<hbm>>
    tpu.wait_indirect_dma semaphore(%arg13 : memref<!tpu.dma_semaphore, #tpu.memory_space<semaphore_mem>>) src(%dma_wait3A_793 : memref<10000x64xf32, #tpu.memory_space<hbm>>) dst(%arg9 : memref<400x64xf32, #tpu.memory_space<vmem>>)
    "tpu.region"() ({
      %run_scoped3A = tpu.sem_alloc : memref<!tpu.dma_semaphore, #tpu.memory_space<semaphore_mem>>
      %dma_start3A_1424 = arith.constant 0 : i32
      %dma_start3A_1425 = arith.constant 0 : i32
      %dma_start3A_1426 = tpu.memref_slice %arg12[%dma_start3A_1424, %dma_start3A_1425] : memref<10000x64xf32, #tpu.memory_space<vmem_shared>> -> memref<10000x64xf32, #tpu.memory_space<vmem_shared>>
      tpu.enqueue_indirect_dma source(%arg9 : memref<400x64xf32, #tpu.memory_space<vmem>>) target(%dma_start3A_1426 : memref<10000x64xf32, #tpu.memory_space<vmem_shared>>) offsets(%arg7 : memref<400xi32, #tpu.memory_space<vmem>>) semaphore(%run_scoped3A : memref<!tpu.dma_semaphore, #tpu.memory_space<semaphore_mem>>) {add = true}
      %dma_wait3A_1427 = arith.constant 0 : i32
      %dma_wait3A_1428 = arith.constant 0 : i32
      %dma_wait3A_1429 = tpu.memref_slice %arg12[%dma_wait3A_1427, %dma_wait3A_1428] : memref<10000x64xf32, #tpu.memory_space<vmem_shared>> -> memref<10000x64xf32, #tpu.memory_space<vmem_shared>>
      tpu.wait_indirect_dma semaphore(%run_scoped3A : memref<!tpu.dma_semaphore, #tpu.memory_space<semaphore_mem>>) src(%arg9 : memref<400x64xf32, #tpu.memory_space<vmem>>) dst(%dma_wait3A_1429 : memref<10000x64xf32, #tpu.memory_space<vmem_shared>>)
      tpu.yield
    }) : () -> ()
    %add3A_794 = arith.constant 11200 : i32
    %add3A_795 = arith.addi %mul3A_14, %add3A_794 : i32
    %dma_start3A_796 = arith.constant 0 : i32
    %dma_start3A_797 = tpu.memref_slice %arg3[%dma_start3A_796, %add3A_795] : memref<2x640000xi32, #tpu.memory_space<hbm>> -> memref<1x400xi32, #tpu.memory_space<hbm>>
    %dma_start3A_798 = tpu.memref_squeeze %dma_start3A_797 : memref<1x400xi32, #tpu.memory_space<hbm>> -> memref<400xi32, #tpu.memory_space<hbm>>
    %dma_start3A_799 = tpu.memref_slice %arg3[%dma_start3A_796, %add3A_795] : memref<2x640000xi32, #tpu.memory_space<hbm>> -> memref<1x400xi32, #tpu.memory_space<hbm>>
    %dma_start3A_800 = tpu.memref_squeeze %dma_start3A_799 : memref<1x400xi32, #tpu.memory_space<hbm>> -> memref<400xi32, #tpu.memory_space<hbm>>
    tpu.enqueue_dma source(%dma_start3A_800 : memref<400xi32, #tpu.memory_space<hbm>>) target(%arg5 : memref<400xi32, #tpu.memory_space<vmem>>) target_semaphore(%arg15 : memref<!tpu.dma_semaphore, #tpu.memory_space<semaphore_mem>>)
    %dma_start3A_801 = arith.constant 1 : i32
    %dma_start3A_802 = tpu.memref_slice %arg3[%dma_start3A_801, %add3A_795] : memref<2x640000xi32, #tpu.memory_space<hbm>> -> memref<1x400xi32, #tpu.memory_space<hbm>>
    %dma_start3A_803 = tpu.memref_squeeze %dma_start3A_802 : memref<1x400xi32, #tpu.memory_space<hbm>> -> memref<400xi32, #tpu.memory_space<hbm>>
    %dma_start3A_804 = tpu.memref_slice %arg3[%dma_start3A_801, %add3A_795] : memref<2x640000xi32, #tpu.memory_space<hbm>> -> memref<1x400xi32, #tpu.memory_space<hbm>>
    %dma_start3A_805 = tpu.memref_squeeze %dma_start3A_804 : memref<1x400xi32, #tpu.memory_space<hbm>> -> memref<400xi32, #tpu.memory_space<hbm>>
    tpu.enqueue_dma source(%dma_start3A_805 : memref<400xi32, #tpu.memory_space<hbm>>) target(%arg7 : memref<400xi32, #tpu.memory_space<vmem>>) target_semaphore(%arg15 : memref<!tpu.dma_semaphore, #tpu.memory_space<semaphore_mem>>)
    %dma_wait3A_806 = arith.constant 0 : i32
    %dma_wait3A_807 = tpu.memref_slice %arg3[%dma_wait3A_806, %add3A_795] : memref<2x640000xi32, #tpu.memory_space<hbm>> -> memref<1x400xi32, #tpu.memory_space<hbm>>
    %dma_wait3A_808 = tpu.memref_squeeze %dma_wait3A_807 : memref<1x400xi32, #tpu.memory_space<hbm>> -> memref<400xi32, #tpu.memory_space<hbm>>
    %dma_wait3A_809 = tpu.memref_slice %arg3[%dma_wait3A_806, %add3A_795] : memref<2x640000xi32, #tpu.memory_space<hbm>> -> memref<1x400xi32, #tpu.memory_space<hbm>>
    %dma_wait3A_810 = tpu.memref_squeeze %dma_wait3A_809 : memref<1x400xi32, #tpu.memory_space<hbm>> -> memref<400xi32, #tpu.memory_space<hbm>>
    tpu.wait_dma2 semaphore(%arg15 : memref<!tpu.dma_semaphore, #tpu.memory_space<semaphore_mem>>) src(%dma_wait3A_810 : memref<400xi32, #tpu.memory_space<hbm>>) dst(%arg5 : memref<400xi32, #tpu.memory_space<vmem>>)
    %dma_wait3A_811 = arith.constant 1 : i32
    %dma_wait3A_812 = tpu.memref_slice %arg3[%dma_wait3A_811, %add3A_795] : memref<2x640000xi32, #tpu.memory_space<hbm>> -> memref<1x400xi32, #tpu.memory_space<hbm>>
    %dma_wait3A_813 = tpu.memref_squeeze %dma_wait3A_812 : memref<1x400xi32, #tpu.memory_space<hbm>> -> memref<400xi32, #tpu.memory_space<hbm>>
    %dma_wait3A_814 = tpu.memref_slice %arg3[%dma_wait3A_811, %add3A_795] : memref<2x640000xi32, #tpu.memory_space<hbm>> -> memref<1x400xi32, #tpu.memory_space<hbm>>
    %dma_wait3A_815 = tpu.memref_squeeze %dma_wait3A_814 : memref<1x400xi32, #tpu.memory_space<hbm>> -> memref<400xi32, #tpu.memory_space<hbm>>
    tpu.wait_dma2 semaphore(%arg15 : memref<!tpu.dma_semaphore, #tpu.memory_space<semaphore_mem>>) src(%dma_wait3A_815 : memref<400xi32, #tpu.memory_space<hbm>>) dst(%arg7 : memref<400xi32, #tpu.memory_space<vmem>>)
    %dma_start3A_816 = arith.constant 0 : i32
    %dma_start3A_817 = arith.constant 0 : i32
    %dma_start3A_818 = tpu.memref_slice %arg2[%dma_start3A_816, %dma_start3A_817] : memref<10000x64xf32, #tpu.memory_space<hbm>> -> memref<10000x64xf32, #tpu.memory_space<hbm>>
    tpu.enqueue_indirect_dma source(%dma_start3A_818 : memref<10000x64xf32, #tpu.memory_space<hbm>>) target(%arg9 : memref<400x64xf32, #tpu.memory_space<vmem>>) offsets(%arg5 : memref<400xi32, #tpu.memory_space<vmem>>) semaphore(%arg13 : memref<!tpu.dma_semaphore, #tpu.memory_space<semaphore_mem>>)
    %dma_wait3A_819 = arith.constant 0 : i32
    %dma_wait3A_820 = arith.constant 0 : i32
    %dma_wait3A_821 = tpu.memref_slice %arg2[%dma_wait3A_819, %dma_wait3A_820] : memref<10000x64xf32, #tpu.memory_space<hbm>> -> memref<10000x64xf32, #tpu.memory_space<hbm>>
    tpu.wait_indirect_dma semaphore(%arg14 : memref<!tpu.dma_semaphore, #tpu.memory_space<semaphore_mem>>) src(%dma_wait3A_821 : memref<10000x64xf32, #tpu.memory_space<hbm>>) dst(%arg10 : memref<400x64xf32, #tpu.memory_space<vmem>>)
    "tpu.region"() ({
      %run_scoped3A = tpu.sem_alloc : memref<!tpu.dma_semaphore, #tpu.memory_space<semaphore_mem>>
      %dma_start3A_1424 = arith.constant 0 : i32
      %dma_start3A_1425 = arith.constant 0 : i32
      %dma_start3A_1426 = tpu.memref_slice %arg12[%dma_start3A_1424, %dma_start3A_1425] : memref<10000x64xf32, #tpu.memory_space<vmem_shared>> -> memref<10000x64xf32, #tpu.memory_space<vmem_shared>>
      tpu.enqueue_indirect_dma source(%arg10 : memref<400x64xf32, #tpu.memory_space<vmem>>) target(%dma_start3A_1426 : memref<10000x64xf32, #tpu.memory_space<vmem_shared>>) offsets(%arg8 : memref<400xi32, #tpu.memory_space<vmem>>) semaphore(%run_scoped3A : memref<!tpu.dma_semaphore, #tpu.memory_space<semaphore_mem>>) {add = true}
      %dma_wait3A_1427 = arith.constant 0 : i32
      %dma_wait3A_1428 = arith.constant 0 : i32
      %dma_wait3A_1429 = tpu.memref_slice %arg12[%dma_wait3A_1427, %dma_wait3A_1428] : memref<10000x64xf32, #tpu.memory_space<vmem_shared>> -> memref<10000x64xf32, #tpu.memory_space<vmem_shared>>
      tpu.wait_indirect_dma semaphore(%run_scoped3A : memref<!tpu.dma_semaphore, #tpu.memory_space<semaphore_mem>>) src(%arg10 : memref<400x64xf32, #tpu.memory_space<vmem>>) dst(%dma_wait3A_1429 : memref<10000x64xf32, #tpu.memory_space<vmem_shared>>)
      tpu.yield
    }) : () -> ()
    %add3A_822 = arith.constant 11600 : i32
    %add3A_823 = arith.addi %mul3A_14, %add3A_822 : i32
    %dma_start3A_824 = arith.constant 0 : i32
    %dma_start3A_825 = tpu.memref_slice %arg3[%dma_start3A_824, %add3A_823] : memref<2x640000xi32, #tpu.memory_space<hbm>> -> memref<1x400xi32, #tpu.memory_space<hbm>>
    %dma_start3A_826 = tpu.memref_squeeze %dma_start3A_825 : memref<1x400xi32, #tpu.memory_space<hbm>> -> memref<400xi32, #tpu.memory_space<hbm>>
    %dma_start3A_827 = tpu.memref_slice %arg3[%dma_start3A_824, %add3A_823] : memref<2x640000xi32, #tpu.memory_space<hbm>> -> memref<1x400xi32, #tpu.memory_space<hbm>>
    %dma_start3A_828 = tpu.memref_squeeze %dma_start3A_827 : memref<1x400xi32, #tpu.memory_space<hbm>> -> memref<400xi32, #tpu.memory_space<hbm>>
    tpu.enqueue_dma source(%dma_start3A_828 : memref<400xi32, #tpu.memory_space<hbm>>) target(%arg6 : memref<400xi32, #tpu.memory_space<vmem>>) target_semaphore(%arg16 : memref<!tpu.dma_semaphore, #tpu.memory_space<semaphore_mem>>)
    %dma_start3A_829 = arith.constant 1 : i32
    %dma_start3A_830 = tpu.memref_slice %arg3[%dma_start3A_829, %add3A_823] : memref<2x640000xi32, #tpu.memory_space<hbm>> -> memref<1x400xi32, #tpu.memory_space<hbm>>
    %dma_start3A_831 = tpu.memref_squeeze %dma_start3A_830 : memref<1x400xi32, #tpu.memory_space<hbm>> -> memref<400xi32, #tpu.memory_space<hbm>>
    %dma_start3A_832 = tpu.memref_slice %arg3[%dma_start3A_829, %add3A_823] : memref<2x640000xi32, #tpu.memory_space<hbm>> -> memref<1x400xi32, #tpu.memory_space<hbm>>
    %dma_start3A_833 = tpu.memref_squeeze %dma_start3A_832 : memref<1x400xi32, #tpu.memory_space<hbm>> -> memref<400xi32, #tpu.memory_space<hbm>>
    tpu.enqueue_dma source(%dma_start3A_833 : memref<400xi32, #tpu.memory_space<hbm>>) target(%arg8 : memref<400xi32, #tpu.memory_space<vmem>>) target_semaphore(%arg16 : memref<!tpu.dma_semaphore, #tpu.memory_space<semaphore_mem>>)
    %dma_wait3A_834 = arith.constant 0 : i32
    %dma_wait3A_835 = tpu.memref_slice %arg3[%dma_wait3A_834, %add3A_823] : memref<2x640000xi32, #tpu.memory_space<hbm>> -> memref<1x400xi32, #tpu.memory_space<hbm>>
    %dma_wait3A_836 = tpu.memref_squeeze %dma_wait3A_835 : memref<1x400xi32, #tpu.memory_space<hbm>> -> memref<400xi32, #tpu.memory_space<hbm>>
    %dma_wait3A_837 = tpu.memref_slice %arg3[%dma_wait3A_834, %add3A_823] : memref<2x640000xi32, #tpu.memory_space<hbm>> -> memref<1x400xi32, #tpu.memory_space<hbm>>
    %dma_wait3A_838 = tpu.memref_squeeze %dma_wait3A_837 : memref<1x400xi32, #tpu.memory_space<hbm>> -> memref<400xi32, #tpu.memory_space<hbm>>
    tpu.wait_dma2 semaphore(%arg16 : memref<!tpu.dma_semaphore, #tpu.memory_space<semaphore_mem>>) src(%dma_wait3A_838 : memref<400xi32, #tpu.memory_space<hbm>>) dst(%arg6 : memref<400xi32, #tpu.memory_space<vmem>>)
    %dma_wait3A_839 = arith.constant 1 : i32
    %dma_wait3A_840 = tpu.memref_slice %arg3[%dma_wait3A_839, %add3A_823] : memref<2x640000xi32, #tpu.memory_space<hbm>> -> memref<1x400xi32, #tpu.memory_space<hbm>>
    %dma_wait3A_841 = tpu.memref_squeeze %dma_wait3A_840 : memref<1x400xi32, #tpu.memory_space<hbm>> -> memref<400xi32, #tpu.memory_space<hbm>>
    %dma_wait3A_842 = tpu.memref_slice %arg3[%dma_wait3A_839, %add3A_823] : memref<2x640000xi32, #tpu.memory_space<hbm>> -> memref<1x400xi32, #tpu.memory_space<hbm>>
    %dma_wait3A_843 = tpu.memref_squeeze %dma_wait3A_842 : memref<1x400xi32, #tpu.memory_space<hbm>> -> memref<400xi32, #tpu.memory_space<hbm>>
    tpu.wait_dma2 semaphore(%arg16 : memref<!tpu.dma_semaphore, #tpu.memory_space<semaphore_mem>>) src(%dma_wait3A_843 : memref<400xi32, #tpu.memory_space<hbm>>) dst(%arg8 : memref<400xi32, #tpu.memory_space<vmem>>)
    %dma_start3A_844 = arith.constant 0 : i32
    %dma_start3A_845 = arith.constant 0 : i32
    %dma_start3A_846 = tpu.memref_slice %arg2[%dma_start3A_844, %dma_start3A_845] : memref<10000x64xf32, #tpu.memory_space<hbm>> -> memref<10000x64xf32, #tpu.memory_space<hbm>>
    tpu.enqueue_indirect_dma source(%dma_start3A_846 : memref<10000x64xf32, #tpu.memory_space<hbm>>) target(%arg10 : memref<400x64xf32, #tpu.memory_space<vmem>>) offsets(%arg6 : memref<400xi32, #tpu.memory_space<vmem>>) semaphore(%arg14 : memref<!tpu.dma_semaphore, #tpu.memory_space<semaphore_mem>>)
    %dma_wait3A_847 = arith.constant 0 : i32
    %dma_wait3A_848 = arith.constant 0 : i32
    %dma_wait3A_849 = tpu.memref_slice %arg2[%dma_wait3A_847, %dma_wait3A_848] : memref<10000x64xf32, #tpu.memory_space<hbm>> -> memref<10000x64xf32, #tpu.memory_space<hbm>>
    tpu.wait_indirect_dma semaphore(%arg13 : memref<!tpu.dma_semaphore, #tpu.memory_space<semaphore_mem>>) src(%dma_wait3A_849 : memref<10000x64xf32, #tpu.memory_space<hbm>>) dst(%arg9 : memref<400x64xf32, #tpu.memory_space<vmem>>)
    "tpu.region"() ({
      %run_scoped3A = tpu.sem_alloc : memref<!tpu.dma_semaphore, #tpu.memory_space<semaphore_mem>>
      %dma_start3A_1424 = arith.constant 0 : i32
      %dma_start3A_1425 = arith.constant 0 : i32
      %dma_start3A_1426 = tpu.memref_slice %arg12[%dma_start3A_1424, %dma_start3A_1425] : memref<10000x64xf32, #tpu.memory_space<vmem_shared>> -> memref<10000x64xf32, #tpu.memory_space<vmem_shared>>
      tpu.enqueue_indirect_dma source(%arg9 : memref<400x64xf32, #tpu.memory_space<vmem>>) target(%dma_start3A_1426 : memref<10000x64xf32, #tpu.memory_space<vmem_shared>>) offsets(%arg7 : memref<400xi32, #tpu.memory_space<vmem>>) semaphore(%run_scoped3A : memref<!tpu.dma_semaphore, #tpu.memory_space<semaphore_mem>>) {add = true}
      %dma_wait3A_1427 = arith.constant 0 : i32
      %dma_wait3A_1428 = arith.constant 0 : i32
      %dma_wait3A_1429 = tpu.memref_slice %arg12[%dma_wait3A_1427, %dma_wait3A_1428] : memref<10000x64xf32, #tpu.memory_space<vmem_shared>> -> memref<10000x64xf32, #tpu.memory_space<vmem_shared>>
      tpu.wait_indirect_dma semaphore(%run_scoped3A : memref<!tpu.dma_semaphore, #tpu.memory_space<semaphore_mem>>) src(%arg9 : memref<400x64xf32, #tpu.memory_space<vmem>>) dst(%dma_wait3A_1429 : memref<10000x64xf32, #tpu.memory_space<vmem_shared>>)
      tpu.yield
    }) : () -> ()
    %add3A_850 = arith.constant 12000 : i32
    %add3A_851 = arith.addi %mul3A_14, %add3A_850 : i32
    %dma_start3A_852 = arith.constant 0 : i32
    %dma_start3A_853 = tpu.memref_slice %arg3[%dma_start3A_852, %add3A_851] : memref<2x640000xi32, #tpu.memory_space<hbm>> -> memref<1x400xi32, #tpu.memory_space<hbm>>
    %dma_start3A_854 = tpu.memref_squeeze %dma_start3A_853 : memref<1x400xi32, #tpu.memory_space<hbm>> -> memref<400xi32, #tpu.memory_space<hbm>>
    %dma_start3A_855 = tpu.memref_slice %arg3[%dma_start3A_852, %add3A_851] : memref<2x640000xi32, #tpu.memory_space<hbm>> -> memref<1x400xi32, #tpu.memory_space<hbm>>
    %dma_start3A_856 = tpu.memref_squeeze %dma_start3A_855 : memref<1x400xi32, #tpu.memory_space<hbm>> -> memref<400xi32, #tpu.memory_space<hbm>>
    tpu.enqueue_dma source(%dma_start3A_856 : memref<400xi32, #tpu.memory_space<hbm>>) target(%arg5 : memref<400xi32, #tpu.memory_space<vmem>>) target_semaphore(%arg15 : memref<!tpu.dma_semaphore, #tpu.memory_space<semaphore_mem>>)
    %dma_start3A_857 = arith.constant 1 : i32
    %dma_start3A_858 = tpu.memref_slice %arg3[%dma_start3A_857, %add3A_851] : memref<2x640000xi32, #tpu.memory_space<hbm>> -> memref<1x400xi32, #tpu.memory_space<hbm>>
    %dma_start3A_859 = tpu.memref_squeeze %dma_start3A_858 : memref<1x400xi32, #tpu.memory_space<hbm>> -> memref<400xi32, #tpu.memory_space<hbm>>
    %dma_start3A_860 = tpu.memref_slice %arg3[%dma_start3A_857, %add3A_851] : memref<2x640000xi32, #tpu.memory_space<hbm>> -> memref<1x400xi32, #tpu.memory_space<hbm>>
    %dma_start3A_861 = tpu.memref_squeeze %dma_start3A_860 : memref<1x400xi32, #tpu.memory_space<hbm>> -> memref<400xi32, #tpu.memory_space<hbm>>
    tpu.enqueue_dma source(%dma_start3A_861 : memref<400xi32, #tpu.memory_space<hbm>>) target(%arg7 : memref<400xi32, #tpu.memory_space<vmem>>) target_semaphore(%arg15 : memref<!tpu.dma_semaphore, #tpu.memory_space<semaphore_mem>>)
    %dma_wait3A_862 = arith.constant 0 : i32
    %dma_wait3A_863 = tpu.memref_slice %arg3[%dma_wait3A_862, %add3A_851] : memref<2x640000xi32, #tpu.memory_space<hbm>> -> memref<1x400xi32, #tpu.memory_space<hbm>>
    %dma_wait3A_864 = tpu.memref_squeeze %dma_wait3A_863 : memref<1x400xi32, #tpu.memory_space<hbm>> -> memref<400xi32, #tpu.memory_space<hbm>>
    %dma_wait3A_865 = tpu.memref_slice %arg3[%dma_wait3A_862, %add3A_851] : memref<2x640000xi32, #tpu.memory_space<hbm>> -> memref<1x400xi32, #tpu.memory_space<hbm>>
    %dma_wait3A_866 = tpu.memref_squeeze %dma_wait3A_865 : memref<1x400xi32, #tpu.memory_space<hbm>> -> memref<400xi32, #tpu.memory_space<hbm>>
    tpu.wait_dma2 semaphore(%arg15 : memref<!tpu.dma_semaphore, #tpu.memory_space<semaphore_mem>>) src(%dma_wait3A_866 : memref<400xi32, #tpu.memory_space<hbm>>) dst(%arg5 : memref<400xi32, #tpu.memory_space<vmem>>)
    %dma_wait3A_867 = arith.constant 1 : i32
    %dma_wait3A_868 = tpu.memref_slice %arg3[%dma_wait3A_867, %add3A_851] : memref<2x640000xi32, #tpu.memory_space<hbm>> -> memref<1x400xi32, #tpu.memory_space<hbm>>
    %dma_wait3A_869 = tpu.memref_squeeze %dma_wait3A_868 : memref<1x400xi32, #tpu.memory_space<hbm>> -> memref<400xi32, #tpu.memory_space<hbm>>
    %dma_wait3A_870 = tpu.memref_slice %arg3[%dma_wait3A_867, %add3A_851] : memref<2x640000xi32, #tpu.memory_space<hbm>> -> memref<1x400xi32, #tpu.memory_space<hbm>>
    %dma_wait3A_871 = tpu.memref_squeeze %dma_wait3A_870 : memref<1x400xi32, #tpu.memory_space<hbm>> -> memref<400xi32, #tpu.memory_space<hbm>>
    tpu.wait_dma2 semaphore(%arg15 : memref<!tpu.dma_semaphore, #tpu.memory_space<semaphore_mem>>) src(%dma_wait3A_871 : memref<400xi32, #tpu.memory_space<hbm>>) dst(%arg7 : memref<400xi32, #tpu.memory_space<vmem>>)
    %dma_start3A_872 = arith.constant 0 : i32
    %dma_start3A_873 = arith.constant 0 : i32
    %dma_start3A_874 = tpu.memref_slice %arg2[%dma_start3A_872, %dma_start3A_873] : memref<10000x64xf32, #tpu.memory_space<hbm>> -> memref<10000x64xf32, #tpu.memory_space<hbm>>
    tpu.enqueue_indirect_dma source(%dma_start3A_874 : memref<10000x64xf32, #tpu.memory_space<hbm>>) target(%arg9 : memref<400x64xf32, #tpu.memory_space<vmem>>) offsets(%arg5 : memref<400xi32, #tpu.memory_space<vmem>>) semaphore(%arg13 : memref<!tpu.dma_semaphore, #tpu.memory_space<semaphore_mem>>)
    %dma_wait3A_875 = arith.constant 0 : i32
    %dma_wait3A_876 = arith.constant 0 : i32
    %dma_wait3A_877 = tpu.memref_slice %arg2[%dma_wait3A_875, %dma_wait3A_876] : memref<10000x64xf32, #tpu.memory_space<hbm>> -> memref<10000x64xf32, #tpu.memory_space<hbm>>
    tpu.wait_indirect_dma semaphore(%arg14 : memref<!tpu.dma_semaphore, #tpu.memory_space<semaphore_mem>>) src(%dma_wait3A_877 : memref<10000x64xf32, #tpu.memory_space<hbm>>) dst(%arg10 : memref<400x64xf32, #tpu.memory_space<vmem>>)
    "tpu.region"() ({
      %run_scoped3A = tpu.sem_alloc : memref<!tpu.dma_semaphore, #tpu.memory_space<semaphore_mem>>
      %dma_start3A_1424 = arith.constant 0 : i32
      %dma_start3A_1425 = arith.constant 0 : i32
      %dma_start3A_1426 = tpu.memref_slice %arg12[%dma_start3A_1424, %dma_start3A_1425] : memref<10000x64xf32, #tpu.memory_space<vmem_shared>> -> memref<10000x64xf32, #tpu.memory_space<vmem_shared>>
      tpu.enqueue_indirect_dma source(%arg10 : memref<400x64xf32, #tpu.memory_space<vmem>>) target(%dma_start3A_1426 : memref<10000x64xf32, #tpu.memory_space<vmem_shared>>) offsets(%arg8 : memref<400xi32, #tpu.memory_space<vmem>>) semaphore(%run_scoped3A : memref<!tpu.dma_semaphore, #tpu.memory_space<semaphore_mem>>) {add = true}
      %dma_wait3A_1427 = arith.constant 0 : i32
      %dma_wait3A_1428 = arith.constant 0 : i32
      %dma_wait3A_1429 = tpu.memref_slice %arg12[%dma_wait3A_1427, %dma_wait3A_1428] : memref<10000x64xf32, #tpu.memory_space<vmem_shared>> -> memref<10000x64xf32, #tpu.memory_space<vmem_shared>>
      tpu.wait_indirect_dma semaphore(%run_scoped3A : memref<!tpu.dma_semaphore, #tpu.memory_space<semaphore_mem>>) src(%arg10 : memref<400x64xf32, #tpu.memory_space<vmem>>) dst(%dma_wait3A_1429 : memref<10000x64xf32, #tpu.memory_space<vmem_shared>>)
      tpu.yield
    }) : () -> ()
    %add3A_878 = arith.constant 12400 : i32
    %add3A_879 = arith.addi %mul3A_14, %add3A_878 : i32
    %dma_start3A_880 = arith.constant 0 : i32
    %dma_start3A_881 = tpu.memref_slice %arg3[%dma_start3A_880, %add3A_879] : memref<2x640000xi32, #tpu.memory_space<hbm>> -> memref<1x400xi32, #tpu.memory_space<hbm>>
    %dma_start3A_882 = tpu.memref_squeeze %dma_start3A_881 : memref<1x400xi32, #tpu.memory_space<hbm>> -> memref<400xi32, #tpu.memory_space<hbm>>
    %dma_start3A_883 = tpu.memref_slice %arg3[%dma_start3A_880, %add3A_879] : memref<2x640000xi32, #tpu.memory_space<hbm>> -> memref<1x400xi32, #tpu.memory_space<hbm>>
    %dma_start3A_884 = tpu.memref_squeeze %dma_start3A_883 : memref<1x400xi32, #tpu.memory_space<hbm>> -> memref<400xi32, #tpu.memory_space<hbm>>
    tpu.enqueue_dma source(%dma_start3A_884 : memref<400xi32, #tpu.memory_space<hbm>>) target(%arg6 : memref<400xi32, #tpu.memory_space<vmem>>) target_semaphore(%arg16 : memref<!tpu.dma_semaphore, #tpu.memory_space<semaphore_mem>>)
    %dma_start3A_885 = arith.constant 1 : i32
    %dma_start3A_886 = tpu.memref_slice %arg3[%dma_start3A_885, %add3A_879] : memref<2x640000xi32, #tpu.memory_space<hbm>> -> memref<1x400xi32, #tpu.memory_space<hbm>>
    %dma_start3A_887 = tpu.memref_squeeze %dma_start3A_886 : memref<1x400xi32, #tpu.memory_space<hbm>> -> memref<400xi32, #tpu.memory_space<hbm>>
    %dma_start3A_888 = tpu.memref_slice %arg3[%dma_start3A_885, %add3A_879] : memref<2x640000xi32, #tpu.memory_space<hbm>> -> memref<1x400xi32, #tpu.memory_space<hbm>>
    %dma_start3A_889 = tpu.memref_squeeze %dma_start3A_888 : memref<1x400xi32, #tpu.memory_space<hbm>> -> memref<400xi32, #tpu.memory_space<hbm>>
    tpu.enqueue_dma source(%dma_start3A_889 : memref<400xi32, #tpu.memory_space<hbm>>) target(%arg8 : memref<400xi32, #tpu.memory_space<vmem>>) target_semaphore(%arg16 : memref<!tpu.dma_semaphore, #tpu.memory_space<semaphore_mem>>)
    %dma_wait3A_890 = arith.constant 0 : i32
    %dma_wait3A_891 = tpu.memref_slice %arg3[%dma_wait3A_890, %add3A_879] : memref<2x640000xi32, #tpu.memory_space<hbm>> -> memref<1x400xi32, #tpu.memory_space<hbm>>
    %dma_wait3A_892 = tpu.memref_squeeze %dma_wait3A_891 : memref<1x400xi32, #tpu.memory_space<hbm>> -> memref<400xi32, #tpu.memory_space<hbm>>
    %dma_wait3A_893 = tpu.memref_slice %arg3[%dma_wait3A_890, %add3A_879] : memref<2x640000xi32, #tpu.memory_space<hbm>> -> memref<1x400xi32, #tpu.memory_space<hbm>>
    %dma_wait3A_894 = tpu.memref_squeeze %dma_wait3A_893 : memref<1x400xi32, #tpu.memory_space<hbm>> -> memref<400xi32, #tpu.memory_space<hbm>>
    tpu.wait_dma2 semaphore(%arg16 : memref<!tpu.dma_semaphore, #tpu.memory_space<semaphore_mem>>) src(%dma_wait3A_894 : memref<400xi32, #tpu.memory_space<hbm>>) dst(%arg6 : memref<400xi32, #tpu.memory_space<vmem>>)
    %dma_wait3A_895 = arith.constant 1 : i32
    %dma_wait3A_896 = tpu.memref_slice %arg3[%dma_wait3A_895, %add3A_879] : memref<2x640000xi32, #tpu.memory_space<hbm>> -> memref<1x400xi32, #tpu.memory_space<hbm>>
    %dma_wait3A_897 = tpu.memref_squeeze %dma_wait3A_896 : memref<1x400xi32, #tpu.memory_space<hbm>> -> memref<400xi32, #tpu.memory_space<hbm>>
    %dma_wait3A_898 = tpu.memref_slice %arg3[%dma_wait3A_895, %add3A_879] : memref<2x640000xi32, #tpu.memory_space<hbm>> -> memref<1x400xi32, #tpu.memory_space<hbm>>
    %dma_wait3A_899 = tpu.memref_squeeze %dma_wait3A_898 : memref<1x400xi32, #tpu.memory_space<hbm>> -> memref<400xi32, #tpu.memory_space<hbm>>
    tpu.wait_dma2 semaphore(%arg16 : memref<!tpu.dma_semaphore, #tpu.memory_space<semaphore_mem>>) src(%dma_wait3A_899 : memref<400xi32, #tpu.memory_space<hbm>>) dst(%arg8 : memref<400xi32, #tpu.memory_space<vmem>>)
    %dma_start3A_900 = arith.constant 0 : i32
    %dma_start3A_901 = arith.constant 0 : i32
    %dma_start3A_902 = tpu.memref_slice %arg2[%dma_start3A_900, %dma_start3A_901] : memref<10000x64xf32, #tpu.memory_space<hbm>> -> memref<10000x64xf32, #tpu.memory_space<hbm>>
    tpu.enqueue_indirect_dma source(%dma_start3A_902 : memref<10000x64xf32, #tpu.memory_space<hbm>>) target(%arg10 : memref<400x64xf32, #tpu.memory_space<vmem>>) offsets(%arg6 : memref<400xi32, #tpu.memory_space<vmem>>) semaphore(%arg14 : memref<!tpu.dma_semaphore, #tpu.memory_space<semaphore_mem>>)
    %dma_wait3A_903 = arith.constant 0 : i32
    %dma_wait3A_904 = arith.constant 0 : i32
    %dma_wait3A_905 = tpu.memref_slice %arg2[%dma_wait3A_903, %dma_wait3A_904] : memref<10000x64xf32, #tpu.memory_space<hbm>> -> memref<10000x64xf32, #tpu.memory_space<hbm>>
    tpu.wait_indirect_dma semaphore(%arg13 : memref<!tpu.dma_semaphore, #tpu.memory_space<semaphore_mem>>) src(%dma_wait3A_905 : memref<10000x64xf32, #tpu.memory_space<hbm>>) dst(%arg9 : memref<400x64xf32, #tpu.memory_space<vmem>>)
    "tpu.region"() ({
      %run_scoped3A = tpu.sem_alloc : memref<!tpu.dma_semaphore, #tpu.memory_space<semaphore_mem>>
      %dma_start3A_1424 = arith.constant 0 : i32
      %dma_start3A_1425 = arith.constant 0 : i32
      %dma_start3A_1426 = tpu.memref_slice %arg12[%dma_start3A_1424, %dma_start3A_1425] : memref<10000x64xf32, #tpu.memory_space<vmem_shared>> -> memref<10000x64xf32, #tpu.memory_space<vmem_shared>>
      tpu.enqueue_indirect_dma source(%arg9 : memref<400x64xf32, #tpu.memory_space<vmem>>) target(%dma_start3A_1426 : memref<10000x64xf32, #tpu.memory_space<vmem_shared>>) offsets(%arg7 : memref<400xi32, #tpu.memory_space<vmem>>) semaphore(%run_scoped3A : memref<!tpu.dma_semaphore, #tpu.memory_space<semaphore_mem>>) {add = true}
      %dma_wait3A_1427 = arith.constant 0 : i32
      %dma_wait3A_1428 = arith.constant 0 : i32
      %dma_wait3A_1429 = tpu.memref_slice %arg12[%dma_wait3A_1427, %dma_wait3A_1428] : memref<10000x64xf32, #tpu.memory_space<vmem_shared>> -> memref<10000x64xf32, #tpu.memory_space<vmem_shared>>
      tpu.wait_indirect_dma semaphore(%run_scoped3A : memref<!tpu.dma_semaphore, #tpu.memory_space<semaphore_mem>>) src(%arg9 : memref<400x64xf32, #tpu.memory_space<vmem>>) dst(%dma_wait3A_1429 : memref<10000x64xf32, #tpu.memory_space<vmem_shared>>)
      tpu.yield
    }) : () -> ()
    %add3A_906 = arith.constant 12800 : i32
    %add3A_907 = arith.addi %mul3A_14, %add3A_906 : i32
    %dma_start3A_908 = arith.constant 0 : i32
    %dma_start3A_909 = tpu.memref_slice %arg3[%dma_start3A_908, %add3A_907] : memref<2x640000xi32, #tpu.memory_space<hbm>> -> memref<1x400xi32, #tpu.memory_space<hbm>>
    %dma_start3A_910 = tpu.memref_squeeze %dma_start3A_909 : memref<1x400xi32, #tpu.memory_space<hbm>> -> memref<400xi32, #tpu.memory_space<hbm>>
    %dma_start3A_911 = tpu.memref_slice %arg3[%dma_start3A_908, %add3A_907] : memref<2x640000xi32, #tpu.memory_space<hbm>> -> memref<1x400xi32, #tpu.memory_space<hbm>>
    %dma_start3A_912 = tpu.memref_squeeze %dma_start3A_911 : memref<1x400xi32, #tpu.memory_space<hbm>> -> memref<400xi32, #tpu.memory_space<hbm>>
    tpu.enqueue_dma source(%dma_start3A_912 : memref<400xi32, #tpu.memory_space<hbm>>) target(%arg5 : memref<400xi32, #tpu.memory_space<vmem>>) target_semaphore(%arg15 : memref<!tpu.dma_semaphore, #tpu.memory_space<semaphore_mem>>)
    %dma_start3A_913 = arith.constant 1 : i32
    %dma_start3A_914 = tpu.memref_slice %arg3[%dma_start3A_913, %add3A_907] : memref<2x640000xi32, #tpu.memory_space<hbm>> -> memref<1x400xi32, #tpu.memory_space<hbm>>
    %dma_start3A_915 = tpu.memref_squeeze %dma_start3A_914 : memref<1x400xi32, #tpu.memory_space<hbm>> -> memref<400xi32, #tpu.memory_space<hbm>>
    %dma_start3A_916 = tpu.memref_slice %arg3[%dma_start3A_913, %add3A_907] : memref<2x640000xi32, #tpu.memory_space<hbm>> -> memref<1x400xi32, #tpu.memory_space<hbm>>
    %dma_start3A_917 = tpu.memref_squeeze %dma_start3A_916 : memref<1x400xi32, #tpu.memory_space<hbm>> -> memref<400xi32, #tpu.memory_space<hbm>>
    tpu.enqueue_dma source(%dma_start3A_917 : memref<400xi32, #tpu.memory_space<hbm>>) target(%arg7 : memref<400xi32, #tpu.memory_space<vmem>>) target_semaphore(%arg15 : memref<!tpu.dma_semaphore, #tpu.memory_space<semaphore_mem>>)
    %dma_wait3A_918 = arith.constant 0 : i32
    %dma_wait3A_919 = tpu.memref_slice %arg3[%dma_wait3A_918, %add3A_907] : memref<2x640000xi32, #tpu.memory_space<hbm>> -> memref<1x400xi32, #tpu.memory_space<hbm>>
    %dma_wait3A_920 = tpu.memref_squeeze %dma_wait3A_919 : memref<1x400xi32, #tpu.memory_space<hbm>> -> memref<400xi32, #tpu.memory_space<hbm>>
    %dma_wait3A_921 = tpu.memref_slice %arg3[%dma_wait3A_918, %add3A_907] : memref<2x640000xi32, #tpu.memory_space<hbm>> -> memref<1x400xi32, #tpu.memory_space<hbm>>
    %dma_wait3A_922 = tpu.memref_squeeze %dma_wait3A_921 : memref<1x400xi32, #tpu.memory_space<hbm>> -> memref<400xi32, #tpu.memory_space<hbm>>
    tpu.wait_dma2 semaphore(%arg15 : memref<!tpu.dma_semaphore, #tpu.memory_space<semaphore_mem>>) src(%dma_wait3A_922 : memref<400xi32, #tpu.memory_space<hbm>>) dst(%arg5 : memref<400xi32, #tpu.memory_space<vmem>>)
    %dma_wait3A_923 = arith.constant 1 : i32
    %dma_wait3A_924 = tpu.memref_slice %arg3[%dma_wait3A_923, %add3A_907] : memref<2x640000xi32, #tpu.memory_space<hbm>> -> memref<1x400xi32, #tpu.memory_space<hbm>>
    %dma_wait3A_925 = tpu.memref_squeeze %dma_wait3A_924 : memref<1x400xi32, #tpu.memory_space<hbm>> -> memref<400xi32, #tpu.memory_space<hbm>>
    %dma_wait3A_926 = tpu.memref_slice %arg3[%dma_wait3A_923, %add3A_907] : memref<2x640000xi32, #tpu.memory_space<hbm>> -> memref<1x400xi32, #tpu.memory_space<hbm>>
    %dma_wait3A_927 = tpu.memref_squeeze %dma_wait3A_926 : memref<1x400xi32, #tpu.memory_space<hbm>> -> memref<400xi32, #tpu.memory_space<hbm>>
    tpu.wait_dma2 semaphore(%arg15 : memref<!tpu.dma_semaphore, #tpu.memory_space<semaphore_mem>>) src(%dma_wait3A_927 : memref<400xi32, #tpu.memory_space<hbm>>) dst(%arg7 : memref<400xi32, #tpu.memory_space<vmem>>)
    %dma_start3A_928 = arith.constant 0 : i32
    %dma_start3A_929 = arith.constant 0 : i32
    %dma_start3A_930 = tpu.memref_slice %arg2[%dma_start3A_928, %dma_start3A_929] : memref<10000x64xf32, #tpu.memory_space<hbm>> -> memref<10000x64xf32, #tpu.memory_space<hbm>>
    tpu.enqueue_indirect_dma source(%dma_start3A_930 : memref<10000x64xf32, #tpu.memory_space<hbm>>) target(%arg9 : memref<400x64xf32, #tpu.memory_space<vmem>>) offsets(%arg5 : memref<400xi32, #tpu.memory_space<vmem>>) semaphore(%arg13 : memref<!tpu.dma_semaphore, #tpu.memory_space<semaphore_mem>>)
    %dma_wait3A_931 = arith.constant 0 : i32
    %dma_wait3A_932 = arith.constant 0 : i32
    %dma_wait3A_933 = tpu.memref_slice %arg2[%dma_wait3A_931, %dma_wait3A_932] : memref<10000x64xf32, #tpu.memory_space<hbm>> -> memref<10000x64xf32, #tpu.memory_space<hbm>>
    tpu.wait_indirect_dma semaphore(%arg14 : memref<!tpu.dma_semaphore, #tpu.memory_space<semaphore_mem>>) src(%dma_wait3A_933 : memref<10000x64xf32, #tpu.memory_space<hbm>>) dst(%arg10 : memref<400x64xf32, #tpu.memory_space<vmem>>)
    "tpu.region"() ({
      %run_scoped3A = tpu.sem_alloc : memref<!tpu.dma_semaphore, #tpu.memory_space<semaphore_mem>>
      %dma_start3A_1424 = arith.constant 0 : i32
      %dma_start3A_1425 = arith.constant 0 : i32
      %dma_start3A_1426 = tpu.memref_slice %arg12[%dma_start3A_1424, %dma_start3A_1425] : memref<10000x64xf32, #tpu.memory_space<vmem_shared>> -> memref<10000x64xf32, #tpu.memory_space<vmem_shared>>
      tpu.enqueue_indirect_dma source(%arg10 : memref<400x64xf32, #tpu.memory_space<vmem>>) target(%dma_start3A_1426 : memref<10000x64xf32, #tpu.memory_space<vmem_shared>>) offsets(%arg8 : memref<400xi32, #tpu.memory_space<vmem>>) semaphore(%run_scoped3A : memref<!tpu.dma_semaphore, #tpu.memory_space<semaphore_mem>>) {add = true}
      %dma_wait3A_1427 = arith.constant 0 : i32
      %dma_wait3A_1428 = arith.constant 0 : i32
      %dma_wait3A_1429 = tpu.memref_slice %arg12[%dma_wait3A_1427, %dma_wait3A_1428] : memref<10000x64xf32, #tpu.memory_space<vmem_shared>> -> memref<10000x64xf32, #tpu.memory_space<vmem_shared>>
      tpu.wait_indirect_dma semaphore(%run_scoped3A : memref<!tpu.dma_semaphore, #tpu.memory_space<semaphore_mem>>) src(%arg10 : memref<400x64xf32, #tpu.memory_space<vmem>>) dst(%dma_wait3A_1429 : memref<10000x64xf32, #tpu.memory_space<vmem_shared>>)
      tpu.yield
    }) : () -> ()
    %add3A_934 = arith.constant 13200 : i32
    %add3A_935 = arith.addi %mul3A_14, %add3A_934 : i32
    %dma_start3A_936 = arith.constant 0 : i32
    %dma_start3A_937 = tpu.memref_slice %arg3[%dma_start3A_936, %add3A_935] : memref<2x640000xi32, #tpu.memory_space<hbm>> -> memref<1x400xi32, #tpu.memory_space<hbm>>
    %dma_start3A_938 = tpu.memref_squeeze %dma_start3A_937 : memref<1x400xi32, #tpu.memory_space<hbm>> -> memref<400xi32, #tpu.memory_space<hbm>>
    %dma_start3A_939 = tpu.memref_slice %arg3[%dma_start3A_936, %add3A_935] : memref<2x640000xi32, #tpu.memory_space<hbm>> -> memref<1x400xi32, #tpu.memory_space<hbm>>
    %dma_start3A_940 = tpu.memref_squeeze %dma_start3A_939 : memref<1x400xi32, #tpu.memory_space<hbm>> -> memref<400xi32, #tpu.memory_space<hbm>>
    tpu.enqueue_dma source(%dma_start3A_940 : memref<400xi32, #tpu.memory_space<hbm>>) target(%arg6 : memref<400xi32, #tpu.memory_space<vmem>>) target_semaphore(%arg16 : memref<!tpu.dma_semaphore, #tpu.memory_space<semaphore_mem>>)
    %dma_start3A_941 = arith.constant 1 : i32
    %dma_start3A_942 = tpu.memref_slice %arg3[%dma_start3A_941, %add3A_935] : memref<2x640000xi32, #tpu.memory_space<hbm>> -> memref<1x400xi32, #tpu.memory_space<hbm>>
    %dma_start3A_943 = tpu.memref_squeeze %dma_start3A_942 : memref<1x400xi32, #tpu.memory_space<hbm>> -> memref<400xi32, #tpu.memory_space<hbm>>
    %dma_start3A_944 = tpu.memref_slice %arg3[%dma_start3A_941, %add3A_935] : memref<2x640000xi32, #tpu.memory_space<hbm>> -> memref<1x400xi32, #tpu.memory_space<hbm>>
    %dma_start3A_945 = tpu.memref_squeeze %dma_start3A_944 : memref<1x400xi32, #tpu.memory_space<hbm>> -> memref<400xi32, #tpu.memory_space<hbm>>
    tpu.enqueue_dma source(%dma_start3A_945 : memref<400xi32, #tpu.memory_space<hbm>>) target(%arg8 : memref<400xi32, #tpu.memory_space<vmem>>) target_semaphore(%arg16 : memref<!tpu.dma_semaphore, #tpu.memory_space<semaphore_mem>>)
    %dma_wait3A_946 = arith.constant 0 : i32
    %dma_wait3A_947 = tpu.memref_slice %arg3[%dma_wait3A_946, %add3A_935] : memref<2x640000xi32, #tpu.memory_space<hbm>> -> memref<1x400xi32, #tpu.memory_space<hbm>>
    %dma_wait3A_948 = tpu.memref_squeeze %dma_wait3A_947 : memref<1x400xi32, #tpu.memory_space<hbm>> -> memref<400xi32, #tpu.memory_space<hbm>>
    %dma_wait3A_949 = tpu.memref_slice %arg3[%dma_wait3A_946, %add3A_935] : memref<2x640000xi32, #tpu.memory_space<hbm>> -> memref<1x400xi32, #tpu.memory_space<hbm>>
    %dma_wait3A_950 = tpu.memref_squeeze %dma_wait3A_949 : memref<1x400xi32, #tpu.memory_space<hbm>> -> memref<400xi32, #tpu.memory_space<hbm>>
    tpu.wait_dma2 semaphore(%arg16 : memref<!tpu.dma_semaphore, #tpu.memory_space<semaphore_mem>>) src(%dma_wait3A_950 : memref<400xi32, #tpu.memory_space<hbm>>) dst(%arg6 : memref<400xi32, #tpu.memory_space<vmem>>)
    %dma_wait3A_951 = arith.constant 1 : i32
    %dma_wait3A_952 = tpu.memref_slice %arg3[%dma_wait3A_951, %add3A_935] : memref<2x640000xi32, #tpu.memory_space<hbm>> -> memref<1x400xi32, #tpu.memory_space<hbm>>
    %dma_wait3A_953 = tpu.memref_squeeze %dma_wait3A_952 : memref<1x400xi32, #tpu.memory_space<hbm>> -> memref<400xi32, #tpu.memory_space<hbm>>
    %dma_wait3A_954 = tpu.memref_slice %arg3[%dma_wait3A_951, %add3A_935] : memref<2x640000xi32, #tpu.memory_space<hbm>> -> memref<1x400xi32, #tpu.memory_space<hbm>>
    %dma_wait3A_955 = tpu.memref_squeeze %dma_wait3A_954 : memref<1x400xi32, #tpu.memory_space<hbm>> -> memref<400xi32, #tpu.memory_space<hbm>>
    tpu.wait_dma2 semaphore(%arg16 : memref<!tpu.dma_semaphore, #tpu.memory_space<semaphore_mem>>) src(%dma_wait3A_955 : memref<400xi32, #tpu.memory_space<hbm>>) dst(%arg8 : memref<400xi32, #tpu.memory_space<vmem>>)
    %dma_start3A_956 = arith.constant 0 : i32
    %dma_start3A_957 = arith.constant 0 : i32
    %dma_start3A_958 = tpu.memref_slice %arg2[%dma_start3A_956, %dma_start3A_957] : memref<10000x64xf32, #tpu.memory_space<hbm>> -> memref<10000x64xf32, #tpu.memory_space<hbm>>
    tpu.enqueue_indirect_dma source(%dma_start3A_958 : memref<10000x64xf32, #tpu.memory_space<hbm>>) target(%arg10 : memref<400x64xf32, #tpu.memory_space<vmem>>) offsets(%arg6 : memref<400xi32, #tpu.memory_space<vmem>>) semaphore(%arg14 : memref<!tpu.dma_semaphore, #tpu.memory_space<semaphore_mem>>)
    %dma_wait3A_959 = arith.constant 0 : i32
    %dma_wait3A_960 = arith.constant 0 : i32
    %dma_wait3A_961 = tpu.memref_slice %arg2[%dma_wait3A_959, %dma_wait3A_960] : memref<10000x64xf32, #tpu.memory_space<hbm>> -> memref<10000x64xf32, #tpu.memory_space<hbm>>
    tpu.wait_indirect_dma semaphore(%arg13 : memref<!tpu.dma_semaphore, #tpu.memory_space<semaphore_mem>>) src(%dma_wait3A_961 : memref<10000x64xf32, #tpu.memory_space<hbm>>) dst(%arg9 : memref<400x64xf32, #tpu.memory_space<vmem>>)
    "tpu.region"() ({
      %run_scoped3A = tpu.sem_alloc : memref<!tpu.dma_semaphore, #tpu.memory_space<semaphore_mem>>
      %dma_start3A_1424 = arith.constant 0 : i32
      %dma_start3A_1425 = arith.constant 0 : i32
      %dma_start3A_1426 = tpu.memref_slice %arg12[%dma_start3A_1424, %dma_start3A_1425] : memref<10000x64xf32, #tpu.memory_space<vmem_shared>> -> memref<10000x64xf32, #tpu.memory_space<vmem_shared>>
      tpu.enqueue_indirect_dma source(%arg9 : memref<400x64xf32, #tpu.memory_space<vmem>>) target(%dma_start3A_1426 : memref<10000x64xf32, #tpu.memory_space<vmem_shared>>) offsets(%arg7 : memref<400xi32, #tpu.memory_space<vmem>>) semaphore(%run_scoped3A : memref<!tpu.dma_semaphore, #tpu.memory_space<semaphore_mem>>) {add = true}
      %dma_wait3A_1427 = arith.constant 0 : i32
      %dma_wait3A_1428 = arith.constant 0 : i32
      %dma_wait3A_1429 = tpu.memref_slice %arg12[%dma_wait3A_1427, %dma_wait3A_1428] : memref<10000x64xf32, #tpu.memory_space<vmem_shared>> -> memref<10000x64xf32, #tpu.memory_space<vmem_shared>>
      tpu.wait_indirect_dma semaphore(%run_scoped3A : memref<!tpu.dma_semaphore, #tpu.memory_space<semaphore_mem>>) src(%arg9 : memref<400x64xf32, #tpu.memory_space<vmem>>) dst(%dma_wait3A_1429 : memref<10000x64xf32, #tpu.memory_space<vmem_shared>>)
      tpu.yield
    }) : () -> ()
    %add3A_962 = arith.constant 13600 : i32
    %add3A_963 = arith.addi %mul3A_14, %add3A_962 : i32
    %dma_start3A_964 = arith.constant 0 : i32
    %dma_start3A_965 = tpu.memref_slice %arg3[%dma_start3A_964, %add3A_963] : memref<2x640000xi32, #tpu.memory_space<hbm>> -> memref<1x400xi32, #tpu.memory_space<hbm>>
    %dma_start3A_966 = tpu.memref_squeeze %dma_start3A_965 : memref<1x400xi32, #tpu.memory_space<hbm>> -> memref<400xi32, #tpu.memory_space<hbm>>
    %dma_start3A_967 = tpu.memref_slice %arg3[%dma_start3A_964, %add3A_963] : memref<2x640000xi32, #tpu.memory_space<hbm>> -> memref<1x400xi32, #tpu.memory_space<hbm>>
    %dma_start3A_968 = tpu.memref_squeeze %dma_start3A_967 : memref<1x400xi32, #tpu.memory_space<hbm>> -> memref<400xi32, #tpu.memory_space<hbm>>
    tpu.enqueue_dma source(%dma_start3A_968 : memref<400xi32, #tpu.memory_space<hbm>>) target(%arg5 : memref<400xi32, #tpu.memory_space<vmem>>) target_semaphore(%arg15 : memref<!tpu.dma_semaphore, #tpu.memory_space<semaphore_mem>>)
    %dma_start3A_969 = arith.constant 1 : i32
    %dma_start3A_970 = tpu.memref_slice %arg3[%dma_start3A_969, %add3A_963] : memref<2x640000xi32, #tpu.memory_space<hbm>> -> memref<1x400xi32, #tpu.memory_space<hbm>>
    %dma_start3A_971 = tpu.memref_squeeze %dma_start3A_970 : memref<1x400xi32, #tpu.memory_space<hbm>> -> memref<400xi32, #tpu.memory_space<hbm>>
    %dma_start3A_972 = tpu.memref_slice %arg3[%dma_start3A_969, %add3A_963] : memref<2x640000xi32, #tpu.memory_space<hbm>> -> memref<1x400xi32, #tpu.memory_space<hbm>>
    %dma_start3A_973 = tpu.memref_squeeze %dma_start3A_972 : memref<1x400xi32, #tpu.memory_space<hbm>> -> memref<400xi32, #tpu.memory_space<hbm>>
    tpu.enqueue_dma source(%dma_start3A_973 : memref<400xi32, #tpu.memory_space<hbm>>) target(%arg7 : memref<400xi32, #tpu.memory_space<vmem>>) target_semaphore(%arg15 : memref<!tpu.dma_semaphore, #tpu.memory_space<semaphore_mem>>)
    %dma_wait3A_974 = arith.constant 0 : i32
    %dma_wait3A_975 = tpu.memref_slice %arg3[%dma_wait3A_974, %add3A_963] : memref<2x640000xi32, #tpu.memory_space<hbm>> -> memref<1x400xi32, #tpu.memory_space<hbm>>
    %dma_wait3A_976 = tpu.memref_squeeze %dma_wait3A_975 : memref<1x400xi32, #tpu.memory_space<hbm>> -> memref<400xi32, #tpu.memory_space<hbm>>
    %dma_wait3A_977 = tpu.memref_slice %arg3[%dma_wait3A_974, %add3A_963] : memref<2x640000xi32, #tpu.memory_space<hbm>> -> memref<1x400xi32, #tpu.memory_space<hbm>>
    %dma_wait3A_978 = tpu.memref_squeeze %dma_wait3A_977 : memref<1x400xi32, #tpu.memory_space<hbm>> -> memref<400xi32, #tpu.memory_space<hbm>>
    tpu.wait_dma2 semaphore(%arg15 : memref<!tpu.dma_semaphore, #tpu.memory_space<semaphore_mem>>) src(%dma_wait3A_978 : memref<400xi32, #tpu.memory_space<hbm>>) dst(%arg5 : memref<400xi32, #tpu.memory_space<vmem>>)
    %dma_wait3A_979 = arith.constant 1 : i32
    %dma_wait3A_980 = tpu.memref_slice %arg3[%dma_wait3A_979, %add3A_963] : memref<2x640000xi32, #tpu.memory_space<hbm>> -> memref<1x400xi32, #tpu.memory_space<hbm>>
    %dma_wait3A_981 = tpu.memref_squeeze %dma_wait3A_980 : memref<1x400xi32, #tpu.memory_space<hbm>> -> memref<400xi32, #tpu.memory_space<hbm>>
    %dma_wait3A_982 = tpu.memref_slice %arg3[%dma_wait3A_979, %add3A_963] : memref<2x640000xi32, #tpu.memory_space<hbm>> -> memref<1x400xi32, #tpu.memory_space<hbm>>
    %dma_wait3A_983 = tpu.memref_squeeze %dma_wait3A_982 : memref<1x400xi32, #tpu.memory_space<hbm>> -> memref<400xi32, #tpu.memory_space<hbm>>
    tpu.wait_dma2 semaphore(%arg15 : memref<!tpu.dma_semaphore, #tpu.memory_space<semaphore_mem>>) src(%dma_wait3A_983 : memref<400xi32, #tpu.memory_space<hbm>>) dst(%arg7 : memref<400xi32, #tpu.memory_space<vmem>>)
    %dma_start3A_984 = arith.constant 0 : i32
    %dma_start3A_985 = arith.constant 0 : i32
    %dma_start3A_986 = tpu.memref_slice %arg2[%dma_start3A_984, %dma_start3A_985] : memref<10000x64xf32, #tpu.memory_space<hbm>> -> memref<10000x64xf32, #tpu.memory_space<hbm>>
    tpu.enqueue_indirect_dma source(%dma_start3A_986 : memref<10000x64xf32, #tpu.memory_space<hbm>>) target(%arg9 : memref<400x64xf32, #tpu.memory_space<vmem>>) offsets(%arg5 : memref<400xi32, #tpu.memory_space<vmem>>) semaphore(%arg13 : memref<!tpu.dma_semaphore, #tpu.memory_space<semaphore_mem>>)
    %dma_wait3A_987 = arith.constant 0 : i32
    %dma_wait3A_988 = arith.constant 0 : i32
    %dma_wait3A_989 = tpu.memref_slice %arg2[%dma_wait3A_987, %dma_wait3A_988] : memref<10000x64xf32, #tpu.memory_space<hbm>> -> memref<10000x64xf32, #tpu.memory_space<hbm>>
    tpu.wait_indirect_dma semaphore(%arg14 : memref<!tpu.dma_semaphore, #tpu.memory_space<semaphore_mem>>) src(%dma_wait3A_989 : memref<10000x64xf32, #tpu.memory_space<hbm>>) dst(%arg10 : memref<400x64xf32, #tpu.memory_space<vmem>>)
    "tpu.region"() ({
      %run_scoped3A = tpu.sem_alloc : memref<!tpu.dma_semaphore, #tpu.memory_space<semaphore_mem>>
      %dma_start3A_1424 = arith.constant 0 : i32
      %dma_start3A_1425 = arith.constant 0 : i32
      %dma_start3A_1426 = tpu.memref_slice %arg12[%dma_start3A_1424, %dma_start3A_1425] : memref<10000x64xf32, #tpu.memory_space<vmem_shared>> -> memref<10000x64xf32, #tpu.memory_space<vmem_shared>>
      tpu.enqueue_indirect_dma source(%arg10 : memref<400x64xf32, #tpu.memory_space<vmem>>) target(%dma_start3A_1426 : memref<10000x64xf32, #tpu.memory_space<vmem_shared>>) offsets(%arg8 : memref<400xi32, #tpu.memory_space<vmem>>) semaphore(%run_scoped3A : memref<!tpu.dma_semaphore, #tpu.memory_space<semaphore_mem>>) {add = true}
      %dma_wait3A_1427 = arith.constant 0 : i32
      %dma_wait3A_1428 = arith.constant 0 : i32
      %dma_wait3A_1429 = tpu.memref_slice %arg12[%dma_wait3A_1427, %dma_wait3A_1428] : memref<10000x64xf32, #tpu.memory_space<vmem_shared>> -> memref<10000x64xf32, #tpu.memory_space<vmem_shared>>
      tpu.wait_indirect_dma semaphore(%run_scoped3A : memref<!tpu.dma_semaphore, #tpu.memory_space<semaphore_mem>>) src(%arg10 : memref<400x64xf32, #tpu.memory_space<vmem>>) dst(%dma_wait3A_1429 : memref<10000x64xf32, #tpu.memory_space<vmem_shared>>)
      tpu.yield
    }) : () -> ()
    %add3A_990 = arith.constant 14000 : i32
    %add3A_991 = arith.addi %mul3A_14, %add3A_990 : i32
    %dma_start3A_992 = arith.constant 0 : i32
    %dma_start3A_993 = tpu.memref_slice %arg3[%dma_start3A_992, %add3A_991] : memref<2x640000xi32, #tpu.memory_space<hbm>> -> memref<1x400xi32, #tpu.memory_space<hbm>>
    %dma_start3A_994 = tpu.memref_squeeze %dma_start3A_993 : memref<1x400xi32, #tpu.memory_space<hbm>> -> memref<400xi32, #tpu.memory_space<hbm>>
    %dma_start3A_995 = tpu.memref_slice %arg3[%dma_start3A_992, %add3A_991] : memref<2x640000xi32, #tpu.memory_space<hbm>> -> memref<1x400xi32, #tpu.memory_space<hbm>>
    %dma_start3A_996 = tpu.memref_squeeze %dma_start3A_995 : memref<1x400xi32, #tpu.memory_space<hbm>> -> memref<400xi32, #tpu.memory_space<hbm>>
    tpu.enqueue_dma source(%dma_start3A_996 : memref<400xi32, #tpu.memory_space<hbm>>) target(%arg6 : memref<400xi32, #tpu.memory_space<vmem>>) target_semaphore(%arg16 : memref<!tpu.dma_semaphore, #tpu.memory_space<semaphore_mem>>)
    %dma_start3A_997 = arith.constant 1 : i32
    %dma_start3A_998 = tpu.memref_slice %arg3[%dma_start3A_997, %add3A_991] : memref<2x640000xi32, #tpu.memory_space<hbm>> -> memref<1x400xi32, #tpu.memory_space<hbm>>
    %dma_start3A_999 = tpu.memref_squeeze %dma_start3A_998 : memref<1x400xi32, #tpu.memory_space<hbm>> -> memref<400xi32, #tpu.memory_space<hbm>>
    %dma_start3A_1000 = tpu.memref_slice %arg3[%dma_start3A_997, %add3A_991] : memref<2x640000xi32, #tpu.memory_space<hbm>> -> memref<1x400xi32, #tpu.memory_space<hbm>>
    %dma_start3A_1001 = tpu.memref_squeeze %dma_start3A_1000 : memref<1x400xi32, #tpu.memory_space<hbm>> -> memref<400xi32, #tpu.memory_space<hbm>>
    tpu.enqueue_dma source(%dma_start3A_1001 : memref<400xi32, #tpu.memory_space<hbm>>) target(%arg8 : memref<400xi32, #tpu.memory_space<vmem>>) target_semaphore(%arg16 : memref<!tpu.dma_semaphore, #tpu.memory_space<semaphore_mem>>)
    %dma_wait3A_1002 = arith.constant 0 : i32
    %dma_wait3A_1003 = tpu.memref_slice %arg3[%dma_wait3A_1002, %add3A_991] : memref<2x640000xi32, #tpu.memory_space<hbm>> -> memref<1x400xi32, #tpu.memory_space<hbm>>
    %dma_wait3A_1004 = tpu.memref_squeeze %dma_wait3A_1003 : memref<1x400xi32, #tpu.memory_space<hbm>> -> memref<400xi32, #tpu.memory_space<hbm>>
    %dma_wait3A_1005 = tpu.memref_slice %arg3[%dma_wait3A_1002, %add3A_991] : memref<2x640000xi32, #tpu.memory_space<hbm>> -> memref<1x400xi32, #tpu.memory_space<hbm>>
    %dma_wait3A_1006 = tpu.memref_squeeze %dma_wait3A_1005 : memref<1x400xi32, #tpu.memory_space<hbm>> -> memref<400xi32, #tpu.memory_space<hbm>>
    tpu.wait_dma2 semaphore(%arg16 : memref<!tpu.dma_semaphore, #tpu.memory_space<semaphore_mem>>) src(%dma_wait3A_1006 : memref<400xi32, #tpu.memory_space<hbm>>) dst(%arg6 : memref<400xi32, #tpu.memory_space<vmem>>)
    %dma_wait3A_1007 = arith.constant 1 : i32
    %dma_wait3A_1008 = tpu.memref_slice %arg3[%dma_wait3A_1007, %add3A_991] : memref<2x640000xi32, #tpu.memory_space<hbm>> -> memref<1x400xi32, #tpu.memory_space<hbm>>
    %dma_wait3A_1009 = tpu.memref_squeeze %dma_wait3A_1008 : memref<1x400xi32, #tpu.memory_space<hbm>> -> memref<400xi32, #tpu.memory_space<hbm>>
    %dma_wait3A_1010 = tpu.memref_slice %arg3[%dma_wait3A_1007, %add3A_991] : memref<2x640000xi32, #tpu.memory_space<hbm>> -> memref<1x400xi32, #tpu.memory_space<hbm>>
    %dma_wait3A_1011 = tpu.memref_squeeze %dma_wait3A_1010 : memref<1x400xi32, #tpu.memory_space<hbm>> -> memref<400xi32, #tpu.memory_space<hbm>>
    tpu.wait_dma2 semaphore(%arg16 : memref<!tpu.dma_semaphore, #tpu.memory_space<semaphore_mem>>) src(%dma_wait3A_1011 : memref<400xi32, #tpu.memory_space<hbm>>) dst(%arg8 : memref<400xi32, #tpu.memory_space<vmem>>)
    %dma_start3A_1012 = arith.constant 0 : i32
    %dma_start3A_1013 = arith.constant 0 : i32
    %dma_start3A_1014 = tpu.memref_slice %arg2[%dma_start3A_1012, %dma_start3A_1013] : memref<10000x64xf32, #tpu.memory_space<hbm>> -> memref<10000x64xf32, #tpu.memory_space<hbm>>
    tpu.enqueue_indirect_dma source(%dma_start3A_1014 : memref<10000x64xf32, #tpu.memory_space<hbm>>) target(%arg10 : memref<400x64xf32, #tpu.memory_space<vmem>>) offsets(%arg6 : memref<400xi32, #tpu.memory_space<vmem>>) semaphore(%arg14 : memref<!tpu.dma_semaphore, #tpu.memory_space<semaphore_mem>>)
    %dma_wait3A_1015 = arith.constant 0 : i32
    %dma_wait3A_1016 = arith.constant 0 : i32
    %dma_wait3A_1017 = tpu.memref_slice %arg2[%dma_wait3A_1015, %dma_wait3A_1016] : memref<10000x64xf32, #tpu.memory_space<hbm>> -> memref<10000x64xf32, #tpu.memory_space<hbm>>
    tpu.wait_indirect_dma semaphore(%arg13 : memref<!tpu.dma_semaphore, #tpu.memory_space<semaphore_mem>>) src(%dma_wait3A_1017 : memref<10000x64xf32, #tpu.memory_space<hbm>>) dst(%arg9 : memref<400x64xf32, #tpu.memory_space<vmem>>)
    "tpu.region"() ({
      %run_scoped3A = tpu.sem_alloc : memref<!tpu.dma_semaphore, #tpu.memory_space<semaphore_mem>>
      %dma_start3A_1424 = arith.constant 0 : i32
      %dma_start3A_1425 = arith.constant 0 : i32
      %dma_start3A_1426 = tpu.memref_slice %arg12[%dma_start3A_1424, %dma_start3A_1425] : memref<10000x64xf32, #tpu.memory_space<vmem_shared>> -> memref<10000x64xf32, #tpu.memory_space<vmem_shared>>
      tpu.enqueue_indirect_dma source(%arg9 : memref<400x64xf32, #tpu.memory_space<vmem>>) target(%dma_start3A_1426 : memref<10000x64xf32, #tpu.memory_space<vmem_shared>>) offsets(%arg7 : memref<400xi32, #tpu.memory_space<vmem>>) semaphore(%run_scoped3A : memref<!tpu.dma_semaphore, #tpu.memory_space<semaphore_mem>>) {add = true}
      %dma_wait3A_1427 = arith.constant 0 : i32
      %dma_wait3A_1428 = arith.constant 0 : i32
      %dma_wait3A_1429 = tpu.memref_slice %arg12[%dma_wait3A_1427, %dma_wait3A_1428] : memref<10000x64xf32, #tpu.memory_space<vmem_shared>> -> memref<10000x64xf32, #tpu.memory_space<vmem_shared>>
      tpu.wait_indirect_dma semaphore(%run_scoped3A : memref<!tpu.dma_semaphore, #tpu.memory_space<semaphore_mem>>) src(%arg9 : memref<400x64xf32, #tpu.memory_space<vmem>>) dst(%dma_wait3A_1429 : memref<10000x64xf32, #tpu.memory_space<vmem_shared>>)
      tpu.yield
    }) : () -> ()
    %add3A_1018 = arith.constant 14400 : i32
    %add3A_1019 = arith.addi %mul3A_14, %add3A_1018 : i32
    %dma_start3A_1020 = arith.constant 0 : i32
    %dma_start3A_1021 = tpu.memref_slice %arg3[%dma_start3A_1020, %add3A_1019] : memref<2x640000xi32, #tpu.memory_space<hbm>> -> memref<1x400xi32, #tpu.memory_space<hbm>>
    %dma_start3A_1022 = tpu.memref_squeeze %dma_start3A_1021 : memref<1x400xi32, #tpu.memory_space<hbm>> -> memref<400xi32, #tpu.memory_space<hbm>>
    %dma_start3A_1023 = tpu.memref_slice %arg3[%dma_start3A_1020, %add3A_1019] : memref<2x640000xi32, #tpu.memory_space<hbm>> -> memref<1x400xi32, #tpu.memory_space<hbm>>
    %dma_start3A_1024 = tpu.memref_squeeze %dma_start3A_1023 : memref<1x400xi32, #tpu.memory_space<hbm>> -> memref<400xi32, #tpu.memory_space<hbm>>
    tpu.enqueue_dma source(%dma_start3A_1024 : memref<400xi32, #tpu.memory_space<hbm>>) target(%arg5 : memref<400xi32, #tpu.memory_space<vmem>>) target_semaphore(%arg15 : memref<!tpu.dma_semaphore, #tpu.memory_space<semaphore_mem>>)
    %dma_start3A_1025 = arith.constant 1 : i32
    %dma_start3A_1026 = tpu.memref_slice %arg3[%dma_start3A_1025, %add3A_1019] : memref<2x640000xi32, #tpu.memory_space<hbm>> -> memref<1x400xi32, #tpu.memory_space<hbm>>
    %dma_start3A_1027 = tpu.memref_squeeze %dma_start3A_1026 : memref<1x400xi32, #tpu.memory_space<hbm>> -> memref<400xi32, #tpu.memory_space<hbm>>
    %dma_start3A_1028 = tpu.memref_slice %arg3[%dma_start3A_1025, %add3A_1019] : memref<2x640000xi32, #tpu.memory_space<hbm>> -> memref<1x400xi32, #tpu.memory_space<hbm>>
    %dma_start3A_1029 = tpu.memref_squeeze %dma_start3A_1028 : memref<1x400xi32, #tpu.memory_space<hbm>> -> memref<400xi32, #tpu.memory_space<hbm>>
    tpu.enqueue_dma source(%dma_start3A_1029 : memref<400xi32, #tpu.memory_space<hbm>>) target(%arg7 : memref<400xi32, #tpu.memory_space<vmem>>) target_semaphore(%arg15 : memref<!tpu.dma_semaphore, #tpu.memory_space<semaphore_mem>>)
    %dma_wait3A_1030 = arith.constant 0 : i32
    %dma_wait3A_1031 = tpu.memref_slice %arg3[%dma_wait3A_1030, %add3A_1019] : memref<2x640000xi32, #tpu.memory_space<hbm>> -> memref<1x400xi32, #tpu.memory_space<hbm>>
    %dma_wait3A_1032 = tpu.memref_squeeze %dma_wait3A_1031 : memref<1x400xi32, #tpu.memory_space<hbm>> -> memref<400xi32, #tpu.memory_space<hbm>>
    %dma_wait3A_1033 = tpu.memref_slice %arg3[%dma_wait3A_1030, %add3A_1019] : memref<2x640000xi32, #tpu.memory_space<hbm>> -> memref<1x400xi32, #tpu.memory_space<hbm>>
    %dma_wait3A_1034 = tpu.memref_squeeze %dma_wait3A_1033 : memref<1x400xi32, #tpu.memory_space<hbm>> -> memref<400xi32, #tpu.memory_space<hbm>>
    tpu.wait_dma2 semaphore(%arg15 : memref<!tpu.dma_semaphore, #tpu.memory_space<semaphore_mem>>) src(%dma_wait3A_1034 : memref<400xi32, #tpu.memory_space<hbm>>) dst(%arg5 : memref<400xi32, #tpu.memory_space<vmem>>)
    %dma_wait3A_1035 = arith.constant 1 : i32
    %dma_wait3A_1036 = tpu.memref_slice %arg3[%dma_wait3A_1035, %add3A_1019] : memref<2x640000xi32, #tpu.memory_space<hbm>> -> memref<1x400xi32, #tpu.memory_space<hbm>>
    %dma_wait3A_1037 = tpu.memref_squeeze %dma_wait3A_1036 : memref<1x400xi32, #tpu.memory_space<hbm>> -> memref<400xi32, #tpu.memory_space<hbm>>
    %dma_wait3A_1038 = tpu.memref_slice %arg3[%dma_wait3A_1035, %add3A_1019] : memref<2x640000xi32, #tpu.memory_space<hbm>> -> memref<1x400xi32, #tpu.memory_space<hbm>>
    %dma_wait3A_1039 = tpu.memref_squeeze %dma_wait3A_1038 : memref<1x400xi32, #tpu.memory_space<hbm>> -> memref<400xi32, #tpu.memory_space<hbm>>
    tpu.wait_dma2 semaphore(%arg15 : memref<!tpu.dma_semaphore, #tpu.memory_space<semaphore_mem>>) src(%dma_wait3A_1039 : memref<400xi32, #tpu.memory_space<hbm>>) dst(%arg7 : memref<400xi32, #tpu.memory_space<vmem>>)
    %dma_start3A_1040 = arith.constant 0 : i32
    %dma_start3A_1041 = arith.constant 0 : i32
    %dma_start3A_1042 = tpu.memref_slice %arg2[%dma_start3A_1040, %dma_start3A_1041] : memref<10000x64xf32, #tpu.memory_space<hbm>> -> memref<10000x64xf32, #tpu.memory_space<hbm>>
    tpu.enqueue_indirect_dma source(%dma_start3A_1042 : memref<10000x64xf32, #tpu.memory_space<hbm>>) target(%arg9 : memref<400x64xf32, #tpu.memory_space<vmem>>) offsets(%arg5 : memref<400xi32, #tpu.memory_space<vmem>>) semaphore(%arg13 : memref<!tpu.dma_semaphore, #tpu.memory_space<semaphore_mem>>)
    %dma_wait3A_1043 = arith.constant 0 : i32
    %dma_wait3A_1044 = arith.constant 0 : i32
    %dma_wait3A_1045 = tpu.memref_slice %arg2[%dma_wait3A_1043, %dma_wait3A_1044] : memref<10000x64xf32, #tpu.memory_space<hbm>> -> memref<10000x64xf32, #tpu.memory_space<hbm>>
    tpu.wait_indirect_dma semaphore(%arg14 : memref<!tpu.dma_semaphore, #tpu.memory_space<semaphore_mem>>) src(%dma_wait3A_1045 : memref<10000x64xf32, #tpu.memory_space<hbm>>) dst(%arg10 : memref<400x64xf32, #tpu.memory_space<vmem>>)
    "tpu.region"() ({
      %run_scoped3A = tpu.sem_alloc : memref<!tpu.dma_semaphore, #tpu.memory_space<semaphore_mem>>
      %dma_start3A_1424 = arith.constant 0 : i32
      %dma_start3A_1425 = arith.constant 0 : i32
      %dma_start3A_1426 = tpu.memref_slice %arg12[%dma_start3A_1424, %dma_start3A_1425] : memref<10000x64xf32, #tpu.memory_space<vmem_shared>> -> memref<10000x64xf32, #tpu.memory_space<vmem_shared>>
      tpu.enqueue_indirect_dma source(%arg10 : memref<400x64xf32, #tpu.memory_space<vmem>>) target(%dma_start3A_1426 : memref<10000x64xf32, #tpu.memory_space<vmem_shared>>) offsets(%arg8 : memref<400xi32, #tpu.memory_space<vmem>>) semaphore(%run_scoped3A : memref<!tpu.dma_semaphore, #tpu.memory_space<semaphore_mem>>) {add = true}
      %dma_wait3A_1427 = arith.constant 0 : i32
      %dma_wait3A_1428 = arith.constant 0 : i32
      %dma_wait3A_1429 = tpu.memref_slice %arg12[%dma_wait3A_1427, %dma_wait3A_1428] : memref<10000x64xf32, #tpu.memory_space<vmem_shared>> -> memref<10000x64xf32, #tpu.memory_space<vmem_shared>>
      tpu.wait_indirect_dma semaphore(%run_scoped3A : memref<!tpu.dma_semaphore, #tpu.memory_space<semaphore_mem>>) src(%arg10 : memref<400x64xf32, #tpu.memory_space<vmem>>) dst(%dma_wait3A_1429 : memref<10000x64xf32, #tpu.memory_space<vmem_shared>>)
      tpu.yield
    }) : () -> ()
    %add3A_1046 = arith.constant 14800 : i32
    %add3A_1047 = arith.addi %mul3A_14, %add3A_1046 : i32
    %dma_start3A_1048 = arith.constant 0 : i32
    %dma_start3A_1049 = tpu.memref_slice %arg3[%dma_start3A_1048, %add3A_1047] : memref<2x640000xi32, #tpu.memory_space<hbm>> -> memref<1x400xi32, #tpu.memory_space<hbm>>
    %dma_start3A_1050 = tpu.memref_squeeze %dma_start3A_1049 : memref<1x400xi32, #tpu.memory_space<hbm>> -> memref<400xi32, #tpu.memory_space<hbm>>
    %dma_start3A_1051 = tpu.memref_slice %arg3[%dma_start3A_1048, %add3A_1047] : memref<2x640000xi32, #tpu.memory_space<hbm>> -> memref<1x400xi32, #tpu.memory_space<hbm>>
    %dma_start3A_1052 = tpu.memref_squeeze %dma_start3A_1051 : memref<1x400xi32, #tpu.memory_space<hbm>> -> memref<400xi32, #tpu.memory_space<hbm>>
    tpu.enqueue_dma source(%dma_start3A_1052 : memref<400xi32, #tpu.memory_space<hbm>>) target(%arg6 : memref<400xi32, #tpu.memory_space<vmem>>) target_semaphore(%arg16 : memref<!tpu.dma_semaphore, #tpu.memory_space<semaphore_mem>>)
    %dma_start3A_1053 = arith.constant 1 : i32
    %dma_start3A_1054 = tpu.memref_slice %arg3[%dma_start3A_1053, %add3A_1047] : memref<2x640000xi32, #tpu.memory_space<hbm>> -> memref<1x400xi32, #tpu.memory_space<hbm>>
    %dma_start3A_1055 = tpu.memref_squeeze %dma_start3A_1054 : memref<1x400xi32, #tpu.memory_space<hbm>> -> memref<400xi32, #tpu.memory_space<hbm>>
    %dma_start3A_1056 = tpu.memref_slice %arg3[%dma_start3A_1053, %add3A_1047] : memref<2x640000xi32, #tpu.memory_space<hbm>> -> memref<1x400xi32, #tpu.memory_space<hbm>>
    %dma_start3A_1057 = tpu.memref_squeeze %dma_start3A_1056 : memref<1x400xi32, #tpu.memory_space<hbm>> -> memref<400xi32, #tpu.memory_space<hbm>>
    tpu.enqueue_dma source(%dma_start3A_1057 : memref<400xi32, #tpu.memory_space<hbm>>) target(%arg8 : memref<400xi32, #tpu.memory_space<vmem>>) target_semaphore(%arg16 : memref<!tpu.dma_semaphore, #tpu.memory_space<semaphore_mem>>)
    %dma_wait3A_1058 = arith.constant 0 : i32
    %dma_wait3A_1059 = tpu.memref_slice %arg3[%dma_wait3A_1058, %add3A_1047] : memref<2x640000xi32, #tpu.memory_space<hbm>> -> memref<1x400xi32, #tpu.memory_space<hbm>>
    %dma_wait3A_1060 = tpu.memref_squeeze %dma_wait3A_1059 : memref<1x400xi32, #tpu.memory_space<hbm>> -> memref<400xi32, #tpu.memory_space<hbm>>
    %dma_wait3A_1061 = tpu.memref_slice %arg3[%dma_wait3A_1058, %add3A_1047] : memref<2x640000xi32, #tpu.memory_space<hbm>> -> memref<1x400xi32, #tpu.memory_space<hbm>>
    %dma_wait3A_1062 = tpu.memref_squeeze %dma_wait3A_1061 : memref<1x400xi32, #tpu.memory_space<hbm>> -> memref<400xi32, #tpu.memory_space<hbm>>
    tpu.wait_dma2 semaphore(%arg16 : memref<!tpu.dma_semaphore, #tpu.memory_space<semaphore_mem>>) src(%dma_wait3A_1062 : memref<400xi32, #tpu.memory_space<hbm>>) dst(%arg6 : memref<400xi32, #tpu.memory_space<vmem>>)
    %dma_wait3A_1063 = arith.constant 1 : i32
    %dma_wait3A_1064 = tpu.memref_slice %arg3[%dma_wait3A_1063, %add3A_1047] : memref<2x640000xi32, #tpu.memory_space<hbm>> -> memref<1x400xi32, #tpu.memory_space<hbm>>
    %dma_wait3A_1065 = tpu.memref_squeeze %dma_wait3A_1064 : memref<1x400xi32, #tpu.memory_space<hbm>> -> memref<400xi32, #tpu.memory_space<hbm>>
    %dma_wait3A_1066 = tpu.memref_slice %arg3[%dma_wait3A_1063, %add3A_1047] : memref<2x640000xi32, #tpu.memory_space<hbm>> -> memref<1x400xi32, #tpu.memory_space<hbm>>
    %dma_wait3A_1067 = tpu.memref_squeeze %dma_wait3A_1066 : memref<1x400xi32, #tpu.memory_space<hbm>> -> memref<400xi32, #tpu.memory_space<hbm>>
    tpu.wait_dma2 semaphore(%arg16 : memref<!tpu.dma_semaphore, #tpu.memory_space<semaphore_mem>>) src(%dma_wait3A_1067 : memref<400xi32, #tpu.memory_space<hbm>>) dst(%arg8 : memref<400xi32, #tpu.memory_space<vmem>>)
    %dma_start3A_1068 = arith.constant 0 : i32
    %dma_start3A_1069 = arith.constant 0 : i32
    %dma_start3A_1070 = tpu.memref_slice %arg2[%dma_start3A_1068, %dma_start3A_1069] : memref<10000x64xf32, #tpu.memory_space<hbm>> -> memref<10000x64xf32, #tpu.memory_space<hbm>>
    tpu.enqueue_indirect_dma source(%dma_start3A_1070 : memref<10000x64xf32, #tpu.memory_space<hbm>>) target(%arg10 : memref<400x64xf32, #tpu.memory_space<vmem>>) offsets(%arg6 : memref<400xi32, #tpu.memory_space<vmem>>) semaphore(%arg14 : memref<!tpu.dma_semaphore, #tpu.memory_space<semaphore_mem>>)
    %dma_wait3A_1071 = arith.constant 0 : i32
    %dma_wait3A_1072 = arith.constant 0 : i32
    %dma_wait3A_1073 = tpu.memref_slice %arg2[%dma_wait3A_1071, %dma_wait3A_1072] : memref<10000x64xf32, #tpu.memory_space<hbm>> -> memref<10000x64xf32, #tpu.memory_space<hbm>>
    tpu.wait_indirect_dma semaphore(%arg13 : memref<!tpu.dma_semaphore, #tpu.memory_space<semaphore_mem>>) src(%dma_wait3A_1073 : memref<10000x64xf32, #tpu.memory_space<hbm>>) dst(%arg9 : memref<400x64xf32, #tpu.memory_space<vmem>>)
    "tpu.region"() ({
      %run_scoped3A = tpu.sem_alloc : memref<!tpu.dma_semaphore, #tpu.memory_space<semaphore_mem>>
      %dma_start3A_1424 = arith.constant 0 : i32
      %dma_start3A_1425 = arith.constant 0 : i32
      %dma_start3A_1426 = tpu.memref_slice %arg12[%dma_start3A_1424, %dma_start3A_1425] : memref<10000x64xf32, #tpu.memory_space<vmem_shared>> -> memref<10000x64xf32, #tpu.memory_space<vmem_shared>>
      tpu.enqueue_indirect_dma source(%arg9 : memref<400x64xf32, #tpu.memory_space<vmem>>) target(%dma_start3A_1426 : memref<10000x64xf32, #tpu.memory_space<vmem_shared>>) offsets(%arg7 : memref<400xi32, #tpu.memory_space<vmem>>) semaphore(%run_scoped3A : memref<!tpu.dma_semaphore, #tpu.memory_space<semaphore_mem>>) {add = true}
      %dma_wait3A_1427 = arith.constant 0 : i32
      %dma_wait3A_1428 = arith.constant 0 : i32
      %dma_wait3A_1429 = tpu.memref_slice %arg12[%dma_wait3A_1427, %dma_wait3A_1428] : memref<10000x64xf32, #tpu.memory_space<vmem_shared>> -> memref<10000x64xf32, #tpu.memory_space<vmem_shared>>
      tpu.wait_indirect_dma semaphore(%run_scoped3A : memref<!tpu.dma_semaphore, #tpu.memory_space<semaphore_mem>>) src(%arg9 : memref<400x64xf32, #tpu.memory_space<vmem>>) dst(%dma_wait3A_1429 : memref<10000x64xf32, #tpu.memory_space<vmem_shared>>)
      tpu.yield
    }) : () -> ()
    %add3A_1074 = arith.constant 15200 : i32
    %add3A_1075 = arith.addi %mul3A_14, %add3A_1074 : i32
    %dma_start3A_1076 = arith.constant 0 : i32
    %dma_start3A_1077 = tpu.memref_slice %arg3[%dma_start3A_1076, %add3A_1075] : memref<2x640000xi32, #tpu.memory_space<hbm>> -> memref<1x400xi32, #tpu.memory_space<hbm>>
    %dma_start3A_1078 = tpu.memref_squeeze %dma_start3A_1077 : memref<1x400xi32, #tpu.memory_space<hbm>> -> memref<400xi32, #tpu.memory_space<hbm>>
    %dma_start3A_1079 = tpu.memref_slice %arg3[%dma_start3A_1076, %add3A_1075] : memref<2x640000xi32, #tpu.memory_space<hbm>> -> memref<1x400xi32, #tpu.memory_space<hbm>>
    %dma_start3A_1080 = tpu.memref_squeeze %dma_start3A_1079 : memref<1x400xi32, #tpu.memory_space<hbm>> -> memref<400xi32, #tpu.memory_space<hbm>>
    tpu.enqueue_dma source(%dma_start3A_1080 : memref<400xi32, #tpu.memory_space<hbm>>) target(%arg5 : memref<400xi32, #tpu.memory_space<vmem>>) target_semaphore(%arg15 : memref<!tpu.dma_semaphore, #tpu.memory_space<semaphore_mem>>)
    %dma_start3A_1081 = arith.constant 1 : i32
    %dma_start3A_1082 = tpu.memref_slice %arg3[%dma_start3A_1081, %add3A_1075] : memref<2x640000xi32, #tpu.memory_space<hbm>> -> memref<1x400xi32, #tpu.memory_space<hbm>>
    %dma_start3A_1083 = tpu.memref_squeeze %dma_start3A_1082 : memref<1x400xi32, #tpu.memory_space<hbm>> -> memref<400xi32, #tpu.memory_space<hbm>>
    %dma_start3A_1084 = tpu.memref_slice %arg3[%dma_start3A_1081, %add3A_1075] : memref<2x640000xi32, #tpu.memory_space<hbm>> -> memref<1x400xi32, #tpu.memory_space<hbm>>
    %dma_start3A_1085 = tpu.memref_squeeze %dma_start3A_1084 : memref<1x400xi32, #tpu.memory_space<hbm>> -> memref<400xi32, #tpu.memory_space<hbm>>
    tpu.enqueue_dma source(%dma_start3A_1085 : memref<400xi32, #tpu.memory_space<hbm>>) target(%arg7 : memref<400xi32, #tpu.memory_space<vmem>>) target_semaphore(%arg15 : memref<!tpu.dma_semaphore, #tpu.memory_space<semaphore_mem>>)
    %dma_wait3A_1086 = arith.constant 0 : i32
    %dma_wait3A_1087 = tpu.memref_slice %arg3[%dma_wait3A_1086, %add3A_1075] : memref<2x640000xi32, #tpu.memory_space<hbm>> -> memref<1x400xi32, #tpu.memory_space<hbm>>
    %dma_wait3A_1088 = tpu.memref_squeeze %dma_wait3A_1087 : memref<1x400xi32, #tpu.memory_space<hbm>> -> memref<400xi32, #tpu.memory_space<hbm>>
    %dma_wait3A_1089 = tpu.memref_slice %arg3[%dma_wait3A_1086, %add3A_1075] : memref<2x640000xi32, #tpu.memory_space<hbm>> -> memref<1x400xi32, #tpu.memory_space<hbm>>
    %dma_wait3A_1090 = tpu.memref_squeeze %dma_wait3A_1089 : memref<1x400xi32, #tpu.memory_space<hbm>> -> memref<400xi32, #tpu.memory_space<hbm>>
    tpu.wait_dma2 semaphore(%arg15 : memref<!tpu.dma_semaphore, #tpu.memory_space<semaphore_mem>>) src(%dma_wait3A_1090 : memref<400xi32, #tpu.memory_space<hbm>>) dst(%arg5 : memref<400xi32, #tpu.memory_space<vmem>>)
    %dma_wait3A_1091 = arith.constant 1 : i32
    %dma_wait3A_1092 = tpu.memref_slice %arg3[%dma_wait3A_1091, %add3A_1075] : memref<2x640000xi32, #tpu.memory_space<hbm>> -> memref<1x400xi32, #tpu.memory_space<hbm>>
    %dma_wait3A_1093 = tpu.memref_squeeze %dma_wait3A_1092 : memref<1x400xi32, #tpu.memory_space<hbm>> -> memref<400xi32, #tpu.memory_space<hbm>>
    %dma_wait3A_1094 = tpu.memref_slice %arg3[%dma_wait3A_1091, %add3A_1075] : memref<2x640000xi32, #tpu.memory_space<hbm>> -> memref<1x400xi32, #tpu.memory_space<hbm>>
    %dma_wait3A_1095 = tpu.memref_squeeze %dma_wait3A_1094 : memref<1x400xi32, #tpu.memory_space<hbm>> -> memref<400xi32, #tpu.memory_space<hbm>>
    tpu.wait_dma2 semaphore(%arg15 : memref<!tpu.dma_semaphore, #tpu.memory_space<semaphore_mem>>) src(%dma_wait3A_1095 : memref<400xi32, #tpu.memory_space<hbm>>) dst(%arg7 : memref<400xi32, #tpu.memory_space<vmem>>)
    %dma_start3A_1096 = arith.constant 0 : i32
    %dma_start3A_1097 = arith.constant 0 : i32
    %dma_start3A_1098 = tpu.memref_slice %arg2[%dma_start3A_1096, %dma_start3A_1097] : memref<10000x64xf32, #tpu.memory_space<hbm>> -> memref<10000x64xf32, #tpu.memory_space<hbm>>
    tpu.enqueue_indirect_dma source(%dma_start3A_1098 : memref<10000x64xf32, #tpu.memory_space<hbm>>) target(%arg9 : memref<400x64xf32, #tpu.memory_space<vmem>>) offsets(%arg5 : memref<400xi32, #tpu.memory_space<vmem>>) semaphore(%arg13 : memref<!tpu.dma_semaphore, #tpu.memory_space<semaphore_mem>>)
    %dma_wait3A_1099 = arith.constant 0 : i32
    %dma_wait3A_1100 = arith.constant 0 : i32
    %dma_wait3A_1101 = tpu.memref_slice %arg2[%dma_wait3A_1099, %dma_wait3A_1100] : memref<10000x64xf32, #tpu.memory_space<hbm>> -> memref<10000x64xf32, #tpu.memory_space<hbm>>
    tpu.wait_indirect_dma semaphore(%arg14 : memref<!tpu.dma_semaphore, #tpu.memory_space<semaphore_mem>>) src(%dma_wait3A_1101 : memref<10000x64xf32, #tpu.memory_space<hbm>>) dst(%arg10 : memref<400x64xf32, #tpu.memory_space<vmem>>)
    "tpu.region"() ({
      %run_scoped3A = tpu.sem_alloc : memref<!tpu.dma_semaphore, #tpu.memory_space<semaphore_mem>>
      %dma_start3A_1424 = arith.constant 0 : i32
      %dma_start3A_1425 = arith.constant 0 : i32
      %dma_start3A_1426 = tpu.memref_slice %arg12[%dma_start3A_1424, %dma_start3A_1425] : memref<10000x64xf32, #tpu.memory_space<vmem_shared>> -> memref<10000x64xf32, #tpu.memory_space<vmem_shared>>
      tpu.enqueue_indirect_dma source(%arg10 : memref<400x64xf32, #tpu.memory_space<vmem>>) target(%dma_start3A_1426 : memref<10000x64xf32, #tpu.memory_space<vmem_shared>>) offsets(%arg8 : memref<400xi32, #tpu.memory_space<vmem>>) semaphore(%run_scoped3A : memref<!tpu.dma_semaphore, #tpu.memory_space<semaphore_mem>>) {add = true}
      %dma_wait3A_1427 = arith.constant 0 : i32
      %dma_wait3A_1428 = arith.constant 0 : i32
      %dma_wait3A_1429 = tpu.memref_slice %arg12[%dma_wait3A_1427, %dma_wait3A_1428] : memref<10000x64xf32, #tpu.memory_space<vmem_shared>> -> memref<10000x64xf32, #tpu.memory_space<vmem_shared>>
      tpu.wait_indirect_dma semaphore(%run_scoped3A : memref<!tpu.dma_semaphore, #tpu.memory_space<semaphore_mem>>) src(%arg10 : memref<400x64xf32, #tpu.memory_space<vmem>>) dst(%dma_wait3A_1429 : memref<10000x64xf32, #tpu.memory_space<vmem_shared>>)
      tpu.yield
    }) : () -> ()
    %add3A_1102 = arith.constant 15600 : i32
    %add3A_1103 = arith.addi %mul3A_14, %add3A_1102 : i32
    %dma_start3A_1104 = arith.constant 0 : i32
    %dma_start3A_1105 = tpu.memref_slice %arg3[%dma_start3A_1104, %add3A_1103] : memref<2x640000xi32, #tpu.memory_space<hbm>> -> memref<1x400xi32, #tpu.memory_space<hbm>>
    %dma_start3A_1106 = tpu.memref_squeeze %dma_start3A_1105 : memref<1x400xi32, #tpu.memory_space<hbm>> -> memref<400xi32, #tpu.memory_space<hbm>>
    %dma_start3A_1107 = tpu.memref_slice %arg3[%dma_start3A_1104, %add3A_1103] : memref<2x640000xi32, #tpu.memory_space<hbm>> -> memref<1x400xi32, #tpu.memory_space<hbm>>
    %dma_start3A_1108 = tpu.memref_squeeze %dma_start3A_1107 : memref<1x400xi32, #tpu.memory_space<hbm>> -> memref<400xi32, #tpu.memory_space<hbm>>
    tpu.enqueue_dma source(%dma_start3A_1108 : memref<400xi32, #tpu.memory_space<hbm>>) target(%arg6 : memref<400xi32, #tpu.memory_space<vmem>>) target_semaphore(%arg16 : memref<!tpu.dma_semaphore, #tpu.memory_space<semaphore_mem>>)
    %dma_start3A_1109 = arith.constant 1 : i32
    %dma_start3A_1110 = tpu.memref_slice %arg3[%dma_start3A_1109, %add3A_1103] : memref<2x640000xi32, #tpu.memory_space<hbm>> -> memref<1x400xi32, #tpu.memory_space<hbm>>
    %dma_start3A_1111 = tpu.memref_squeeze %dma_start3A_1110 : memref<1x400xi32, #tpu.memory_space<hbm>> -> memref<400xi32, #tpu.memory_space<hbm>>
    %dma_start3A_1112 = tpu.memref_slice %arg3[%dma_start3A_1109, %add3A_1103] : memref<2x640000xi32, #tpu.memory_space<hbm>> -> memref<1x400xi32, #tpu.memory_space<hbm>>
    %dma_start3A_1113 = tpu.memref_squeeze %dma_start3A_1112 : memref<1x400xi32, #tpu.memory_space<hbm>> -> memref<400xi32, #tpu.memory_space<hbm>>
    tpu.enqueue_dma source(%dma_start3A_1113 : memref<400xi32, #tpu.memory_space<hbm>>) target(%arg8 : memref<400xi32, #tpu.memory_space<vmem>>) target_semaphore(%arg16 : memref<!tpu.dma_semaphore, #tpu.memory_space<semaphore_mem>>)
    %dma_wait3A_1114 = arith.constant 0 : i32
    %dma_wait3A_1115 = tpu.memref_slice %arg3[%dma_wait3A_1114, %add3A_1103] : memref<2x640000xi32, #tpu.memory_space<hbm>> -> memref<1x400xi32, #tpu.memory_space<hbm>>
    %dma_wait3A_1116 = tpu.memref_squeeze %dma_wait3A_1115 : memref<1x400xi32, #tpu.memory_space<hbm>> -> memref<400xi32, #tpu.memory_space<hbm>>
    %dma_wait3A_1117 = tpu.memref_slice %arg3[%dma_wait3A_1114, %add3A_1103] : memref<2x640000xi32, #tpu.memory_space<hbm>> -> memref<1x400xi32, #tpu.memory_space<hbm>>
    %dma_wait3A_1118 = tpu.memref_squeeze %dma_wait3A_1117 : memref<1x400xi32, #tpu.memory_space<hbm>> -> memref<400xi32, #tpu.memory_space<hbm>>
    tpu.wait_dma2 semaphore(%arg16 : memref<!tpu.dma_semaphore, #tpu.memory_space<semaphore_mem>>) src(%dma_wait3A_1118 : memref<400xi32, #tpu.memory_space<hbm>>) dst(%arg6 : memref<400xi32, #tpu.memory_space<vmem>>)
    %dma_wait3A_1119 = arith.constant 1 : i32
    %dma_wait3A_1120 = tpu.memref_slice %arg3[%dma_wait3A_1119, %add3A_1103] : memref<2x640000xi32, #tpu.memory_space<hbm>> -> memref<1x400xi32, #tpu.memory_space<hbm>>
    %dma_wait3A_1121 = tpu.memref_squeeze %dma_wait3A_1120 : memref<1x400xi32, #tpu.memory_space<hbm>> -> memref<400xi32, #tpu.memory_space<hbm>>
    %dma_wait3A_1122 = tpu.memref_slice %arg3[%dma_wait3A_1119, %add3A_1103] : memref<2x640000xi32, #tpu.memory_space<hbm>> -> memref<1x400xi32, #tpu.memory_space<hbm>>
    %dma_wait3A_1123 = tpu.memref_squeeze %dma_wait3A_1122 : memref<1x400xi32, #tpu.memory_space<hbm>> -> memref<400xi32, #tpu.memory_space<hbm>>
    tpu.wait_dma2 semaphore(%arg16 : memref<!tpu.dma_semaphore, #tpu.memory_space<semaphore_mem>>) src(%dma_wait3A_1123 : memref<400xi32, #tpu.memory_space<hbm>>) dst(%arg8 : memref<400xi32, #tpu.memory_space<vmem>>)
    %dma_start3A_1124 = arith.constant 0 : i32
    %dma_start3A_1125 = arith.constant 0 : i32
    %dma_start3A_1126 = tpu.memref_slice %arg2[%dma_start3A_1124, %dma_start3A_1125] : memref<10000x64xf32, #tpu.memory_space<hbm>> -> memref<10000x64xf32, #tpu.memory_space<hbm>>
    tpu.enqueue_indirect_dma source(%dma_start3A_1126 : memref<10000x64xf32, #tpu.memory_space<hbm>>) target(%arg10 : memref<400x64xf32, #tpu.memory_space<vmem>>) offsets(%arg6 : memref<400xi32, #tpu.memory_space<vmem>>) semaphore(%arg14 : memref<!tpu.dma_semaphore, #tpu.memory_space<semaphore_mem>>)
    %dma_wait3A_1127 = arith.constant 0 : i32
    %dma_wait3A_1128 = arith.constant 0 : i32
    %dma_wait3A_1129 = tpu.memref_slice %arg2[%dma_wait3A_1127, %dma_wait3A_1128] : memref<10000x64xf32, #tpu.memory_space<hbm>> -> memref<10000x64xf32, #tpu.memory_space<hbm>>
    tpu.wait_indirect_dma semaphore(%arg13 : memref<!tpu.dma_semaphore, #tpu.memory_space<semaphore_mem>>) src(%dma_wait3A_1129 : memref<10000x64xf32, #tpu.memory_space<hbm>>) dst(%arg9 : memref<400x64xf32, #tpu.memory_space<vmem>>)
    "tpu.region"() ({
      %run_scoped3A = tpu.sem_alloc : memref<!tpu.dma_semaphore, #tpu.memory_space<semaphore_mem>>
      %dma_start3A_1424 = arith.constant 0 : i32
      %dma_start3A_1425 = arith.constant 0 : i32
      %dma_start3A_1426 = tpu.memref_slice %arg12[%dma_start3A_1424, %dma_start3A_1425] : memref<10000x64xf32, #tpu.memory_space<vmem_shared>> -> memref<10000x64xf32, #tpu.memory_space<vmem_shared>>
      tpu.enqueue_indirect_dma source(%arg9 : memref<400x64xf32, #tpu.memory_space<vmem>>) target(%dma_start3A_1426 : memref<10000x64xf32, #tpu.memory_space<vmem_shared>>) offsets(%arg7 : memref<400xi32, #tpu.memory_space<vmem>>) semaphore(%run_scoped3A : memref<!tpu.dma_semaphore, #tpu.memory_space<semaphore_mem>>) {add = true}
      %dma_wait3A_1427 = arith.constant 0 : i32
      %dma_wait3A_1428 = arith.constant 0 : i32
      %dma_wait3A_1429 = tpu.memref_slice %arg12[%dma_wait3A_1427, %dma_wait3A_1428] : memref<10000x64xf32, #tpu.memory_space<vmem_shared>> -> memref<10000x64xf32, #tpu.memory_space<vmem_shared>>
      tpu.wait_indirect_dma semaphore(%run_scoped3A : memref<!tpu.dma_semaphore, #tpu.memory_space<semaphore_mem>>) src(%arg9 : memref<400x64xf32, #tpu.memory_space<vmem>>) dst(%dma_wait3A_1429 : memref<10000x64xf32, #tpu.memory_space<vmem_shared>>)
      tpu.yield
    }) : () -> ()
    %add3A_1130 = arith.constant 16000 : i32
    %add3A_1131 = arith.addi %mul3A_14, %add3A_1130 : i32
    %dma_start3A_1132 = arith.constant 0 : i32
    %dma_start3A_1133 = tpu.memref_slice %arg3[%dma_start3A_1132, %add3A_1131] : memref<2x640000xi32, #tpu.memory_space<hbm>> -> memref<1x400xi32, #tpu.memory_space<hbm>>
    %dma_start3A_1134 = tpu.memref_squeeze %dma_start3A_1133 : memref<1x400xi32, #tpu.memory_space<hbm>> -> memref<400xi32, #tpu.memory_space<hbm>>
    %dma_start3A_1135 = tpu.memref_slice %arg3[%dma_start3A_1132, %add3A_1131] : memref<2x640000xi32, #tpu.memory_space<hbm>> -> memref<1x400xi32, #tpu.memory_space<hbm>>
    %dma_start3A_1136 = tpu.memref_squeeze %dma_start3A_1135 : memref<1x400xi32, #tpu.memory_space<hbm>> -> memref<400xi32, #tpu.memory_space<hbm>>
    tpu.enqueue_dma source(%dma_start3A_1136 : memref<400xi32, #tpu.memory_space<hbm>>) target(%arg5 : memref<400xi32, #tpu.memory_space<vmem>>) target_semaphore(%arg15 : memref<!tpu.dma_semaphore, #tpu.memory_space<semaphore_mem>>)
    %dma_start3A_1137 = arith.constant 1 : i32
    %dma_start3A_1138 = tpu.memref_slice %arg3[%dma_start3A_1137, %add3A_1131] : memref<2x640000xi32, #tpu.memory_space<hbm>> -> memref<1x400xi32, #tpu.memory_space<hbm>>
    %dma_start3A_1139 = tpu.memref_squeeze %dma_start3A_1138 : memref<1x400xi32, #tpu.memory_space<hbm>> -> memref<400xi32, #tpu.memory_space<hbm>>
    %dma_start3A_1140 = tpu.memref_slice %arg3[%dma_start3A_1137, %add3A_1131] : memref<2x640000xi32, #tpu.memory_space<hbm>> -> memref<1x400xi32, #tpu.memory_space<hbm>>
    %dma_start3A_1141 = tpu.memref_squeeze %dma_start3A_1140 : memref<1x400xi32, #tpu.memory_space<hbm>> -> memref<400xi32, #tpu.memory_space<hbm>>
    tpu.enqueue_dma source(%dma_start3A_1141 : memref<400xi32, #tpu.memory_space<hbm>>) target(%arg7 : memref<400xi32, #tpu.memory_space<vmem>>) target_semaphore(%arg15 : memref<!tpu.dma_semaphore, #tpu.memory_space<semaphore_mem>>)
    %dma_wait3A_1142 = arith.constant 0 : i32
    %dma_wait3A_1143 = tpu.memref_slice %arg3[%dma_wait3A_1142, %add3A_1131] : memref<2x640000xi32, #tpu.memory_space<hbm>> -> memref<1x400xi32, #tpu.memory_space<hbm>>
    %dma_wait3A_1144 = tpu.memref_squeeze %dma_wait3A_1143 : memref<1x400xi32, #tpu.memory_space<hbm>> -> memref<400xi32, #tpu.memory_space<hbm>>
    %dma_wait3A_1145 = tpu.memref_slice %arg3[%dma_wait3A_1142, %add3A_1131] : memref<2x640000xi32, #tpu.memory_space<hbm>> -> memref<1x400xi32, #tpu.memory_space<hbm>>
    %dma_wait3A_1146 = tpu.memref_squeeze %dma_wait3A_1145 : memref<1x400xi32, #tpu.memory_space<hbm>> -> memref<400xi32, #tpu.memory_space<hbm>>
    tpu.wait_dma2 semaphore(%arg15 : memref<!tpu.dma_semaphore, #tpu.memory_space<semaphore_mem>>) src(%dma_wait3A_1146 : memref<400xi32, #tpu.memory_space<hbm>>) dst(%arg5 : memref<400xi32, #tpu.memory_space<vmem>>)
    %dma_wait3A_1147 = arith.constant 1 : i32
    %dma_wait3A_1148 = tpu.memref_slice %arg3[%dma_wait3A_1147, %add3A_1131] : memref<2x640000xi32, #tpu.memory_space<hbm>> -> memref<1x400xi32, #tpu.memory_space<hbm>>
    %dma_wait3A_1149 = tpu.memref_squeeze %dma_wait3A_1148 : memref<1x400xi32, #tpu.memory_space<hbm>> -> memref<400xi32, #tpu.memory_space<hbm>>
    %dma_wait3A_1150 = tpu.memref_slice %arg3[%dma_wait3A_1147, %add3A_1131] : memref<2x640000xi32, #tpu.memory_space<hbm>> -> memref<1x400xi32, #tpu.memory_space<hbm>>
    %dma_wait3A_1151 = tpu.memref_squeeze %dma_wait3A_1150 : memref<1x400xi32, #tpu.memory_space<hbm>> -> memref<400xi32, #tpu.memory_space<hbm>>
    tpu.wait_dma2 semaphore(%arg15 : memref<!tpu.dma_semaphore, #tpu.memory_space<semaphore_mem>>) src(%dma_wait3A_1151 : memref<400xi32, #tpu.memory_space<hbm>>) dst(%arg7 : memref<400xi32, #tpu.memory_space<vmem>>)
    %dma_start3A_1152 = arith.constant 0 : i32
    %dma_start3A_1153 = arith.constant 0 : i32
    %dma_start3A_1154 = tpu.memref_slice %arg2[%dma_start3A_1152, %dma_start3A_1153] : memref<10000x64xf32, #tpu.memory_space<hbm>> -> memref<10000x64xf32, #tpu.memory_space<hbm>>
    tpu.enqueue_indirect_dma source(%dma_start3A_1154 : memref<10000x64xf32, #tpu.memory_space<hbm>>) target(%arg9 : memref<400x64xf32, #tpu.memory_space<vmem>>) offsets(%arg5 : memref<400xi32, #tpu.memory_space<vmem>>) semaphore(%arg13 : memref<!tpu.dma_semaphore, #tpu.memory_space<semaphore_mem>>)
    %dma_wait3A_1155 = arith.constant 0 : i32
    %dma_wait3A_1156 = arith.constant 0 : i32
    %dma_wait3A_1157 = tpu.memref_slice %arg2[%dma_wait3A_1155, %dma_wait3A_1156] : memref<10000x64xf32, #tpu.memory_space<hbm>> -> memref<10000x64xf32, #tpu.memory_space<hbm>>
    tpu.wait_indirect_dma semaphore(%arg14 : memref<!tpu.dma_semaphore, #tpu.memory_space<semaphore_mem>>) src(%dma_wait3A_1157 : memref<10000x64xf32, #tpu.memory_space<hbm>>) dst(%arg10 : memref<400x64xf32, #tpu.memory_space<vmem>>)
    "tpu.region"() ({
      %run_scoped3A = tpu.sem_alloc : memref<!tpu.dma_semaphore, #tpu.memory_space<semaphore_mem>>
      %dma_start3A_1424 = arith.constant 0 : i32
      %dma_start3A_1425 = arith.constant 0 : i32
      %dma_start3A_1426 = tpu.memref_slice %arg12[%dma_start3A_1424, %dma_start3A_1425] : memref<10000x64xf32, #tpu.memory_space<vmem_shared>> -> memref<10000x64xf32, #tpu.memory_space<vmem_shared>>
      tpu.enqueue_indirect_dma source(%arg10 : memref<400x64xf32, #tpu.memory_space<vmem>>) target(%dma_start3A_1426 : memref<10000x64xf32, #tpu.memory_space<vmem_shared>>) offsets(%arg8 : memref<400xi32, #tpu.memory_space<vmem>>) semaphore(%run_scoped3A : memref<!tpu.dma_semaphore, #tpu.memory_space<semaphore_mem>>) {add = true}
      %dma_wait3A_1427 = arith.constant 0 : i32
      %dma_wait3A_1428 = arith.constant 0 : i32
      %dma_wait3A_1429 = tpu.memref_slice %arg12[%dma_wait3A_1427, %dma_wait3A_1428] : memref<10000x64xf32, #tpu.memory_space<vmem_shared>> -> memref<10000x64xf32, #tpu.memory_space<vmem_shared>>
      tpu.wait_indirect_dma semaphore(%run_scoped3A : memref<!tpu.dma_semaphore, #tpu.memory_space<semaphore_mem>>) src(%arg10 : memref<400x64xf32, #tpu.memory_space<vmem>>) dst(%dma_wait3A_1429 : memref<10000x64xf32, #tpu.memory_space<vmem_shared>>)
      tpu.yield
    }) : () -> ()
    %add3A_1158 = arith.constant 16400 : i32
    %add3A_1159 = arith.addi %mul3A_14, %add3A_1158 : i32
    %dma_start3A_1160 = arith.constant 0 : i32
    %dma_start3A_1161 = tpu.memref_slice %arg3[%dma_start3A_1160, %add3A_1159] : memref<2x640000xi32, #tpu.memory_space<hbm>> -> memref<1x400xi32, #tpu.memory_space<hbm>>
    %dma_start3A_1162 = tpu.memref_squeeze %dma_start3A_1161 : memref<1x400xi32, #tpu.memory_space<hbm>> -> memref<400xi32, #tpu.memory_space<hbm>>
    %dma_start3A_1163 = tpu.memref_slice %arg3[%dma_start3A_1160, %add3A_1159] : memref<2x640000xi32, #tpu.memory_space<hbm>> -> memref<1x400xi32, #tpu.memory_space<hbm>>
    %dma_start3A_1164 = tpu.memref_squeeze %dma_start3A_1163 : memref<1x400xi32, #tpu.memory_space<hbm>> -> memref<400xi32, #tpu.memory_space<hbm>>
    tpu.enqueue_dma source(%dma_start3A_1164 : memref<400xi32, #tpu.memory_space<hbm>>) target(%arg6 : memref<400xi32, #tpu.memory_space<vmem>>) target_semaphore(%arg16 : memref<!tpu.dma_semaphore, #tpu.memory_space<semaphore_mem>>)
    %dma_start3A_1165 = arith.constant 1 : i32
    %dma_start3A_1166 = tpu.memref_slice %arg3[%dma_start3A_1165, %add3A_1159] : memref<2x640000xi32, #tpu.memory_space<hbm>> -> memref<1x400xi32, #tpu.memory_space<hbm>>
    %dma_start3A_1167 = tpu.memref_squeeze %dma_start3A_1166 : memref<1x400xi32, #tpu.memory_space<hbm>> -> memref<400xi32, #tpu.memory_space<hbm>>
    %dma_start3A_1168 = tpu.memref_slice %arg3[%dma_start3A_1165, %add3A_1159] : memref<2x640000xi32, #tpu.memory_space<hbm>> -> memref<1x400xi32, #tpu.memory_space<hbm>>
    %dma_start3A_1169 = tpu.memref_squeeze %dma_start3A_1168 : memref<1x400xi32, #tpu.memory_space<hbm>> -> memref<400xi32, #tpu.memory_space<hbm>>
    tpu.enqueue_dma source(%dma_start3A_1169 : memref<400xi32, #tpu.memory_space<hbm>>) target(%arg8 : memref<400xi32, #tpu.memory_space<vmem>>) target_semaphore(%arg16 : memref<!tpu.dma_semaphore, #tpu.memory_space<semaphore_mem>>)
    %dma_wait3A_1170 = arith.constant 0 : i32
    %dma_wait3A_1171 = tpu.memref_slice %arg3[%dma_wait3A_1170, %add3A_1159] : memref<2x640000xi32, #tpu.memory_space<hbm>> -> memref<1x400xi32, #tpu.memory_space<hbm>>
    %dma_wait3A_1172 = tpu.memref_squeeze %dma_wait3A_1171 : memref<1x400xi32, #tpu.memory_space<hbm>> -> memref<400xi32, #tpu.memory_space<hbm>>
    %dma_wait3A_1173 = tpu.memref_slice %arg3[%dma_wait3A_1170, %add3A_1159] : memref<2x640000xi32, #tpu.memory_space<hbm>> -> memref<1x400xi32, #tpu.memory_space<hbm>>
    %dma_wait3A_1174 = tpu.memref_squeeze %dma_wait3A_1173 : memref<1x400xi32, #tpu.memory_space<hbm>> -> memref<400xi32, #tpu.memory_space<hbm>>
    tpu.wait_dma2 semaphore(%arg16 : memref<!tpu.dma_semaphore, #tpu.memory_space<semaphore_mem>>) src(%dma_wait3A_1174 : memref<400xi32, #tpu.memory_space<hbm>>) dst(%arg6 : memref<400xi32, #tpu.memory_space<vmem>>)
    %dma_wait3A_1175 = arith.constant 1 : i32
    %dma_wait3A_1176 = tpu.memref_slice %arg3[%dma_wait3A_1175, %add3A_1159] : memref<2x640000xi32, #tpu.memory_space<hbm>> -> memref<1x400xi32, #tpu.memory_space<hbm>>
    %dma_wait3A_1177 = tpu.memref_squeeze %dma_wait3A_1176 : memref<1x400xi32, #tpu.memory_space<hbm>> -> memref<400xi32, #tpu.memory_space<hbm>>
    %dma_wait3A_1178 = tpu.memref_slice %arg3[%dma_wait3A_1175, %add3A_1159] : memref<2x640000xi32, #tpu.memory_space<hbm>> -> memref<1x400xi32, #tpu.memory_space<hbm>>
    %dma_wait3A_1179 = tpu.memref_squeeze %dma_wait3A_1178 : memref<1x400xi32, #tpu.memory_space<hbm>> -> memref<400xi32, #tpu.memory_space<hbm>>
    tpu.wait_dma2 semaphore(%arg16 : memref<!tpu.dma_semaphore, #tpu.memory_space<semaphore_mem>>) src(%dma_wait3A_1179 : memref<400xi32, #tpu.memory_space<hbm>>) dst(%arg8 : memref<400xi32, #tpu.memory_space<vmem>>)
    %dma_start3A_1180 = arith.constant 0 : i32
    %dma_start3A_1181 = arith.constant 0 : i32
    %dma_start3A_1182 = tpu.memref_slice %arg2[%dma_start3A_1180, %dma_start3A_1181] : memref<10000x64xf32, #tpu.memory_space<hbm>> -> memref<10000x64xf32, #tpu.memory_space<hbm>>
    tpu.enqueue_indirect_dma source(%dma_start3A_1182 : memref<10000x64xf32, #tpu.memory_space<hbm>>) target(%arg10 : memref<400x64xf32, #tpu.memory_space<vmem>>) offsets(%arg6 : memref<400xi32, #tpu.memory_space<vmem>>) semaphore(%arg14 : memref<!tpu.dma_semaphore, #tpu.memory_space<semaphore_mem>>)
    %dma_wait3A_1183 = arith.constant 0 : i32
    %dma_wait3A_1184 = arith.constant 0 : i32
    %dma_wait3A_1185 = tpu.memref_slice %arg2[%dma_wait3A_1183, %dma_wait3A_1184] : memref<10000x64xf32, #tpu.memory_space<hbm>> -> memref<10000x64xf32, #tpu.memory_space<hbm>>
    tpu.wait_indirect_dma semaphore(%arg13 : memref<!tpu.dma_semaphore, #tpu.memory_space<semaphore_mem>>) src(%dma_wait3A_1185 : memref<10000x64xf32, #tpu.memory_space<hbm>>) dst(%arg9 : memref<400x64xf32, #tpu.memory_space<vmem>>)
    "tpu.region"() ({
      %run_scoped3A = tpu.sem_alloc : memref<!tpu.dma_semaphore, #tpu.memory_space<semaphore_mem>>
      %dma_start3A_1424 = arith.constant 0 : i32
      %dma_start3A_1425 = arith.constant 0 : i32
      %dma_start3A_1426 = tpu.memref_slice %arg12[%dma_start3A_1424, %dma_start3A_1425] : memref<10000x64xf32, #tpu.memory_space<vmem_shared>> -> memref<10000x64xf32, #tpu.memory_space<vmem_shared>>
      tpu.enqueue_indirect_dma source(%arg9 : memref<400x64xf32, #tpu.memory_space<vmem>>) target(%dma_start3A_1426 : memref<10000x64xf32, #tpu.memory_space<vmem_shared>>) offsets(%arg7 : memref<400xi32, #tpu.memory_space<vmem>>) semaphore(%run_scoped3A : memref<!tpu.dma_semaphore, #tpu.memory_space<semaphore_mem>>) {add = true}
      %dma_wait3A_1427 = arith.constant 0 : i32
      %dma_wait3A_1428 = arith.constant 0 : i32
      %dma_wait3A_1429 = tpu.memref_slice %arg12[%dma_wait3A_1427, %dma_wait3A_1428] : memref<10000x64xf32, #tpu.memory_space<vmem_shared>> -> memref<10000x64xf32, #tpu.memory_space<vmem_shared>>
      tpu.wait_indirect_dma semaphore(%run_scoped3A : memref<!tpu.dma_semaphore, #tpu.memory_space<semaphore_mem>>) src(%arg9 : memref<400x64xf32, #tpu.memory_space<vmem>>) dst(%dma_wait3A_1429 : memref<10000x64xf32, #tpu.memory_space<vmem_shared>>)
      tpu.yield
    }) : () -> ()
    %add3A_1186 = arith.constant 16800 : i32
    %add3A_1187 = arith.addi %mul3A_14, %add3A_1186 : i32
    %dma_start3A_1188 = arith.constant 0 : i32
    %dma_start3A_1189 = tpu.memref_slice %arg3[%dma_start3A_1188, %add3A_1187] : memref<2x640000xi32, #tpu.memory_space<hbm>> -> memref<1x400xi32, #tpu.memory_space<hbm>>
    %dma_start3A_1190 = tpu.memref_squeeze %dma_start3A_1189 : memref<1x400xi32, #tpu.memory_space<hbm>> -> memref<400xi32, #tpu.memory_space<hbm>>
    %dma_start3A_1191 = tpu.memref_slice %arg3[%dma_start3A_1188, %add3A_1187] : memref<2x640000xi32, #tpu.memory_space<hbm>> -> memref<1x400xi32, #tpu.memory_space<hbm>>
    %dma_start3A_1192 = tpu.memref_squeeze %dma_start3A_1191 : memref<1x400xi32, #tpu.memory_space<hbm>> -> memref<400xi32, #tpu.memory_space<hbm>>
    tpu.enqueue_dma source(%dma_start3A_1192 : memref<400xi32, #tpu.memory_space<hbm>>) target(%arg5 : memref<400xi32, #tpu.memory_space<vmem>>) target_semaphore(%arg15 : memref<!tpu.dma_semaphore, #tpu.memory_space<semaphore_mem>>)
    %dma_start3A_1193 = arith.constant 1 : i32
    %dma_start3A_1194 = tpu.memref_slice %arg3[%dma_start3A_1193, %add3A_1187] : memref<2x640000xi32, #tpu.memory_space<hbm>> -> memref<1x400xi32, #tpu.memory_space<hbm>>
    %dma_start3A_1195 = tpu.memref_squeeze %dma_start3A_1194 : memref<1x400xi32, #tpu.memory_space<hbm>> -> memref<400xi32, #tpu.memory_space<hbm>>
    %dma_start3A_1196 = tpu.memref_slice %arg3[%dma_start3A_1193, %add3A_1187] : memref<2x640000xi32, #tpu.memory_space<hbm>> -> memref<1x400xi32, #tpu.memory_space<hbm>>
    %dma_start3A_1197 = tpu.memref_squeeze %dma_start3A_1196 : memref<1x400xi32, #tpu.memory_space<hbm>> -> memref<400xi32, #tpu.memory_space<hbm>>
    tpu.enqueue_dma source(%dma_start3A_1197 : memref<400xi32, #tpu.memory_space<hbm>>) target(%arg7 : memref<400xi32, #tpu.memory_space<vmem>>) target_semaphore(%arg15 : memref<!tpu.dma_semaphore, #tpu.memory_space<semaphore_mem>>)
    %dma_wait3A_1198 = arith.constant 0 : i32
    %dma_wait3A_1199 = tpu.memref_slice %arg3[%dma_wait3A_1198, %add3A_1187] : memref<2x640000xi32, #tpu.memory_space<hbm>> -> memref<1x400xi32, #tpu.memory_space<hbm>>
    %dma_wait3A_1200 = tpu.memref_squeeze %dma_wait3A_1199 : memref<1x400xi32, #tpu.memory_space<hbm>> -> memref<400xi32, #tpu.memory_space<hbm>>
    %dma_wait3A_1201 = tpu.memref_slice %arg3[%dma_wait3A_1198, %add3A_1187] : memref<2x640000xi32, #tpu.memory_space<hbm>> -> memref<1x400xi32, #tpu.memory_space<hbm>>
    %dma_wait3A_1202 = tpu.memref_squeeze %dma_wait3A_1201 : memref<1x400xi32, #tpu.memory_space<hbm>> -> memref<400xi32, #tpu.memory_space<hbm>>
    tpu.wait_dma2 semaphore(%arg15 : memref<!tpu.dma_semaphore, #tpu.memory_space<semaphore_mem>>) src(%dma_wait3A_1202 : memref<400xi32, #tpu.memory_space<hbm>>) dst(%arg5 : memref<400xi32, #tpu.memory_space<vmem>>)
    %dma_wait3A_1203 = arith.constant 1 : i32
    %dma_wait3A_1204 = tpu.memref_slice %arg3[%dma_wait3A_1203, %add3A_1187] : memref<2x640000xi32, #tpu.memory_space<hbm>> -> memref<1x400xi32, #tpu.memory_space<hbm>>
    %dma_wait3A_1205 = tpu.memref_squeeze %dma_wait3A_1204 : memref<1x400xi32, #tpu.memory_space<hbm>> -> memref<400xi32, #tpu.memory_space<hbm>>
    %dma_wait3A_1206 = tpu.memref_slice %arg3[%dma_wait3A_1203, %add3A_1187] : memref<2x640000xi32, #tpu.memory_space<hbm>> -> memref<1x400xi32, #tpu.memory_space<hbm>>
    %dma_wait3A_1207 = tpu.memref_squeeze %dma_wait3A_1206 : memref<1x400xi32, #tpu.memory_space<hbm>> -> memref<400xi32, #tpu.memory_space<hbm>>
    tpu.wait_dma2 semaphore(%arg15 : memref<!tpu.dma_semaphore, #tpu.memory_space<semaphore_mem>>) src(%dma_wait3A_1207 : memref<400xi32, #tpu.memory_space<hbm>>) dst(%arg7 : memref<400xi32, #tpu.memory_space<vmem>>)
    %dma_start3A_1208 = arith.constant 0 : i32
    %dma_start3A_1209 = arith.constant 0 : i32
    %dma_start3A_1210 = tpu.memref_slice %arg2[%dma_start3A_1208, %dma_start3A_1209] : memref<10000x64xf32, #tpu.memory_space<hbm>> -> memref<10000x64xf32, #tpu.memory_space<hbm>>
    tpu.enqueue_indirect_dma source(%dma_start3A_1210 : memref<10000x64xf32, #tpu.memory_space<hbm>>) target(%arg9 : memref<400x64xf32, #tpu.memory_space<vmem>>) offsets(%arg5 : memref<400xi32, #tpu.memory_space<vmem>>) semaphore(%arg13 : memref<!tpu.dma_semaphore, #tpu.memory_space<semaphore_mem>>)
    %dma_wait3A_1211 = arith.constant 0 : i32
    %dma_wait3A_1212 = arith.constant 0 : i32
    %dma_wait3A_1213 = tpu.memref_slice %arg2[%dma_wait3A_1211, %dma_wait3A_1212] : memref<10000x64xf32, #tpu.memory_space<hbm>> -> memref<10000x64xf32, #tpu.memory_space<hbm>>
    tpu.wait_indirect_dma semaphore(%arg14 : memref<!tpu.dma_semaphore, #tpu.memory_space<semaphore_mem>>) src(%dma_wait3A_1213 : memref<10000x64xf32, #tpu.memory_space<hbm>>) dst(%arg10 : memref<400x64xf32, #tpu.memory_space<vmem>>)
    "tpu.region"() ({
      %run_scoped3A = tpu.sem_alloc : memref<!tpu.dma_semaphore, #tpu.memory_space<semaphore_mem>>
      %dma_start3A_1424 = arith.constant 0 : i32
      %dma_start3A_1425 = arith.constant 0 : i32
      %dma_start3A_1426 = tpu.memref_slice %arg12[%dma_start3A_1424, %dma_start3A_1425] : memref<10000x64xf32, #tpu.memory_space<vmem_shared>> -> memref<10000x64xf32, #tpu.memory_space<vmem_shared>>
      tpu.enqueue_indirect_dma source(%arg10 : memref<400x64xf32, #tpu.memory_space<vmem>>) target(%dma_start3A_1426 : memref<10000x64xf32, #tpu.memory_space<vmem_shared>>) offsets(%arg8 : memref<400xi32, #tpu.memory_space<vmem>>) semaphore(%run_scoped3A : memref<!tpu.dma_semaphore, #tpu.memory_space<semaphore_mem>>) {add = true}
      %dma_wait3A_1427 = arith.constant 0 : i32
      %dma_wait3A_1428 = arith.constant 0 : i32
      %dma_wait3A_1429 = tpu.memref_slice %arg12[%dma_wait3A_1427, %dma_wait3A_1428] : memref<10000x64xf32, #tpu.memory_space<vmem_shared>> -> memref<10000x64xf32, #tpu.memory_space<vmem_shared>>
      tpu.wait_indirect_dma semaphore(%run_scoped3A : memref<!tpu.dma_semaphore, #tpu.memory_space<semaphore_mem>>) src(%arg10 : memref<400x64xf32, #tpu.memory_space<vmem>>) dst(%dma_wait3A_1429 : memref<10000x64xf32, #tpu.memory_space<vmem_shared>>)
      tpu.yield
    }) : () -> ()
    %add3A_1214 = arith.constant 17200 : i32
    %add3A_1215 = arith.addi %mul3A_14, %add3A_1214 : i32
    %dma_start3A_1216 = arith.constant 0 : i32
    %dma_start3A_1217 = tpu.memref_slice %arg3[%dma_start3A_1216, %add3A_1215] : memref<2x640000xi32, #tpu.memory_space<hbm>> -> memref<1x400xi32, #tpu.memory_space<hbm>>
    %dma_start3A_1218 = tpu.memref_squeeze %dma_start3A_1217 : memref<1x400xi32, #tpu.memory_space<hbm>> -> memref<400xi32, #tpu.memory_space<hbm>>
    %dma_start3A_1219 = tpu.memref_slice %arg3[%dma_start3A_1216, %add3A_1215] : memref<2x640000xi32, #tpu.memory_space<hbm>> -> memref<1x400xi32, #tpu.memory_space<hbm>>
    %dma_start3A_1220 = tpu.memref_squeeze %dma_start3A_1219 : memref<1x400xi32, #tpu.memory_space<hbm>> -> memref<400xi32, #tpu.memory_space<hbm>>
    tpu.enqueue_dma source(%dma_start3A_1220 : memref<400xi32, #tpu.memory_space<hbm>>) target(%arg6 : memref<400xi32, #tpu.memory_space<vmem>>) target_semaphore(%arg16 : memref<!tpu.dma_semaphore, #tpu.memory_space<semaphore_mem>>)
    %dma_start3A_1221 = arith.constant 1 : i32
    %dma_start3A_1222 = tpu.memref_slice %arg3[%dma_start3A_1221, %add3A_1215] : memref<2x640000xi32, #tpu.memory_space<hbm>> -> memref<1x400xi32, #tpu.memory_space<hbm>>
    %dma_start3A_1223 = tpu.memref_squeeze %dma_start3A_1222 : memref<1x400xi32, #tpu.memory_space<hbm>> -> memref<400xi32, #tpu.memory_space<hbm>>
    %dma_start3A_1224 = tpu.memref_slice %arg3[%dma_start3A_1221, %add3A_1215] : memref<2x640000xi32, #tpu.memory_space<hbm>> -> memref<1x400xi32, #tpu.memory_space<hbm>>
    %dma_start3A_1225 = tpu.memref_squeeze %dma_start3A_1224 : memref<1x400xi32, #tpu.memory_space<hbm>> -> memref<400xi32, #tpu.memory_space<hbm>>
    tpu.enqueue_dma source(%dma_start3A_1225 : memref<400xi32, #tpu.memory_space<hbm>>) target(%arg8 : memref<400xi32, #tpu.memory_space<vmem>>) target_semaphore(%arg16 : memref<!tpu.dma_semaphore, #tpu.memory_space<semaphore_mem>>)
    %dma_wait3A_1226 = arith.constant 0 : i32
    %dma_wait3A_1227 = tpu.memref_slice %arg3[%dma_wait3A_1226, %add3A_1215] : memref<2x640000xi32, #tpu.memory_space<hbm>> -> memref<1x400xi32, #tpu.memory_space<hbm>>
    %dma_wait3A_1228 = tpu.memref_squeeze %dma_wait3A_1227 : memref<1x400xi32, #tpu.memory_space<hbm>> -> memref<400xi32, #tpu.memory_space<hbm>>
    %dma_wait3A_1229 = tpu.memref_slice %arg3[%dma_wait3A_1226, %add3A_1215] : memref<2x640000xi32, #tpu.memory_space<hbm>> -> memref<1x400xi32, #tpu.memory_space<hbm>>
    %dma_wait3A_1230 = tpu.memref_squeeze %dma_wait3A_1229 : memref<1x400xi32, #tpu.memory_space<hbm>> -> memref<400xi32, #tpu.memory_space<hbm>>
    tpu.wait_dma2 semaphore(%arg16 : memref<!tpu.dma_semaphore, #tpu.memory_space<semaphore_mem>>) src(%dma_wait3A_1230 : memref<400xi32, #tpu.memory_space<hbm>>) dst(%arg6 : memref<400xi32, #tpu.memory_space<vmem>>)
    %dma_wait3A_1231 = arith.constant 1 : i32
    %dma_wait3A_1232 = tpu.memref_slice %arg3[%dma_wait3A_1231, %add3A_1215] : memref<2x640000xi32, #tpu.memory_space<hbm>> -> memref<1x400xi32, #tpu.memory_space<hbm>>
    %dma_wait3A_1233 = tpu.memref_squeeze %dma_wait3A_1232 : memref<1x400xi32, #tpu.memory_space<hbm>> -> memref<400xi32, #tpu.memory_space<hbm>>
    %dma_wait3A_1234 = tpu.memref_slice %arg3[%dma_wait3A_1231, %add3A_1215] : memref<2x640000xi32, #tpu.memory_space<hbm>> -> memref<1x400xi32, #tpu.memory_space<hbm>>
    %dma_wait3A_1235 = tpu.memref_squeeze %dma_wait3A_1234 : memref<1x400xi32, #tpu.memory_space<hbm>> -> memref<400xi32, #tpu.memory_space<hbm>>
    tpu.wait_dma2 semaphore(%arg16 : memref<!tpu.dma_semaphore, #tpu.memory_space<semaphore_mem>>) src(%dma_wait3A_1235 : memref<400xi32, #tpu.memory_space<hbm>>) dst(%arg8 : memref<400xi32, #tpu.memory_space<vmem>>)
    %dma_start3A_1236 = arith.constant 0 : i32
    %dma_start3A_1237 = arith.constant 0 : i32
    %dma_start3A_1238 = tpu.memref_slice %arg2[%dma_start3A_1236, %dma_start3A_1237] : memref<10000x64xf32, #tpu.memory_space<hbm>> -> memref<10000x64xf32, #tpu.memory_space<hbm>>
    tpu.enqueue_indirect_dma source(%dma_start3A_1238 : memref<10000x64xf32, #tpu.memory_space<hbm>>) target(%arg10 : memref<400x64xf32, #tpu.memory_space<vmem>>) offsets(%arg6 : memref<400xi32, #tpu.memory_space<vmem>>) semaphore(%arg14 : memref<!tpu.dma_semaphore, #tpu.memory_space<semaphore_mem>>)
    %dma_wait3A_1239 = arith.constant 0 : i32
    %dma_wait3A_1240 = arith.constant 0 : i32
    %dma_wait3A_1241 = tpu.memref_slice %arg2[%dma_wait3A_1239, %dma_wait3A_1240] : memref<10000x64xf32, #tpu.memory_space<hbm>> -> memref<10000x64xf32, #tpu.memory_space<hbm>>
    tpu.wait_indirect_dma semaphore(%arg13 : memref<!tpu.dma_semaphore, #tpu.memory_space<semaphore_mem>>) src(%dma_wait3A_1241 : memref<10000x64xf32, #tpu.memory_space<hbm>>) dst(%arg9 : memref<400x64xf32, #tpu.memory_space<vmem>>)
    "tpu.region"() ({
      %run_scoped3A = tpu.sem_alloc : memref<!tpu.dma_semaphore, #tpu.memory_space<semaphore_mem>>
      %dma_start3A_1424 = arith.constant 0 : i32
      %dma_start3A_1425 = arith.constant 0 : i32
      %dma_start3A_1426 = tpu.memref_slice %arg12[%dma_start3A_1424, %dma_start3A_1425] : memref<10000x64xf32, #tpu.memory_space<vmem_shared>> -> memref<10000x64xf32, #tpu.memory_space<vmem_shared>>
      tpu.enqueue_indirect_dma source(%arg9 : memref<400x64xf32, #tpu.memory_space<vmem>>) target(%dma_start3A_1426 : memref<10000x64xf32, #tpu.memory_space<vmem_shared>>) offsets(%arg7 : memref<400xi32, #tpu.memory_space<vmem>>) semaphore(%run_scoped3A : memref<!tpu.dma_semaphore, #tpu.memory_space<semaphore_mem>>) {add = true}
      %dma_wait3A_1427 = arith.constant 0 : i32
      %dma_wait3A_1428 = arith.constant 0 : i32
      %dma_wait3A_1429 = tpu.memref_slice %arg12[%dma_wait3A_1427, %dma_wait3A_1428] : memref<10000x64xf32, #tpu.memory_space<vmem_shared>> -> memref<10000x64xf32, #tpu.memory_space<vmem_shared>>
      tpu.wait_indirect_dma semaphore(%run_scoped3A : memref<!tpu.dma_semaphore, #tpu.memory_space<semaphore_mem>>) src(%arg9 : memref<400x64xf32, #tpu.memory_space<vmem>>) dst(%dma_wait3A_1429 : memref<10000x64xf32, #tpu.memory_space<vmem_shared>>)
      tpu.yield
    }) : () -> ()
    %add3A_1242 = arith.constant 17600 : i32
    %add3A_1243 = arith.addi %mul3A_14, %add3A_1242 : i32
    %dma_start3A_1244 = arith.constant 0 : i32
    %dma_start3A_1245 = tpu.memref_slice %arg3[%dma_start3A_1244, %add3A_1243] : memref<2x640000xi32, #tpu.memory_space<hbm>> -> memref<1x400xi32, #tpu.memory_space<hbm>>
    %dma_start3A_1246 = tpu.memref_squeeze %dma_start3A_1245 : memref<1x400xi32, #tpu.memory_space<hbm>> -> memref<400xi32, #tpu.memory_space<hbm>>
    %dma_start3A_1247 = tpu.memref_slice %arg3[%dma_start3A_1244, %add3A_1243] : memref<2x640000xi32, #tpu.memory_space<hbm>> -> memref<1x400xi32, #tpu.memory_space<hbm>>
    %dma_start3A_1248 = tpu.memref_squeeze %dma_start3A_1247 : memref<1x400xi32, #tpu.memory_space<hbm>> -> memref<400xi32, #tpu.memory_space<hbm>>
    tpu.enqueue_dma source(%dma_start3A_1248 : memref<400xi32, #tpu.memory_space<hbm>>) target(%arg5 : memref<400xi32, #tpu.memory_space<vmem>>) target_semaphore(%arg15 : memref<!tpu.dma_semaphore, #tpu.memory_space<semaphore_mem>>)
    %dma_start3A_1249 = arith.constant 1 : i32
    %dma_start3A_1250 = tpu.memref_slice %arg3[%dma_start3A_1249, %add3A_1243] : memref<2x640000xi32, #tpu.memory_space<hbm>> -> memref<1x400xi32, #tpu.memory_space<hbm>>
    %dma_start3A_1251 = tpu.memref_squeeze %dma_start3A_1250 : memref<1x400xi32, #tpu.memory_space<hbm>> -> memref<400xi32, #tpu.memory_space<hbm>>
    %dma_start3A_1252 = tpu.memref_slice %arg3[%dma_start3A_1249, %add3A_1243] : memref<2x640000xi32, #tpu.memory_space<hbm>> -> memref<1x400xi32, #tpu.memory_space<hbm>>
    %dma_start3A_1253 = tpu.memref_squeeze %dma_start3A_1252 : memref<1x400xi32, #tpu.memory_space<hbm>> -> memref<400xi32, #tpu.memory_space<hbm>>
    tpu.enqueue_dma source(%dma_start3A_1253 : memref<400xi32, #tpu.memory_space<hbm>>) target(%arg7 : memref<400xi32, #tpu.memory_space<vmem>>) target_semaphore(%arg15 : memref<!tpu.dma_semaphore, #tpu.memory_space<semaphore_mem>>)
    %dma_wait3A_1254 = arith.constant 0 : i32
    %dma_wait3A_1255 = tpu.memref_slice %arg3[%dma_wait3A_1254, %add3A_1243] : memref<2x640000xi32, #tpu.memory_space<hbm>> -> memref<1x400xi32, #tpu.memory_space<hbm>>
    %dma_wait3A_1256 = tpu.memref_squeeze %dma_wait3A_1255 : memref<1x400xi32, #tpu.memory_space<hbm>> -> memref<400xi32, #tpu.memory_space<hbm>>
    %dma_wait3A_1257 = tpu.memref_slice %arg3[%dma_wait3A_1254, %add3A_1243] : memref<2x640000xi32, #tpu.memory_space<hbm>> -> memref<1x400xi32, #tpu.memory_space<hbm>>
    %dma_wait3A_1258 = tpu.memref_squeeze %dma_wait3A_1257 : memref<1x400xi32, #tpu.memory_space<hbm>> -> memref<400xi32, #tpu.memory_space<hbm>>
    tpu.wait_dma2 semaphore(%arg15 : memref<!tpu.dma_semaphore, #tpu.memory_space<semaphore_mem>>) src(%dma_wait3A_1258 : memref<400xi32, #tpu.memory_space<hbm>>) dst(%arg5 : memref<400xi32, #tpu.memory_space<vmem>>)
    %dma_wait3A_1259 = arith.constant 1 : i32
    %dma_wait3A_1260 = tpu.memref_slice %arg3[%dma_wait3A_1259, %add3A_1243] : memref<2x640000xi32, #tpu.memory_space<hbm>> -> memref<1x400xi32, #tpu.memory_space<hbm>>
    %dma_wait3A_1261 = tpu.memref_squeeze %dma_wait3A_1260 : memref<1x400xi32, #tpu.memory_space<hbm>> -> memref<400xi32, #tpu.memory_space<hbm>>
    %dma_wait3A_1262 = tpu.memref_slice %arg3[%dma_wait3A_1259, %add3A_1243] : memref<2x640000xi32, #tpu.memory_space<hbm>> -> memref<1x400xi32, #tpu.memory_space<hbm>>
    %dma_wait3A_1263 = tpu.memref_squeeze %dma_wait3A_1262 : memref<1x400xi32, #tpu.memory_space<hbm>> -> memref<400xi32, #tpu.memory_space<hbm>>
    tpu.wait_dma2 semaphore(%arg15 : memref<!tpu.dma_semaphore, #tpu.memory_space<semaphore_mem>>) src(%dma_wait3A_1263 : memref<400xi32, #tpu.memory_space<hbm>>) dst(%arg7 : memref<400xi32, #tpu.memory_space<vmem>>)
    %dma_start3A_1264 = arith.constant 0 : i32
    %dma_start3A_1265 = arith.constant 0 : i32
    %dma_start3A_1266 = tpu.memref_slice %arg2[%dma_start3A_1264, %dma_start3A_1265] : memref<10000x64xf32, #tpu.memory_space<hbm>> -> memref<10000x64xf32, #tpu.memory_space<hbm>>
    tpu.enqueue_indirect_dma source(%dma_start3A_1266 : memref<10000x64xf32, #tpu.memory_space<hbm>>) target(%arg9 : memref<400x64xf32, #tpu.memory_space<vmem>>) offsets(%arg5 : memref<400xi32, #tpu.memory_space<vmem>>) semaphore(%arg13 : memref<!tpu.dma_semaphore, #tpu.memory_space<semaphore_mem>>)
    %dma_wait3A_1267 = arith.constant 0 : i32
    %dma_wait3A_1268 = arith.constant 0 : i32
    %dma_wait3A_1269 = tpu.memref_slice %arg2[%dma_wait3A_1267, %dma_wait3A_1268] : memref<10000x64xf32, #tpu.memory_space<hbm>> -> memref<10000x64xf32, #tpu.memory_space<hbm>>
    tpu.wait_indirect_dma semaphore(%arg14 : memref<!tpu.dma_semaphore, #tpu.memory_space<semaphore_mem>>) src(%dma_wait3A_1269 : memref<10000x64xf32, #tpu.memory_space<hbm>>) dst(%arg10 : memref<400x64xf32, #tpu.memory_space<vmem>>)
    "tpu.region"() ({
      %run_scoped3A = tpu.sem_alloc : memref<!tpu.dma_semaphore, #tpu.memory_space<semaphore_mem>>
      %dma_start3A_1424 = arith.constant 0 : i32
      %dma_start3A_1425 = arith.constant 0 : i32
      %dma_start3A_1426 = tpu.memref_slice %arg12[%dma_start3A_1424, %dma_start3A_1425] : memref<10000x64xf32, #tpu.memory_space<vmem_shared>> -> memref<10000x64xf32, #tpu.memory_space<vmem_shared>>
      tpu.enqueue_indirect_dma source(%arg10 : memref<400x64xf32, #tpu.memory_space<vmem>>) target(%dma_start3A_1426 : memref<10000x64xf32, #tpu.memory_space<vmem_shared>>) offsets(%arg8 : memref<400xi32, #tpu.memory_space<vmem>>) semaphore(%run_scoped3A : memref<!tpu.dma_semaphore, #tpu.memory_space<semaphore_mem>>) {add = true}
      %dma_wait3A_1427 = arith.constant 0 : i32
      %dma_wait3A_1428 = arith.constant 0 : i32
      %dma_wait3A_1429 = tpu.memref_slice %arg12[%dma_wait3A_1427, %dma_wait3A_1428] : memref<10000x64xf32, #tpu.memory_space<vmem_shared>> -> memref<10000x64xf32, #tpu.memory_space<vmem_shared>>
      tpu.wait_indirect_dma semaphore(%run_scoped3A : memref<!tpu.dma_semaphore, #tpu.memory_space<semaphore_mem>>) src(%arg10 : memref<400x64xf32, #tpu.memory_space<vmem>>) dst(%dma_wait3A_1429 : memref<10000x64xf32, #tpu.memory_space<vmem_shared>>)
      tpu.yield
    }) : () -> ()
    %add3A_1270 = arith.constant 18000 : i32
    %add3A_1271 = arith.addi %mul3A_14, %add3A_1270 : i32
    %dma_start3A_1272 = arith.constant 0 : i32
    %dma_start3A_1273 = tpu.memref_slice %arg3[%dma_start3A_1272, %add3A_1271] : memref<2x640000xi32, #tpu.memory_space<hbm>> -> memref<1x400xi32, #tpu.memory_space<hbm>>
    %dma_start3A_1274 = tpu.memref_squeeze %dma_start3A_1273 : memref<1x400xi32, #tpu.memory_space<hbm>> -> memref<400xi32, #tpu.memory_space<hbm>>
    %dma_start3A_1275 = tpu.memref_slice %arg3[%dma_start3A_1272, %add3A_1271] : memref<2x640000xi32, #tpu.memory_space<hbm>> -> memref<1x400xi32, #tpu.memory_space<hbm>>
    %dma_start3A_1276 = tpu.memref_squeeze %dma_start3A_1275 : memref<1x400xi32, #tpu.memory_space<hbm>> -> memref<400xi32, #tpu.memory_space<hbm>>
    tpu.enqueue_dma source(%dma_start3A_1276 : memref<400xi32, #tpu.memory_space<hbm>>) target(%arg6 : memref<400xi32, #tpu.memory_space<vmem>>) target_semaphore(%arg16 : memref<!tpu.dma_semaphore, #tpu.memory_space<semaphore_mem>>)
    %dma_start3A_1277 = arith.constant 1 : i32
    %dma_start3A_1278 = tpu.memref_slice %arg3[%dma_start3A_1277, %add3A_1271] : memref<2x640000xi32, #tpu.memory_space<hbm>> -> memref<1x400xi32, #tpu.memory_space<hbm>>
    %dma_start3A_1279 = tpu.memref_squeeze %dma_start3A_1278 : memref<1x400xi32, #tpu.memory_space<hbm>> -> memref<400xi32, #tpu.memory_space<hbm>>
    %dma_start3A_1280 = tpu.memref_slice %arg3[%dma_start3A_1277, %add3A_1271] : memref<2x640000xi32, #tpu.memory_space<hbm>> -> memref<1x400xi32, #tpu.memory_space<hbm>>
    %dma_start3A_1281 = tpu.memref_squeeze %dma_start3A_1280 : memref<1x400xi32, #tpu.memory_space<hbm>> -> memref<400xi32, #tpu.memory_space<hbm>>
    tpu.enqueue_dma source(%dma_start3A_1281 : memref<400xi32, #tpu.memory_space<hbm>>) target(%arg8 : memref<400xi32, #tpu.memory_space<vmem>>) target_semaphore(%arg16 : memref<!tpu.dma_semaphore, #tpu.memory_space<semaphore_mem>>)
    %dma_wait3A_1282 = arith.constant 0 : i32
    %dma_wait3A_1283 = tpu.memref_slice %arg3[%dma_wait3A_1282, %add3A_1271] : memref<2x640000xi32, #tpu.memory_space<hbm>> -> memref<1x400xi32, #tpu.memory_space<hbm>>
    %dma_wait3A_1284 = tpu.memref_squeeze %dma_wait3A_1283 : memref<1x400xi32, #tpu.memory_space<hbm>> -> memref<400xi32, #tpu.memory_space<hbm>>
    %dma_wait3A_1285 = tpu.memref_slice %arg3[%dma_wait3A_1282, %add3A_1271] : memref<2x640000xi32, #tpu.memory_space<hbm>> -> memref<1x400xi32, #tpu.memory_space<hbm>>
    %dma_wait3A_1286 = tpu.memref_squeeze %dma_wait3A_1285 : memref<1x400xi32, #tpu.memory_space<hbm>> -> memref<400xi32, #tpu.memory_space<hbm>>
    tpu.wait_dma2 semaphore(%arg16 : memref<!tpu.dma_semaphore, #tpu.memory_space<semaphore_mem>>) src(%dma_wait3A_1286 : memref<400xi32, #tpu.memory_space<hbm>>) dst(%arg6 : memref<400xi32, #tpu.memory_space<vmem>>)
    %dma_wait3A_1287 = arith.constant 1 : i32
    %dma_wait3A_1288 = tpu.memref_slice %arg3[%dma_wait3A_1287, %add3A_1271] : memref<2x640000xi32, #tpu.memory_space<hbm>> -> memref<1x400xi32, #tpu.memory_space<hbm>>
    %dma_wait3A_1289 = tpu.memref_squeeze %dma_wait3A_1288 : memref<1x400xi32, #tpu.memory_space<hbm>> -> memref<400xi32, #tpu.memory_space<hbm>>
    %dma_wait3A_1290 = tpu.memref_slice %arg3[%dma_wait3A_1287, %add3A_1271] : memref<2x640000xi32, #tpu.memory_space<hbm>> -> memref<1x400xi32, #tpu.memory_space<hbm>>
    %dma_wait3A_1291 = tpu.memref_squeeze %dma_wait3A_1290 : memref<1x400xi32, #tpu.memory_space<hbm>> -> memref<400xi32, #tpu.memory_space<hbm>>
    tpu.wait_dma2 semaphore(%arg16 : memref<!tpu.dma_semaphore, #tpu.memory_space<semaphore_mem>>) src(%dma_wait3A_1291 : memref<400xi32, #tpu.memory_space<hbm>>) dst(%arg8 : memref<400xi32, #tpu.memory_space<vmem>>)
    %dma_start3A_1292 = arith.constant 0 : i32
    %dma_start3A_1293 = arith.constant 0 : i32
    %dma_start3A_1294 = tpu.memref_slice %arg2[%dma_start3A_1292, %dma_start3A_1293] : memref<10000x64xf32, #tpu.memory_space<hbm>> -> memref<10000x64xf32, #tpu.memory_space<hbm>>
    tpu.enqueue_indirect_dma source(%dma_start3A_1294 : memref<10000x64xf32, #tpu.memory_space<hbm>>) target(%arg10 : memref<400x64xf32, #tpu.memory_space<vmem>>) offsets(%arg6 : memref<400xi32, #tpu.memory_space<vmem>>) semaphore(%arg14 : memref<!tpu.dma_semaphore, #tpu.memory_space<semaphore_mem>>)
    %dma_wait3A_1295 = arith.constant 0 : i32
    %dma_wait3A_1296 = arith.constant 0 : i32
    %dma_wait3A_1297 = tpu.memref_slice %arg2[%dma_wait3A_1295, %dma_wait3A_1296] : memref<10000x64xf32, #tpu.memory_space<hbm>> -> memref<10000x64xf32, #tpu.memory_space<hbm>>
    tpu.wait_indirect_dma semaphore(%arg13 : memref<!tpu.dma_semaphore, #tpu.memory_space<semaphore_mem>>) src(%dma_wait3A_1297 : memref<10000x64xf32, #tpu.memory_space<hbm>>) dst(%arg9 : memref<400x64xf32, #tpu.memory_space<vmem>>)
    "tpu.region"() ({
      %run_scoped3A = tpu.sem_alloc : memref<!tpu.dma_semaphore, #tpu.memory_space<semaphore_mem>>
      %dma_start3A_1424 = arith.constant 0 : i32
      %dma_start3A_1425 = arith.constant 0 : i32
      %dma_start3A_1426 = tpu.memref_slice %arg12[%dma_start3A_1424, %dma_start3A_1425] : memref<10000x64xf32, #tpu.memory_space<vmem_shared>> -> memref<10000x64xf32, #tpu.memory_space<vmem_shared>>
      tpu.enqueue_indirect_dma source(%arg9 : memref<400x64xf32, #tpu.memory_space<vmem>>) target(%dma_start3A_1426 : memref<10000x64xf32, #tpu.memory_space<vmem_shared>>) offsets(%arg7 : memref<400xi32, #tpu.memory_space<vmem>>) semaphore(%run_scoped3A : memref<!tpu.dma_semaphore, #tpu.memory_space<semaphore_mem>>) {add = true}
      %dma_wait3A_1427 = arith.constant 0 : i32
      %dma_wait3A_1428 = arith.constant 0 : i32
      %dma_wait3A_1429 = tpu.memref_slice %arg12[%dma_wait3A_1427, %dma_wait3A_1428] : memref<10000x64xf32, #tpu.memory_space<vmem_shared>> -> memref<10000x64xf32, #tpu.memory_space<vmem_shared>>
      tpu.wait_indirect_dma semaphore(%run_scoped3A : memref<!tpu.dma_semaphore, #tpu.memory_space<semaphore_mem>>) src(%arg9 : memref<400x64xf32, #tpu.memory_space<vmem>>) dst(%dma_wait3A_1429 : memref<10000x64xf32, #tpu.memory_space<vmem_shared>>)
      tpu.yield
    }) : () -> ()
    %add3A_1298 = arith.constant 18400 : i32
    %add3A_1299 = arith.addi %mul3A_14, %add3A_1298 : i32
    %dma_start3A_1300 = arith.constant 0 : i32
    %dma_start3A_1301 = tpu.memref_slice %arg3[%dma_start3A_1300, %add3A_1299] : memref<2x640000xi32, #tpu.memory_space<hbm>> -> memref<1x400xi32, #tpu.memory_space<hbm>>
    %dma_start3A_1302 = tpu.memref_squeeze %dma_start3A_1301 : memref<1x400xi32, #tpu.memory_space<hbm>> -> memref<400xi32, #tpu.memory_space<hbm>>
    %dma_start3A_1303 = tpu.memref_slice %arg3[%dma_start3A_1300, %add3A_1299] : memref<2x640000xi32, #tpu.memory_space<hbm>> -> memref<1x400xi32, #tpu.memory_space<hbm>>
    %dma_start3A_1304 = tpu.memref_squeeze %dma_start3A_1303 : memref<1x400xi32, #tpu.memory_space<hbm>> -> memref<400xi32, #tpu.memory_space<hbm>>
    tpu.enqueue_dma source(%dma_start3A_1304 : memref<400xi32, #tpu.memory_space<hbm>>) target(%arg5 : memref<400xi32, #tpu.memory_space<vmem>>) target_semaphore(%arg15 : memref<!tpu.dma_semaphore, #tpu.memory_space<semaphore_mem>>)
    %dma_start3A_1305 = arith.constant 1 : i32
    %dma_start3A_1306 = tpu.memref_slice %arg3[%dma_start3A_1305, %add3A_1299] : memref<2x640000xi32, #tpu.memory_space<hbm>> -> memref<1x400xi32, #tpu.memory_space<hbm>>
    %dma_start3A_1307 = tpu.memref_squeeze %dma_start3A_1306 : memref<1x400xi32, #tpu.memory_space<hbm>> -> memref<400xi32, #tpu.memory_space<hbm>>
    %dma_start3A_1308 = tpu.memref_slice %arg3[%dma_start3A_1305, %add3A_1299] : memref<2x640000xi32, #tpu.memory_space<hbm>> -> memref<1x400xi32, #tpu.memory_space<hbm>>
    %dma_start3A_1309 = tpu.memref_squeeze %dma_start3A_1308 : memref<1x400xi32, #tpu.memory_space<hbm>> -> memref<400xi32, #tpu.memory_space<hbm>>
    tpu.enqueue_dma source(%dma_start3A_1309 : memref<400xi32, #tpu.memory_space<hbm>>) target(%arg7 : memref<400xi32, #tpu.memory_space<vmem>>) target_semaphore(%arg15 : memref<!tpu.dma_semaphore, #tpu.memory_space<semaphore_mem>>)
    %dma_wait3A_1310 = arith.constant 0 : i32
    %dma_wait3A_1311 = tpu.memref_slice %arg3[%dma_wait3A_1310, %add3A_1299] : memref<2x640000xi32, #tpu.memory_space<hbm>> -> memref<1x400xi32, #tpu.memory_space<hbm>>
    %dma_wait3A_1312 = tpu.memref_squeeze %dma_wait3A_1311 : memref<1x400xi32, #tpu.memory_space<hbm>> -> memref<400xi32, #tpu.memory_space<hbm>>
    %dma_wait3A_1313 = tpu.memref_slice %arg3[%dma_wait3A_1310, %add3A_1299] : memref<2x640000xi32, #tpu.memory_space<hbm>> -> memref<1x400xi32, #tpu.memory_space<hbm>>
    %dma_wait3A_1314 = tpu.memref_squeeze %dma_wait3A_1313 : memref<1x400xi32, #tpu.memory_space<hbm>> -> memref<400xi32, #tpu.memory_space<hbm>>
    tpu.wait_dma2 semaphore(%arg15 : memref<!tpu.dma_semaphore, #tpu.memory_space<semaphore_mem>>) src(%dma_wait3A_1314 : memref<400xi32, #tpu.memory_space<hbm>>) dst(%arg5 : memref<400xi32, #tpu.memory_space<vmem>>)
    %dma_wait3A_1315 = arith.constant 1 : i32
    %dma_wait3A_1316 = tpu.memref_slice %arg3[%dma_wait3A_1315, %add3A_1299] : memref<2x640000xi32, #tpu.memory_space<hbm>> -> memref<1x400xi32, #tpu.memory_space<hbm>>
    %dma_wait3A_1317 = tpu.memref_squeeze %dma_wait3A_1316 : memref<1x400xi32, #tpu.memory_space<hbm>> -> memref<400xi32, #tpu.memory_space<hbm>>
    %dma_wait3A_1318 = tpu.memref_slice %arg3[%dma_wait3A_1315, %add3A_1299] : memref<2x640000xi32, #tpu.memory_space<hbm>> -> memref<1x400xi32, #tpu.memory_space<hbm>>
    %dma_wait3A_1319 = tpu.memref_squeeze %dma_wait3A_1318 : memref<1x400xi32, #tpu.memory_space<hbm>> -> memref<400xi32, #tpu.memory_space<hbm>>
    tpu.wait_dma2 semaphore(%arg15 : memref<!tpu.dma_semaphore, #tpu.memory_space<semaphore_mem>>) src(%dma_wait3A_1319 : memref<400xi32, #tpu.memory_space<hbm>>) dst(%arg7 : memref<400xi32, #tpu.memory_space<vmem>>)
    %dma_start3A_1320 = arith.constant 0 : i32
    %dma_start3A_1321 = arith.constant 0 : i32
    %dma_start3A_1322 = tpu.memref_slice %arg2[%dma_start3A_1320, %dma_start3A_1321] : memref<10000x64xf32, #tpu.memory_space<hbm>> -> memref<10000x64xf32, #tpu.memory_space<hbm>>
    tpu.enqueue_indirect_dma source(%dma_start3A_1322 : memref<10000x64xf32, #tpu.memory_space<hbm>>) target(%arg9 : memref<400x64xf32, #tpu.memory_space<vmem>>) offsets(%arg5 : memref<400xi32, #tpu.memory_space<vmem>>) semaphore(%arg13 : memref<!tpu.dma_semaphore, #tpu.memory_space<semaphore_mem>>)
    %dma_wait3A_1323 = arith.constant 0 : i32
    %dma_wait3A_1324 = arith.constant 0 : i32
    %dma_wait3A_1325 = tpu.memref_slice %arg2[%dma_wait3A_1323, %dma_wait3A_1324] : memref<10000x64xf32, #tpu.memory_space<hbm>> -> memref<10000x64xf32, #tpu.memory_space<hbm>>
    tpu.wait_indirect_dma semaphore(%arg14 : memref<!tpu.dma_semaphore, #tpu.memory_space<semaphore_mem>>) src(%dma_wait3A_1325 : memref<10000x64xf32, #tpu.memory_space<hbm>>) dst(%arg10 : memref<400x64xf32, #tpu.memory_space<vmem>>)
    "tpu.region"() ({
      %run_scoped3A = tpu.sem_alloc : memref<!tpu.dma_semaphore, #tpu.memory_space<semaphore_mem>>
      %dma_start3A_1424 = arith.constant 0 : i32
      %dma_start3A_1425 = arith.constant 0 : i32
      %dma_start3A_1426 = tpu.memref_slice %arg12[%dma_start3A_1424, %dma_start3A_1425] : memref<10000x64xf32, #tpu.memory_space<vmem_shared>> -> memref<10000x64xf32, #tpu.memory_space<vmem_shared>>
      tpu.enqueue_indirect_dma source(%arg10 : memref<400x64xf32, #tpu.memory_space<vmem>>) target(%dma_start3A_1426 : memref<10000x64xf32, #tpu.memory_space<vmem_shared>>) offsets(%arg8 : memref<400xi32, #tpu.memory_space<vmem>>) semaphore(%run_scoped3A : memref<!tpu.dma_semaphore, #tpu.memory_space<semaphore_mem>>) {add = true}
      %dma_wait3A_1427 = arith.constant 0 : i32
      %dma_wait3A_1428 = arith.constant 0 : i32
      %dma_wait3A_1429 = tpu.memref_slice %arg12[%dma_wait3A_1427, %dma_wait3A_1428] : memref<10000x64xf32, #tpu.memory_space<vmem_shared>> -> memref<10000x64xf32, #tpu.memory_space<vmem_shared>>
      tpu.wait_indirect_dma semaphore(%run_scoped3A : memref<!tpu.dma_semaphore, #tpu.memory_space<semaphore_mem>>) src(%arg10 : memref<400x64xf32, #tpu.memory_space<vmem>>) dst(%dma_wait3A_1429 : memref<10000x64xf32, #tpu.memory_space<vmem_shared>>)
      tpu.yield
    }) : () -> ()
    %add3A_1326 = arith.constant 18800 : i32
    %add3A_1327 = arith.addi %mul3A_14, %add3A_1326 : i32
    %dma_start3A_1328 = arith.constant 0 : i32
    %dma_start3A_1329 = tpu.memref_slice %arg3[%dma_start3A_1328, %add3A_1327] : memref<2x640000xi32, #tpu.memory_space<hbm>> -> memref<1x400xi32, #tpu.memory_space<hbm>>
    %dma_start3A_1330 = tpu.memref_squeeze %dma_start3A_1329 : memref<1x400xi32, #tpu.memory_space<hbm>> -> memref<400xi32, #tpu.memory_space<hbm>>
    %dma_start3A_1331 = tpu.memref_slice %arg3[%dma_start3A_1328, %add3A_1327] : memref<2x640000xi32, #tpu.memory_space<hbm>> -> memref<1x400xi32, #tpu.memory_space<hbm>>
    %dma_start3A_1332 = tpu.memref_squeeze %dma_start3A_1331 : memref<1x400xi32, #tpu.memory_space<hbm>> -> memref<400xi32, #tpu.memory_space<hbm>>
    tpu.enqueue_dma source(%dma_start3A_1332 : memref<400xi32, #tpu.memory_space<hbm>>) target(%arg6 : memref<400xi32, #tpu.memory_space<vmem>>) target_semaphore(%arg16 : memref<!tpu.dma_semaphore, #tpu.memory_space<semaphore_mem>>)
    %dma_start3A_1333 = arith.constant 1 : i32
    %dma_start3A_1334 = tpu.memref_slice %arg3[%dma_start3A_1333, %add3A_1327] : memref<2x640000xi32, #tpu.memory_space<hbm>> -> memref<1x400xi32, #tpu.memory_space<hbm>>
    %dma_start3A_1335 = tpu.memref_squeeze %dma_start3A_1334 : memref<1x400xi32, #tpu.memory_space<hbm>> -> memref<400xi32, #tpu.memory_space<hbm>>
    %dma_start3A_1336 = tpu.memref_slice %arg3[%dma_start3A_1333, %add3A_1327] : memref<2x640000xi32, #tpu.memory_space<hbm>> -> memref<1x400xi32, #tpu.memory_space<hbm>>
    %dma_start3A_1337 = tpu.memref_squeeze %dma_start3A_1336 : memref<1x400xi32, #tpu.memory_space<hbm>> -> memref<400xi32, #tpu.memory_space<hbm>>
    tpu.enqueue_dma source(%dma_start3A_1337 : memref<400xi32, #tpu.memory_space<hbm>>) target(%arg8 : memref<400xi32, #tpu.memory_space<vmem>>) target_semaphore(%arg16 : memref<!tpu.dma_semaphore, #tpu.memory_space<semaphore_mem>>)
    %dma_wait3A_1338 = arith.constant 0 : i32
    %dma_wait3A_1339 = tpu.memref_slice %arg3[%dma_wait3A_1338, %add3A_1327] : memref<2x640000xi32, #tpu.memory_space<hbm>> -> memref<1x400xi32, #tpu.memory_space<hbm>>
    %dma_wait3A_1340 = tpu.memref_squeeze %dma_wait3A_1339 : memref<1x400xi32, #tpu.memory_space<hbm>> -> memref<400xi32, #tpu.memory_space<hbm>>
    %dma_wait3A_1341 = tpu.memref_slice %arg3[%dma_wait3A_1338, %add3A_1327] : memref<2x640000xi32, #tpu.memory_space<hbm>> -> memref<1x400xi32, #tpu.memory_space<hbm>>
    %dma_wait3A_1342 = tpu.memref_squeeze %dma_wait3A_1341 : memref<1x400xi32, #tpu.memory_space<hbm>> -> memref<400xi32, #tpu.memory_space<hbm>>
    tpu.wait_dma2 semaphore(%arg16 : memref<!tpu.dma_semaphore, #tpu.memory_space<semaphore_mem>>) src(%dma_wait3A_1342 : memref<400xi32, #tpu.memory_space<hbm>>) dst(%arg6 : memref<400xi32, #tpu.memory_space<vmem>>)
    %dma_wait3A_1343 = arith.constant 1 : i32
    %dma_wait3A_1344 = tpu.memref_slice %arg3[%dma_wait3A_1343, %add3A_1327] : memref<2x640000xi32, #tpu.memory_space<hbm>> -> memref<1x400xi32, #tpu.memory_space<hbm>>
    %dma_wait3A_1345 = tpu.memref_squeeze %dma_wait3A_1344 : memref<1x400xi32, #tpu.memory_space<hbm>> -> memref<400xi32, #tpu.memory_space<hbm>>
    %dma_wait3A_1346 = tpu.memref_slice %arg3[%dma_wait3A_1343, %add3A_1327] : memref<2x640000xi32, #tpu.memory_space<hbm>> -> memref<1x400xi32, #tpu.memory_space<hbm>>
    %dma_wait3A_1347 = tpu.memref_squeeze %dma_wait3A_1346 : memref<1x400xi32, #tpu.memory_space<hbm>> -> memref<400xi32, #tpu.memory_space<hbm>>
    tpu.wait_dma2 semaphore(%arg16 : memref<!tpu.dma_semaphore, #tpu.memory_space<semaphore_mem>>) src(%dma_wait3A_1347 : memref<400xi32, #tpu.memory_space<hbm>>) dst(%arg8 : memref<400xi32, #tpu.memory_space<vmem>>)
    %dma_start3A_1348 = arith.constant 0 : i32
    %dma_start3A_1349 = arith.constant 0 : i32
    %dma_start3A_1350 = tpu.memref_slice %arg2[%dma_start3A_1348, %dma_start3A_1349] : memref<10000x64xf32, #tpu.memory_space<hbm>> -> memref<10000x64xf32, #tpu.memory_space<hbm>>
    tpu.enqueue_indirect_dma source(%dma_start3A_1350 : memref<10000x64xf32, #tpu.memory_space<hbm>>) target(%arg10 : memref<400x64xf32, #tpu.memory_space<vmem>>) offsets(%arg6 : memref<400xi32, #tpu.memory_space<vmem>>) semaphore(%arg14 : memref<!tpu.dma_semaphore, #tpu.memory_space<semaphore_mem>>)
    %dma_wait3A_1351 = arith.constant 0 : i32
    %dma_wait3A_1352 = arith.constant 0 : i32
    %dma_wait3A_1353 = tpu.memref_slice %arg2[%dma_wait3A_1351, %dma_wait3A_1352] : memref<10000x64xf32, #tpu.memory_space<hbm>> -> memref<10000x64xf32, #tpu.memory_space<hbm>>
    tpu.wait_indirect_dma semaphore(%arg13 : memref<!tpu.dma_semaphore, #tpu.memory_space<semaphore_mem>>) src(%dma_wait3A_1353 : memref<10000x64xf32, #tpu.memory_space<hbm>>) dst(%arg9 : memref<400x64xf32, #tpu.memory_space<vmem>>)
    "tpu.region"() ({
      %run_scoped3A = tpu.sem_alloc : memref<!tpu.dma_semaphore, #tpu.memory_space<semaphore_mem>>
      %dma_start3A_1424 = arith.constant 0 : i32
      %dma_start3A_1425 = arith.constant 0 : i32
      %dma_start3A_1426 = tpu.memref_slice %arg12[%dma_start3A_1424, %dma_start3A_1425] : memref<10000x64xf32, #tpu.memory_space<vmem_shared>> -> memref<10000x64xf32, #tpu.memory_space<vmem_shared>>
      tpu.enqueue_indirect_dma source(%arg9 : memref<400x64xf32, #tpu.memory_space<vmem>>) target(%dma_start3A_1426 : memref<10000x64xf32, #tpu.memory_space<vmem_shared>>) offsets(%arg7 : memref<400xi32, #tpu.memory_space<vmem>>) semaphore(%run_scoped3A : memref<!tpu.dma_semaphore, #tpu.memory_space<semaphore_mem>>) {add = true}
      %dma_wait3A_1427 = arith.constant 0 : i32
      %dma_wait3A_1428 = arith.constant 0 : i32
      %dma_wait3A_1429 = tpu.memref_slice %arg12[%dma_wait3A_1427, %dma_wait3A_1428] : memref<10000x64xf32, #tpu.memory_space<vmem_shared>> -> memref<10000x64xf32, #tpu.memory_space<vmem_shared>>
      tpu.wait_indirect_dma semaphore(%run_scoped3A : memref<!tpu.dma_semaphore, #tpu.memory_space<semaphore_mem>>) src(%arg9 : memref<400x64xf32, #tpu.memory_space<vmem>>) dst(%dma_wait3A_1429 : memref<10000x64xf32, #tpu.memory_space<vmem_shared>>)
      tpu.yield
    }) : () -> ()
    %add3A_1354 = arith.constant 19200 : i32
    %add3A_1355 = arith.addi %mul3A_14, %add3A_1354 : i32
    %dma_start3A_1356 = arith.constant 0 : i32
    %dma_start3A_1357 = tpu.memref_slice %arg3[%dma_start3A_1356, %add3A_1355] : memref<2x640000xi32, #tpu.memory_space<hbm>> -> memref<1x400xi32, #tpu.memory_space<hbm>>
    %dma_start3A_1358 = tpu.memref_squeeze %dma_start3A_1357 : memref<1x400xi32, #tpu.memory_space<hbm>> -> memref<400xi32, #tpu.memory_space<hbm>>
    %dma_start3A_1359 = tpu.memref_slice %arg3[%dma_start3A_1356, %add3A_1355] : memref<2x640000xi32, #tpu.memory_space<hbm>> -> memref<1x400xi32, #tpu.memory_space<hbm>>
    %dma_start3A_1360 = tpu.memref_squeeze %dma_start3A_1359 : memref<1x400xi32, #tpu.memory_space<hbm>> -> memref<400xi32, #tpu.memory_space<hbm>>
    tpu.enqueue_dma source(%dma_start3A_1360 : memref<400xi32, #tpu.memory_space<hbm>>) target(%arg5 : memref<400xi32, #tpu.memory_space<vmem>>) target_semaphore(%arg15 : memref<!tpu.dma_semaphore, #tpu.memory_space<semaphore_mem>>)
    %dma_start3A_1361 = arith.constant 1 : i32
    %dma_start3A_1362 = tpu.memref_slice %arg3[%dma_start3A_1361, %add3A_1355] : memref<2x640000xi32, #tpu.memory_space<hbm>> -> memref<1x400xi32, #tpu.memory_space<hbm>>
    %dma_start3A_1363 = tpu.memref_squeeze %dma_start3A_1362 : memref<1x400xi32, #tpu.memory_space<hbm>> -> memref<400xi32, #tpu.memory_space<hbm>>
    %dma_start3A_1364 = tpu.memref_slice %arg3[%dma_start3A_1361, %add3A_1355] : memref<2x640000xi32, #tpu.memory_space<hbm>> -> memref<1x400xi32, #tpu.memory_space<hbm>>
    %dma_start3A_1365 = tpu.memref_squeeze %dma_start3A_1364 : memref<1x400xi32, #tpu.memory_space<hbm>> -> memref<400xi32, #tpu.memory_space<hbm>>
    tpu.enqueue_dma source(%dma_start3A_1365 : memref<400xi32, #tpu.memory_space<hbm>>) target(%arg7 : memref<400xi32, #tpu.memory_space<vmem>>) target_semaphore(%arg15 : memref<!tpu.dma_semaphore, #tpu.memory_space<semaphore_mem>>)
    %dma_wait3A_1366 = arith.constant 0 : i32
    %dma_wait3A_1367 = tpu.memref_slice %arg3[%dma_wait3A_1366, %add3A_1355] : memref<2x640000xi32, #tpu.memory_space<hbm>> -> memref<1x400xi32, #tpu.memory_space<hbm>>
    %dma_wait3A_1368 = tpu.memref_squeeze %dma_wait3A_1367 : memref<1x400xi32, #tpu.memory_space<hbm>> -> memref<400xi32, #tpu.memory_space<hbm>>
    %dma_wait3A_1369 = tpu.memref_slice %arg3[%dma_wait3A_1366, %add3A_1355] : memref<2x640000xi32, #tpu.memory_space<hbm>> -> memref<1x400xi32, #tpu.memory_space<hbm>>
    %dma_wait3A_1370 = tpu.memref_squeeze %dma_wait3A_1369 : memref<1x400xi32, #tpu.memory_space<hbm>> -> memref<400xi32, #tpu.memory_space<hbm>>
    tpu.wait_dma2 semaphore(%arg15 : memref<!tpu.dma_semaphore, #tpu.memory_space<semaphore_mem>>) src(%dma_wait3A_1370 : memref<400xi32, #tpu.memory_space<hbm>>) dst(%arg5 : memref<400xi32, #tpu.memory_space<vmem>>)
    %dma_wait3A_1371 = arith.constant 1 : i32
    %dma_wait3A_1372 = tpu.memref_slice %arg3[%dma_wait3A_1371, %add3A_1355] : memref<2x640000xi32, #tpu.memory_space<hbm>> -> memref<1x400xi32, #tpu.memory_space<hbm>>
    %dma_wait3A_1373 = tpu.memref_squeeze %dma_wait3A_1372 : memref<1x400xi32, #tpu.memory_space<hbm>> -> memref<400xi32, #tpu.memory_space<hbm>>
    %dma_wait3A_1374 = tpu.memref_slice %arg3[%dma_wait3A_1371, %add3A_1355] : memref<2x640000xi32, #tpu.memory_space<hbm>> -> memref<1x400xi32, #tpu.memory_space<hbm>>
    %dma_wait3A_1375 = tpu.memref_squeeze %dma_wait3A_1374 : memref<1x400xi32, #tpu.memory_space<hbm>> -> memref<400xi32, #tpu.memory_space<hbm>>
    tpu.wait_dma2 semaphore(%arg15 : memref<!tpu.dma_semaphore, #tpu.memory_space<semaphore_mem>>) src(%dma_wait3A_1375 : memref<400xi32, #tpu.memory_space<hbm>>) dst(%arg7 : memref<400xi32, #tpu.memory_space<vmem>>)
    %dma_start3A_1376 = arith.constant 0 : i32
    %dma_start3A_1377 = arith.constant 0 : i32
    %dma_start3A_1378 = tpu.memref_slice %arg2[%dma_start3A_1376, %dma_start3A_1377] : memref<10000x64xf32, #tpu.memory_space<hbm>> -> memref<10000x64xf32, #tpu.memory_space<hbm>>
    tpu.enqueue_indirect_dma source(%dma_start3A_1378 : memref<10000x64xf32, #tpu.memory_space<hbm>>) target(%arg9 : memref<400x64xf32, #tpu.memory_space<vmem>>) offsets(%arg5 : memref<400xi32, #tpu.memory_space<vmem>>) semaphore(%arg13 : memref<!tpu.dma_semaphore, #tpu.memory_space<semaphore_mem>>)
    %dma_wait3A_1379 = arith.constant 0 : i32
    %dma_wait3A_1380 = arith.constant 0 : i32
    %dma_wait3A_1381 = tpu.memref_slice %arg2[%dma_wait3A_1379, %dma_wait3A_1380] : memref<10000x64xf32, #tpu.memory_space<hbm>> -> memref<10000x64xf32, #tpu.memory_space<hbm>>
    tpu.wait_indirect_dma semaphore(%arg14 : memref<!tpu.dma_semaphore, #tpu.memory_space<semaphore_mem>>) src(%dma_wait3A_1381 : memref<10000x64xf32, #tpu.memory_space<hbm>>) dst(%arg10 : memref<400x64xf32, #tpu.memory_space<vmem>>)
    "tpu.region"() ({
      %run_scoped3A = tpu.sem_alloc : memref<!tpu.dma_semaphore, #tpu.memory_space<semaphore_mem>>
      %dma_start3A_1424 = arith.constant 0 : i32
      %dma_start3A_1425 = arith.constant 0 : i32
      %dma_start3A_1426 = tpu.memref_slice %arg12[%dma_start3A_1424, %dma_start3A_1425] : memref<10000x64xf32, #tpu.memory_space<vmem_shared>> -> memref<10000x64xf32, #tpu.memory_space<vmem_shared>>
      tpu.enqueue_indirect_dma source(%arg10 : memref<400x64xf32, #tpu.memory_space<vmem>>) target(%dma_start3A_1426 : memref<10000x64xf32, #tpu.memory_space<vmem_shared>>) offsets(%arg8 : memref<400xi32, #tpu.memory_space<vmem>>) semaphore(%run_scoped3A : memref<!tpu.dma_semaphore, #tpu.memory_space<semaphore_mem>>) {add = true}
      %dma_wait3A_1427 = arith.constant 0 : i32
      %dma_wait3A_1428 = arith.constant 0 : i32
      %dma_wait3A_1429 = tpu.memref_slice %arg12[%dma_wait3A_1427, %dma_wait3A_1428] : memref<10000x64xf32, #tpu.memory_space<vmem_shared>> -> memref<10000x64xf32, #tpu.memory_space<vmem_shared>>
      tpu.wait_indirect_dma semaphore(%run_scoped3A : memref<!tpu.dma_semaphore, #tpu.memory_space<semaphore_mem>>) src(%arg10 : memref<400x64xf32, #tpu.memory_space<vmem>>) dst(%dma_wait3A_1429 : memref<10000x64xf32, #tpu.memory_space<vmem_shared>>)
      tpu.yield
    }) : () -> ()
    %add3A_1382 = arith.constant 19600 : i32
    %add3A_1383 = arith.addi %mul3A_14, %add3A_1382 : i32
    %dma_start3A_1384 = arith.constant 0 : i32
    %dma_start3A_1385 = tpu.memref_slice %arg3[%dma_start3A_1384, %add3A_1383] : memref<2x640000xi32, #tpu.memory_space<hbm>> -> memref<1x400xi32, #tpu.memory_space<hbm>>
    %dma_start3A_1386 = tpu.memref_squeeze %dma_start3A_1385 : memref<1x400xi32, #tpu.memory_space<hbm>> -> memref<400xi32, #tpu.memory_space<hbm>>
    %dma_start3A_1387 = tpu.memref_slice %arg3[%dma_start3A_1384, %add3A_1383] : memref<2x640000xi32, #tpu.memory_space<hbm>> -> memref<1x400xi32, #tpu.memory_space<hbm>>
    %dma_start3A_1388 = tpu.memref_squeeze %dma_start3A_1387 : memref<1x400xi32, #tpu.memory_space<hbm>> -> memref<400xi32, #tpu.memory_space<hbm>>
    tpu.enqueue_dma source(%dma_start3A_1388 : memref<400xi32, #tpu.memory_space<hbm>>) target(%arg6 : memref<400xi32, #tpu.memory_space<vmem>>) target_semaphore(%arg16 : memref<!tpu.dma_semaphore, #tpu.memory_space<semaphore_mem>>)
    %dma_start3A_1389 = arith.constant 1 : i32
    %dma_start3A_1390 = tpu.memref_slice %arg3[%dma_start3A_1389, %add3A_1383] : memref<2x640000xi32, #tpu.memory_space<hbm>> -> memref<1x400xi32, #tpu.memory_space<hbm>>
    %dma_start3A_1391 = tpu.memref_squeeze %dma_start3A_1390 : memref<1x400xi32, #tpu.memory_space<hbm>> -> memref<400xi32, #tpu.memory_space<hbm>>
    %dma_start3A_1392 = tpu.memref_slice %arg3[%dma_start3A_1389, %add3A_1383] : memref<2x640000xi32, #tpu.memory_space<hbm>> -> memref<1x400xi32, #tpu.memory_space<hbm>>
    %dma_start3A_1393 = tpu.memref_squeeze %dma_start3A_1392 : memref<1x400xi32, #tpu.memory_space<hbm>> -> memref<400xi32, #tpu.memory_space<hbm>>
    tpu.enqueue_dma source(%dma_start3A_1393 : memref<400xi32, #tpu.memory_space<hbm>>) target(%arg8 : memref<400xi32, #tpu.memory_space<vmem>>) target_semaphore(%arg16 : memref<!tpu.dma_semaphore, #tpu.memory_space<semaphore_mem>>)
    %dma_wait3A_1394 = arith.constant 0 : i32
    %dma_wait3A_1395 = tpu.memref_slice %arg3[%dma_wait3A_1394, %add3A_1383] : memref<2x640000xi32, #tpu.memory_space<hbm>> -> memref<1x400xi32, #tpu.memory_space<hbm>>
    %dma_wait3A_1396 = tpu.memref_squeeze %dma_wait3A_1395 : memref<1x400xi32, #tpu.memory_space<hbm>> -> memref<400xi32, #tpu.memory_space<hbm>>
    %dma_wait3A_1397 = tpu.memref_slice %arg3[%dma_wait3A_1394, %add3A_1383] : memref<2x640000xi32, #tpu.memory_space<hbm>> -> memref<1x400xi32, #tpu.memory_space<hbm>>
    %dma_wait3A_1398 = tpu.memref_squeeze %dma_wait3A_1397 : memref<1x400xi32, #tpu.memory_space<hbm>> -> memref<400xi32, #tpu.memory_space<hbm>>
    tpu.wait_dma2 semaphore(%arg16 : memref<!tpu.dma_semaphore, #tpu.memory_space<semaphore_mem>>) src(%dma_wait3A_1398 : memref<400xi32, #tpu.memory_space<hbm>>) dst(%arg6 : memref<400xi32, #tpu.memory_space<vmem>>)
    %dma_wait3A_1399 = arith.constant 1 : i32
    %dma_wait3A_1400 = tpu.memref_slice %arg3[%dma_wait3A_1399, %add3A_1383] : memref<2x640000xi32, #tpu.memory_space<hbm>> -> memref<1x400xi32, #tpu.memory_space<hbm>>
    %dma_wait3A_1401 = tpu.memref_squeeze %dma_wait3A_1400 : memref<1x400xi32, #tpu.memory_space<hbm>> -> memref<400xi32, #tpu.memory_space<hbm>>
    %dma_wait3A_1402 = tpu.memref_slice %arg3[%dma_wait3A_1399, %add3A_1383] : memref<2x640000xi32, #tpu.memory_space<hbm>> -> memref<1x400xi32, #tpu.memory_space<hbm>>
    %dma_wait3A_1403 = tpu.memref_squeeze %dma_wait3A_1402 : memref<1x400xi32, #tpu.memory_space<hbm>> -> memref<400xi32, #tpu.memory_space<hbm>>
    tpu.wait_dma2 semaphore(%arg16 : memref<!tpu.dma_semaphore, #tpu.memory_space<semaphore_mem>>) src(%dma_wait3A_1403 : memref<400xi32, #tpu.memory_space<hbm>>) dst(%arg8 : memref<400xi32, #tpu.memory_space<vmem>>)
    %dma_start3A_1404 = arith.constant 0 : i32
    %dma_start3A_1405 = arith.constant 0 : i32
    %dma_start3A_1406 = tpu.memref_slice %arg2[%dma_start3A_1404, %dma_start3A_1405] : memref<10000x64xf32, #tpu.memory_space<hbm>> -> memref<10000x64xf32, #tpu.memory_space<hbm>>
    tpu.enqueue_indirect_dma source(%dma_start3A_1406 : memref<10000x64xf32, #tpu.memory_space<hbm>>) target(%arg10 : memref<400x64xf32, #tpu.memory_space<vmem>>) offsets(%arg6 : memref<400xi32, #tpu.memory_space<vmem>>) semaphore(%arg14 : memref<!tpu.dma_semaphore, #tpu.memory_space<semaphore_mem>>)
    %dma_wait3A_1407 = arith.constant 0 : i32
    %dma_wait3A_1408 = arith.constant 0 : i32
    %dma_wait3A_1409 = tpu.memref_slice %arg2[%dma_wait3A_1407, %dma_wait3A_1408] : memref<10000x64xf32, #tpu.memory_space<hbm>> -> memref<10000x64xf32, #tpu.memory_space<hbm>>
    tpu.wait_indirect_dma semaphore(%arg13 : memref<!tpu.dma_semaphore, #tpu.memory_space<semaphore_mem>>) src(%dma_wait3A_1409 : memref<10000x64xf32, #tpu.memory_space<hbm>>) dst(%arg9 : memref<400x64xf32, #tpu.memory_space<vmem>>)
    "tpu.region"() ({
      %run_scoped3A = tpu.sem_alloc : memref<!tpu.dma_semaphore, #tpu.memory_space<semaphore_mem>>
      %dma_start3A_1424 = arith.constant 0 : i32
      %dma_start3A_1425 = arith.constant 0 : i32
      %dma_start3A_1426 = tpu.memref_slice %arg12[%dma_start3A_1424, %dma_start3A_1425] : memref<10000x64xf32, #tpu.memory_space<vmem_shared>> -> memref<10000x64xf32, #tpu.memory_space<vmem_shared>>
      tpu.enqueue_indirect_dma source(%arg9 : memref<400x64xf32, #tpu.memory_space<vmem>>) target(%dma_start3A_1426 : memref<10000x64xf32, #tpu.memory_space<vmem_shared>>) offsets(%arg7 : memref<400xi32, #tpu.memory_space<vmem>>) semaphore(%run_scoped3A : memref<!tpu.dma_semaphore, #tpu.memory_space<semaphore_mem>>) {add = true}
      %dma_wait3A_1427 = arith.constant 0 : i32
      %dma_wait3A_1428 = arith.constant 0 : i32
      %dma_wait3A_1429 = tpu.memref_slice %arg12[%dma_wait3A_1427, %dma_wait3A_1428] : memref<10000x64xf32, #tpu.memory_space<vmem_shared>> -> memref<10000x64xf32, #tpu.memory_space<vmem_shared>>
      tpu.wait_indirect_dma semaphore(%run_scoped3A : memref<!tpu.dma_semaphore, #tpu.memory_space<semaphore_mem>>) src(%arg9 : memref<400x64xf32, #tpu.memory_space<vmem>>) dst(%dma_wait3A_1429 : memref<10000x64xf32, #tpu.memory_space<vmem_shared>>)
      tpu.yield
    }) : () -> ()
    %dma_wait3A_1410 = arith.constant 0 : i32
    %dma_wait3A_1411 = arith.constant 0 : i32
    %dma_wait3A_1412 = tpu.memref_slice %arg2[%dma_wait3A_1410, %dma_wait3A_1411] : memref<10000x64xf32, #tpu.memory_space<hbm>> -> memref<10000x64xf32, #tpu.memory_space<hbm>>
    tpu.wait_indirect_dma semaphore(%arg14 : memref<!tpu.dma_semaphore, #tpu.memory_space<semaphore_mem>>) src(%dma_wait3A_1412 : memref<10000x64xf32, #tpu.memory_space<hbm>>) dst(%arg10 : memref<400x64xf32, #tpu.memory_space<vmem>>)
    "tpu.region"() ({
      %run_scoped3A = tpu.sem_alloc : memref<!tpu.dma_semaphore, #tpu.memory_space<semaphore_mem>>
      %dma_start3A_1424 = arith.constant 0 : i32
      %dma_start3A_1425 = arith.constant 0 : i32
      %dma_start3A_1426 = tpu.memref_slice %arg12[%dma_start3A_1424, %dma_start3A_1425] : memref<10000x64xf32, #tpu.memory_space<vmem_shared>> -> memref<10000x64xf32, #tpu.memory_space<vmem_shared>>
      tpu.enqueue_indirect_dma source(%arg10 : memref<400x64xf32, #tpu.memory_space<vmem>>) target(%dma_start3A_1426 : memref<10000x64xf32, #tpu.memory_space<vmem_shared>>) offsets(%arg8 : memref<400xi32, #tpu.memory_space<vmem>>) semaphore(%run_scoped3A : memref<!tpu.dma_semaphore, #tpu.memory_space<semaphore_mem>>) {add = true}
      %dma_wait3A_1427 = arith.constant 0 : i32
      %dma_wait3A_1428 = arith.constant 0 : i32
      %dma_wait3A_1429 = tpu.memref_slice %arg12[%dma_wait3A_1427, %dma_wait3A_1428] : memref<10000x64xf32, #tpu.memory_space<vmem_shared>> -> memref<10000x64xf32, #tpu.memory_space<vmem_shared>>
      tpu.wait_indirect_dma semaphore(%run_scoped3A : memref<!tpu.dma_semaphore, #tpu.memory_space<semaphore_mem>>) src(%arg10 : memref<400x64xf32, #tpu.memory_space<vmem>>) dst(%dma_wait3A_1429 : memref<10000x64xf32, #tpu.memory_space<vmem_shared>>)
      tpu.yield
    }) : () -> ()
    %barrier3A_1413 = arith.constant 0 : index
    tpu.barrier barrier_id(%barrier3A_1413)
    %lt3A_1414 = arith.constant 15 : i32
    %lt3A_1415 = arith.cmpi slt, %arg1, %lt3A_1414 : i32
    %convert_element_type3A_1416 = arith.extui %lt3A_1415 : i1 to i32
    %cond3A_1417 = arith.constant 0 : i32
    %cond3A_1418 = arith.cmpi ne, %convert_element_type3A_1416, %cond3A_1417 : i32
    scf.if %cond3A_1418 {
      "tpu.region"() ({
        %run_scoped3A = tpu.sem_alloc : memref<!tpu.dma_semaphore, #tpu.memory_space<semaphore_mem>>
        %dma_start3A_1424 = arith.constant 0 : i32
        %dma_start3A_1425 = tpu.memref_slice %arg4[%arg0, %mul3A_2, %dma_start3A_1424] : memref<2x10000x64xf32, #tpu.memory_space<hbm>> -> memref<1x640x64xf32, #tpu.memory_space<hbm>>
        %dma_start3A_1426 = tpu.memref_squeeze %dma_start3A_1425 : memref<1x640x64xf32, #tpu.memory_space<hbm>> -> memref<640x64xf32, #tpu.memory_space<hbm>>
        %dma_start3A_1427 = arith.constant 0 : i32
        %dma_start3A_1428 = tpu.memref_slice %arg12[%mul3A_2, %dma_start3A_1427] : memref<10000x64xf32, #tpu.memory_space<vmem_shared>> -> memref<640x64xf32, #tpu.memory_space<vmem_shared>>
        tpu.enqueue_dma source(%dma_start3A_1428 : memref<640x64xf32, #tpu.memory_space<vmem_shared>>) target(%dma_start3A_1426 : memref<640x64xf32, #tpu.memory_space<hbm>>) target_semaphore(%run_scoped3A : memref<!tpu.dma_semaphore, #tpu.memory_space<semaphore_mem>>)
        %dma_wait3A_1429 = arith.constant 0 : i32
        %dma_wait3A_1430 = tpu.memref_slice %arg4[%arg0, %mul3A_2, %dma_wait3A_1429] : memref<2x10000x64xf32, #tpu.memory_space<hbm>> -> memref<1x640x64xf32, #tpu.memory_space<hbm>>
        %dma_wait3A_1431 = tpu.memref_squeeze %dma_wait3A_1430 : memref<1x640x64xf32, #tpu.memory_space<hbm>> -> memref<640x64xf32, #tpu.memory_space<hbm>>
        %dma_wait3A_1432 = arith.constant 0 : i32
        %dma_wait3A_1433 = tpu.memref_slice %arg12[%mul3A_2, %dma_wait3A_1432] : memref<10000x64xf32, #tpu.memory_space<vmem_shared>> -> memref<640x64xf32, #tpu.memory_space<vmem_shared>>
        tpu.wait_dma2 semaphore(%run_scoped3A : memref<!tpu.dma_semaphore, #tpu.memory_space<semaphore_mem>>) src(%dma_wait3A_1433 : memref<640x64xf32, #tpu.memory_space<vmem_shared>>) dst(%dma_wait3A_1431 : memref<640x64xf32, #tpu.memory_space<hbm>>)
        tpu.yield
      }) : () -> ()
    } else {
    }
    %eq3A_1419 = arith.constant 15 : i32
    %eq3A_1420 = arith.cmpi eq, %arg1, %eq3A_1419 : i32
    %convert_element_type3A_1421 = arith.extui %eq3A_1420 : i1 to i32
    %cond3A_1422 = arith.constant 0 : i32
    %cond3A_1423 = arith.cmpi ne, %convert_element_type3A_1421, %cond3A_1422 : i32
    scf.if %cond3A_1423 {
      "tpu.region"() ({
        %run_scoped3A = tpu.sem_alloc : memref<!tpu.dma_semaphore, #tpu.memory_space<semaphore_mem>>
        %dma_start3A_1424 = arith.constant 0 : i32
        %dma_start3A_1425 = tpu.memref_slice %arg4[%arg0, %mul3A_2, %dma_start3A_1424] : memref<2x10000x64xf32, #tpu.memory_space<hbm>> -> memref<1x400x64xf32, #tpu.memory_space<hbm>>
        %dma_start3A_1426 = tpu.memref_squeeze %dma_start3A_1425 : memref<1x400x64xf32, #tpu.memory_space<hbm>> -> memref<400x64xf32, #tpu.memory_space<hbm>>
        %dma_start3A_1427 = arith.constant 0 : i32
        %dma_start3A_1428 = tpu.memref_slice %arg12[%mul3A_2, %dma_start3A_1427] : memref<10000x64xf32, #tpu.memory_space<vmem_shared>> -> memref<400x64xf32, #tpu.memory_space<vmem_shared>>
        tpu.enqueue_dma source(%dma_start3A_1428 : memref<400x64xf32, #tpu.memory_space<vmem_shared>>) target(%dma_start3A_1426 : memref<400x64xf32, #tpu.memory_space<hbm>>) target_semaphore(%run_scoped3A : memref<!tpu.dma_semaphore, #tpu.memory_space<semaphore_mem>>)
        %dma_wait3A_1429 = arith.constant 0 : i32
        %dma_wait3A_1430 = tpu.memref_slice %arg4[%arg0, %mul3A_2, %dma_wait3A_1429] : memref<2x10000x64xf32, #tpu.memory_space<hbm>> -> memref<1x400x64xf32, #tpu.memory_space<hbm>>
        %dma_wait3A_1431 = tpu.memref_squeeze %dma_wait3A_1430 : memref<1x400x64xf32, #tpu.memory_space<hbm>> -> memref<400x64xf32, #tpu.memory_space<hbm>>
        %dma_wait3A_1432 = arith.constant 0 : i32
        %dma_wait3A_1433 = tpu.memref_slice %arg12[%mul3A_2, %dma_wait3A_1432] : memref<10000x64xf32, #tpu.memory_space<vmem_shared>> -> memref<400x64xf32, #tpu.memory_space<vmem_shared>>
        tpu.wait_dma2 semaphore(%run_scoped3A : memref<!tpu.dma_semaphore, #tpu.memory_space<semaphore_mem>>) src(%dma_wait3A_1433 : memref<400x64xf32, #tpu.memory_space<vmem_shared>>) dst(%dma_wait3A_1431 : memref<400x64xf32, #tpu.memory_space<hbm>>)
        tpu.yield
      }) : () -> ()
    } else {
    }
    return
  }
}

#map = affine_map<(d0, d1) -> (0, 0)>
module attributes {stable_mosaic.version = 14 : i64} {
  func.func @_deg_kernel(%arg0: i32, %arg1: i32, %arg2: memref<2x640000xi32, #tpu.memory_space<hbm>>, %arg3: memref<2x10000xf32, #tpu.memory_space<hbm>>, %arg4: memref<2000xi32, #tpu.memory_space<vmem>>, %arg5: memref<2000xf32, #tpu.memory_space<vmem>>, %arg6: memref<2000xf32, #tpu.memory_space<vmem>>, %arg7: memref<10000xf32, #tpu.memory_space<vmem_shared>>) attributes {dimension_semantics = [#tpu.dimension_semantics<core_parallel>, #tpu.dimension_semantics<subcore_parallel>], iteration_bounds = array<i64: 2, 16>, scalar_prefetch = 0 : i64, scratch_operands = 4 : i64, tpu.core_type = #tpu.core_type<sc_vector_subcore>, window_params = [{transform_indices = #map}, {transform_indices = #map}]} {
    %mul3A = arith.constant 16 : i32
    %mul3A_0 = arith.muli %arg0, %mul3A : i32
    %add3A = arith.addi %mul3A_0, %arg1 : i32
    %scan3A = arith.constant 0 : i32
    %scan3A_1 = arith.constant 125 : i32
    %scan3A_2 = arith.addi %scan3A, %scan3A_1 : i32
    %scan3A_3 = arith.constant 1 : i32
    scf.for %scan3A_44 = %scan3A to %scan3A_2 step %scan3A_3  : i32 {
      %mul3A_45 = arith.constant 16 : i32
      %mul3A_46 = arith.muli %scan3A_44, %mul3A_45 : i32
      %add3A_47 = arith.constant 0 : i32
      %add3A_48 = arith.addi %add3A_47, %mul3A_46 : i32
      %broadcast_in_dim3A = arith.constant 1.000000e+00 : f32
      %broadcast_in_dim3A_49 = vector.broadcast %broadcast_in_dim3A : f32 to vector<16xf32>
      %swap3A = arith.index_cast %add3A_48 : i32 to index
      %swap3A_50 = tpu.vector_load %arg5[%swap3A] {strides = array<i32>} : memref<2000xf32, #tpu.memory_space<vmem>>, vector<16xf32>,
      %swap3A_51 = vector.shape_cast %swap3A_50 : vector<16xf32> to vector<16xf32>
      %swap3A_52 = vector.shape_cast %broadcast_in_dim3A_49 : vector<16xf32> to vector<16xf32>
      tpu.vector_store %arg5[%swap3A], %swap3A_52 {strides = array<i32>} : memref<2000xf32, #tpu.memory_space<vmem>>, vector<16xf32>,
      %broadcast_in_dim3A_53 = arith.constant 0.000000e+00 : f32
      %broadcast_in_dim3A_54 = vector.broadcast %broadcast_in_dim3A_53 : f32 to vector<16xf32>
      %swap3A_55 = arith.index_cast %add3A_48 : i32 to index
      %swap3A_56 = tpu.vector_load %arg6[%swap3A_55] {strides = array<i32>} : memref<2000xf32, #tpu.memory_space<vmem>>, vector<16xf32>,
      %swap3A_57 = vector.shape_cast %swap3A_56 : vector<16xf32> to vector<16xf32>
      %swap3A_58 = vector.shape_cast %broadcast_in_dim3A_54 : vector<16xf32> to vector<16xf32>
      tpu.vector_store %arg6[%swap3A_55], %swap3A_58 {strides = array<i32>} : memref<2000xf32, #tpu.memory_space<vmem>>, vector<16xf32>,
    }
    %scan3A_4 = arith.constant 125 : i32
    %eq3A = arith.constant 0 : i32
    %eq3A_5 = arith.cmpi eq, %arg1, %eq3A : i32
    %convert_element_type3A = arith.extui %eq3A_5 : i1 to i32
    %cond3A = arith.constant 0 : i32
    %cond3A_6 = arith.cmpi ne, %convert_element_type3A, %cond3A : i32
    scf.if %cond3A_6 {
      "tpu.region"() ({
        %run_scoped3A_44 = tpu.sem_alloc : memref<!tpu.dma_semaphore, #tpu.memory_space<semaphore_mem>>
        %dma_start3A = arith.constant 0 : i32
        %dma_start3A_45 = tpu.memref_slice %arg7[%dma_start3A] : memref<10000xf32, #tpu.memory_space<vmem_shared>> -> memref<2000xf32, #tpu.memory_space<vmem_shared>>
        %dma_start3A_46 = arith.constant 0 : i32
        %dma_start3A_47 = tpu.memref_slice %arg7[%dma_start3A_46] : memref<10000xf32, #tpu.memory_space<vmem_shared>> -> memref<2000xf32, #tpu.memory_space<vmem_shared>>
        tpu.enqueue_dma source(%arg6 : memref<2000xf32, #tpu.memory_space<vmem>>) target(%dma_start3A_47 : memref<2000xf32, #tpu.memory_space<vmem_shared>>) target_semaphore(%run_scoped3A_44 : memref<!tpu.dma_semaphore, #tpu.memory_space<semaphore_mem>>)
        %dma_wait3A = arith.constant 0 : i32
        %dma_wait3A_48 = tpu.memref_slice %arg7[%dma_wait3A] : memref<10000xf32, #tpu.memory_space<vmem_shared>> -> memref<2000xf32, #tpu.memory_space<vmem_shared>>
        %dma_wait3A_49 = arith.constant 0 : i32
        %dma_wait3A_50 = tpu.memref_slice %arg7[%dma_wait3A_49] : memref<10000xf32, #tpu.memory_space<vmem_shared>> -> memref<2000xf32, #tpu.memory_space<vmem_shared>>
        tpu.wait_dma2 semaphore(%run_scoped3A_44 : memref<!tpu.dma_semaphore, #tpu.memory_space<semaphore_mem>>) src(%arg6 : memref<2000xf32, #tpu.memory_space<vmem>>) dst(%dma_wait3A_50 : memref<2000xf32, #tpu.memory_space<vmem_shared>>)
        tpu.yield
      }) : () -> ()
      "tpu.region"() ({
        %run_scoped3A_44 = tpu.sem_alloc : memref<!tpu.dma_semaphore, #tpu.memory_space<semaphore_mem>>
        %dma_start3A = arith.constant 2000 : i32
        %dma_start3A_45 = tpu.memref_slice %arg7[%dma_start3A] : memref<10000xf32, #tpu.memory_space<vmem_shared>> -> memref<2000xf32, #tpu.memory_space<vmem_shared>>
        %dma_start3A_46 = arith.constant 2000 : i32
        %dma_start3A_47 = tpu.memref_slice %arg7[%dma_start3A_46] : memref<10000xf32, #tpu.memory_space<vmem_shared>> -> memref<2000xf32, #tpu.memory_space<vmem_shared>>
        tpu.enqueue_dma source(%arg6 : memref<2000xf32, #tpu.memory_space<vmem>>) target(%dma_start3A_47 : memref<2000xf32, #tpu.memory_space<vmem_shared>>) target_semaphore(%run_scoped3A_44 : memref<!tpu.dma_semaphore, #tpu.memory_space<semaphore_mem>>)
        %dma_wait3A = arith.constant 2000 : i32
        %dma_wait3A_48 = tpu.memref_slice %arg7[%dma_wait3A] : memref<10000xf32, #tpu.memory_space<vmem_shared>> -> memref<2000xf32, #tpu.memory_space<vmem_shared>>
        %dma_wait3A_49 = arith.constant 2000 : i32
        %dma_wait3A_50 = tpu.memref_slice %arg7[%dma_wait3A_49] : memref<10000xf32, #tpu.memory_space<vmem_shared>> -> memref<2000xf32, #tpu.memory_space<vmem_shared>>
        tpu.wait_dma2 semaphore(%run_scoped3A_44 : memref<!tpu.dma_semaphore, #tpu.memory_space<semaphore_mem>>) src(%arg6 : memref<2000xf32, #tpu.memory_space<vmem>>) dst(%dma_wait3A_50 : memref<2000xf32, #tpu.memory_space<vmem_shared>>)
        tpu.yield
      }) : () -> ()
      "tpu.region"() ({
        %run_scoped3A_44 = tpu.sem_alloc : memref<!tpu.dma_semaphore, #tpu.memory_space<semaphore_mem>>
        %dma_start3A = arith.constant 4000 : i32
        %dma_start3A_45 = tpu.memref_slice %arg7[%dma_start3A] : memref<10000xf32, #tpu.memory_space<vmem_shared>> -> memref<2000xf32, #tpu.memory_space<vmem_shared>>
        %dma_start3A_46 = arith.constant 4000 : i32
        %dma_start3A_47 = tpu.memref_slice %arg7[%dma_start3A_46] : memref<10000xf32, #tpu.memory_space<vmem_shared>> -> memref<2000xf32, #tpu.memory_space<vmem_shared>>
        tpu.enqueue_dma source(%arg6 : memref<2000xf32, #tpu.memory_space<vmem>>) target(%dma_start3A_47 : memref<2000xf32, #tpu.memory_space<vmem_shared>>) target_semaphore(%run_scoped3A_44 : memref<!tpu.dma_semaphore, #tpu.memory_space<semaphore_mem>>)
        %dma_wait3A = arith.constant 4000 : i32
        %dma_wait3A_48 = tpu.memref_slice %arg7[%dma_wait3A] : memref<10000xf32, #tpu.memory_space<vmem_shared>> -> memref<2000xf32, #tpu.memory_space<vmem_shared>>
        %dma_wait3A_49 = arith.constant 4000 : i32
        %dma_wait3A_50 = tpu.memref_slice %arg7[%dma_wait3A_49] : memref<10000xf32, #tpu.memory_space<vmem_shared>> -> memref<2000xf32, #tpu.memory_space<vmem_shared>>
        tpu.wait_dma2 semaphore(%run_scoped3A_44 : memref<!tpu.dma_semaphore, #tpu.memory_space<semaphore_mem>>) src(%arg6 : memref<2000xf32, #tpu.memory_space<vmem>>) dst(%dma_wait3A_50 : memref<2000xf32, #tpu.memory_space<vmem_shared>>)
        tpu.yield
      }) : () -> ()
      "tpu.region"() ({
        %run_scoped3A_44 = tpu.sem_alloc : memref<!tpu.dma_semaphore, #tpu.memory_space<semaphore_mem>>
        %dma_start3A = arith.constant 6000 : i32
        %dma_start3A_45 = tpu.memref_slice %arg7[%dma_start3A] : memref<10000xf32, #tpu.memory_space<vmem_shared>> -> memref<2000xf32, #tpu.memory_space<vmem_shared>>
        %dma_start3A_46 = arith.constant 6000 : i32
        %dma_start3A_47 = tpu.memref_slice %arg7[%dma_start3A_46] : memref<10000xf32, #tpu.memory_space<vmem_shared>> -> memref<2000xf32, #tpu.memory_space<vmem_shared>>
        tpu.enqueue_dma source(%arg6 : memref<2000xf32, #tpu.memory_space<vmem>>) target(%dma_start3A_47 : memref<2000xf32, #tpu.memory_space<vmem_shared>>) target_semaphore(%run_scoped3A_44 : memref<!tpu.dma_semaphore, #tpu.memory_space<semaphore_mem>>)
        %dma_wait3A = arith.constant 6000 : i32
        %dma_wait3A_48 = tpu.memref_slice %arg7[%dma_wait3A] : memref<10000xf32, #tpu.memory_space<vmem_shared>> -> memref<2000xf32, #tpu.memory_space<vmem_shared>>
        %dma_wait3A_49 = arith.constant 6000 : i32
        %dma_wait3A_50 = tpu.memref_slice %arg7[%dma_wait3A_49] : memref<10000xf32, #tpu.memory_space<vmem_shared>> -> memref<2000xf32, #tpu.memory_space<vmem_shared>>
        tpu.wait_dma2 semaphore(%run_scoped3A_44 : memref<!tpu.dma_semaphore, #tpu.memory_space<semaphore_mem>>) src(%arg6 : memref<2000xf32, #tpu.memory_space<vmem>>) dst(%dma_wait3A_50 : memref<2000xf32, #tpu.memory_space<vmem_shared>>)
        tpu.yield
      }) : () -> ()
      "tpu.region"() ({
        %run_scoped3A_44 = tpu.sem_alloc : memref<!tpu.dma_semaphore, #tpu.memory_space<semaphore_mem>>
        %dma_start3A = arith.constant 8000 : i32
        %dma_start3A_45 = tpu.memref_slice %arg7[%dma_start3A] : memref<10000xf32, #tpu.memory_space<vmem_shared>> -> memref<2000xf32, #tpu.memory_space<vmem_shared>>
        %dma_start3A_46 = arith.constant 8000 : i32
        %dma_start3A_47 = tpu.memref_slice %arg7[%dma_start3A_46] : memref<10000xf32, #tpu.memory_space<vmem_shared>> -> memref<2000xf32, #tpu.memory_space<vmem_shared>>
        tpu.enqueue_dma source(%arg6 : memref<2000xf32, #tpu.memory_space<vmem>>) target(%dma_start3A_47 : memref<2000xf32, #tpu.memory_space<vmem_shared>>) target_semaphore(%run_scoped3A_44 : memref<!tpu.dma_semaphore, #tpu.memory_space<semaphore_mem>>)
        %dma_wait3A = arith.constant 8000 : i32
        %dma_wait3A_48 = tpu.memref_slice %arg7[%dma_wait3A] : memref<10000xf32, #tpu.memory_space<vmem_shared>> -> memref<2000xf32, #tpu.memory_space<vmem_shared>>
        %dma_wait3A_49 = arith.constant 8000 : i32
        %dma_wait3A_50 = tpu.memref_slice %arg7[%dma_wait3A_49] : memref<10000xf32, #tpu.memory_space<vmem_shared>> -> memref<2000xf32, #tpu.memory_space<vmem_shared>>
        tpu.wait_dma2 semaphore(%run_scoped3A_44 : memref<!tpu.dma_semaphore, #tpu.memory_space<semaphore_mem>>) src(%arg6 : memref<2000xf32, #tpu.memory_space<vmem>>) dst(%dma_wait3A_50 : memref<2000xf32, #tpu.memory_space<vmem_shared>>)
        tpu.yield
      }) : () -> ()
    } else {
    }
    %barrier3A = arith.constant 0 : index
    tpu.barrier barrier_id(%barrier3A)
    %mul3A_7 = arith.constant 20000 : i32
    %mul3A_8 = arith.muli %add3A, %mul3A_7 : i32
    %add3A_9 = arith.constant 0 : i32
    %add3A_10 = arith.addi %mul3A_8, %add3A_9 : i32
    %run_scoped3A = arith.constant 1 : i32
    "tpu.region"() ({
      %run_scoped3A_44 = tpu.sem_alloc : memref<!tpu.dma_semaphore, #tpu.memory_space<semaphore_mem>>
      %dma_start3A = tpu.memref_slice %arg2[%run_scoped3A, %add3A_10] : memref<2x640000xi32, #tpu.memory_space<hbm>> -> memref<1x2000xi32, #tpu.memory_space<hbm>>
      %dma_start3A_45 = tpu.memref_squeeze %dma_start3A : memref<1x2000xi32, #tpu.memory_space<hbm>> -> memref<2000xi32, #tpu.memory_space<hbm>>
      %dma_start3A_46 = tpu.memref_slice %arg2[%run_scoped3A, %add3A_10] : memref<2x640000xi32, #tpu.memory_space<hbm>> -> memref<1x2000xi32, #tpu.memory_space<hbm>>
      %dma_start3A_47 = tpu.memref_squeeze %dma_start3A_46 : memref<1x2000xi32, #tpu.memory_space<hbm>> -> memref<2000xi32, #tpu.memory_space<hbm>>
      tpu.enqueue_dma source(%dma_start3A_47 : memref<2000xi32, #tpu.memory_space<hbm>>) target(%arg4 : memref<2000xi32, #tpu.memory_space<vmem>>) target_semaphore(%run_scoped3A_44 : memref<!tpu.dma_semaphore, #tpu.memory_space<semaphore_mem>>)
      %dma_wait3A = tpu.memref_slice %arg2[%run_scoped3A, %add3A_10] : memref<2x640000xi32, #tpu.memory_space<hbm>> -> memref<1x2000xi32, #tpu.memory_space<hbm>>
      %dma_wait3A_48 = tpu.memref_squeeze %dma_wait3A : memref<1x2000xi32, #tpu.memory_space<hbm>> -> memref<2000xi32, #tpu.memory_space<hbm>>
      %dma_wait3A_49 = tpu.memref_slice %arg2[%run_scoped3A, %add3A_10] : memref<2x640000xi32, #tpu.memory_space<hbm>> -> memref<1x2000xi32, #tpu.memory_space<hbm>>
      %dma_wait3A_50 = tpu.memref_squeeze %dma_wait3A_49 : memref<1x2000xi32, #tpu.memory_space<hbm>> -> memref<2000xi32, #tpu.memory_space<hbm>>
      tpu.wait_dma2 semaphore(%run_scoped3A_44 : memref<!tpu.dma_semaphore, #tpu.memory_space<semaphore_mem>>) src(%dma_wait3A_50 : memref<2000xi32, #tpu.memory_space<hbm>>) dst(%arg4 : memref<2000xi32, #tpu.memory_space<vmem>>)
      tpu.yield
    }) : () -> ()
    "tpu.region"() ({
      %run_scoped3A_44 = tpu.sem_alloc : memref<!tpu.dma_semaphore, #tpu.memory_space<semaphore_mem>>
      %dma_start3A = arith.constant 0 : i32
      %dma_start3A_45 = tpu.memref_slice %arg7[%dma_start3A] : memref<10000xf32, #tpu.memory_space<vmem_shared>> -> memref<10000xf32, #tpu.memory_space<vmem_shared>>
      tpu.enqueue_indirect_dma source(%arg5 : memref<2000xf32, #tpu.memory_space<vmem>>) target(%dma_start3A_45 : memref<10000xf32, #tpu.memory_space<vmem_shared>>) offsets(%arg4 : memref<2000xi32, #tpu.memory_space<vmem>>) semaphore(%run_scoped3A_44 : memref<!tpu.dma_semaphore, #tpu.memory_space<semaphore_mem>>) {add = true}
      %dma_wait3A = arith.constant 0 : i32
      %dma_wait3A_46 = tpu.memref_slice %arg7[%dma_wait3A] : memref<10000xf32, #tpu.memory_space<vmem_shared>> -> memref<10000xf32, #tpu.memory_space<vmem_shared>>
      tpu.wait_indirect_dma semaphore(%run_scoped3A_44 : memref<!tpu.dma_semaphore, #tpu.memory_space<semaphore_mem>>) src(%arg5 : memref<2000xf32, #tpu.memory_space<vmem>>) dst(%dma_wait3A_46 : memref<10000xf32, #tpu.memory_space<vmem_shared>>)
      tpu.yield
    }) : () -> ()
    %add3A_11 = arith.constant 2000 : i32
    %add3A_12 = arith.addi %mul3A_8, %add3A_11 : i32
    %run_scoped3A_13 = arith.constant 1 : i32
    "tpu.region"() ({
      %run_scoped3A_44 = tpu.sem_alloc : memref<!tpu.dma_semaphore, #tpu.memory_space<semaphore_mem>>
      %dma_start3A = tpu.memref_slice %arg2[%run_scoped3A_13, %add3A_12] : memref<2x640000xi32, #tpu.memory_space<hbm>> -> memref<1x2000xi32, #tpu.memory_space<hbm>>
      %dma_start3A_45 = tpu.memref_squeeze %dma_start3A : memref<1x2000xi32, #tpu.memory_space<hbm>> -> memref<2000xi32, #tpu.memory_space<hbm>>
      %dma_start3A_46 = tpu.memref_slice %arg2[%run_scoped3A_13, %add3A_12] : memref<2x640000xi32, #tpu.memory_space<hbm>> -> memref<1x2000xi32, #tpu.memory_space<hbm>>
      %dma_start3A_47 = tpu.memref_squeeze %dma_start3A_46 : memref<1x2000xi32, #tpu.memory_space<hbm>> -> memref<2000xi32, #tpu.memory_space<hbm>>
      tpu.enqueue_dma source(%dma_start3A_47 : memref<2000xi32, #tpu.memory_space<hbm>>) target(%arg4 : memref<2000xi32, #tpu.memory_space<vmem>>) target_semaphore(%run_scoped3A_44 : memref<!tpu.dma_semaphore, #tpu.memory_space<semaphore_mem>>)
      %dma_wait3A = tpu.memref_slice %arg2[%run_scoped3A_13, %add3A_12] : memref<2x640000xi32, #tpu.memory_space<hbm>> -> memref<1x2000xi32, #tpu.memory_space<hbm>>
      %dma_wait3A_48 = tpu.memref_squeeze %dma_wait3A : memref<1x2000xi32, #tpu.memory_space<hbm>> -> memref<2000xi32, #tpu.memory_space<hbm>>
      %dma_wait3A_49 = tpu.memref_slice %arg2[%run_scoped3A_13, %add3A_12] : memref<2x640000xi32, #tpu.memory_space<hbm>> -> memref<1x2000xi32, #tpu.memory_space<hbm>>
      %dma_wait3A_50 = tpu.memref_squeeze %dma_wait3A_49 : memref<1x2000xi32, #tpu.memory_space<hbm>> -> memref<2000xi32, #tpu.memory_space<hbm>>
      tpu.wait_dma2 semaphore(%run_scoped3A_44 : memref<!tpu.dma_semaphore, #tpu.memory_space<semaphore_mem>>) src(%dma_wait3A_50 : memref<2000xi32, #tpu.memory_space<hbm>>) dst(%arg4 : memref<2000xi32, #tpu.memory_space<vmem>>)
      tpu.yield
    }) : () -> ()
    "tpu.region"() ({
      %run_scoped3A_44 = tpu.sem_alloc : memref<!tpu.dma_semaphore, #tpu.memory_space<semaphore_mem>>
      %dma_start3A = arith.constant 0 : i32
      %dma_start3A_45 = tpu.memref_slice %arg7[%dma_start3A] : memref<10000xf32, #tpu.memory_space<vmem_shared>> -> memref<10000xf32, #tpu.memory_space<vmem_shared>>
      tpu.enqueue_indirect_dma source(%arg5 : memref<2000xf32, #tpu.memory_space<vmem>>) target(%dma_start3A_45 : memref<10000xf32, #tpu.memory_space<vmem_shared>>) offsets(%arg4 : memref<2000xi32, #tpu.memory_space<vmem>>) semaphore(%run_scoped3A_44 : memref<!tpu.dma_semaphore, #tpu.memory_space<semaphore_mem>>) {add = true}
      %dma_wait3A = arith.constant 0 : i32
      %dma_wait3A_46 = tpu.memref_slice %arg7[%dma_wait3A] : memref<10000xf32, #tpu.memory_space<vmem_shared>> -> memref<10000xf32, #tpu.memory_space<vmem_shared>>
      tpu.wait_indirect_dma semaphore(%run_scoped3A_44 : memref<!tpu.dma_semaphore, #tpu.memory_space<semaphore_mem>>) src(%arg5 : memref<2000xf32, #tpu.memory_space<vmem>>) dst(%dma_wait3A_46 : memref<10000xf32, #tpu.memory_space<vmem_shared>>)
      tpu.yield
    }) : () -> ()
    %add3A_14 = arith.constant 4000 : i32
    %add3A_15 = arith.addi %mul3A_8, %add3A_14 : i32
    %run_scoped3A_16 = arith.constant 1 : i32
    "tpu.region"() ({
      %run_scoped3A_44 = tpu.sem_alloc : memref<!tpu.dma_semaphore, #tpu.memory_space<semaphore_mem>>
      %dma_start3A = tpu.memref_slice %arg2[%run_scoped3A_16, %add3A_15] : memref<2x640000xi32, #tpu.memory_space<hbm>> -> memref<1x2000xi32, #tpu.memory_space<hbm>>
      %dma_start3A_45 = tpu.memref_squeeze %dma_start3A : memref<1x2000xi32, #tpu.memory_space<hbm>> -> memref<2000xi32, #tpu.memory_space<hbm>>
      %dma_start3A_46 = tpu.memref_slice %arg2[%run_scoped3A_16, %add3A_15] : memref<2x640000xi32, #tpu.memory_space<hbm>> -> memref<1x2000xi32, #tpu.memory_space<hbm>>
      %dma_start3A_47 = tpu.memref_squeeze %dma_start3A_46 : memref<1x2000xi32, #tpu.memory_space<hbm>> -> memref<2000xi32, #tpu.memory_space<hbm>>
      tpu.enqueue_dma source(%dma_start3A_47 : memref<2000xi32, #tpu.memory_space<hbm>>) target(%arg4 : memref<2000xi32, #tpu.memory_space<vmem>>) target_semaphore(%run_scoped3A_44 : memref<!tpu.dma_semaphore, #tpu.memory_space<semaphore_mem>>)
      %dma_wait3A = tpu.memref_slice %arg2[%run_scoped3A_16, %add3A_15] : memref<2x640000xi32, #tpu.memory_space<hbm>> -> memref<1x2000xi32, #tpu.memory_space<hbm>>
      %dma_wait3A_48 = tpu.memref_squeeze %dma_wait3A : memref<1x2000xi32, #tpu.memory_space<hbm>> -> memref<2000xi32, #tpu.memory_space<hbm>>
      %dma_wait3A_49 = tpu.memref_slice %arg2[%run_scoped3A_16, %add3A_15] : memref<2x640000xi32, #tpu.memory_space<hbm>> -> memref<1x2000xi32, #tpu.memory_space<hbm>>
      %dma_wait3A_50 = tpu.memref_squeeze %dma_wait3A_49 : memref<1x2000xi32, #tpu.memory_space<hbm>> -> memref<2000xi32, #tpu.memory_space<hbm>>
      tpu.wait_dma2 semaphore(%run_scoped3A_44 : memref<!tpu.dma_semaphore, #tpu.memory_space<semaphore_mem>>) src(%dma_wait3A_50 : memref<2000xi32, #tpu.memory_space<hbm>>) dst(%arg4 : memref<2000xi32, #tpu.memory_space<vmem>>)
      tpu.yield
    }) : () -> ()
    "tpu.region"() ({
      %run_scoped3A_44 = tpu.sem_alloc : memref<!tpu.dma_semaphore, #tpu.memory_space<semaphore_mem>>
      %dma_start3A = arith.constant 0 : i32
      %dma_start3A_45 = tpu.memref_slice %arg7[%dma_start3A] : memref<10000xf32, #tpu.memory_space<vmem_shared>> -> memref<10000xf32, #tpu.memory_space<vmem_shared>>
      tpu.enqueue_indirect_dma source(%arg5 : memref<2000xf32, #tpu.memory_space<vmem>>) target(%dma_start3A_45 : memref<10000xf32, #tpu.memory_space<vmem_shared>>) offsets(%arg4 : memref<2000xi32, #tpu.memory_space<vmem>>) semaphore(%run_scoped3A_44 : memref<!tpu.dma_semaphore, #tpu.memory_space<semaphore_mem>>) {add = true}
      %dma_wait3A = arith.constant 0 : i32
      %dma_wait3A_46 = tpu.memref_slice %arg7[%dma_wait3A] : memref<10000xf32, #tpu.memory_space<vmem_shared>> -> memref<10000xf32, #tpu.memory_space<vmem_shared>>
      tpu.wait_indirect_dma semaphore(%run_scoped3A_44 : memref<!tpu.dma_semaphore, #tpu.memory_space<semaphore_mem>>) src(%arg5 : memref<2000xf32, #tpu.memory_space<vmem>>) dst(%dma_wait3A_46 : memref<10000xf32, #tpu.memory_space<vmem_shared>>)
      tpu.yield
    }) : () -> ()
    %add3A_17 = arith.constant 6000 : i32
    %add3A_18 = arith.addi %mul3A_8, %add3A_17 : i32
    %run_scoped3A_19 = arith.constant 1 : i32
    "tpu.region"() ({
      %run_scoped3A_44 = tpu.sem_alloc : memref<!tpu.dma_semaphore, #tpu.memory_space<semaphore_mem>>
      %dma_start3A = tpu.memref_slice %arg2[%run_scoped3A_19, %add3A_18] : memref<2x640000xi32, #tpu.memory_space<hbm>> -> memref<1x2000xi32, #tpu.memory_space<hbm>>
      %dma_start3A_45 = tpu.memref_squeeze %dma_start3A : memref<1x2000xi32, #tpu.memory_space<hbm>> -> memref<2000xi32, #tpu.memory_space<hbm>>
      %dma_start3A_46 = tpu.memref_slice %arg2[%run_scoped3A_19, %add3A_18] : memref<2x640000xi32, #tpu.memory_space<hbm>> -> memref<1x2000xi32, #tpu.memory_space<hbm>>
      %dma_start3A_47 = tpu.memref_squeeze %dma_start3A_46 : memref<1x2000xi32, #tpu.memory_space<hbm>> -> memref<2000xi32, #tpu.memory_space<hbm>>
      tpu.enqueue_dma source(%dma_start3A_47 : memref<2000xi32, #tpu.memory_space<hbm>>) target(%arg4 : memref<2000xi32, #tpu.memory_space<vmem>>) target_semaphore(%run_scoped3A_44 : memref<!tpu.dma_semaphore, #tpu.memory_space<semaphore_mem>>)
      %dma_wait3A = tpu.memref_slice %arg2[%run_scoped3A_19, %add3A_18] : memref<2x640000xi32, #tpu.memory_space<hbm>> -> memref<1x2000xi32, #tpu.memory_space<hbm>>
      %dma_wait3A_48 = tpu.memref_squeeze %dma_wait3A : memref<1x2000xi32, #tpu.memory_space<hbm>> -> memref<2000xi32, #tpu.memory_space<hbm>>
      %dma_wait3A_49 = tpu.memref_slice %arg2[%run_scoped3A_19, %add3A_18] : memref<2x640000xi32, #tpu.memory_space<hbm>> -> memref<1x2000xi32, #tpu.memory_space<hbm>>
      %dma_wait3A_50 = tpu.memref_squeeze %dma_wait3A_49 : memref<1x2000xi32, #tpu.memory_space<hbm>> -> memref<2000xi32, #tpu.memory_space<hbm>>
      tpu.wait_dma2 semaphore(%run_scoped3A_44 : memref<!tpu.dma_semaphore, #tpu.memory_space<semaphore_mem>>) src(%dma_wait3A_50 : memref<2000xi32, #tpu.memory_space<hbm>>) dst(%arg4 : memref<2000xi32, #tpu.memory_space<vmem>>)
      tpu.yield
    }) : () -> ()
    "tpu.region"() ({
      %run_scoped3A_44 = tpu.sem_alloc : memref<!tpu.dma_semaphore, #tpu.memory_space<semaphore_mem>>
      %dma_start3A = arith.constant 0 : i32
      %dma_start3A_45 = tpu.memref_slice %arg7[%dma_start3A] : memref<10000xf32, #tpu.memory_space<vmem_shared>> -> memref<10000xf32, #tpu.memory_space<vmem_shared>>
      tpu.enqueue_indirect_dma source(%arg5 : memref<2000xf32, #tpu.memory_space<vmem>>) target(%dma_start3A_45 : memref<10000xf32, #tpu.memory_space<vmem_shared>>) offsets(%arg4 : memref<2000xi32, #tpu.memory_space<vmem>>) semaphore(%run_scoped3A_44 : memref<!tpu.dma_semaphore, #tpu.memory_space<semaphore_mem>>) {add = true}
      %dma_wait3A = arith.constant 0 : i32
      %dma_wait3A_46 = tpu.memref_slice %arg7[%dma_wait3A] : memref<10000xf32, #tpu.memory_space<vmem_shared>> -> memref<10000xf32, #tpu.memory_space<vmem_shared>>
      tpu.wait_indirect_dma semaphore(%run_scoped3A_44 : memref<!tpu.dma_semaphore, #tpu.memory_space<semaphore_mem>>) src(%arg5 : memref<2000xf32, #tpu.memory_space<vmem>>) dst(%dma_wait3A_46 : memref<10000xf32, #tpu.memory_space<vmem_shared>>)
      tpu.yield
    }) : () -> ()
    %add3A_20 = arith.constant 8000 : i32
    %add3A_21 = arith.addi %mul3A_8, %add3A_20 : i32
    %run_scoped3A_22 = arith.constant 1 : i32
    "tpu.region"() ({
      %run_scoped3A_44 = tpu.sem_alloc : memref<!tpu.dma_semaphore, #tpu.memory_space<semaphore_mem>>
      %dma_start3A = tpu.memref_slice %arg2[%run_scoped3A_22, %add3A_21] : memref<2x640000xi32, #tpu.memory_space<hbm>> -> memref<1x2000xi32, #tpu.memory_space<hbm>>
      %dma_start3A_45 = tpu.memref_squeeze %dma_start3A : memref<1x2000xi32, #tpu.memory_space<hbm>> -> memref<2000xi32, #tpu.memory_space<hbm>>
      %dma_start3A_46 = tpu.memref_slice %arg2[%run_scoped3A_22, %add3A_21] : memref<2x640000xi32, #tpu.memory_space<hbm>> -> memref<1x2000xi32, #tpu.memory_space<hbm>>
      %dma_start3A_47 = tpu.memref_squeeze %dma_start3A_46 : memref<1x2000xi32, #tpu.memory_space<hbm>> -> memref<2000xi32, #tpu.memory_space<hbm>>
      tpu.enqueue_dma source(%dma_start3A_47 : memref<2000xi32, #tpu.memory_space<hbm>>) target(%arg4 : memref<2000xi32, #tpu.memory_space<vmem>>) target_semaphore(%run_scoped3A_44 : memref<!tpu.dma_semaphore, #tpu.memory_space<semaphore_mem>>)
      %dma_wait3A = tpu.memref_slice %arg2[%run_scoped3A_22, %add3A_21] : memref<2x640000xi32, #tpu.memory_space<hbm>> -> memref<1x2000xi32, #tpu.memory_space<hbm>>
      %dma_wait3A_48 = tpu.memref_squeeze %dma_wait3A : memref<1x2000xi32, #tpu.memory_space<hbm>> -> memref<2000xi32, #tpu.memory_space<hbm>>
      %dma_wait3A_49 = tpu.memref_slice %arg2[%run_scoped3A_22, %add3A_21] : memref<2x640000xi32, #tpu.memory_space<hbm>> -> memref<1x2000xi32, #tpu.memory_space<hbm>>
      %dma_wait3A_50 = tpu.memref_squeeze %dma_wait3A_49 : memref<1x2000xi32, #tpu.memory_space<hbm>> -> memref<2000xi32, #tpu.memory_space<hbm>>
      tpu.wait_dma2 semaphore(%run_scoped3A_44 : memref<!tpu.dma_semaphore, #tpu.memory_space<semaphore_mem>>) src(%dma_wait3A_50 : memref<2000xi32, #tpu.memory_space<hbm>>) dst(%arg4 : memref<2000xi32, #tpu.memory_space<vmem>>)
      tpu.yield
    }) : () -> ()
    "tpu.region"() ({
      %run_scoped3A_44 = tpu.sem_alloc : memref<!tpu.dma_semaphore, #tpu.memory_space<semaphore_mem>>
      %dma_start3A = arith.constant 0 : i32
      %dma_start3A_45 = tpu.memref_slice %arg7[%dma_start3A] : memref<10000xf32, #tpu.memory_space<vmem_shared>> -> memref<10000xf32, #tpu.memory_space<vmem_shared>>
      tpu.enqueue_indirect_dma source(%arg5 : memref<2000xf32, #tpu.memory_space<vmem>>) target(%dma_start3A_45 : memref<10000xf32, #tpu.memory_space<vmem_shared>>) offsets(%arg4 : memref<2000xi32, #tpu.memory_space<vmem>>) semaphore(%run_scoped3A_44 : memref<!tpu.dma_semaphore, #tpu.memory_space<semaphore_mem>>) {add = true}
      %dma_wait3A = arith.constant 0 : i32
      %dma_wait3A_46 = tpu.memref_slice %arg7[%dma_wait3A] : memref<10000xf32, #tpu.memory_space<vmem_shared>> -> memref<10000xf32, #tpu.memory_space<vmem_shared>>
      tpu.wait_indirect_dma semaphore(%run_scoped3A_44 : memref<!tpu.dma_semaphore, #tpu.memory_space<semaphore_mem>>) src(%arg5 : memref<2000xf32, #tpu.memory_space<vmem>>) dst(%dma_wait3A_46 : memref<10000xf32, #tpu.memory_space<vmem_shared>>)
      tpu.yield
    }) : () -> ()
    %add3A_23 = arith.constant 10000 : i32
    %add3A_24 = arith.addi %mul3A_8, %add3A_23 : i32
    %run_scoped3A_25 = arith.constant 1 : i32
    "tpu.region"() ({
      %run_scoped3A_44 = tpu.sem_alloc : memref<!tpu.dma_semaphore, #tpu.memory_space<semaphore_mem>>
      %dma_start3A = tpu.memref_slice %arg2[%run_scoped3A_25, %add3A_24] : memref<2x640000xi32, #tpu.memory_space<hbm>> -> memref<1x2000xi32, #tpu.memory_space<hbm>>
      %dma_start3A_45 = tpu.memref_squeeze %dma_start3A : memref<1x2000xi32, #tpu.memory_space<hbm>> -> memref<2000xi32, #tpu.memory_space<hbm>>
      %dma_start3A_46 = tpu.memref_slice %arg2[%run_scoped3A_25, %add3A_24] : memref<2x640000xi32, #tpu.memory_space<hbm>> -> memref<1x2000xi32, #tpu.memory_space<hbm>>
      %dma_start3A_47 = tpu.memref_squeeze %dma_start3A_46 : memref<1x2000xi32, #tpu.memory_space<hbm>> -> memref<2000xi32, #tpu.memory_space<hbm>>
      tpu.enqueue_dma source(%dma_start3A_47 : memref<2000xi32, #tpu.memory_space<hbm>>) target(%arg4 : memref<2000xi32, #tpu.memory_space<vmem>>) target_semaphore(%run_scoped3A_44 : memref<!tpu.dma_semaphore, #tpu.memory_space<semaphore_mem>>)
      %dma_wait3A = tpu.memref_slice %arg2[%run_scoped3A_25, %add3A_24] : memref<2x640000xi32, #tpu.memory_space<hbm>> -> memref<1x2000xi32, #tpu.memory_space<hbm>>
      %dma_wait3A_48 = tpu.memref_squeeze %dma_wait3A : memref<1x2000xi32, #tpu.memory_space<hbm>> -> memref<2000xi32, #tpu.memory_space<hbm>>
      %dma_wait3A_49 = tpu.memref_slice %arg2[%run_scoped3A_25, %add3A_24] : memref<2x640000xi32, #tpu.memory_space<hbm>> -> memref<1x2000xi32, #tpu.memory_space<hbm>>
      %dma_wait3A_50 = tpu.memref_squeeze %dma_wait3A_49 : memref<1x2000xi32, #tpu.memory_space<hbm>> -> memref<2000xi32, #tpu.memory_space<hbm>>
      tpu.wait_dma2 semaphore(%run_scoped3A_44 : memref<!tpu.dma_semaphore, #tpu.memory_space<semaphore_mem>>) src(%dma_wait3A_50 : memref<2000xi32, #tpu.memory_space<hbm>>) dst(%arg4 : memref<2000xi32, #tpu.memory_space<vmem>>)
      tpu.yield
    }) : () -> ()
    "tpu.region"() ({
      %run_scoped3A_44 = tpu.sem_alloc : memref<!tpu.dma_semaphore, #tpu.memory_space<semaphore_mem>>
      %dma_start3A = arith.constant 0 : i32
      %dma_start3A_45 = tpu.memref_slice %arg7[%dma_start3A] : memref<10000xf32, #tpu.memory_space<vmem_shared>> -> memref<10000xf32, #tpu.memory_space<vmem_shared>>
      tpu.enqueue_indirect_dma source(%arg5 : memref<2000xf32, #tpu.memory_space<vmem>>) target(%dma_start3A_45 : memref<10000xf32, #tpu.memory_space<vmem_shared>>) offsets(%arg4 : memref<2000xi32, #tpu.memory_space<vmem>>) semaphore(%run_scoped3A_44 : memref<!tpu.dma_semaphore, #tpu.memory_space<semaphore_mem>>) {add = true}
      %dma_wait3A = arith.constant 0 : i32
      %dma_wait3A_46 = tpu.memref_slice %arg7[%dma_wait3A] : memref<10000xf32, #tpu.memory_space<vmem_shared>> -> memref<10000xf32, #tpu.memory_space<vmem_shared>>
      tpu.wait_indirect_dma semaphore(%run_scoped3A_44 : memref<!tpu.dma_semaphore, #tpu.memory_space<semaphore_mem>>) src(%arg5 : memref<2000xf32, #tpu.memory_space<vmem>>) dst(%dma_wait3A_46 : memref<10000xf32, #tpu.memory_space<vmem_shared>>)
      tpu.yield
    }) : () -> ()
    %add3A_26 = arith.constant 12000 : i32
    %add3A_27 = arith.addi %mul3A_8, %add3A_26 : i32
    %run_scoped3A_28 = arith.constant 1 : i32
    "tpu.region"() ({
      %run_scoped3A_44 = tpu.sem_alloc : memref<!tpu.dma_semaphore, #tpu.memory_space<semaphore_mem>>
      %dma_start3A = tpu.memref_slice %arg2[%run_scoped3A_28, %add3A_27] : memref<2x640000xi32, #tpu.memory_space<hbm>> -> memref<1x2000xi32, #tpu.memory_space<hbm>>
      %dma_start3A_45 = tpu.memref_squeeze %dma_start3A : memref<1x2000xi32, #tpu.memory_space<hbm>> -> memref<2000xi32, #tpu.memory_space<hbm>>
      %dma_start3A_46 = tpu.memref_slice %arg2[%run_scoped3A_28, %add3A_27] : memref<2x640000xi32, #tpu.memory_space<hbm>> -> memref<1x2000xi32, #tpu.memory_space<hbm>>
      %dma_start3A_47 = tpu.memref_squeeze %dma_start3A_46 : memref<1x2000xi32, #tpu.memory_space<hbm>> -> memref<2000xi32, #tpu.memory_space<hbm>>
      tpu.enqueue_dma source(%dma_start3A_47 : memref<2000xi32, #tpu.memory_space<hbm>>) target(%arg4 : memref<2000xi32, #tpu.memory_space<vmem>>) target_semaphore(%run_scoped3A_44 : memref<!tpu.dma_semaphore, #tpu.memory_space<semaphore_mem>>)
      %dma_wait3A = tpu.memref_slice %arg2[%run_scoped3A_28, %add3A_27] : memref<2x640000xi32, #tpu.memory_space<hbm>> -> memref<1x2000xi32, #tpu.memory_space<hbm>>
      %dma_wait3A_48 = tpu.memref_squeeze %dma_wait3A : memref<1x2000xi32, #tpu.memory_space<hbm>> -> memref<2000xi32, #tpu.memory_space<hbm>>
      %dma_wait3A_49 = tpu.memref_slice %arg2[%run_scoped3A_28, %add3A_27] : memref<2x640000xi32, #tpu.memory_space<hbm>> -> memref<1x2000xi32, #tpu.memory_space<hbm>>
      %dma_wait3A_50 = tpu.memref_squeeze %dma_wait3A_49 : memref<1x2000xi32, #tpu.memory_space<hbm>> -> memref<2000xi32, #tpu.memory_space<hbm>>
      tpu.wait_dma2 semaphore(%run_scoped3A_44 : memref<!tpu.dma_semaphore, #tpu.memory_space<semaphore_mem>>) src(%dma_wait3A_50 : memref<2000xi32, #tpu.memory_space<hbm>>) dst(%arg4 : memref<2000xi32, #tpu.memory_space<vmem>>)
      tpu.yield
    }) : () -> ()
    "tpu.region"() ({
      %run_scoped3A_44 = tpu.sem_alloc : memref<!tpu.dma_semaphore, #tpu.memory_space<semaphore_mem>>
      %dma_start3A = arith.constant 0 : i32
      %dma_start3A_45 = tpu.memref_slice %arg7[%dma_start3A] : memref<10000xf32, #tpu.memory_space<vmem_shared>> -> memref<10000xf32, #tpu.memory_space<vmem_shared>>
      tpu.enqueue_indirect_dma source(%arg5 : memref<2000xf32, #tpu.memory_space<vmem>>) target(%dma_start3A_45 : memref<10000xf32, #tpu.memory_space<vmem_shared>>) offsets(%arg4 : memref<2000xi32, #tpu.memory_space<vmem>>) semaphore(%run_scoped3A_44 : memref<!tpu.dma_semaphore, #tpu.memory_space<semaphore_mem>>) {add = true}
      %dma_wait3A = arith.constant 0 : i32
      %dma_wait3A_46 = tpu.memref_slice %arg7[%dma_wait3A] : memref<10000xf32, #tpu.memory_space<vmem_shared>> -> memref<10000xf32, #tpu.memory_space<vmem_shared>>
      tpu.wait_indirect_dma semaphore(%run_scoped3A_44 : memref<!tpu.dma_semaphore, #tpu.memory_space<semaphore_mem>>) src(%arg5 : memref<2000xf32, #tpu.memory_space<vmem>>) dst(%dma_wait3A_46 : memref<10000xf32, #tpu.memory_space<vmem_shared>>)
      tpu.yield
    }) : () -> ()
    %add3A_29 = arith.constant 14000 : i32
    %add3A_30 = arith.addi %mul3A_8, %add3A_29 : i32
    %run_scoped3A_31 = arith.constant 1 : i32
    "tpu.region"() ({
      %run_scoped3A_44 = tpu.sem_alloc : memref<!tpu.dma_semaphore, #tpu.memory_space<semaphore_mem>>
      %dma_start3A = tpu.memref_slice %arg2[%run_scoped3A_31, %add3A_30] : memref<2x640000xi32, #tpu.memory_space<hbm>> -> memref<1x2000xi32, #tpu.memory_space<hbm>>
      %dma_start3A_45 = tpu.memref_squeeze %dma_start3A : memref<1x2000xi32, #tpu.memory_space<hbm>> -> memref<2000xi32, #tpu.memory_space<hbm>>
      %dma_start3A_46 = tpu.memref_slice %arg2[%run_scoped3A_31, %add3A_30] : memref<2x640000xi32, #tpu.memory_space<hbm>> -> memref<1x2000xi32, #tpu.memory_space<hbm>>
      %dma_start3A_47 = tpu.memref_squeeze %dma_start3A_46 : memref<1x2000xi32, #tpu.memory_space<hbm>> -> memref<2000xi32, #tpu.memory_space<hbm>>
      tpu.enqueue_dma source(%dma_start3A_47 : memref<2000xi32, #tpu.memory_space<hbm>>) target(%arg4 : memref<2000xi32, #tpu.memory_space<vmem>>) target_semaphore(%run_scoped3A_44 : memref<!tpu.dma_semaphore, #tpu.memory_space<semaphore_mem>>)
      %dma_wait3A = tpu.memref_slice %arg2[%run_scoped3A_31, %add3A_30] : memref<2x640000xi32, #tpu.memory_space<hbm>> -> memref<1x2000xi32, #tpu.memory_space<hbm>>
      %dma_wait3A_48 = tpu.memref_squeeze %dma_wait3A : memref<1x2000xi32, #tpu.memory_space<hbm>> -> memref<2000xi32, #tpu.memory_space<hbm>>
      %dma_wait3A_49 = tpu.memref_slice %arg2[%run_scoped3A_31, %add3A_30] : memref<2x640000xi32, #tpu.memory_space<hbm>> -> memref<1x2000xi32, #tpu.memory_space<hbm>>
      %dma_wait3A_50 = tpu.memref_squeeze %dma_wait3A_49 : memref<1x2000xi32, #tpu.memory_space<hbm>> -> memref<2000xi32, #tpu.memory_space<hbm>>
      tpu.wait_dma2 semaphore(%run_scoped3A_44 : memref<!tpu.dma_semaphore, #tpu.memory_space<semaphore_mem>>) src(%dma_wait3A_50 : memref<2000xi32, #tpu.memory_space<hbm>>) dst(%arg4 : memref<2000xi32, #tpu.memory_space<vmem>>)
      tpu.yield
    }) : () -> ()
    "tpu.region"() ({
      %run_scoped3A_44 = tpu.sem_alloc : memref<!tpu.dma_semaphore, #tpu.memory_space<semaphore_mem>>
      %dma_start3A = arith.constant 0 : i32
      %dma_start3A_45 = tpu.memref_slice %arg7[%dma_start3A] : memref<10000xf32, #tpu.memory_space<vmem_shared>> -> memref<10000xf32, #tpu.memory_space<vmem_shared>>
      tpu.enqueue_indirect_dma source(%arg5 : memref<2000xf32, #tpu.memory_space<vmem>>) target(%dma_start3A_45 : memref<10000xf32, #tpu.memory_space<vmem_shared>>) offsets(%arg4 : memref<2000xi32, #tpu.memory_space<vmem>>) semaphore(%run_scoped3A_44 : memref<!tpu.dma_semaphore, #tpu.memory_space<semaphore_mem>>) {add = true}
      %dma_wait3A = arith.constant 0 : i32
      %dma_wait3A_46 = tpu.memref_slice %arg7[%dma_wait3A] : memref<10000xf32, #tpu.memory_space<vmem_shared>> -> memref<10000xf32, #tpu.memory_space<vmem_shared>>
      tpu.wait_indirect_dma semaphore(%run_scoped3A_44 : memref<!tpu.dma_semaphore, #tpu.memory_space<semaphore_mem>>) src(%arg5 : memref<2000xf32, #tpu.memory_space<vmem>>) dst(%dma_wait3A_46 : memref<10000xf32, #tpu.memory_space<vmem_shared>>)
      tpu.yield
    }) : () -> ()
    %add3A_32 = arith.constant 16000 : i32
    %add3A_33 = arith.addi %mul3A_8, %add3A_32 : i32
    %run_scoped3A_34 = arith.constant 1 : i32
    "tpu.region"() ({
      %run_scoped3A_44 = tpu.sem_alloc : memref<!tpu.dma_semaphore, #tpu.memory_space<semaphore_mem>>
      %dma_start3A = tpu.memref_slice %arg2[%run_scoped3A_34, %add3A_33] : memref<2x640000xi32, #tpu.memory_space<hbm>> -> memref<1x2000xi32, #tpu.memory_space<hbm>>
      %dma_start3A_45 = tpu.memref_squeeze %dma_start3A : memref<1x2000xi32, #tpu.memory_space<hbm>> -> memref<2000xi32, #tpu.memory_space<hbm>>
      %dma_start3A_46 = tpu.memref_slice %arg2[%run_scoped3A_34, %add3A_33] : memref<2x640000xi32, #tpu.memory_space<hbm>> -> memref<1x2000xi32, #tpu.memory_space<hbm>>
      %dma_start3A_47 = tpu.memref_squeeze %dma_start3A_46 : memref<1x2000xi32, #tpu.memory_space<hbm>> -> memref<2000xi32, #tpu.memory_space<hbm>>
      tpu.enqueue_dma source(%dma_start3A_47 : memref<2000xi32, #tpu.memory_space<hbm>>) target(%arg4 : memref<2000xi32, #tpu.memory_space<vmem>>) target_semaphore(%run_scoped3A_44 : memref<!tpu.dma_semaphore, #tpu.memory_space<semaphore_mem>>)
      %dma_wait3A = tpu.memref_slice %arg2[%run_scoped3A_34, %add3A_33] : memref<2x640000xi32, #tpu.memory_space<hbm>> -> memref<1x2000xi32, #tpu.memory_space<hbm>>
      %dma_wait3A_48 = tpu.memref_squeeze %dma_wait3A : memref<1x2000xi32, #tpu.memory_space<hbm>> -> memref<2000xi32, #tpu.memory_space<hbm>>
      %dma_wait3A_49 = tpu.memref_slice %arg2[%run_scoped3A_34, %add3A_33] : memref<2x640000xi32, #tpu.memory_space<hbm>> -> memref<1x2000xi32, #tpu.memory_space<hbm>>
      %dma_wait3A_50 = tpu.memref_squeeze %dma_wait3A_49 : memref<1x2000xi32, #tpu.memory_space<hbm>> -> memref<2000xi32, #tpu.memory_space<hbm>>
      tpu.wait_dma2 semaphore(%run_scoped3A_44 : memref<!tpu.dma_semaphore, #tpu.memory_space<semaphore_mem>>) src(%dma_wait3A_50 : memref<2000xi32, #tpu.memory_space<hbm>>) dst(%arg4 : memref<2000xi32, #tpu.memory_space<vmem>>)
      tpu.yield
    }) : () -> ()
    "tpu.region"() ({
      %run_scoped3A_44 = tpu.sem_alloc : memref<!tpu.dma_semaphore, #tpu.memory_space<semaphore_mem>>
      %dma_start3A = arith.constant 0 : i32
      %dma_start3A_45 = tpu.memref_slice %arg7[%dma_start3A] : memref<10000xf32, #tpu.memory_space<vmem_shared>> -> memref<10000xf32, #tpu.memory_space<vmem_shared>>
      tpu.enqueue_indirect_dma source(%arg5 : memref<2000xf32, #tpu.memory_space<vmem>>) target(%dma_start3A_45 : memref<10000xf32, #tpu.memory_space<vmem_shared>>) offsets(%arg4 : memref<2000xi32, #tpu.memory_space<vmem>>) semaphore(%run_scoped3A_44 : memref<!tpu.dma_semaphore, #tpu.memory_space<semaphore_mem>>) {add = true}
      %dma_wait3A = arith.constant 0 : i32
      %dma_wait3A_46 = tpu.memref_slice %arg7[%dma_wait3A] : memref<10000xf32, #tpu.memory_space<vmem_shared>> -> memref<10000xf32, #tpu.memory_space<vmem_shared>>
      tpu.wait_indirect_dma semaphore(%run_scoped3A_44 : memref<!tpu.dma_semaphore, #tpu.memory_space<semaphore_mem>>) src(%arg5 : memref<2000xf32, #tpu.memory_space<vmem>>) dst(%dma_wait3A_46 : memref<10000xf32, #tpu.memory_space<vmem_shared>>)
      tpu.yield
    }) : () -> ()
    %add3A_35 = arith.constant 18000 : i32
    %add3A_36 = arith.addi %mul3A_8, %add3A_35 : i32
    %run_scoped3A_37 = arith.constant 1 : i32
    "tpu.region"() ({
      %run_scoped3A_44 = tpu.sem_alloc : memref<!tpu.dma_semaphore, #tpu.memory_space<semaphore_mem>>
      %dma_start3A = tpu.memref_slice %arg2[%run_scoped3A_37, %add3A_36] : memref<2x640000xi32, #tpu.memory_space<hbm>> -> memref<1x2000xi32, #tpu.memory_space<hbm>>
      %dma_start3A_45 = tpu.memref_squeeze %dma_start3A : memref<1x2000xi32, #tpu.memory_space<hbm>> -> memref<2000xi32, #tpu.memory_space<hbm>>
      %dma_start3A_46 = tpu.memref_slice %arg2[%run_scoped3A_37, %add3A_36] : memref<2x640000xi32, #tpu.memory_space<hbm>> -> memref<1x2000xi32, #tpu.memory_space<hbm>>
      %dma_start3A_47 = tpu.memref_squeeze %dma_start3A_46 : memref<1x2000xi32, #tpu.memory_space<hbm>> -> memref<2000xi32, #tpu.memory_space<hbm>>
      tpu.enqueue_dma source(%dma_start3A_47 : memref<2000xi32, #tpu.memory_space<hbm>>) target(%arg4 : memref<2000xi32, #tpu.memory_space<vmem>>) target_semaphore(%run_scoped3A_44 : memref<!tpu.dma_semaphore, #tpu.memory_space<semaphore_mem>>)
      %dma_wait3A = tpu.memref_slice %arg2[%run_scoped3A_37, %add3A_36] : memref<2x640000xi32, #tpu.memory_space<hbm>> -> memref<1x2000xi32, #tpu.memory_space<hbm>>
      %dma_wait3A_48 = tpu.memref_squeeze %dma_wait3A : memref<1x2000xi32, #tpu.memory_space<hbm>> -> memref<2000xi32, #tpu.memory_space<hbm>>
      %dma_wait3A_49 = tpu.memref_slice %arg2[%run_scoped3A_37, %add3A_36] : memref<2x640000xi32, #tpu.memory_space<hbm>> -> memref<1x2000xi32, #tpu.memory_space<hbm>>
      %dma_wait3A_50 = tpu.memref_squeeze %dma_wait3A_49 : memref<1x2000xi32, #tpu.memory_space<hbm>> -> memref<2000xi32, #tpu.memory_space<hbm>>
      tpu.wait_dma2 semaphore(%run_scoped3A_44 : memref<!tpu.dma_semaphore, #tpu.memory_space<semaphore_mem>>) src(%dma_wait3A_50 : memref<2000xi32, #tpu.memory_space<hbm>>) dst(%arg4 : memref<2000xi32, #tpu.memory_space<vmem>>)
      tpu.yield
    }) : () -> ()
    "tpu.region"() ({
      %run_scoped3A_44 = tpu.sem_alloc : memref<!tpu.dma_semaphore, #tpu.memory_space<semaphore_mem>>
      %dma_start3A = arith.constant 0 : i32
      %dma_start3A_45 = tpu.memref_slice %arg7[%dma_start3A] : memref<10000xf32, #tpu.memory_space<vmem_shared>> -> memref<10000xf32, #tpu.memory_space<vmem_shared>>
      tpu.enqueue_indirect_dma source(%arg5 : memref<2000xf32, #tpu.memory_space<vmem>>) target(%dma_start3A_45 : memref<10000xf32, #tpu.memory_space<vmem_shared>>) offsets(%arg4 : memref<2000xi32, #tpu.memory_space<vmem>>) semaphore(%run_scoped3A_44 : memref<!tpu.dma_semaphore, #tpu.memory_space<semaphore_mem>>) {add = true}
      %dma_wait3A = arith.constant 0 : i32
      %dma_wait3A_46 = tpu.memref_slice %arg7[%dma_wait3A] : memref<10000xf32, #tpu.memory_space<vmem_shared>> -> memref<10000xf32, #tpu.memory_space<vmem_shared>>
      tpu.wait_indirect_dma semaphore(%run_scoped3A_44 : memref<!tpu.dma_semaphore, #tpu.memory_space<semaphore_mem>>) src(%arg5 : memref<2000xf32, #tpu.memory_space<vmem>>) dst(%dma_wait3A_46 : memref<10000xf32, #tpu.memory_space<vmem_shared>>)
      tpu.yield
    }) : () -> ()
    %barrier3A_38 = arith.constant 0 : index
    tpu.barrier barrier_id(%barrier3A_38)
    %eq3A_39 = arith.constant 0 : i32
    %eq3A_40 = arith.cmpi eq, %arg1, %eq3A_39 : i32
    %convert_element_type3A_41 = arith.extui %eq3A_40 : i1 to i32
    %cond3A_42 = arith.constant 0 : i32
    %cond3A_43 = arith.cmpi ne, %convert_element_type3A_41, %cond3A_42 : i32
    scf.if %cond3A_43 {
      "tpu.region"() ({
        %run_scoped3A_44 = tpu.sem_alloc : memref<!tpu.dma_semaphore, #tpu.memory_space<semaphore_mem>>
        %dma_start3A = arith.constant 0 : i32
        %dma_start3A_45 = tpu.memref_slice %arg3[%arg0, %dma_start3A] : memref<2x10000xf32, #tpu.memory_space<hbm>> -> memref<1x10000xf32, #tpu.memory_space<hbm>>
        %dma_start3A_46 = tpu.memref_squeeze %dma_start3A_45 : memref<1x10000xf32, #tpu.memory_space<hbm>> -> memref<10000xf32, #tpu.memory_space<hbm>>
        tpu.enqueue_dma source(%arg7 : memref<10000xf32, #tpu.memory_space<vmem_shared>>) target(%dma_start3A_46 : memref<10000xf32, #tpu.memory_space<hbm>>) target_semaphore(%run_scoped3A_44 : memref<!tpu.dma_semaphore, #tpu.memory_space<semaphore_mem>>)
        %dma_wait3A = arith.constant 0 : i32
        %dma_wait3A_47 = tpu.memref_slice %arg3[%arg0, %dma_wait3A] : memref<2x10000xf32, #tpu.memory_space<hbm>> -> memref<1x10000xf32, #tpu.memory_space<hbm>>
        %dma_wait3A_48 = tpu.memref_squeeze %dma_wait3A_47 : memref<1x10000xf32, #tpu.memory_space<hbm>> -> memref<10000xf32, #tpu.memory_space<hbm>>
        tpu.wait_dma2 semaphore(%run_scoped3A_44 : memref<!tpu.dma_semaphore, #tpu.memory_space<semaphore_mem>>) src(%arg7 : memref<10000xf32, #tpu.memory_space<vmem_shared>>) dst(%dma_wait3A_48 : memref<10000xf32, #tpu.memory_space<hbm>>)
        tpu.yield
      }) : () -> ()
    } else {
    }
    return
  }
}

module attributes {stable_mosaic.version = 14 : i64} {
  func.func @_mm_body(%arg0: i32, %arg1: memref<1000x116xf32, #tpu.memory_space<vmem>>, %arg2: memref<116x64xf32, #tpu.memory_space<vmem>>, %arg3: memref<1000x64xf32, #tpu.memory_space<vmem>>) attributes {dimension_semantics = [#tpu.dimension_semantics<arbitrary>], iteration_bounds = array<i64: 10>, scalar_prefetch = 0 : i64, scratch_operands = 0 : i64, tpu.core_type = #tpu.core_type<tc>, window_params = [{transform_indices = @transform_0, window_bounds = array<i64: 1000, 116>}, {pipeline_mode = #tpu.pipeline_mode<synchronous>, transform_indices = @transform_1, window_bounds = array<i64: 116, 64>}, {transform_indices = @transform_2, window_bounds = array<i64: 1000, 64>}]} {
    %get3A = arith.constant 0 : index
    %get3A_0 = arith.constant 0 : index
    %get3A_1 = vector.load %arg1[%get3A, %get3A_0] : memref<1000x116xf32, #tpu.memory_space<vmem>>, vector<1000x116xf32>
    %get3A_2 = arith.constant 0 : index
    %get3A_3 = arith.constant 0 : index
    %get3A_4 = vector.load %arg2[%get3A_2, %get3A_3] : memref<116x64xf32, #tpu.memory_space<vmem>>, vector<116x64xf32>
    %dot_general3A = arith.constant dense<0.000000e+00> : vector<1000x64xf32>
    %dot_general3A_5 = tpu.matmul %get3A_1, %get3A_4, %dot_general3A {dimension_numbers = #tpu.dot_dimension_numbers<[1], [0], [0], [1], [0, 0, 1, 1], [], []>, transpose_lhs_hint = false} : vector<1000x116xf32>, vector<116x64xf32>, vector<1000x64xf32> -> vector<1000x64xf32>
    %swap3A = arith.constant 0 : index
    %swap3A_6 = arith.constant 0 : index
    %swap3A_7 = vector.load %arg3[%swap3A, %swap3A_6] : memref<1000x64xf32, #tpu.memory_space<vmem>>, vector<1000x64xf32>
    tpu.vector_store %arg3[%swap3A, %swap3A_6], %dot_general3A_5 {strides = array<i32>} : memref<1000x64xf32, #tpu.memory_space<vmem>>, vector<1000x64xf32>,
    return
  }
  func.func @transform_0(%arg0: i32) -> (i32, i32) {
    %c0_i32 = arith.constant 0 : i32
    %c0_i32_0 = arith.constant 0 : i32
    return %arg0, %c0_i32 : i32, i32
  }
  func.func @transform_1(%arg0: i32) -> (i32, i32) {
    %c0_i32 = arith.constant 0 : i32
    %c0_i32_0 = arith.constant 0 : i32
    %c0_i32_1 = arith.constant 0 : i32
    return %c0_i32, %c0_i32_0 : i32, i32
  }
  func.func @transform_2(%arg0: i32) -> (i32, i32) {
    %c0_i32 = arith.constant 0 : i32
    %c0_i32_0 = arith.constant 0 : i32
    return %arg0, %c0_i32 : i32, i32
  }
}

module attributes {stable_mosaic.version = 14 : i64} {
  func.func @_scale_body(%arg0: i32, %arg1: memref<1000x64xf32, #tpu.memory_space<vmem>>, %arg2: memref<1000x1xf32, #tpu.memory_space<vmem>>, %arg3: memref<1000x1xf32, #tpu.memory_space<vmem>>, %arg4: memref<1000x64xf32, #tpu.memory_space<vmem>>, %arg5: memref<1000x1xf32, #tpu.memory_space<vmem>>) attributes {dimension_semantics = [#tpu.dimension_semantics<arbitrary>], iteration_bounds = array<i64: 10>, scalar_prefetch = 0 : i64, scratch_operands = 0 : i64, tpu.core_type = #tpu.core_type<tc>, window_params = [{transform_indices = @transform_0, window_bounds = array<i64: 1000, 64>}, {transform_indices = @transform_1, window_bounds = array<i64: 1000, 1>}, {transform_indices = @transform_2, window_bounds = array<i64: 1000, 1>}, {transform_indices = @transform_3, window_bounds = array<i64: 1000, 64>}, {transform_indices = @transform_4, window_bounds = array<i64: 1000, 1>}]} {
    %get3A = arith.constant 0 : index
    %get3A_0 = arith.constant 0 : index
    %get3A_1 = vector.load %arg2[%get3A, %get3A_0] : memref<1000x1xf32, #tpu.memory_space<vmem>>, vector<1000x1xf32>
    %get3A_2 = arith.constant 0 : index
    %get3A_3 = arith.constant 0 : index
    %get3A_4 = vector.load %arg3[%get3A_2, %get3A_3] : memref<1000x1xf32, #tpu.memory_space<vmem>>, vector<1000x1xf32>
    %add3A = arith.addf %get3A_1, %get3A_4 : vector<1000x1xf32>
    %add3A_5 = arith.constant 1.000000e+00 : f32
    %add3A_6 = vector.broadcast %add3A_5 : f32 to vector<1000x1xf32>
    %add3A_7 = arith.addf %add3A, %add3A_6 : vector<1000x1xf32>
    %rsqrt3A = math.rsqrt %add3A_7 : vector<1000x1xf32>
    %swap3A = arith.constant 0 : index
    %swap3A_8 = arith.constant 0 : index
    %swap3A_9 = vector.load %arg5[%swap3A, %swap3A_8] : memref<1000x1xf32, #tpu.memory_space<vmem>>, vector<1000x1xf32>
    tpu.vector_store %arg5[%swap3A, %swap3A_8], %rsqrt3A {strides = array<i32>} : memref<1000x1xf32, #tpu.memory_space<vmem>>, vector<1000x1xf32>,
    %get3A_10 = arith.constant 0 : index
    %get3A_11 = arith.constant 0 : index
    %get3A_12 = vector.load %arg1[%get3A_10, %get3A_11] : memref<1000x64xf32, #tpu.memory_space<vmem>>, vector<1000x64xf32>
    %mul3A = vector.broadcast %rsqrt3A : vector<1000x1xf32> to vector<1000x64xf32>
    %mul3A_13 = arith.mulf %get3A_12, %mul3A : vector<1000x64xf32>
    %swap3A_14 = arith.constant 0 : index
    %swap3A_15 = arith.constant 0 : index
    %swap3A_16 = vector.load %arg4[%swap3A_14, %swap3A_15] : memref<1000x64xf32, #tpu.memory_space<vmem>>, vector<1000x64xf32>
    tpu.vector_store %arg4[%swap3A_14, %swap3A_15], %mul3A_13 {strides = array<i32>} : memref<1000x64xf32, #tpu.memory_space<vmem>>, vector<1000x64xf32>,
    return
  }
  func.func @transform_0(%arg0: i32) -> (i32, i32) {
    %c0_i32 = arith.constant 0 : i32
    %c0_i32_0 = arith.constant 0 : i32
    return %arg0, %c0_i32 : i32, i32
  }
  func.func @transform_1(%arg0: i32) -> (i32, i32) {
    %c0_i32 = arith.constant 0 : i32
    %c0_i32_0 = arith.constant 0 : i32
    return %arg0, %c0_i32 : i32, i32
  }
  func.func @transform_2(%arg0: i32) -> (i32, i32) {
    %c0_i32 = arith.constant 0 : i32
    %c0_i32_0 = arith.constant 0 : i32
    return %arg0, %c0_i32 : i32, i32
  }
  func.func @transform_3(%arg0: i32) -> (i32, i32) {
    %c0_i32 = arith.constant 0 : i32
    %c0_i32_0 = arith.constant 0 : i32
    return %arg0, %c0_i32 : i32, i32
  }
  func.func @transform_4(%arg0: i32) -> (i32, i32) {
    %c0_i32 = arith.constant 0 : i32
    %c0_i32_0 = arith.constant 0 : i32
    return %arg0, %c0_i32 : i32, i32
  }
}

module attributes {stable_mosaic.version = 14 : i64} {
  func.func @_finish_body(%arg0: i32, %arg1: memref<2x1000x64xf32, #tpu.memory_space<vmem>>, %arg2: memref<1000x64xf32, #tpu.memory_space<vmem>>, %arg3: memref<1000x1xf32, #tpu.memory_space<vmem>>, %arg4: memref<1x64xf32, #tpu.memory_space<vmem>>, %arg5: memref<1000x64xf32, #tpu.memory_space<vmem>>) attributes {dimension_semantics = [#tpu.dimension_semantics<arbitrary>], iteration_bounds = array<i64: 10>, scalar_prefetch = 0 : i64, scratch_operands = 0 : i64, tpu.core_type = #tpu.core_type<tc>, window_params = [{transform_indices = @transform_0, window_bounds = array<i64: 2, 1000, 64>}, {transform_indices = @transform_1, window_bounds = array<i64: 1000, 64>}, {transform_indices = @transform_2, window_bounds = array<i64: 1000, 1>}, {pipeline_mode = #tpu.pipeline_mode<synchronous>, transform_indices = @transform_3, window_bounds = array<i64: 1, 64>}, {transform_indices = @transform_4, window_bounds = array<i64: 1000, 64>}]} {
    %get3A = arith.constant 0 : index
    %get3A_0 = arith.constant 0 : index
    %get3A_1 = arith.constant 0 : index
    %get3A_2 = vector.load %arg1[%get3A, %get3A_0, %get3A_1] : memref<2x1000x64xf32, #tpu.memory_space<vmem>>, vector<1x1000x64xf32>
    %get3A_3 = vector.shape_cast %get3A_2 : vector<1x1000x64xf32> to vector<1000x64xf32>
    %get3A_4 = arith.constant 1 : index
    %get3A_5 = arith.constant 0 : index
    %get3A_6 = arith.constant 0 : index
    %get3A_7 = vector.load %arg1[%get3A_4, %get3A_5, %get3A_6] : memref<2x1000x64xf32, #tpu.memory_space<vmem>>, vector<1x1000x64xf32>
    %get3A_8 = vector.shape_cast %get3A_7 : vector<1x1000x64xf32> to vector<1000x64xf32>
    %add3A = arith.addf %get3A_3, %get3A_8 : vector<1000x64xf32>
    %get3A_9 = arith.constant 0 : index
    %get3A_10 = arith.constant 0 : index
    %get3A_11 = vector.load %arg2[%get3A_9, %get3A_10] : memref<1000x64xf32, #tpu.memory_space<vmem>>, vector<1000x64xf32>
    %add3A_12 = arith.addf %add3A, %get3A_11 : vector<1000x64xf32>
    %get3A_13 = arith.constant 0 : index
    %get3A_14 = arith.constant 0 : index
    %get3A_15 = vector.load %arg3[%get3A_13, %get3A_14] : memref<1000x1xf32, #tpu.memory_space<vmem>>, vector<1000x1xf32>
    %mul3A = vector.broadcast %get3A_15 : vector<1000x1xf32> to vector<1000x64xf32>
    %mul3A_16 = arith.mulf %add3A_12, %mul3A : vector<1000x64xf32>
    %get3A_17 = arith.constant 0 : index
    %get3A_18 = arith.constant 0 : index
    %get3A_19 = vector.load %arg4[%get3A_17, %get3A_18] : memref<1x64xf32, #tpu.memory_space<vmem>>, vector<1x64xf32>
    %add3A_20 = vector.broadcast %get3A_19 : vector<1x64xf32> to vector<1000x64xf32>
    %add3A_21 = arith.addf %mul3A_16, %add3A_20 : vector<1000x64xf32>
    %max3A = arith.constant 0.000000e+00 : f32
    %max3A_22 = vector.broadcast %max3A : f32 to vector<1000x64xf32>
    %max3A_23 = arith.maximumf %add3A_21, %max3A_22 : vector<1000x64xf32>
    %swap3A = arith.constant 0 : index
    %swap3A_24 = arith.constant 0 : index
    %swap3A_25 = vector.load %arg5[%swap3A, %swap3A_24] : memref<1000x64xf32, #tpu.memory_space<vmem>>, vector<1000x64xf32>
    tpu.vector_store %arg5[%swap3A, %swap3A_24], %max3A_23 {strides = array<i32>} : memref<1000x64xf32, #tpu.memory_space<vmem>>, vector<1000x64xf32>,
    return
  }
  func.func @transform_0(%arg0: i32) -> (i32, i32, i32) {
    %c0_i32 = arith.constant 0 : i32
    %c0_i32_0 = arith.constant 0 : i32
    %c0_i32_1 = arith.constant 0 : i32
    return %c0_i32, %arg0, %c0_i32_0 : i32, i32, i32
  }
  func.func @transform_1(%arg0: i32) -> (i32, i32) {
    %c0_i32 = arith.constant 0 : i32
    %c0_i32_0 = arith.constant 0 : i32
    return %arg0, %c0_i32 : i32, i32
  }
  func.func @transform_2(%arg0: i32) -> (i32, i32) {
    %c0_i32 = arith.constant 0 : i32
    %c0_i32_0 = arith.constant 0 : i32
    return %arg0, %c0_i32 : i32, i32
  }
  func.func @transform_3(%arg0: i32) -> (i32, i32) {
    %c0_i32 = arith.constant 0 : i32
    %c0_i32_0 = arith.constant 0 : i32
    %c0_i32_1 = arith.constant 0 : i32
    return %c0_i32, %c0_i32_0 : i32, i32
  }
  func.func @transform_4(%arg0: i32) -> (i32, i32) {
    %c0_i32 = arith.constant 0 : i32
    %c0_i32_0 = arith.constant 0 : i32
    return %arg0, %c0_i32 : i32, i32
  }
}

</mosaic_0001>

<sc_bundles>
// kernel: kernel.10.cloned.1.call-start
scs
__scs_entry_jumppad:
0x0: {  	(pc) =	sbr.rel $0x88, $3  }
0x1: {  	(tag) =	ssettag $0x0;
	lr =	simm.s32 $0x1  }
0x2: {  	[smem:$0x3F9D] =	sst lr;
	_ =	strace $0xD0000000  }
0x3: {  	_ = 	snop  }
0x4: {  	_ = 	snop  }
0x5: {  	_ = 	snop  }
0x6: {  	_ = 	snop  }
0x7: {  	_ = 	snop  }
__scs_overlays_trampoline_lowered:
0x8: {  	[smem:$0x3FAC] =	sst s0  }
0x9: {  	[smem:$0x3FAD] =	sst s1  }
0xa: {  	[smem:$0x3FAE] =	sst s2  }
0xb: {  	[smem:$0x3FAF] =	sst s3  }
0xc: {  	[smem:$0x3FB0] =	sst s4  }
0xd: {  	[smem:$0x3FB1] =	sst s5  }
0xe: {  	[smem:$0x3FB2] =	sst s6  }
0xf: {  	[smem:$0x3FB3] =	sst s7  }
0x10: {  	[smem:$0x3FB4] =	sst s8  }
0x11: {  	[smem:$0x3FB5] =	sst s9;
	s0 =	simm.s32 @!p0 $0x0  }
0x12: {  	s1 =	sld [smem:$0x3F9B];
	s0 =	simm.s32 @p0 $0x1  }
0x13: {  	[smem:$0x3FB6] =	sst s0;
	s0 =	simm.s32 @!p1 $0x0  }
0x14: {  	s2 =	sld [smem:$0x3F9A];
	s0 =	simm.s32 @p1 $0x1  }
0x15: {  	[smem:$0x3FB7] =	sst s0;
	s0 =	simm.s32 @!p2 $0x0  }
0x16: {  	s3 =	sld [smem:$0x3FDB];
	s0 =	simm.s32 @p2 $0x1  }
0x17: {  	s4 =	simm.s32 $0x1BF5;
	[smem:$0x3FB9] =	sst s0  }
0x18: {  	s0 =	sld [smem:$0x3F9C];
	_ =	swait.ge [sflag:s4], $0x0  }
0x19: {  	s7 =	sld [smem:$0x3F9D]  }
0x1a: {  	s8 =	sadd.s32 $0xFFFFE003, lr  }
0x1b: {  	s9 =	sadd.s32 $0xFFFFFEF7, lr;
	s5 =	simm.s32 $0xFFFFFFFF;
	p2 =	slt.u32 s8, $0xFFFFF086  }
0x1c: {  	p1 =	slt.u32 s9, $0xF7A;
	s5 =	simm.s32 @!p2 $0x0  }
0x1d: {  	s5 =	simm.s32 @p1 $0x1;
	p0 =	seq.s32 s7, s2  }
0x1e: {  	s7 =	smul.u32 @!p0 $0xF7A, s2;
	p2 =	seq.s32 @!p0 s5, $0x0  }
0x1f: {  	s9 =	smul.u32 $0xF7A, s1;
	s8 =	simm.s32 @!p0 $0x1BF5;
	p2 =	por !p2, p0  }
0x20: {  	[sflag:s8] =	ssyncset.s32 @!p0 $0xFFFFF086;
	s6 =	sadd.s32 @!p0 s3, s7;
	s7 =	simm.s32 @!p0 $0x108  }
0x21: {  	s3 =	sadd.s32 s3, s9;
	s6 =	sadd.s32 @!p0 $0x88, s6;
	s7 =	simm.s32 @p2 $0x1082  }
0x22: {  	[simem:s7], [sflag:s8] =	dma.local @!p0 [hbm:s6], $0xF7A  }
0x23: {  	s9 =	sor.u32 $0xD0000000, s2;
	s6 =	simm.s32 $0x108;
	_ =	swait.ge @!p0 [sflag:s8], $0x0  }
0x24: {  	s3 =	sadd.s32 $0x88, s3;
	s6 =	simm.s32 @!p1 $0x1082;
	[sflag:s4] =	ssyncset.s32 $0xFFFFF086  }
0x25: {  	[simem:s6], [sflag:s4] =	dma.local [hbm:s3], $0xF7A  }
0x26: {  	[smem:$0x3F9D] =	sst s1;
	(tag) =	ssettag s2;
	_ =	strace s9  }
0x27: {  	s1 =	sld [smem:$0x3FAD]  }
0x28: {  	s2 =	sld [smem:$0x3FAE]  }
0x29: {  	s4 =	sld [smem:$0x3FB0]  }
0x2a: {  	p0 =	seq.s32 s5, $0x0;
	s5 =	sld [smem:$0x3FB1]  }
0x2b: {  	s6 =	sld [smem:$0x3FB2]  }
0x2c: {  	s7 =	sld [smem:$0x3FB3]  }
0x2d: {  	s3 =	simm.s32 $0x108;
	s8 =	sld [smem:$0x3FB4]  }
0x2e: {  	s3 =	simm.s32 @!p0 $0x1082;
	s9 =	sld [smem:$0x3FB5]  }
0x2f: {  	lr =	sadd.s32 s0, s3;
	s0 =	sld [smem:$0x3FAC]  }
0x30: {  	s3 =	sld [smem:$0x3FAF]  }
0x31: {  	[smem:$0x3FB8] =	sst s10  }
0x32: {  	s10 =	sld [smem:$0x3FB6];
	_ =	sdelay $0x3  }
0x33: {  	p0 =	seq.s32 s10, $0x1;
	s10 =	sld [smem:$0x3FB8];
	_ =	sdelay $0x3  }
0x34: {  	[smem:$0x3FB8] =	sst s10  }
0x35: {  	s10 =	sld [smem:$0x3FB7];
	_ =	sdelay $0x3  }
0x36: {  	p1 =	seq.s32 s10, $0x1;
	s10 =	sld [smem:$0x3FB8];
	_ =	sdelay $0x3  }
0x37: {  	[smem:$0x3FB8] =	sst s10  }
0x38: {  	s10 =	sld [smem:$0x3FB9]  }
0x39: {  	_ = 	snop;
	(pc) =	sbr.ind lr, $3  }
0x3a: {  	_ = 	snop  }
0x3b: {  	_ = 	snop  }
0x3c: {  	p2 =	seq.s32 s10, $0x1;
	s10 =	sld [smem:$0x3FB8]  }
0x3d: {  	_ =	shalt  }
0x3e: {  	_ =	shalt  }
0x3f: {  	_ =	shalt  }
0x40: {  	_ =	shalt  }
0x41: {  	_ =	shalt  }
0x42: {  	_ =	shalt  }
0x43: {  	_ =	shalt  }
0x44: {  	_ =	shalt  }
0x45: {  	_ =	shalt  }
0x46: {  	_ =	shalt  }
0x47: {  	_ =	shalt  }
0x48: {  	_ =	shalt  }
0x49: {  	_ =	shalt  }
0x4a: {  	_ =	shalt  }
0x4b: {  	_ =	shalt  }
0x4c: {  	_ =	shalt  }
0x4d: {  	_ =	shalt  }
0x4e: {  	_ =	shalt  }
0x4f: {  	_ =	shalt  }
0x50: {  	_ =	shalt  }
0x51: {  	_ =	shalt  }
0x52: {  	_ =	shalt  }
0x53: {  	_ =	shalt  }
0x54: {  	_ =	shalt  }
0x55: {  	_ =	shalt  }
0x56: {  	_ =	shalt  }
0x57: {  	_ =	shalt  }
0x58: {  	_ =	shalt  }
0x59: {  	_ =	shalt  }
0x5a: {  	_ =	shalt  }
0x5b: {  	_ =	shalt  }
0x5c: {  	_ =	shalt  }
0x5d: {  	_ =	shalt  }
0x5e: {  	_ =	shalt  }
0x5f: {  	_ =	shalt  }
0x60: {  	_ =	shalt  }
0x61: {  	_ =	shalt  }
0x62: {  	_ =	shalt  }
0x63: {  	_ =	shalt  }
0x64: {  	_ =	shalt  }
0x65: {  	_ =	shalt  }
0x66: {  	_ =	shalt  }
0x67: {  	_ =	shalt  }
0x68: {  	_ =	shalt  }
0x69: {  	_ =	shalt  }
0x6a: {  	_ =	shalt  }
0x6b: {  	_ =	shalt  }
0x6c: {  	_ =	shalt  }
0x6d: {  	_ =	shalt  }
0x6e: {  	_ =	shalt  }
0x6f: {  	_ =	shalt  }
0x70: {  	_ =	shalt  }
0x71: {  	_ =	shalt  }
0x72: {  	_ =	shalt  }
0x73: {  	_ =	shalt  }
0x74: {  	_ =	shalt  }
0x75: {  	_ =	shalt  }
0x76: {  	_ =	shalt  }
0x77: {  	_ =	shalt  }
0x78: {  	_ =	shalt  }
0x79: {  	_ =	shalt  }
0x7a: {  	_ =	shalt  }
0x7b: {  	_ =	shalt  }
0x7c: {  	_ =	shalt  }
0x7d: {  	_ =	shalt  }
0x7e: {  	_ =	shalt  }
0x7f: {  	_ =	shalt  }
0x80: {  	_ =	shalt  }
0x81: {  	_ =	shalt  }
0x82: {  	_ =	shalt  }
0x83: {  	_ =	shalt  }
0x84: {  	_ =	shalt  }
0x85: {  	_ =	shalt  }
0x86: {  	_ =	shalt  }
0x87: {  	_ =	shalt  }
.Lfunc_end0:
.L_simem_size_0:
called_computation.1_lowered:
.L_overlay_start_0:
0x88: {  	s2 =	sld [smem:$0x3FD9]  }
0x89: {  	s3 =	sld [smem:$0x3FFE];
	_ =	sdelay $0x1  }
0x8a: {  	s1 =	srdreg.scid  }
0x8b: {  	s0 =	sand.u32 $0x1, s1  }
0x8c: {  	s17 =	sshll.u32 s0, $0xA;
	s2 =	sadd.s32 s3, s2  }
0x8d: {  	s2 =	sadd.s32 s2, s17  }
0x8e: {  	[smem:$0x3FC4] =	sst s2  }
0x8f: {  	_ = 	snop  }
0x90: {  	s2 =	sld [smem:$0x3FD0];
	(tm) =	ssettm $0x1  }
0x91: {  	s18 =	sld [smem:$0x3FFB];
	_ =	sdelay $0x3  }
0x92: {  	_ =	strace s18  }
0x93: {  	s3 =	sld [smem:$0x3FFC];
	_ =	sdelay $0x3  }
0x94: {  	_ =	strace s3  }
0x95: {  	s3 =	sld [smem:$0x3FFD];
	_ =	sdelay $0x3  }
0x96: {  	_ =	strace s3  }
0x97: {  	_ =	strace $0x8FFFFFFF  }
0x98: {  	s19 =	sld [smem:$0x3FDB];
	_ =	sdelay $0x1  }
0x99: {  	s4 =	simm.s32 $_scs_section_size  }
0x9a: {  	s5 =	simm.s32 $_size__tile_overlayer_lowered;
	s6 =	simm.s32 $_tile_overlayer_lowered  }
0x9b: {  	s22 =	simm.s32 $0x1BFF;
	s21 =	sshll.u32 s6, $0x1;
	s3 =	sadd.s32 s4, s19  }
0x9c: {  	s7 =	simm.s32 $0x0;
	s20 =	sshll.u32 s5, $0x1;
	s5 =	sadd.s32 s21, s3  }
0x9d: {  	[timem:s7], [sflag:s22] =	dma.local [hbm:s5], s20  }
0x9e: {  	_ =	swait.ge [sflag:s22], s20  }
0x9f: {  	s4 =	ssub.s32 $0x0, s20;
	[sflag:s22] =	ssyncset.done $0x0  }
0xa0: {  	[sflag:s22] =	ssyncadd.s32 s4;
	_ =	sdelay $0x1  }
0xa1: {  	s23 =	simm.s32 $0x1B8B  }
0xa2: {  	_ =	swait.ge [sflag:s23], $0x1  }
0xa3: {  	[sflag:s23] =	ssyncset.done $0x0  }
0xa4: {  	s25 =	simm.s32 $0x1B8E;
	s24 =	sld [smem:$0x3FFE];
	[sflag:s23] =	ssyncadd.s32 $0xFFFFFFFF  }
0xa5: {  	s26 =	simm.s32 $execute0_lowered;
	[smem:$0x3FD2] =	sst s25  }
0xa6: {  	s5 =	sshll.u32 s26, $0x1;
	_ =	strace $0x80000049;
	[dreg:$0x1] =	wrdreg $0xFFFFFFFF  }
0xa7: {  	s28 =	simm.s32 $_size_execute0_lowered;
	s3 =	sadd.s32 s3, s5;
	[dreg:$0x0] =	wrdreg $0x0  }
0xa8: {  	s5 =	sshll.u32 s28, $0x1;
	[dreg:$0x2] =	wrdreg s3  }
0xa9: {  	[dreg:$0x3] =	wrdreg s5  }
0xaa: {  	[dreg:$0x4] =	wrdreg $0xC0  }
0xab: {  	_ =	task [dreg:s7], $0x5FFFF  }
0xac: {  	[dreg:$0x1] =	wrdreg $0xFFFFFFFF  }
0xad: {  	[dreg:$0x0] =	wrdreg $0x60  }
0xae: {  	[dreg:$0x2] =	wrdreg s2  }
0xaf: {  	[dreg:$0x3] =	wrdreg s24  }
0xb0: {  	[dreg:$0x4] =	wrdreg $0xE2400  }
0xb1: {  	[dreg:$0x5] =	wrdreg $0x9  }
0xb2: {  	_ =	task.clear_ibuf [dreg:s7], $0x6FFFF;
	_ =	strace $0x90000049  }
0xb3: {  	s29 =	simm.s32 $0x9;
	_ =	strace $0x8000004B  }
0xb4: {  	_ =	swait.ge [sflag:s29], $0x1  }
0xb5: {  	[sflag:s29] =	ssyncadd.s32 $0xFFFFFFFF  }
0xb6: {  	_ =	strace $0x9000004B  }
0xb7: {  	_ =	sfence  }
0xb8: {  	s30 =	sld [smem:$0x0];
	_ =	sdelay $0x2  }
0xb9: {  	s31 =	sshll.u32 s1, $0xD;
	s1 =	sshrl.u32 s1, $0x2  }
0xba: {  	s3 =	sand.u32 $0x4000, s31;
	s1 =	sadd.s32 s1, s30  }
0xbb: {  	s0 =	sor.u32 s3, s0;
	s1 =	sshll.u32 s1, $0x11  }
0xbc: {  	s0 =	sor.u32 s1, s0  }
0xbd: {  	s0 =	sadd.s32 $0x8F2B, s0  }
0xbe: {  	[sflag:s0] =	ssyncadd.remote.s32 $0x1  }
0xbf: {  	_ =	sfence.sel $0xFFFF  }
0xc0: {  	[dreg:$0x0] =	wrdreg $0xFFFFFFFF;
	(pc) =	sbr.abs _section_cstart, $3  }
0xc1: {  	[dreg:$0x1] =	wrdreg $0xFFFFFFFF  }
0xc2: {  	_ =	task.clear_ibuf [dreg:s7], $0x2FFFF;
	_ =	strace $0x9FFFFFFF  }
0xc3: {  	(tm) =	ssettm $0x7FFFFFFF  }
tec
execute0_lowered:
.L_overlay_start_1:
0x0: {  	(tag) =	ssettag $0x1  }
0x1: {  	s0 =	srdreg.scid  }
0x2: {  	s0 =	sand.u32 $0x1, s0  }
0x3: {  	s14 =	stileid.u32;
	s4 =	sshll.u32 s0, $0x4  }
0x4: {  	s1 =	rddreg [dreg:$0x0];
	s5 =	sor.u32 s14, s4  }
0x5: {  	s2 =	rddreg [dreg:$0x1];
	s5 =	smul.u32 $0x4E20, s5  }
0x6: {  	s3 =	rddreg [dreg:$0x2];
	s6 =	smul.u32 $0x28000, s14  }
0x7: {  	s10 =	sadd.s32 $0x99C00, s3;
	s11 =	smul.u32 $0xA000, s14;
	s5 =	sshrl.u32 s5, $0x3  }
0x8: {  	s12 =	sadd.s32 $0x9B000, s3;
	s4 =	simm.s32 $0x0;
	s7 =	sadd.s32 s5, s2  }
0x9: {  	p0 =	seq.s32 s14, $0xF;
	[smem:$0x7FF] =	sst s4;
	s13 =	sadd.s32 $0x1800, s7  }
0xa: {  	_ =	strace $0x8000004A;
	s23 =	sadd.s32 $0x15080, s7;
	[dreg:$0x8] =	wrdreg s13  }
0xb: {  	s8 =	ssub.s32 $0x2, s0;
	s24 =	sadd.s32 $0x1832, s7;
	[dreg:$0x9] =	wrdreg s23  }
0xc: {  	s22 =	sshrl.u32 s8, $0x1;
	s25 =	sadd.s32 $0x150B2, s7;
	[dreg:$0xa] =	wrdreg s24  }
0xd: {  	s9 =	sshrl.u32 s6, $0x2;
	s19 =	sadd.s32 $0x1864, s7;
	[dreg:$0xb] =	wrdreg s25  }
0xe: {  	s6 =	ssub.s32 s8, s22;
	s30 =	sadd.s32 $0x150E4, s7;
	[dreg:$0xc] =	wrdreg s19  }
0xf: {  	s8 =	sadd.s32 $0x97400, s3;
	s14 =	sadd.s32 $0x1896, s7;
	[dreg:$0xd] =	wrdreg s30  }
0x10: {  	s5 =	sadd.s32 s9, s3;
	s20 =	sadd.s32 $0x1517A, s7;
	[dreg:$0xf] =	wrdreg s14  }
0x11: {  	s9 =	sadd.s32 $0x98800, s3;
	s21 =	sadd.s32 $0x192C, s7;
	[dreg:$0x14] =	wrdreg s20  }
0x12: {  	s15 =	sadd.s32 $0x5000, s5;
	s22 =	sadd.s32 $0x151AC, s7;
	[dreg:$0x15] =	wrdreg s21  }
0x13: {  	s16 =	sadd.s32 $0x6400, s5;
	s15 =	smov.u32 @p0 s8;
	[dreg:$0x16] =	wrdreg s22  }
0x14: {  	s17 =	sadd.s32 $0x7800, s5;
	s16 =	smov.u32 @p0 s9;
	[dreg:$0x4] =	wrdreg s15  }
0x15: {  	s18 =	sadd.s32 $0x8C00, s5;
	s17 =	smov.u32 @p0 s10;
	[dreg:$0x5] =	wrdreg s16  }
0x16: {  	s18 =	smov.u32 @p0 s12;
	[dreg:$0x6] =	wrdreg s17  }
0x17: {  	s19 =	sadd.s32 $0x18FA, s7;
	[dreg:$0x7] =	wrdreg s18  }
0x18: {  	s0 =	smul.u32 $0x9C400, s0;
	s23 =	sadd.s32 $0x195E, s7;
	[dreg:$0x13] =	wrdreg s19  }
0x19: {  	s24 =	sadd.s32 $0x151DE, s7;
	[dreg:$0x17] =	wrdreg s23  }
0x1a: {  	s26 =	sadd.s32 s11, s0;
	s25 =	sadd.s32 $0x1990, s7;
	[dreg:$0x18] =	wrdreg s24  }
0x1b: {  	s13 =	sshrl.u32 s26, $0x3;
	s26 =	sadd.s32 $0x15210, s7;
	[dreg:$0x19] =	wrdreg s25  }
0x1c: {  	s30 =	sadd.s32 $0x19C2, s7;
	[dreg:$0x1a] =	wrdreg s26  }
0x1d: {  	s8 =	sadd.s32 $0x19F4, s7;
	[dreg:$0x1b] =	wrdreg s30  }
0x1e: {  	s9 =	sadd.s32 $0x15274, s7;
	[dreg:$0x1d] =	wrdreg s8  }
0x1f: {  	s10 =	sadd.s32 $0x1A26, s7;
	[dreg:$0x1e] =	wrdreg s9  }
0x20: {  	s12 =	sadd.s32 $0x152A6, s7;
	[dreg:$0x1f] =	wrdreg s10  }
0x21: {  	s14 =	sadd.s32 $0x1A58, s7;
	[smem:$0x7B6] =	sst s12  }
0x22: {  	s20 =	sadd.s32 $0x1AEE, s7;
	[smem:$0x7B7] =	sst s14  }
0x23: {  	s21 =	sadd.s32 $0x1536E, s7;
	[smem:$0x7BD] =	sst s20  }
0x24: {  	s2 =	sadd.s32 $0x28A00, s2;
	s22 =	sadd.s32 $0x1B20, s7;
	[smem:$0x7BE] =	sst s21  }
0x25: {  	s13 =	sadd.s32 s2, s13;
	[smem:$0x7BF] =	sst s22  }
0x26: {  	s15 =	sadd.s32 $0x15116, s7;
	[dreg:$0xe] =	wrdreg s13  }
0x27: {  	s16 =	sadd.s32 $0x18C8, s7;
	[dreg:$0x10] =	wrdreg s15  }
0x28: {  	s17 =	sadd.s32 $0x15148, s7;
	[dreg:$0x11] =	wrdreg s16  }
0x29: {  	s18 =	sadd.s32 $0x1ABC, s7;
	[dreg:$0x12] =	wrdreg s17  }
0x2a: {  	s19 =	sadd.s32 $0x1533C, s7;
	[smem:$0x7BB] =	sst s18  }
0x2b: {  	s23 =	sadd.s32 $0x153A0, s7;
	[smem:$0x7BC] =	sst s19  }
0x2c: {  	s24 =	sadd.s32 $0x1B52, s7;
	[smem:$0x7C0] =	sst s23  }
0x2d: {  	s25 =	sadd.s32 $0x153D2, s7;
	[smem:$0x7C1] =	sst s24  }
0x2e: {  	s26 =	sadd.s32 $0x1B84, s7;
	[smem:$0x7C2] =	sst s25  }
0x2f: {  	s30 =	sadd.s32 $0x15404, s7;
	[smem:$0x7C3] =	sst s26  }
0x30: {  	s8 =	sadd.s32 $0x15436, s7;
	[smem:$0x7C4] =	sst s30  }
0x31: {  	s9 =	sadd.s32 $0x1BE8, s7;
	[smem:$0x7C6] =	sst s8  }
0x32: {  	s10 =	sadd.s32 $0x15468, s7;
	[smem:$0x7C7] =	sst s9  }
0x33: {  	s12 =	sadd.s32 $0x1C1A, s7;
	[smem:$0x7C8] =	sst s10  }
0x34: {  	s14 =	sadd.s32 $0x1549A, s7;
	[smem:$0x7C9] =	sst s12  }
0x35: {  	s20 =	sadd.s32 $0x15530, s7;
	[smem:$0x7CA] =	sst s14  }
0x36: {  	s21 =	sadd.s32 $0x1CE2, s7;
	[smem:$0x7D0] =	sst s20  }
0x37: {  	s0 =	sshrl.u32 s0, $0x3;
	s22 =	sadd.s32 $0x15562, s7;
	[smem:$0x7D1] =	sst s21  }
0x38: {  	s13 =	sadd.s32 s2, s0;
	s2 =	sadd.s32 $0x15242, s7;
	[smem:$0x7D2] =	sst s22  }
0x39: {  	s15 =	sadd.s32 $0x152D8, s7;
	[dreg:$0x1c] =	wrdreg s2  }
0x3a: {  	s16 =	sadd.s32 $0x1A8A, s7;
	[smem:$0x7B8] =	sst s15  }
0x3b: {  	s17 =	sadd.s32 $0x1530A, s7;
	[smem:$0x7B9] =	sst s16  }
0x3c: {  	s18 =	sadd.s32 $0x154FE, s7;
	[smem:$0x7BA] =	sst s17  }
0x3d: {  	s19 =	sadd.s32 $0x1CB0, s7;
	[smem:$0x7CE] =	sst s18  }
0x3e: {  	s23 =	sadd.s32 $0x1D14, s7;
	[smem:$0x7CF] =	sst s19  }
0x3f: {  	s24 =	sadd.s32 $0x15594, s7;
	[smem:$0x7D3] =	sst s23  }
0x40: {  	s25 =	sadd.s32 $0x1D46, s7;
	[smem:$0x7D4] =	sst s24  }
0x41: {  	s26 =	sadd.s32 $0x155C6, s7;
	[smem:$0x7D5] =	sst s25  }
0x42: {  	s30 =	sadd.s32 $0x1D78, s7;
	[smem:$0x7D6] =	sst s26  }
0x43: {  	s8 =	sadd.s32 $0x1DAA, s7;
	[smem:$0x7D7] =	sst s30  }
0x44: {  	s9 =	sadd.s32 $0x1562A, s7;
	[smem:$0x7D9] =	sst s8  }
0x45: {  	s10 =	sadd.s32 $0x1DDC, s7;
	[smem:$0x7DA] =	sst s9  }
0x46: {  	s12 =	sadd.s32 $0x1565C, s7;
	[smem:$0x7DB] =	sst s10  }
0x47: {  	s14 =	sadd.s32 $0x1E0E, s7;
	[smem:$0x7DC] =	sst s12  }
0x48: {  	s20 =	sadd.s32 $0x1EA4, s7;
	[smem:$0x7DD] =	sst s14  }
0x49: {  	s21 =	sadd.s32 $0x15724, s7;
	[smem:$0x7E3] =	sst s20  }
0x4a: {  	s22 =	sadd.s32 $0x1ED6, s7;
	[smem:$0x7E4] =	sst s21  }
0x4b: {  	s2 =	sadd.s32 $0x1BB6, s7;
	[smem:$0x7E5] =	sst s22  }
0x4c: {  	s15 =	sadd.s32 $0x1C4C, s7;
	[smem:$0x7C5] =	sst s2  }
0x4d: {  	s16 =	sadd.s32 $0x154CC, s7;
	[smem:$0x7CB] =	sst s15  }
0x4e: {  	s17 =	sadd.s32 $0x1C7E, s7;
	[smem:$0x7CC] =	sst s16  }
0x4f: {  	s18 =	sadd.s32 $0x1E72, s7;
	[smem:$0x7CD] =	sst s17  }
0x50: {  	s19 =	sadd.s32 $0x156F2, s7;
	[smem:$0x7E1] =	sst s18  }
0x51: {  	s23 =	sadd.s32 $0x15756, s7;
	[smem:$0x7E2] =	sst s19  }
0x52: {  	s24 =	sadd.s32 $0x1F08, s7;
	[smem:$0x7E6] =	sst s23  }
0x53: {  	s25 =	sadd.s32 $0x15788, s7;
	[smem:$0x7E7] =	sst s24  }
0x54: {  	s26 =	sadd.s32 $0x1F3A, s7;
	[smem:$0x7E8] =	sst s25  }
0x55: {  	s30 =	sadd.s32 $0x157BA, s7;
	[smem:$0x7E9] =	sst s26  }
0x56: {  	s8 =	sadd.s32 $0x157EC, s7;
	[smem:$0x7EA] =	sst s30  }
0x57: {  	s9 =	sadd.s32 $0x1F9E, s7;
	[smem:$0x7EC] =	sst s8  }
0x58: {  	s10 =	sadd.s32 $0x1581E, s7;
	[smem:$0x7ED] =	sst s9  }
0x59: {  	s12 =	sadd.s32 $0x1FD0, s7;
	[smem:$0x7EE] =	sst s10  }
0x5a: {  	s14 =	sadd.s32 $0x15850, s7;
	[smem:$0x7EF] =	sst s12  }
0x5b: {  	s28 =	simm.s32 $0x1;
	s20 =	sadd.s32 $0x158E6, s7;
	[smem:$0x7F0] =	sst s14  }
0x5c: {  	s29 =	simm.s32 $0x0;
	s21 =	sadd.s32 $0x2098, s7;
	[smem:$0x7F6] =	sst s20  }
0x5d: {  	s31 =	sadd.s32 $0x159AE, s7;
	s22 =	sadd.s32 $0x15918, s7;
	[smem:$0x7F7] =	sst s21  }
0x5e: {  	s0 =	sadd.s32 $0x2192, s7;
	s2 =	sadd.s32 $0x155F8, s7;
	[smem:$0x7F8] =	sst s22  }
0x5f: {  	s13 =	sadd.s32 $0x12C00, s13;
	s15 =	sadd.s32 $0x1568E, s7;
	[smem:$0x7D8] =	sst s2  }
0x60: {  	s16 =	sadd.s32 $0x1E40, s7;
	s17 =	sadd.s32 $0x156C0, s7;
	[smem:$0x7DE] =	sst s15  }
0x61: {  	s18 =	sadd.s32 $0x158B4, s7;
	s19 =	sadd.s32 $0x2066, s7;
	[smem:$0x7DF] =	sst s16  }
0x62: {  	s23 =	sadd.s32 $0x20CA, s7;
	s24 =	sadd.s32 $0x1594A, s7;
	[smem:$0x7E0] =	sst s17  }
0x63: {  	s25 =	sadd.s32 $0x20FC, s7;
	s26 =	sadd.s32 $0x1597C, s7;
	[smem:$0x7F4] =	sst s18  }
0x64: {  	s30 =	sadd.s32 $0x212E, s7;
	s9 =	sadd.s32 $0x2160, s7;
	[smem:$0x7F5] =	sst s19  }
0x65: {  	s10 =	sadd.s32 $0x15A12, s7;
	s12 =	sadd.s32 $0x96000, s3;
	[smem:$0x7F9] =	sst s23  }
0x66: {  	s14 =	smax.u32 s6, $0x1;
	s20 =	simm.s32 $0x320;
	[smem:$0x7FA] =	sst s24  }
0x67: {  	s21 =	simm.s32 $0x3;
	s22 =	simm.s32 $0x190;
	[smem:$0x7FB] =	sst s25  }
0x68: {  	s6 =	simm.s32 $0x2;
	s2 =	sadd.s32 $0x1F6C, s7;
	[smem:$0x7FC] =	sst s26  }
0x69: {  	s15 =	sadd.s32 $0x2002, s7;
	s16 =	sadd.s32 $0x15882, s7;
	[smem:$0x7FD] =	sst s30  }
0x6a: {  	s17 =	sadd.s32 $0x2034, s7;
	s18 =	simm.s32 $0xCE40;
	[smem:$0x7EB] =	sst s2  }
0x6b: {  	s19 =	simm.s32 $0x5;
	s23 =	simm.s32 $0x640;
	[smem:$0x7F1] =	sst s15  }
0x6c: {  	s24 =	simm.s32 $0x4B0;
	s25 =	simm.s32 $0x4;
	[smem:$0x7F2] =	sst s16  }
0x6d: {  	s26 =	simm.s32 $0x6A40;
	[smem:$0x7F3] =	sst s17;
	s2 =	sadd.s32 $0x159E0, s7  }
0x6e: {  	s7 =	sadd.s32 s11, s3;
	s11 =	sadd.s32 $0x3C00, s5;
	s16 =	sadd.s32 $0x1400, s5  }
0x6f: {  	v0 =	vimm.f32 $0.0e+00;
	s17 =	sadd.s32 $0x2800, s5;
	s11 =	smov.u32 @p0 s12;
	s15 =	sshrl.u32 @!p0 s7, $0x3  }
.LBB2_1:
0x70: {  	s30 =	simm.s32 $0x100;
	s7 =	simm.s32 $0x0  }
.LBB2_2:
0x71: {  	p1 =	sne.s32 s30, $0x4F00;
	[tilespmem:s7+$0xCE70] =	vst v0;
	s8 =	smov.u32 s30;
	s30 =	sadd.s32 $0x100, s30  }
.Ltmp0:
0x72: {  	[tilespmem:s7+$0xCE60] =	vst v0;
	(pc) =	sbr.rel @p1 .LBB2_2-.Ltmp0, $3  }
0x73: {  	[tilespmem:s7+$0xCE40] =	vst v0  }
0x74: {  	[tilespmem:s7+$0xCE50] =	vst v0;
	_ =	sdelay $0x1  }
0x75: {  	s7 =	sshra.s32 s8, $0x2  }
0x76: {  	[tilespmem:s7+$0xCE70] =	vst v0  }
0x77: {  	[tilespmem:s7+$0xCE60] =	vst v0  }
0x78: {  	[tilespmem:s7+$0xCE40] =	vst v0  }
0x79: {  	[tilespmem:s7+$0xCE50] =	vst v0;
	s8 =	simm.s32 @!p0 $0xCE40;
	s7 =	simm.s32 @!p0 $0x5  }
0x7a: {  	[spmem:s5] =	stream.linear.scatter @!p0 [tilespmem:s8], [sflag:$0x5], $0x1400, $0x38;
	[tilespmem:$0x17E80] =	vst v63  }
0x7b: {  	_ =	swait.ge @!p0 [sflag:s7], $0x1400  }
0x7c: {  	[sflag:s7] =	ssyncset.done @!p0 $0x0  }
0x7d: {  	[sflag:s7] =	ssyncadd.s32 @!p0 $0xFFFFEC00  }
0x7e: {  	[spmem:s16] =	stream.linear.scatter @!p0 [tilespmem:s8], [sflag:$0x5], $0x1400, $0x38;
	[tilespmem:$0x17E80] =	vst v63  }
0x7f: {  	_ =	swait.ge @!p0 [sflag:s7], $0x1400  }
0x80: {  	[sflag:s7] =	ssyncset.done @!p0 $0x0  }
0x81: {  	[sflag:s7] =	ssyncadd.s32 @!p0 $0xFFFFEC00  }
0x82: {  	[spmem:s17] =	stream.linear.scatter @!p0 [tilespmem:s8], [sflag:$0x5], $0x1400, $0x38;
	[tilespmem:$0x17E80] =	vst v63  }
0x83: {  	_ =	swait.ge @!p0 [sflag:s7], $0x1400  }
0x84: {  	[sflag:s7] =	ssyncset.done @!p0 $0x0  }
0x85: {  	[sflag:s7] =	ssyncadd.s32 @!p0 $0xFFFFEC00  }
0x86: {  	[spmem:s11] =	stream.linear.scatter [tilespmem:s18], [sflag:$0x5], $0x1400, $0x38;
	[tilespmem:$0x17E80] =	vst v63  }
0x87: {  	_ =	swait.ge [sflag:s19], $0x1400  }
0x88: {  	[sflag:s19] =	ssyncset.done $0x0  }
0x89: {  	s30 =	rddreg [dreg:$0x4];
	[sflag:s19] =	ssyncadd.s32 $0xFFFFEC00  }
0x8a: {  	[spmem:s30] =	stream.linear.scatter [tilespmem:s18], [sflag:$0x5], $0x1400, $0x38;
	[tilespmem:$0x17E80] =	vst v63  }
0x8b: {  	_ =	swait.ge [sflag:s19], $0x1400  }
0x8c: {  	[sflag:s19] =	ssyncset.done $0x0  }
0x8d: {  	s30 =	rddreg [dreg:$0x5];
	[sflag:s19] =	ssyncadd.s32 $0xFFFFEC00  }
0x8e: {  	[spmem:s30] =	stream.linear.scatter [tilespmem:s18], [sflag:$0x5], $0x1400, $0x38;
	[tilespmem:$0x17E80] =	vst v63  }
0x8f: {  	_ =	swait.ge [sflag:s19], $0x1400  }
0x90: {  	[sflag:s19] =	ssyncset.done $0x0  }
0x91: {  	s30 =	rddreg [dreg:$0x6];
	[sflag:s19] =	ssyncadd.s32 $0xFFFFEC00  }
0x92: {  	[spmem:s30] =	stream.linear.scatter [tilespmem:s18], [sflag:$0x5], $0x1400, $0x38;
	[tilespmem:$0x17E80] =	vst v63  }
0x93: {  	_ =	swait.ge [sflag:s19], $0x1400  }
0x94: {  	[sflag:s19] =	ssyncset.done $0x0  }
0x95: {  	s30 =	rddreg [dreg:$0x7];
	[sflag:s19] =	ssyncadd.s32 $0xFFFFEC00  }
0x96: {  	[spmem:s30] =	stream.linear.scatter [tilespmem:s18], [sflag:$0x5], $0x1400, $0x38;
	[tilespmem:$0x17E80] =	vst v63  }
0x97: {  	_ =	swait.ge [sflag:s19], $0x1400  }
0x98: {  	[sflag:s19] =	ssyncset.done $0x0  }
0x99: {  	[sflag:s19] =	ssyncadd.s32 $0xFFFFEC00  }
0x9a: {  	[bflag:$0x0] =	sbarrier.arrive $0xFFFF  }
0x9b: {  	s30 =	rddreg [dreg:$0x8]  }
0x9c: {  	[tilespmem:s4], [sflag:$0x3] =	stream.linear.gather [hbm4b:s30+s4], $0x190, $0x38;
	[tilespmem:$0x17E80] =	vst v63  }
0x9d: {  	s30 =	rddreg [dreg:$0x9]  }
0x9e: {  	[tilespmem:s20], [sflag:$0x3] =	stream.linear.gather [hbm4b:s30+s4], $0x190, $0x38;
	[tilespmem:$0x17E80] =	vst v63  }
0x9f: {  	_ =	swait.ge [sflag:s21], $0x190  }
0xa0: {  	[sflag:s21] =	ssyncset.done $0x0  }
0xa1: {  	[sflag:s21] =	ssyncadd.s32 $0xFFFFFE70  }
0xa2: {  	_ =	swait.ge [sflag:s21], $0x190  }
0xa3: {  	[sflag:s21] =	ssyncset.done $0x0  }
0xa4: {  	[sflag:s21] =	ssyncadd.s32 $0xFFFFFE70  }
0xa5: {  	[tilespmem:s23], [sflag:$0x1] =	stream.indirect.gather [hbm4b:s1+s22], $0x40, s4, s22, $0xb8;
	[tilespmem:$0x17E80] =	vst v63  }
0xa6: {  	s30 =	rddreg [dreg:$0xa]  }
0xa7: {  	[tilespmem:s22], [sflag:$0x4] =	stream.linear.gather [hbm4b:s30+s4], $0x190, $0x38;
	[tilespmem:$0x17E80] =	vst v63  }
0xa8: {  	s30 =	rddreg [dreg:$0xb]  }
0xa9: {  	[tilespmem:s24], [sflag:$0x4] =	stream.linear.gather [hbm4b:s30+s4], $0x190, $0x38;
	[tilespmem:$0x17E80] =	vst v63  }
0xaa: {  	_ =	swait.ge [sflag:s25], $0x190  }
0xab: {  	[sflag:s25] =	ssyncset.done $0x0  }
0xac: {  	[sflag:s25] =	ssyncadd.s32 $0xFFFFFE70  }
0xad: {  	_ =	swait.ge [sflag:s25], $0x190  }
0xae: {  	[sflag:s25] =	ssyncset.done $0x0  }
0xaf: {  	[sflag:s25] =	ssyncadd.s32 $0xFFFFFE70  }
0xb0: {  	[tilespmem:s26], [sflag:$0x2] =	stream.indirect.gather [hbm4b:s1+s22], $0x40, s22, s22, $0xb8;
	[tilespmem:$0x17E80] =	vst v63  }
0xb1: {  	_ =	swait.ge [sflag:s28], $0x6400  }
0xb2: {  	[sflag:s28] =	ssyncset.done $0x0  }
0xb3: {  	[sflag:s28] =	ssyncadd.s32 $0xFFFF9C00  }
0xb4: {  	[spmem:s3] =	stream.indirect.scatter.add.f32 [tilespmem:s23], [sflag:$0x5], $0x40, s20, s22, $0xb8;
	[tilespmem:$0x17E80] =	vst v63  }
0xb5: {  	_ =	swait.ge [sflag:s19], $0x6400  }
0xb6: {  	[sflag:s19] =	ssyncset.done $0x0  }
0xb7: {  	s30 =	rddreg [dreg:$0xc];
	[sflag:s19] =	ssyncadd.s32 $0xFFFF9C00  }
0xb8: {  	[tilespmem:s4], [sflag:$0x3] =	stream.linear.gather [hbm4b:s30+s4], $0x190, $0x38;
	[tilespmem:$0x17E80] =	vst v63  }
0xb9: {  	s30 =	rddreg [dreg:$0xd]  }
0xba: {  	[tilespmem:s20], [sflag:$0x3] =	stream.linear.gather [hbm4b:s30+s4], $0x190, $0x38;
	[tilespmem:$0x17E80] =	vst v63  }
0xbb: {  	_ =	swait.ge [sflag:s21], $0x190  }
0xbc: {  	[sflag:s21] =	ssyncset.done $0x0  }
0xbd: {  	[sflag:s21] =	ssyncadd.s32 $0xFFFFFE70  }
0xbe: {  	_ =	swait.ge [sflag:s21], $0x190  }
0xbf: {  	[sflag:s21] =	ssyncset.done $0x0  }
0xc0: {  	[sflag:s21] =	ssyncadd.s32 $0xFFFFFE70  }
0xc1: {  	[tilespmem:s23], [sflag:$0x1] =	stream.indirect.gather [hbm4b:s1+s22], $0x40, s4, s22, $0xb8;
	[tilespmem:$0x17E80] =	vst v63  }
0xc2: {  	_ =	swait.ge [sflag:s6], $0x6400  }
0xc3: {  	[sflag:s6] =	ssyncset.done $0x0  }
0xc4: {  	[sflag:s6] =	ssyncadd.s32 $0xFFFF9C00  }
0xc5: {  	[spmem:s3] =	stream.indirect.scatter.add.f32 [tilespmem:s26], [sflag:$0x5], $0x40, s24, s22, $0xb8;
	[tilespmem:$0x17E80] =	vst v63  }
0xc6: {  	_ =	swait.ge [sflag:s19], $0x6400  }
0xc7: {  	[sflag:s19] =	ssyncset.done $0x0  }
0xc8: {  	s30 =	rddreg [dreg:$0xf];
	[sflag:s19] =	ssyncadd.s32 $0xFFFF9C00  }
0xc9: {  	[tilespmem:s22], [sflag:$0x4] =	stream.linear.gather [hbm4b:s30+s4], $0x190, $0x38;
	[tilespmem:$0x17E80] =	vst v63  }
0xca: {  	s30 =	rddreg [dreg:$0x10]  }
0xcb: {  	[tilespmem:s24], [sflag:$0x4] =	stream.linear.gather [hbm4b:s30+s4], $0x190, $0x38;
	[tilespmem:$0x17E80] =	vst v63  }
0xcc: {  	_ =	swait.ge [sflag:s25], $0x190  }
0xcd: {  	[sflag:s25] =	ssyncset.done $0x0  }
0xce: {  	[sflag:s25] =	ssyncadd.s32 $0xFFFFFE70  }
0xcf: {  	_ =	swait.ge [sflag:s25], $0x190  }
0xd0: {  	[sflag:s25] =	ssyncset.done $0x0  }
0xd1: {  	[sflag:s25] =	ssyncadd.s32 $0xFFFFFE70  }
0xd2: {  	[tilespmem:s26], [sflag:$0x2] =	stream.indirect.gather [hbm4b:s1+s22], $0x40, s22, s22, $0xb8;
	[tilespmem:$0x17E80] =	vst v63  }
0xd3: {  	_ =	swait.ge [sflag:s28], $0x6400  }
0xd4: {  	[sflag:s28] =	ssyncset.done $0x0  }
0xd5: {  	[sflag:s28] =	ssyncadd.s32 $0xFFFF9C00  }
0xd6: {  	[spmem:s3] =	stream.indirect.scatter.add.f32 [tilespmem:s23], [sflag:$0x5], $0x40, s20, s22, $0xb8;
	[tilespmem:$0x17E80] =	vst v63  }
0xd7: {  	_ =	swait.ge [sflag:s19], $0x6400  }
0xd8: {  	[sflag:s19] =	ssyncset.done $0x0  }
0xd9: {  	s30 =	rddreg [dreg:$0x11];
	[sflag:s19] =	ssyncadd.s32 $0xFFFF9C00  }
0xda: {  	[tilespmem:s4], [sflag:$0x3] =	stream.linear.gather [hbm4b:s30+s4], $0x190, $0x38;
	[tilespmem:$0x17E80] =	vst v63  }
0xdb: {  	s30 =	rddreg [dreg:$0x12]  }
0xdc: {  	[tilespmem:s20], [sflag:$0x3] =	stream.linear.gather [hbm4b:s30+s4], $0x190, $0x38;
	[tilespmem:$0x17E80] =	vst v63  }
0xdd: {  	_ =	swait.ge [sflag:s21], $0x190  }
0xde: {  	[sflag:s21] =	ssyncset.done $0x0  }
0xdf: {  	[sflag:s21] =	ssyncadd.s32 $0xFFFFFE70  }
0xe0: {  	_ =	swait.ge [sflag:s21], $0x190  }
0xe1: {  	[sflag:s21] =	ssyncset.done $0x0  }
0xe2: {  	[sflag:s21] =	ssyncadd.s32 $0xFFFFFE70  }
0xe3: {  	[tilespmem:s23], [sflag:$0x1] =	stream.indirect.gather [hbm4b:s1+s22], $0x40, s4, s22, $0xb8;
	[tilespmem:$0x17E80] =	vst v63  }
0xe4: {  	_ =	swait.ge [sflag:s6], $0x6400  }
0xe5: {  	[sflag:s6] =	ssyncset.done $0x0  }
0xe6: {  	[sflag:s6] =	ssyncadd.s32 $0xFFFF9C00  }
0xe7: {  	[spmem:s3] =	stream.indirect.scatter.add.f32 [tilespmem:s26], [sflag:$0x5], $0x40, s24, s22, $0xb8;
	[tilespmem:$0x17E80] =	vst v63  }
0xe8: {  	_ =	swait.ge [sflag:s19], $0x6400  }
0xe9: {  	[sflag:s19] =	ssyncset.done $0x0  }
0xea: {  	s30 =	rddreg [dreg:$0x13];
	[sflag:s19] =	ssyncadd.s32 $0xFFFF9C00  }
0xeb: {  	[tilespmem:s22], [sflag:$0x4] =	stream.linear.gather [hbm4b:s30+s4], $0x190, $0x38;
	[tilespmem:$0x17E80] =	vst v63  }
0xec: {  	s30 =	rddreg [dreg:$0x14]  }
0xed: {  	[tilespmem:s24], [sflag:$0x4] =	stream.linear.gather [hbm4b:s30+s4], $0x190, $0x38;
	[tilespmem:$0x17E80] =	vst v63  }
0xee: {  	_ =	swait.ge [sflag:s25], $0x190  }
0xef: {  	[sflag:s25] =	ssyncset.done $0x0  }
0xf0: {  	[sflag:s25] =	ssyncadd.s32 $0xFFFFFE70  }
0xf1: {  	_ =	swait.ge [sflag:s25], $0x190  }
0xf2: {  	[sflag:s25] =	ssyncset.done $0x0  }
0xf3: {  	[sflag:s25] =	ssyncadd.s32 $0xFFFFFE70  }
0xf4: {  	[tilespmem:s26], [sflag:$0x2] =	stream.indirect.gather [hbm4b:s1+s22], $0x40, s22, s22, $0xb8;
	[tilespmem:$0x17E80] =	vst v63  }
0xf5: {  	_ =	swait.ge [sflag:s28], $0x6400  }
0xf6: {  	[sflag:s28] =	ssyncset.done $0x0  }
0xf7: {  	[sflag:s28] =	ssyncadd.s32 $0xFFFF9C00  }
0xf8: {  	[spmem:s3] =	stream.indirect.scatter.add.f32 [tilespmem:s23], [sflag:$0x5], $0x40, s20, s22, $0xb8;
	[tilespmem:$0x17E80] =	vst v63  }
0xf9: {  	_ =	swait.ge [sflag:s19], $0x6400  }
0xfa: {  	[sflag:s19] =	ssyncset.done $0x0  }
0xfb: {  	s30 =	rddreg [dreg:$0x15];
	[sflag:s19] =	ssyncadd.s32 $0xFFFF9C00  }
0xfc: {  	[tilespmem:s4], [sflag:$0x3] =	stream.linear.gather [hbm4b:s30+s4], $0x190, $0x38;
	[tilespmem:$0x17E80] =	vst v63  }
0xfd: {  	s30 =	rddreg [dreg:$0x16]  }
0xfe: {  	[tilespmem:s20], [sflag:$0x3] =	stream.linear.gather [hbm4b:s30+s4], $0x190, $0x38;
	[tilespmem:$0x17E80] =	vst v63  }
0xff: {  	_ =	swait.ge [sflag:s21], $0x190  }
0x100: {  	[sflag:s21] =	ssyncset.done $0x0  }
0x101: {  	[sflag:s21] =	ssyncadd.s32 $0xFFFFFE70  }
0x102: {  	_ =	swait.ge [sflag:s21], $0x190  }
0x103: {  	[sflag:s21] =	ssyncset.done $0x0  }
0x104: {  	[sflag:s21] =	ssyncadd.s32 $0xFFFFFE70  }
0x105: {  	[tilespmem:s23], [sflag:$0x1] =	stream.indirect.gather [hbm4b:s1+s22], $0x40, s4, s22, $0xb8;
	[tilespmem:$0x17E80] =	vst v63  }
0x106: {  	_ =	swait.ge [sflag:s6], $0x6400  }
0x107: {  	[sflag:s6] =	ssyncset.done $0x0  }
0x108: {  	[sflag:s6] =	ssyncadd.s32 $0xFFFF9C00  }
0x109: {  	[spmem:s3] =	stream.indirect.scatter.add.f32 [tilespmem:s26], [sflag:$0x5], $0x40, s24, s22, $0xb8;
	[tilespmem:$0x17E80] =	vst v63  }
0x10a: {  	_ =	swait.ge [sflag:s19], $0x6400  }
0x10b: {  	[sflag:s19] =	ssyncset.done $0x0  }
0x10c: {  	s30 =	rddreg [dreg:$0x17];
	[sflag:s19] =	ssyncadd.s32 $0xFFFF9C00  }
0x10d: {  	[tilespmem:s22], [sflag:$0x4] =	stream.linear.gather [hbm4b:s30+s4], $0x190, $0x38;
	[tilespmem:$0x17E80] =	vst v63  }
0x10e: {  	s30 =	rddreg [dreg:$0x18]  }
0x10f: {  	[tilespmem:s24], [sflag:$0x4] =	stream.linear.gather [hbm4b:s30+s4], $0x190, $0x38;
	[tilespmem:$0x17E80] =	vst v63  }
0x110: {  	_ =	swait.ge [sflag:s25], $0x190  }
0x111: {  	[sflag:s25] =	ssyncset.done $0x0  }
0x112: {  	[sflag:s25] =	ssyncadd.s32 $0xFFFFFE70  }
0x113: {  	_ =	swait.ge [sflag:s25], $0x190  }
0x114: {  	[sflag:s25] =	ssyncset.done $0x0  }
0x115: {  	[sflag:s25] =	ssyncadd.s32 $0xFFFFFE70  }
0x116: {  	[tilespmem:s26], [sflag:$0x2] =	stream.indirect.gather [hbm4b:s1+s22], $0x40, s22, s22, $0xb8;
	[tilespmem:$0x17E80] =	vst v63  }
0x117: {  	_ =	swait.ge [sflag:s28], $0x6400  }
0x118: {  	[sflag:s28] =	ssyncset.done $0x0  }
0x119: {  	[sflag:s28] =	ssyncadd.s32 $0xFFFF9C00  }
0x11a: {  	[spmem:s3] =	stream.indirect.scatter.add.f32 [tilespmem:s23], [sflag:$0x5], $0x40, s20, s22, $0xb8;
	[tilespmem:$0x17E80] =	vst v63  }
0x11b: {  	_ =	swait.ge [sflag:s19], $0x6400  }
0x11c: {  	[sflag:s19] =	ssyncset.done $0x0  }
0x11d: {  	s30 =	rddreg [dreg:$0x19];
	[sflag:s19] =	ssyncadd.s32 $0xFFFF9C00  }
0x11e: {  	[tilespmem:s4], [sflag:$0x3] =	stream.linear.gather [hbm4b:s30+s4], $0x190, $0x38;
	[tilespmem:$0x17E80] =	vst v63  }
0x11f: {  	s30 =	rddreg [dreg:$0x1a]  }
0x120: {  	[tilespmem:s20], [sflag:$0x3] =	stream.linear.gather [hbm4b:s30+s4], $0x190, $0x38;
	[tilespmem:$0x17E80] =	vst v63  }
0x121: {  	_ =	swait.ge [sflag:s21], $0x190  }
0x122: {  	[sflag:s21] =	ssyncset.done $0x0  }
0x123: {  	[sflag:s21] =	ssyncadd.s32 $0xFFFFFE70  }
0x124: {  	_ =	swait.ge [sflag:s21], $0x190  }
0x125: {  	[sflag:s21] =	ssyncset.done $0x0  }
0x126: {  	[sflag:s21] =	ssyncadd.s32 $0xFFFFFE70  }
0x127: {  	[tilespmem:s23], [sflag:$0x1] =	stream.indirect.gather [hbm4b:s1+s22], $0x40, s4, s22, $0xb8;
	[tilespmem:$0x17E80] =	vst v63  }
0x128: {  	_ =	swait.ge [sflag:s6], $0x6400  }
0x129: {  	[sflag:s6] =	ssyncset.done $0x0  }
0x12a: {  	[sflag:s6] =	ssyncadd.s32 $0xFFFF9C00  }
0x12b: {  	[spmem:s3] =	stream.indirect.scatter.add.f32 [tilespmem:s26], [sflag:$0x5], $0x40, s24, s22, $0xb8;
	[tilespmem:$0x17E80] =	vst v63  }
0x12c: {  	_ =	swait.ge [sflag:s19], $0x6400  }
0x12d: {  	[sflag:s19] =	ssyncset.done $0x0  }
0x12e: {  	s30 =	rddreg [dreg:$0x1b];
	[sflag:s19] =	ssyncadd.s32 $0xFFFF9C00  }
0x12f: {  	[tilespmem:s22], [sflag:$0x4] =	stream.linear.gather [hbm4b:s30+s4], $0x190, $0x38;
	[tilespmem:$0x17E80] =	vst v63  }
0x130: {  	s30 =	rddreg [dreg:$0x1c]  }
0x131: {  	[tilespmem:s24], [sflag:$0x4] =	stream.linear.gather [hbm4b:s30+s4], $0x190, $0x38;
	[tilespmem:$0x17E80] =	vst v63  }
0x132: {  	_ =	swait.ge [sflag:s25], $0x190  }
0x133: {  	[sflag:s25] =	ssyncset.done $0x0  }
0x134: {  	[sflag:s25] =	ssyncadd.s32 $0xFFFFFE70  }
0x135: {  	_ =	swait.ge [sflag:s25], $0x190  }
0x136: {  	[sflag:s25] =	ssyncset.done $0x0  }
0x137: {  	[sflag:s25] =	ssyncadd.s32 $0xFFFFFE70  }
0x138: {  	[tilespmem:s26], [sflag:$0x2] =	stream.indirect.gather [hbm4b:s1+s22], $0x40, s22, s22, $0xb8;
	[tilespmem:$0x17E80] =	vst v63  }
0x139: {  	_ =	swait.ge [sflag:s28], $0x6400  }
0x13a: {  	[sflag:s28] =	ssyncset.done $0x0  }
0x13b: {  	[sflag:s28] =	ssyncadd.s32 $0xFFFF9C00  }
0x13c: {  	[spmem:s3] =	stream.indirect.scatter.add.f32 [tilespmem:s23], [sflag:$0x5], $0x40, s20, s22, $0xb8;
	[tilespmem:$0x17E80] =	vst v63  }
0x13d: {  	_ =	swait.ge [sflag:s19], $0x6400  }
0x13e: {  	[sflag:s19] =	ssyncset.done $0x0  }
0x13f: {  	s30 =	rddreg [dreg:$0x1d];
	[sflag:s19] =	ssyncadd.s32 $0xFFFF9C00  }
0x140: {  	[tilespmem:s4], [sflag:$0x3] =	stream.linear.gather [hbm4b:s30+s4], $0x190, $0x38;
	[tilespmem:$0x17E80] =	vst v63  }
0x141: {  	s30 =	rddreg [dreg:$0x1e]  }
0x142: {  	[tilespmem:s20], [sflag:$0x3] =	stream.linear.gather [hbm4b:s30+s4], $0x190, $0x38;
	[tilespmem:$0x17E80] =	vst v63  }
0x143: {  	_ =	swait.ge [sflag:s21], $0x190  }
0x144: {  	[sflag:s21] =	ssyncset.done $0x0  }
0x145: {  	[sflag:s21] =	ssyncadd.s32 $0xFFFFFE70  }
0x146: {  	_ =	swait.ge [sflag:s21], $0x190  }
0x147: {  	[sflag:s21] =	ssyncset.done $0x0  }
0x148: {  	[sflag:s21] =	ssyncadd.s32 $0xFFFFFE70  }
0x149: {  	[tilespmem:s23], [sflag:$0x1] =	stream.indirect.gather [hbm4b:s1+s22], $0x40, s4, s22, $0xb8;
	[tilespmem:$0x17E80] =	vst v63  }
0x14a: {  	_ =	swait.ge [sflag:s6], $0x6400  }
0x14b: {  	[sflag:s6] =	ssyncset.done $0x0  }
0x14c: {  	[sflag:s6] =	ssyncadd.s32 $0xFFFF9C00  }
0x14d: {  	[spmem:s3] =	stream.indirect.scatter.add.f32 [tilespmem:s26], [sflag:$0x5], $0x40, s24, s22, $0xb8;
	[tilespmem:$0x17E80] =	vst v63  }
0x14e: {  	_ =	swait.ge [sflag:s19], $0x6400  }
0x14f: {  	[sflag:s19] =	ssyncset.done $0x0  }
0x150: {  	s30 =	rddreg [dreg:$0x1f];
	[sflag:s19] =	ssyncadd.s32 $0xFFFF9C00  }
0x151: {  	[tilespmem:s22], [sflag:$0x4] =	stream.linear.gather [hbm4b:s30+s4], $0x190, $0x38;
	[tilespmem:$0x17E80] =	vst v63  }
0x152: {  	s30 =	sld [smem:$0x7B6];
	_ =	sdelay $0x2  }
0x153: {  	[tilespmem:s24], [sflag:$0x4] =	stream.linear.gather [hbm4b:s30+s4], $0x190, $0x38;
	[tilespmem:$0x17E80] =	vst v63  }
0x154: {  	_ =	swait.ge [sflag:s25], $0x190  }
0x155: {  	[sflag:s25] =	ssyncset.done $0x0  }
0x156: {  	[sflag:s25] =	ssyncadd.s32 $0xFFFFFE70  }
0x157: {  	_ =	swait.ge [sflag:s25], $0x190  }
0x158: {  	[sflag:s25] =	ssyncset.done $0x0  }
0x159: {  	[sflag:s25] =	ssyncadd.s32 $0xFFFFFE70  }
0x15a: {  	[tilespmem:s26], [sflag:$0x2] =	stream.indirect.gather [hbm4b:s1+s22], $0x40, s22, s22, $0xb8;
	[tilespmem:$0x17E80] =	vst v63  }
0x15b: {  	_ =	swait.ge [sflag:s28], $0x6400  }
0x15c: {  	[sflag:s28] =	ssyncset.done $0x0  }
0x15d: {  	[sflag:s28] =	ssyncadd.s32 $0xFFFF9C00  }
0x15e: {  	[spmem:s3] =	stream.indirect.scatter.add.f32 [tilespmem:s23], [sflag:$0x5], $0x40, s20, s22, $0xb8;
	[tilespmem:$0x17E80] =	vst v63  }
0x15f: {  	_ =	swait.ge [sflag:s19], $0x6400  }
0x160: {  	s30 =	sld [smem:$0x7B7]  }
0x161: {  	[sflag:s19] =	ssyncset.done $0x0  }
0x162: {  	[sflag:s19] =	ssyncadd.s32 $0xFFFF9C00  }
0x163: {  	[tilespmem:s4], [sflag:$0x3] =	stream.linear.gather [hbm4b:s30+s4], $0x190, $0x38;
	[tilespmem:$0x17E80] =	vst v63  }
0x164: {  	s30 =	sld [smem:$0x7B8];
	_ =	sdelay $0x2  }
0x165: {  	[tilespmem:s20], [sflag:$0x3] =	stream.linear.gather [hbm4b:s30+s4], $0x190, $0x38;
	[tilespmem:$0x17E80] =	vst v63  }
0x166: {  	_ =	swait.ge [sflag:s21], $0x190  }
0x167: {  	[sflag:s21] =	ssyncset.done $0x0  }
0x168: {  	[sflag:s21] =	ssyncadd.s32 $0xFFFFFE70  }
0x169: {  	_ =	swait.ge [sflag:s21], $0x190  }
0x16a: {  	[sflag:s21] =	ssyncset.done $0x0  }
0x16b: {  	[sflag:s21] =	ssyncadd.s32 $0xFFFFFE70  }
0x16c: {  	[tilespmem:s23], [sflag:$0x1] =	stream.indirect.gather [hbm4b:s1+s22], $0x40, s4, s22, $0xb8;
	[tilespmem:$0x17E80] =	vst v63  }
0x16d: {  	_ =	swait.ge [sflag:s6], $0x6400  }
0x16e: {  	[sflag:s6] =	ssyncset.done $0x0  }
0x16f: {  	[sflag:s6] =	ssyncadd.s32 $0xFFFF9C00  }
0x170: {  	[spmem:s3] =	stream.indirect.scatter.add.f32 [tilespmem:s26], [sflag:$0x5], $0x40, s24, s22, $0xb8;
	[tilespmem:$0x17E80] =	vst v63  }
0x171: {  	_ =	swait.ge [sflag:s19], $0x6400  }
0x172: {  	s30 =	sld [smem:$0x7B9]  }
0x173: {  	[sflag:s19] =	ssyncset.done $0x0  }
0x174: {  	[sflag:s19] =	ssyncadd.s32 $0xFFFF9C00  }
0x175: {  	[tilespmem:s22], [sflag:$0x4] =	stream.linear.gather [hbm4b:s30+s4], $0x190, $0x38;
	[tilespmem:$0x17E80] =	vst v63  }
0x176: {  	s30 =	sld [smem:$0x7BA];
	_ =	sdelay $0x2  }
0x177: {  	[tilespmem:s24], [sflag:$0x4] =	stream.linear.gather [hbm4b:s30+s4], $0x190, $0x38;
	[tilespmem:$0x17E80] =	vst v63  }
0x178: {  	_ =	swait.ge [sflag:s25], $0x190  }
0x179: {  	[sflag:s25] =	ssyncset.done $0x0  }
0x17a: {  	[sflag:s25] =	ssyncadd.s32 $0xFFFFFE70  }
0x17b: {  	_ =	swait.ge [sflag:s25], $0x190  }
0x17c: {  	[sflag:s25] =	ssyncset.done $0x0  }
0x17d: {  	[sflag:s25] =	ssyncadd.s32 $0xFFFFFE70  }
0x17e: {  	[tilespmem:s26], [sflag:$0x2] =	stream.indirect.gather [hbm4b:s1+s22], $0x40, s22, s22, $0xb8;
	[tilespmem:$0x17E80] =	vst v63  }
0x17f: {  	_ =	swait.ge [sflag:s28], $0x6400  }
0x180: {  	[sflag:s28] =	ssyncset.done $0x0  }
0x181: {  	[sflag:s28] =	ssyncadd.s32 $0xFFFF9C00  }
0x182: {  	[spmem:s3] =	stream.indirect.scatter.add.f32 [tilespmem:s23], [sflag:$0x5], $0x40, s20, s22, $0xb8;
	[tilespmem:$0x17E80] =	vst v63  }
0x183: {  	_ =	swait.ge [sflag:s19], $0x6400  }
0x184: {  	s30 =	sld [smem:$0x7BB]  }
0x185: {  	[sflag:s19] =	ssyncset.done $0x0  }
0x186: {  	[sflag:s19] =	ssyncadd.s32 $0xFFFF9C00  }
0x187: {  	[tilespmem:s4], [sflag:$0x3] =	stream.linear.gather [hbm4b:s30+s4], $0x190, $0x38;
	[tilespmem:$0x17E80] =	vst v63  }
0x188: {  	s30 =	sld [smem:$0x7BC];
	_ =	sdelay $0x2  }
0x189: {  	[tilespmem:s20], [sflag:$0x3] =	stream.linear.gather [hbm4b:s30+s4], $0x190, $0x38;
	[tilespmem:$0x17E80] =	vst v63  }
0x18a: {  	_ =	swait.ge [sflag:s21], $0x190  }
0x18b: {  	[sflag:s21] =	ssyncset.done $0x0  }
0x18c: {  	[sflag:s21] =	ssyncadd.s32 $0xFFFFFE70  }
0x18d: {  	_ =	swait.ge [sflag:s21], $0x190  }
0x18e: {  	[sflag:s21] =	ssyncset.done $0x0  }
0x18f: {  	[sflag:s21] =	ssyncadd.s32 $0xFFFFFE70  }
0x190: {  	[tilespmem:s23], [sflag:$0x1] =	stream.indirect.gather [hbm4b:s1+s22], $0x40, s4, s22, $0xb8;
	[tilespmem:$0x17E80] =	vst v63  }
0x191: {  	_ =	swait.ge [sflag:s6], $0x6400  }
0x192: {  	[sflag:s6] =	ssyncset.done $0x0  }
0x193: {  	[sflag:s6] =	ssyncadd.s32 $0xFFFF9C00  }
0x194: {  	[spmem:s3] =	stream.indirect.scatter.add.f32 [tilespmem:s26], [sflag:$0x5], $0x40, s24, s22, $0xb8;
	[tilespmem:$0x17E80] =	vst v63  }
0x195: {  	_ =	swait.ge [sflag:s19], $0x6400  }
0x196: {  	s30 =	sld [smem:$0x7BD]  }
0x197: {  	[sflag:s19] =	ssyncset.done $0x0  }
0x198: {  	[sflag:s19] =	ssyncadd.s32 $0xFFFF9C00  }
0x199: {  	[tilespmem:s22], [sflag:$0x4] =	stream.linear.gather [hbm4b:s30+s4], $0x190, $0x38;
	[tilespmem:$0x17E80] =	vst v63  }
0x19a: {  	s30 =	sld [smem:$0x7BE];
	_ =	sdelay $0x2  }
0x19b: {  	[tilespmem:s24], [sflag:$0x4] =	stream.linear.gather [hbm4b:s30+s4], $0x190, $0x38;
	[tilespmem:$0x17E80] =	vst v63  }
0x19c: {  	_ =	swait.ge [sflag:s25], $0x190  }
0x19d: {  	[sflag:s25] =	ssyncset.done $0x0  }
0x19e: {  	[sflag:s25] =	ssyncadd.s32 $0xFFFFFE70  }
0x19f: {  	_ =	swait.ge [sflag:s25], $0x190  }
0x1a0: {  	[sflag:s25] =	ssyncset.done $0x0  }
0x1a1: {  	[sflag:s25] =	ssyncadd.s32 $0xFFFFFE70  }
0x1a2: {  	[tilespmem:s26], [sflag:$0x2] =	stream.indirect.gather [hbm4b:s1+s22], $0x40, s22, s22, $0xb8;
	[tilespmem:$0x17E80] =	vst v63  }
0x1a3: {  	_ =	swait.ge [sflag:s28], $0x6400  }
0x1a4: {  	[sflag:s28] =	ssyncset.done $0x0  }
0x1a5: {  	[sflag:s28] =	ssyncadd.s32 $0xFFFF9C00  }
0x1a6: {  	[spmem:s3] =	stream.indirect.scatter.add.f32 [tilespmem:s23], [sflag:$0x5], $0x40, s20, s22, $0xb8;
	[tilespmem:$0x17E80] =	vst v63  }
0x1a7: {  	_ =	swait.ge [sflag:s19], $0x6400  }
0x1a8: {  	s30 =	sld [smem:$0x7BF]  }
0x1a9: {  	[sflag:s19] =	ssyncset.done $0x0  }
0x1aa: {  	[sflag:s19] =	ssyncadd.s32 $0xFFFF9C00  }
0x1ab: {  	[tilespmem:s4], [sflag:$0x3] =	stream.linear.gather [hbm4b:s30+s4], $0x190, $0x38;
	[tilespmem:$0x17E80] =	vst v63  }
0x1ac: {  	s30 =	sld [smem:$0x7C0];
	_ =	sdelay $0x2  }
0x1ad: {  	[tilespmem:s20], [sflag:$0x3] =	stream.linear.gather [hbm4b:s30+s4], $0x190, $0x38;
	[tilespmem:$0x17E80] =	vst v63  }
0x1ae: {  	_ =	swait.ge [sflag:s21], $0x190  }
0x1af: {  	[sflag:s21] =	ssyncset.done $0x0  }
0x1b0: {  	[sflag:s21] =	ssyncadd.s32 $0xFFFFFE70  }
0x1b1: {  	_ =	swait.ge [sflag:s21], $0x190  }
0x1b2: {  	[sflag:s21] =	ssyncset.done $0x0  }
0x1b3: {  	[sflag:s21] =	ssyncadd.s32 $0xFFFFFE70  }
0x1b4: {  	[tilespmem:s23], [sflag:$0x1] =	stream.indirect.gather [hbm4b:s1+s22], $0x40, s4, s22, $0xb8;
	[tilespmem:$0x17E80] =	vst v63  }
0x1b5: {  	_ =	swait.ge [sflag:s6], $0x6400  }
0x1b6: {  	[sflag:s6] =	ssyncset.done $0x0  }
0x1b7: {  	[sflag:s6] =	ssyncadd.s32 $0xFFFF9C00  }
0x1b8: {  	[spmem:s3] =	stream.indirect.scatter.add.f32 [tilespmem:s26], [sflag:$0x5], $0x40, s24, s22, $0xb8;
	[tilespmem:$0x17E80] =	vst v63  }
0x1b9: {  	_ =	swait.ge [sflag:s19], $0x6400  }
0x1ba: {  	s30 =	sld [smem:$0x7C1]  }
0x1bb: {  	[sflag:s19] =	ssyncset.done $0x0  }
0x1bc: {  	[sflag:s19] =	ssyncadd.s32 $0xFFFF9C00  }
0x1bd: {  	[tilespmem:s22], [sflag:$0x4] =	stream.linear.gather [hbm4b:s30+s4], $0x190, $0x38;
	[tilespmem:$0x17E80] =	vst v63  }
0x1be: {  	s30 =	sld [smem:$0x7C2];
	_ =	sdelay $0x2  }
0x1bf: {  	[tilespmem:s24], [sflag:$0x4] =	stream.linear.gather [hbm4b:s30+s4], $0x190, $0x38;
	[tilespmem:$0x17E80] =	vst v63  }
0x1c0: {  	_ =	swait.ge [sflag:s25], $0x190  }
0x1c1: {  	[sflag:s25] =	ssyncset.done $0x0  }
0x1c2: {  	[sflag:s25] =	ssyncadd.s32 $0xFFFFFE70  }
0x1c3: {  	_ =	swait.ge [sflag:s25], $0x190  }
0x1c4: {  	[sflag:s25] =	ssyncset.done $0x0  }
0x1c5: {  	[sflag:s25] =	ssyncadd.s32 $0xFFFFFE70  }
0x1c6: {  	[tilespmem:s26], [sflag:$0x2] =	stream.indirect.gather [hbm4b:s1+s22], $0x40, s22, s22, $0xb8;
	[tilespmem:$0x17E80] =	vst v63  }
0x1c7: {  	_ =	swait.ge [sflag:s28], $0x6400  }
0x1c8: {  	[sflag:s28] =	ssyncset.done $0x0  }
0x1c9: {  	[sflag:s28] =	ssyncadd.s32 $0xFFFF9C00  }
0x1ca: {  	[spmem:s3] =	stream.indirect.scatter.add.f32 [tilespmem:s23], [sflag:$0x5], $0x40, s20, s22, $0xb8;
	[tilespmem:$0x17E80] =	vst v63  }
0x1cb: {  	_ =	swait.ge [sflag:s19], $0x6400  }
0x1cc: {  	s30 =	sld [smem:$0x7C3]  }
0x1cd: {  	[sflag:s19] =	ssyncset.done $0x0  }
0x1ce: {  	[sflag:s19] =	ssyncadd.s32 $0xFFFF9C00  }
0x1cf: {  	[tilespmem:s4], [sflag:$0x3] =	stream.linear.gather [hbm4b:s30+s4], $0x190, $0x38;
	[tilespmem:$0x17E80] =	vst v63  }
0x1d0: {  	s30 =	sld [smem:$0x7C4];
	_ =	sdelay $0x2  }
0x1d1: {  	[tilespmem:s20], [sflag:$0x3] =	stream.linear.gather [hbm4b:s30+s4], $0x190, $0x38;
	[tilespmem:$0x17E80] =	vst v63  }
0x1d2: {  	_ =	swait.ge [sflag:s21], $0x190  }
0x1d3: {  	[sflag:s21] =	ssyncset.done $0x0  }
0x1d4: {  	[sflag:s21] =	ssyncadd.s32 $0xFFFFFE70  }
0x1d5: {  	_ =	swait.ge [sflag:s21], $0x190  }
0x1d6: {  	[sflag:s21] =	ssyncset.done $0x0  }
0x1d7: {  	[sflag:s21] =	ssyncadd.s32 $0xFFFFFE70  }
0x1d8: {  	[tilespmem:s23], [sflag:$0x1] =	stream.indirect.gather [hbm4b:s1+s22], $0x40, s4, s22, $0xb8;
	[tilespmem:$0x17E80] =	vst v63  }
0x1d9: {  	_ =	swait.ge [sflag:s6], $0x6400  }
0x1da: {  	[sflag:s6] =	ssyncset.done $0x0  }
0x1db: {  	[sflag:s6] =	ssyncadd.s32 $0xFFFF9C00  }
0x1dc: {  	[spmem:s3] =	stream.indirect.scatter.add.f32 [tilespmem:s26], [sflag:$0x5], $0x40, s24, s22, $0xb8;
	[tilespmem:$0x17E80] =	vst v63  }
0x1dd: {  	_ =	swait.ge [sflag:s19], $0x6400  }
0x1de: {  	s30 =	sld [smem:$0x7C5]  }
0x1df: {  	[sflag:s19] =	ssyncset.done $0x0  }
0x1e0: {  	[sflag:s19] =	ssyncadd.s32 $0xFFFF9C00  }
0x1e1: {  	[tilespmem:s22], [sflag:$0x4] =	stream.linear.gather [hbm4b:s30+s4], $0x190, $0x38;
	[tilespmem:$0x17E80] =	vst v63  }
0x1e2: {  	s30 =	sld [smem:$0x7C6];
	_ =	sdelay $0x2  }
0x1e3: {  	[tilespmem:s24], [sflag:$0x4] =	stream.linear.gather [hbm4b:s30+s4], $0x190, $0x38;
	[tilespmem:$0x17E80] =	vst v63  }
0x1e4: {  	_ =	swait.ge [sflag:s25], $0x190  }
0x1e5: {  	[sflag:s25] =	ssyncset.done $0x0  }
0x1e6: {  	[sflag:s25] =	ssyncadd.s32 $0xFFFFFE70  }
0x1e7: {  	_ =	swait.ge [sflag:s25], $0x190  }
0x1e8: {  	[sflag:s25] =	ssyncset.done $0x0  }
0x1e9: {  	[sflag:s25] =	ssyncadd.s32 $0xFFFFFE70  }
0x1ea: {  	[tilespmem:s26], [sflag:$0x2] =	stream.indirect.gather [hbm4b:s1+s22], $0x40, s22, s22, $0xb8;
	[tilespmem:$0x17E80] =	vst v63  }
0x1eb: {  	_ =	swait.ge [sflag:s28], $0x6400  }
0x1ec: {  	[sflag:s28] =	ssyncset.done $0x0  }
0x1ed: {  	[sflag:s28] =	ssyncadd.s32 $0xFFFF9C00  }
0x1ee: {  	[spmem:s3] =	stream.indirect.scatter.add.f32 [tilespmem:s23], [sflag:$0x5], $0x40, s20, s22, $0xb8;
	[tilespmem:$0x17E80] =	vst v63  }
0x1ef: {  	_ =	swait.ge [sflag:s19], $0x6400  }
0x1f0: {  	s30 =	sld [smem:$0x7C7]  }
0x1f1: {  	[sflag:s19] =	ssyncset.done $0x0  }
0x1f2: {  	[sflag:s19] =	ssyncadd.s32 $0xFFFF9C00  }
0x1f3: {  	[tilespmem:s4], [sflag:$0x3] =	stream.linear.gather [hbm4b:s30+s4], $0x190, $0x38;
	[tilespmem:$0x17E80] =	vst v63  }
0x1f4: {  	s30 =	sld [smem:$0x7C8];
	_ =	sdelay $0x2  }
0x1f5: {  	[tilespmem:s20], [sflag:$0x3] =	stream.linear.gather [hbm4b:s30+s4], $0x190, $0x38;
	[tilespmem:$0x17E80] =	vst v63  }
0x1f6: {  	_ =	swait.ge [sflag:s21], $0x190  }
0x1f7: {  	[sflag:s21] =	ssyncset.done $0x0  }
0x1f8: {  	[sflag:s21] =	ssyncadd.s32 $0xFFFFFE70  }
0x1f9: {  	_ =	swait.ge [sflag:s21], $0x190  }
0x1fa: {  	[sflag:s21] =	ssyncset.done $0x0  }
0x1fb: {  	[sflag:s21] =	ssyncadd.s32 $0xFFFFFE70  }
0x1fc: {  	[tilespmem:s23], [sflag:$0x1] =	stream.indirect.gather [hbm4b:s1+s22], $0x40, s4, s22, $0xb8;
	[tilespmem:$0x17E80] =	vst v63  }
0x1fd: {  	_ =	swait.ge [sflag:s6], $0x6400  }
0x1fe: {  	[sflag:s6] =	ssyncset.done $0x0  }
0x1ff: {  	[sflag:s6] =	ssyncadd.s32 $0xFFFF9C00  }
0x200: {  	[spmem:s3] =	stream.indirect.scatter.add.f32 [tilespmem:s26], [sflag:$0x5], $0x40, s24, s22, $0xb8;
	[tilespmem:$0x17E80] =	vst v63  }
0x201: {  	_ =	swait.ge [sflag:s19], $0x6400  }
0x202: {  	s30 =	sld [smem:$0x7C9]  }
0x203: {  	[sflag:s19] =	ssyncset.done $0x0  }
0x204: {  	[sflag:s19] =	ssyncadd.s32 $0xFFFF9C00  }
0x205: {  	[tilespmem:s22], [sflag:$0x4] =	stream.linear.gather [hbm4b:s30+s4], $0x190, $0x38;
	[tilespmem:$0x17E80] =	vst v63  }
0x206: {  	s30 =	sld [smem:$0x7CA];
	_ =	sdelay $0x2  }
0x207: {  	[tilespmem:s24], [sflag:$0x4] =	stream.linear.gather [hbm4b:s30+s4], $0x190, $0x38;
	[tilespmem:$0x17E80] =	vst v63  }
0x208: {  	_ =	swait.ge [sflag:s25], $0x190  }
0x209: {  	[sflag:s25] =	ssyncset.done $0x0  }
0x20a: {  	[sflag:s25] =	ssyncadd.s32 $0xFFFFFE70  }
0x20b: {  	_ =	swait.ge [sflag:s25], $0x190  }
0x20c: {  	[sflag:s25] =	ssyncset.done $0x0  }
0x20d: {  	[sflag:s25] =	ssyncadd.s32 $0xFFFFFE70  }
0x20e: {  	[tilespmem:s26], [sflag:$0x2] =	stream.indirect.gather [hbm4b:s1+s22], $0x40, s22, s22, $0xb8;
	[tilespmem:$0x17E80] =	vst v63  }
0x20f: {  	_ =	swait.ge [sflag:s28], $0x6400  }
0x210: {  	[sflag:s28] =	ssyncset.done $0x0  }
0x211: {  	[sflag:s28] =	ssyncadd.s32 $0xFFFF9C00  }
0x212: {  	[spmem:s3] =	stream.indirect.scatter.add.f32 [tilespmem:s23], [sflag:$0x5], $0x40, s20, s22, $0xb8;
	[tilespmem:$0x17E80] =	vst v63  }
0x213: {  	_ =	swait.ge [sflag:s19], $0x6400  }
0x214: {  	s30 =	sld [smem:$0x7CB]  }
0x215: {  	[sflag:s19] =	ssyncset.done $0x0  }
0x216: {  	[sflag:s19] =	ssyncadd.s32 $0xFFFF9C00  }
0x217: {  	[tilespmem:s4], [sflag:$0x3] =	stream.linear.gather [hbm4b:s30+s4], $0x190, $0x38;
	[tilespmem:$0x17E80] =	vst v63  }
0x218: {  	s30 =	sld [smem:$0x7CC];
	_ =	sdelay $0x2  }
0x219: {  	[tilespmem:s20], [sflag:$0x3] =	stream.linear.gather [hbm4b:s30+s4], $0x190, $0x38;
	[tilespmem:$0x17E80] =	vst v63  }
0x21a: {  	_ =	swait.ge [sflag:s21], $0x190  }
0x21b: {  	[sflag:s21] =	ssyncset.done $0x0  }
0x21c: {  	[sflag:s21] =	ssyncadd.s32 $0xFFFFFE70  }
0x21d: {  	_ =	swait.ge [sflag:s21], $0x190  }
0x21e: {  	[sflag:s21] =	ssyncset.done $0x0  }
0x21f: {  	[sflag:s21] =	ssyncadd.s32 $0xFFFFFE70  }
0x220: {  	[tilespmem:s23], [sflag:$0x1] =	stream.indirect.gather [hbm4b:s1+s22], $0x40, s4, s22, $0xb8;
	[tilespmem:$0x17E80] =	vst v63  }
0x221: {  	_ =	swait.ge [sflag:s6], $0x6400  }
0x222: {  	[sflag:s6] =	ssyncset.done $0x0  }
0x223: {  	[sflag:s6] =	ssyncadd.s32 $0xFFFF9C00  }
0x224: {  	[spmem:s3] =	stream.indirect.scatter.add.f32 [tilespmem:s26], [sflag:$0x5], $0x40, s24, s22, $0xb8;
	[tilespmem:$0x17E80] =	vst v63  }
0x225: {  	_ =	swait.ge [sflag:s19], $0x6400  }
0x226: {  	s30 =	sld [smem:$0x7CD]  }
0x227: {  	[sflag:s19] =	ssyncset.done $0x0  }
0x228: {  	[sflag:s19] =	ssyncadd.s32 $0xFFFF9C00  }
0x229: {  	[tilespmem:s22], [sflag:$0x4] =	stream.linear.gather [hbm4b:s30+s4], $0x190, $0x38;
	[tilespmem:$0x17E80] =	vst v63  }
0x22a: {  	s30 =	sld [smem:$0x7CE];
	_ =	sdelay $0x2  }
0x22b: {  	[tilespmem:s24], [sflag:$0x4] =	stream.linear.gather [hbm4b:s30+s4], $0x190, $0x38;
	[tilespmem:$0x17E80] =	vst v63  }
0x22c: {  	_ =	swait.ge [sflag:s25], $0x190  }
0x22d: {  	[sflag:s25] =	ssyncset.done $0x0  }
0x22e: {  	[sflag:s25] =	ssyncadd.s32 $0xFFFFFE70  }
0x22f: {  	_ =	swait.ge [sflag:s25], $0x190  }
0x230: {  	[sflag:s25] =	ssyncset.done $0x0  }
0x231: {  	[sflag:s25] =	ssyncadd.s32 $0xFFFFFE70  }
0x232: {  	[tilespmem:s26], [sflag:$0x2] =	stream.indirect.gather [hbm4b:s1+s22], $0x40, s22, s22, $0xb8;
	[tilespmem:$0x17E80] =	vst v63  }
0x233: {  	_ =	swait.ge [sflag:s28], $0x6400  }
0x234: {  	[sflag:s28] =	ssyncset.done $0x0  }
0x235: {  	[sflag:s28] =	ssyncadd.s32 $0xFFFF9C00  }
0x236: {  	[spmem:s3] =	stream.indirect.scatter.add.f32 [tilespmem:s23], [sflag:$0x5], $0x40, s20, s22, $0xb8;
	[tilespmem:$0x17E80] =	vst v63  }
0x237: {  	_ =	swait.ge [sflag:s19], $0x6400  }
0x238: {  	s30 =	sld [smem:$0x7CF]  }
0x239: {  	[sflag:s19] =	ssyncset.done $0x0  }
0x23a: {  	[sflag:s19] =	ssyncadd.s32 $0xFFFF9C00  }
0x23b: {  	[tilespmem:s4], [sflag:$0x3] =	stream.linear.gather [hbm4b:s30+s4], $0x190, $0x38;
	[tilespmem:$0x17E80] =	vst v63  }
0x23c: {  	s30 =	sld [smem:$0x7D0];
	_ =	sdelay $0x2  }
0x23d: {  	[tilespmem:s20], [sflag:$0x3] =	stream.linear.gather [hbm4b:s30+s4], $0x190, $0x38;
	[tilespmem:$0x17E80] =	vst v63  }
0x23e: {  	_ =	swait.ge [sflag:s21], $0x190  }
0x23f: {  	[sflag:s21] =	ssyncset.done $0x0  }
0x240: {  	[sflag:s21] =	ssyncadd.s32 $0xFFFFFE70  }
0x241: {  	_ =	swait.ge [sflag:s21], $0x190  }
0x242: {  	[sflag:s21] =	ssyncset.done $0x0  }
0x243: {  	[sflag:s21] =	ssyncadd.s32 $0xFFFFFE70  }
0x244: {  	[tilespmem:s23], [sflag:$0x1] =	stream.indirect.gather [hbm4b:s1+s22], $0x40, s4, s22, $0xb8;
	[tilespmem:$0x17E80] =	vst v63  }
0x245: {  	_ =	swait.ge [sflag:s6], $0x6400  }
0x246: {  	[sflag:s6] =	ssyncset.done $0x0  }
0x247: {  	[sflag:s6] =	ssyncadd.s32 $0xFFFF9C00  }
0x248: {  	[spmem:s3] =	stream.indirect.scatter.add.f32 [tilespmem:s26], [sflag:$0x5], $0x40, s24, s22, $0xb8;
	[tilespmem:$0x17E80] =	vst v63  }
0x249: {  	_ =	swait.ge [sflag:s19], $0x6400  }
0x24a: {  	s30 =	sld [smem:$0x7D1]  }
0x24b: {  	[sflag:s19] =	ssyncset.done $0x0  }
0x24c: {  	[sflag:s19] =	ssyncadd.s32 $0xFFFF9C00  }
0x24d: {  	[tilespmem:s22], [sflag:$0x4] =	stream.linear.gather [hbm4b:s30+s4], $0x190, $0x38;
	[tilespmem:$0x17E80] =	vst v63  }
0x24e: {  	s30 =	sld [smem:$0x7D2];
	_ =	sdelay $0x2  }
0x24f: {  	[tilespmem:s24], [sflag:$0x4] =	stream.linear.gather [hbm4b:s30+s4], $0x190, $0x38;
	[tilespmem:$0x17E80] =	vst v63  }
0x250: {  	_ =	swait.ge [sflag:s25], $0x190  }
0x251: {  	[sflag:s25] =	ssyncset.done $0x0  }
0x252: {  	[sflag:s25] =	ssyncadd.s32 $0xFFFFFE70  }
0x253: {  	_ =	swait.ge [sflag:s25], $0x190  }
0x254: {  	[sflag:s25] =	ssyncset.done $0x0  }
0x255: {  	[sflag:s25] =	ssyncadd.s32 $0xFFFFFE70  }
0x256: {  	[tilespmem:s26], [sflag:$0x2] =	stream.indirect.gather [hbm4b:s1+s22], $0x40, s22, s22, $0xb8;
	[tilespmem:$0x17E80] =	vst v63  }
0x257: {  	_ =	swait.ge [sflag:s28], $0x6400  }
0x258: {  	[sflag:s28] =	ssyncset.done $0x0  }
0x259: {  	[sflag:s28] =	ssyncadd.s32 $0xFFFF9C00  }
0x25a: {  	[spmem:s3] =	stream.indirect.scatter.add.f32 [tilespmem:s23], [sflag:$0x5], $0x40, s20, s22, $0xb8;
	[tilespmem:$0x17E80] =	vst v63  }
0x25b: {  	_ =	swait.ge [sflag:s19], $0x6400  }
0x25c: {  	s30 =	sld [smem:$0x7D3]  }
0x25d: {  	[sflag:s19] =	ssyncset.done $0x0  }
0x25e: {  	[sflag:s19] =	ssyncadd.s32 $0xFFFF9C00  }
0x25f: {  	[tilespmem:s4], [sflag:$0x3] =	stream.linear.gather [hbm4b:s30+s4], $0x190, $0x38;
	[tilespmem:$0x17E80] =	vst v63  }
0x260: {  	s30 =	sld [smem:$0x7D4];
	_ =	sdelay $0x2  }
0x261: {  	[tilespmem:s20], [sflag:$0x3] =	stream.linear.gather [hbm4b:s30+s4], $0x190, $0x38;
	[tilespmem:$0x17E80] =	vst v63  }
0x262: {  	_ =	swait.ge [sflag:s21], $0x190  }
0x263: {  	[sflag:s21] =	ssyncset.done $0x0  }
0x264: {  	[sflag:s21] =	ssyncadd.s32 $0xFFFFFE70  }
0x265: {  	_ =	swait.ge [sflag:s21], $0x190  }
0x266: {  	[sflag:s21] =	ssyncset.done $0x0  }
0x267: {  	[sflag:s21] =	ssyncadd.s32 $0xFFFFFE70  }
0x268: {  	[tilespmem:s23], [sflag:$0x1] =	stream.indirect.gather [hbm4b:s1+s22], $0x40, s4, s22, $0xb8;
	[tilespmem:$0x17E80] =	vst v63  }
0x269: {  	_ =	swait.ge [sflag:s6], $0x6400  }
0x26a: {  	[sflag:s6] =	ssyncset.done $0x0  }
0x26b: {  	[sflag:s6] =	ssyncadd.s32 $0xFFFF9C00  }
0x26c: {  	[spmem:s3] =	stream.indirect.scatter.add.f32 [tilespmem:s26], [sflag:$0x5], $0x40, s24, s22, $0xb8;
	[tilespmem:$0x17E80] =	vst v63  }
0x26d: {  	_ =	swait.ge [sflag:s19], $0x6400  }
0x26e: {  	s30 =	sld [smem:$0x7D5]  }
0x26f: {  	[sflag:s19] =	ssyncset.done $0x0  }
0x270: {  	[sflag:s19] =	ssyncadd.s32 $0xFFFF9C00  }
0x271: {  	[tilespmem:s22], [sflag:$0x4] =	stream.linear.gather [hbm4b:s30+s4], $0x190, $0x38;
	[tilespmem:$0x17E80] =	vst v63  }
0x272: {  	s30 =	sld [smem:$0x7D6];
	_ =	sdelay $0x2  }
0x273: {  	[tilespmem:s24], [sflag:$0x4] =	stream.linear.gather [hbm4b:s30+s4], $0x190, $0x38;
	[tilespmem:$0x17E80] =	vst v63  }
0x274: {  	_ =	swait.ge [sflag:s25], $0x190  }
0x275: {  	[sflag:s25] =	ssyncset.done $0x0  }
0x276: {  	[sflag:s25] =	ssyncadd.s32 $0xFFFFFE70  }
0x277: {  	_ =	swait.ge [sflag:s25], $0x190  }
0x278: {  	[sflag:s25] =	ssyncset.done $0x0  }
0x279: {  	[sflag:s25] =	ssyncadd.s32 $0xFFFFFE70  }
0x27a: {  	[tilespmem:s26], [sflag:$0x2] =	stream.indirect.gather [hbm4b:s1+s22], $0x40, s22, s22, $0xb8;
	[tilespmem:$0x17E80] =	vst v63  }
0x27b: {  	_ =	swait.ge [sflag:s28], $0x6400  }
0x27c: {  	[sflag:s28] =	ssyncset.done $0x0  }
0x27d: {  	[sflag:s28] =	ssyncadd.s32 $0xFFFF9C00  }
0x27e: {  	[spmem:s3] =	stream.indirect.scatter.add.f32 [tilespmem:s23], [sflag:$0x5], $0x40, s20, s22, $0xb8;
	[tilespmem:$0x17E80] =	vst v63  }
0x27f: {  	_ =	swait.ge [sflag:s19], $0x6400  }
0x280: {  	s30 =	sld [smem:$0x7D7]  }
0x281: {  	[sflag:s19] =	ssyncset.done $0x0  }
0x282: {  	[sflag:s19] =	ssyncadd.s32 $0xFFFF9C00  }
0x283: {  	[tilespmem:s4], [sflag:$0x3] =	stream.linear.gather [hbm4b:s30+s4], $0x190, $0x38;
	[tilespmem:$0x17E80] =	vst v63  }
0x284: {  	s30 =	sld [smem:$0x7D8];
	_ =	sdelay $0x2  }
0x285: {  	[tilespmem:s20], [sflag:$0x3] =	stream.linear.gather [hbm4b:s30+s4], $0x190, $0x38;
	[tilespmem:$0x17E80] =	vst v63  }
0x286: {  	_ =	swait.ge [sflag:s21], $0x190  }
0x287: {  	[sflag:s21] =	ssyncset.done $0x0  }
0x288: {  	[sflag:s21] =	ssyncadd.s32 $0xFFFFFE70  }
0x289: {  	_ =	swait.ge [sflag:s21], $0x190  }
0x28a: {  	[sflag:s21] =	ssyncset.done $0x0  }
0x28b: {  	[sflag:s21] =	ssyncadd.s32 $0xFFFFFE70  }
0x28c: {  	[tilespmem:s23], [sflag:$0x1] =	stream.indirect.gather [hbm4b:s1+s22], $0x40, s4, s22, $0xb8;
	[tilespmem:$0x17E80] =	vst v63  }
0x28d: {  	_ =	swait.ge [sflag:s6], $0x6400  }
0x28e: {  	[sflag:s6] =	ssyncset.done $0x0  }
0x28f: {  	[sflag:s6] =	ssyncadd.s32 $0xFFFF9C00  }
0x290: {  	[spmem:s3] =	stream.indirect.scatter.add.f32 [tilespmem:s26], [sflag:$0x5], $0x40, s24, s22, $0xb8;
	[tilespmem:$0x17E80] =	vst v63  }
0x291: {  	_ =	swait.ge [sflag:s19], $0x6400  }
0x292: {  	s30 =	sld [smem:$0x7D9]  }
0x293: {  	[sflag:s19] =	ssyncset.done $0x0  }
0x294: {  	[sflag:s19] =	ssyncadd.s32 $0xFFFF9C00  }
0x295: {  	[tilespmem:s22], [sflag:$0x4] =	stream.linear.gather [hbm4b:s30+s4], $0x190, $0x38;
	[tilespmem:$0x17E80] =	vst v63  }
0x296: {  	s30 =	sld [smem:$0x7DA];
	_ =	sdelay $0x2  }
0x297: {  	[tilespmem:s24], [sflag:$0x4] =	stream.linear.gather [hbm4b:s30+s4], $0x190, $0x38;
	[tilespmem:$0x17E80] =	vst v63  }
0x298: {  	_ =	swait.ge [sflag:s25], $0x190  }
0x299: {  	[sflag:s25] =	ssyncset.done $0x0  }
0x29a: {  	[sflag:s25] =	ssyncadd.s32 $0xFFFFFE70  }
0x29b: {  	_ =	swait.ge [sflag:s25], $0x190  }
0x29c: {  	[sflag:s25] =	ssyncset.done $0x0  }
0x29d: {  	[sflag:s25] =	ssyncadd.s32 $0xFFFFFE70  }
0x29e: {  	[tilespmem:s26], [sflag:$0x2] =	stream.indirect.gather [hbm4b:s1+s22], $0x40, s22, s22, $0xb8;
	[tilespmem:$0x17E80] =	vst v63  }
0x29f: {  	_ =	swait.ge [sflag:s28], $0x6400  }
0x2a0: {  	[sflag:s28] =	ssyncset.done $0x0  }
0x2a1: {  	[sflag:s28] =	ssyncadd.s32 $0xFFFF9C00  }
0x2a2: {  	[spmem:s3] =	stream.indirect.scatter.add.f32 [tilespmem:s23], [sflag:$0x5], $0x40, s20, s22, $0xb8;
	[tilespmem:$0x17E80] =	vst v63  }
0x2a3: {  	_ =	swait.ge [sflag:s19], $0x6400  }
0x2a4: {  	s30 =	sld [smem:$0x7DB]  }
0x2a5: {  	[sflag:s19] =	ssyncset.done $0x0  }
0x2a6: {  	[sflag:s19] =	ssyncadd.s32 $0xFFFF9C00  }
0x2a7: {  	[tilespmem:s4], [sflag:$0x3] =	stream.linear.gather [hbm4b:s30+s4], $0x190, $0x38;
	[tilespmem:$0x17E80] =	vst v63  }
0x2a8: {  	s30 =	sld [smem:$0x7DC];
	_ =	sdelay $0x2  }
0x2a9: {  	[tilespmem:s20], [sflag:$0x3] =	stream.linear.gather [hbm4b:s30+s4], $0x190, $0x38;
	[tilespmem:$0x17E80] =	vst v63  }
0x2aa: {  	_ =	swait.ge [sflag:s21], $0x190  }
0x2ab: {  	[sflag:s21] =	ssyncset.done $0x0  }
0x2ac: {  	[sflag:s21] =	ssyncadd.s32 $0xFFFFFE70  }
0x2ad: {  	_ =	swait.ge [sflag:s21], $0x190  }
0x2ae: {  	[sflag:s21] =	ssyncset.done $0x0  }
0x2af: {  	[sflag:s21] =	ssyncadd.s32 $0xFFFFFE70  }
0x2b0: {  	[tilespmem:s23], [sflag:$0x1] =	stream.indirect.gather [hbm4b:s1+s22], $0x40, s4, s22, $0xb8;
	[tilespmem:$0x17E80] =	vst v63  }
0x2b1: {  	_ =	swait.ge [sflag:s6], $0x6400  }
0x2b2: {  	[sflag:s6] =	ssyncset.done $0x0  }
0x2b3: {  	[sflag:s6] =	ssyncadd.s32 $0xFFFF9C00  }
0x2b4: {  	[spmem:s3] =	stream.indirect.scatter.add.f32 [tilespmem:s26], [sflag:$0x5], $0x40, s24, s22, $0xb8;
	[tilespmem:$0x17E80] =	vst v63  }
0x2b5: {  	_ =	swait.ge [sflag:s19], $0x6400  }
0x2b6: {  	s30 =	sld [smem:$0x7DD]  }
0x2b7: {  	[sflag:s19] =	ssyncset.done $0x0  }
0x2b8: {  	[sflag:s19] =	ssyncadd.s32 $0xFFFF9C00  }
0x2b9: {  	[tilespmem:s22], [sflag:$0x4] =	stream.linear.gather [hbm4b:s30+s4], $0x190, $0x38;
	[tilespmem:$0x17E80] =	vst v63  }
0x2ba: {  	s30 =	sld [smem:$0x7DE];
	_ =	sdelay $0x2  }
0x2bb: {  	[tilespmem:s24], [sflag:$0x4] =	stream.linear.gather [hbm4b:s30+s4], $0x190, $0x38;
	[tilespmem:$0x17E80] =	vst v63  }
0x2bc: {  	_ =	swait.ge [sflag:s25], $0x190  }
0x2bd: {  	[sflag:s25] =	ssyncset.done $0x0  }
0x2be: {  	[sflag:s25] =	ssyncadd.s32 $0xFFFFFE70  }
0x2bf: {  	_ =	swait.ge [sflag:s25], $0x190  }
0x2c0: {  	[sflag:s25] =	ssyncset.done $0x0  }
0x2c1: {  	[sflag:s25] =	ssyncadd.s32 $0xFFFFFE70  }
0x2c2: {  	[tilespmem:s26], [sflag:$0x2] =	stream.indirect.gather [hbm4b:s1+s22], $0x40, s22, s22, $0xb8;
	[tilespmem:$0x17E80] =	vst v63  }
0x2c3: {  	_ =	swait.ge [sflag:s28], $0x6400  }
0x2c4: {  	[sflag:s28] =	ssyncset.done $0x0  }
0x2c5: {  	[sflag:s28] =	ssyncadd.s32 $0xFFFF9C00  }
0x2c6: {  	[spmem:s3] =	stream.indirect.scatter.add.f32 [tilespmem:s23], [sflag:$0x5], $0x40, s20, s22, $0xb8;
	[tilespmem:$0x17E80] =	vst v63  }
0x2c7: {  	_ =	swait.ge [sflag:s19], $0x6400  }
0x2c8: {  	s30 =	sld [smem:$0x7DF]  }
0x2c9: {  	[sflag:s19] =	ssyncset.done $0x0  }
0x2ca: {  	[sflag:s19] =	ssyncadd.s32 $0xFFFF9C00  }
0x2cb: {  	[tilespmem:s4], [sflag:$0x3] =	stream.linear.gather [hbm4b:s30+s4], $0x190, $0x38;
	[tilespmem:$0x17E80] =	vst v63  }
0x2cc: {  	s30 =	sld [smem:$0x7E0];
	_ =	sdelay $0x2  }
0x2cd: {  	[tilespmem:s20], [sflag:$0x3] =	stream.linear.gather [hbm4b:s30+s4], $0x190, $0x38;
	[tilespmem:$0x17E80] =	vst v63  }
0x2ce: {  	_ =	swait.ge [sflag:s21], $0x190  }
0x2cf: {  	[sflag:s21] =	ssyncset.done $0x0  }
0x2d0: {  	[sflag:s21] =	ssyncadd.s32 $0xFFFFFE70  }
0x2d1: {  	_ =	swait.ge [sflag:s21], $0x190  }
0x2d2: {  	[sflag:s21] =	ssyncset.done $0x0  }
0x2d3: {  	[sflag:s21] =	ssyncadd.s32 $0xFFFFFE70  }
0x2d4: {  	[tilespmem:s23], [sflag:$0x1] =	stream.indirect.gather [hbm4b:s1+s22], $0x40, s4, s22, $0xb8;
	[tilespmem:$0x17E80] =	vst v63  }
0x2d5: {  	_ =	swait.ge [sflag:s6], $0x6400  }
0x2d6: {  	[sflag:s6] =	ssyncset.done $0x0  }
0x2d7: {  	[sflag:s6] =	ssyncadd.s32 $0xFFFF9C00  }
0x2d8: {  	[spmem:s3] =	stream.indirect.scatter.add.f32 [tilespmem:s26], [sflag:$0x5], $0x40, s24, s22, $0xb8;
	[tilespmem:$0x17E80] =	vst v63  }
0x2d9: {  	_ =	swait.ge [sflag:s19], $0x6400  }
0x2da: {  	s30 =	sld [smem:$0x7E1]  }
0x2db: {  	[sflag:s19] =	ssyncset.done $0x0  }
0x2dc: {  	[sflag:s19] =	ssyncadd.s32 $0xFFFF9C00  }
0x2dd: {  	[tilespmem:s22], [sflag:$0x4] =	stream.linear.gather [hbm4b:s30+s4], $0x190, $0x38;
	[tilespmem:$0x17E80] =	vst v63  }
0x2de: {  	s30 =	sld [smem:$0x7E2];
	_ =	sdelay $0x2  }
0x2df: {  	[tilespmem:s24], [sflag:$0x4] =	stream.linear.gather [hbm4b:s30+s4], $0x190, $0x38;
	[tilespmem:$0x17E80] =	vst v63  }
0x2e0: {  	_ =	swait.ge [sflag:s25], $0x190  }
0x2e1: {  	[sflag:s25] =	ssyncset.done $0x0  }
0x2e2: {  	[sflag:s25] =	ssyncadd.s32 $0xFFFFFE70  }
0x2e3: {  	_ =	swait.ge [sflag:s25], $0x190  }
0x2e4: {  	[sflag:s25] =	ssyncset.done $0x0  }
0x2e5: {  	[sflag:s25] =	ssyncadd.s32 $0xFFFFFE70  }
0x2e6: {  	[tilespmem:s26], [sflag:$0x2] =	stream.indirect.gather [hbm4b:s1+s22], $0x40, s22, s22, $0xb8;
	[tilespmem:$0x17E80] =	vst v63  }
0x2e7: {  	_ =	swait.ge [sflag:s28], $0x6400  }
0x2e8: {  	[sflag:s28] =	ssyncset.done $0x0  }
0x2e9: {  	[sflag:s28] =	ssyncadd.s32 $0xFFFF9C00  }
0x2ea: {  	[spmem:s3] =	stream.indirect.scatter.add.f32 [tilespmem:s23], [sflag:$0x5], $0x40, s20, s22, $0xb8;
	[tilespmem:$0x17E80] =	vst v63  }
0x2eb: {  	_ =	swait.ge [sflag:s19], $0x6400  }
0x2ec: {  	s30 =	sld [smem:$0x7E3]  }
0x2ed: {  	[sflag:s19] =	ssyncset.done $0x0  }
0x2ee: {  	[sflag:s19] =	ssyncadd.s32 $0xFFFF9C00  }
0x2ef: {  	[tilespmem:s4], [sflag:$0x3] =	stream.linear.gather [hbm4b:s30+s4], $0x190, $0x38;
	[tilespmem:$0x17E80] =	vst v63  }
0x2f0: {  	s30 =	sld [smem:$0x7E4];
	_ =	sdelay $0x2  }
0x2f1: {  	[tilespmem:s20], [sflag:$0x3] =	stream.linear.gather [hbm4b:s30+s4], $0x190, $0x38;
	[tilespmem:$0x17E80] =	vst v63  }
0x2f2: {  	_ =	swait.ge [sflag:s21], $0x190  }
0x2f3: {  	[sflag:s21] =	ssyncset.done $0x0  }
0x2f4: {  	[sflag:s21] =	ssyncadd.s32 $0xFFFFFE70  }
0x2f5: {  	_ =	swait.ge [sflag:s21], $0x190  }
0x2f6: {  	[sflag:s21] =	ssyncset.done $0x0  }
0x2f7: {  	[sflag:s21] =	ssyncadd.s32 $0xFFFFFE70  }
0x2f8: {  	[tilespmem:s23], [sflag:$0x1] =	stream.indirect.gather [hbm4b:s1+s22], $0x40, s4, s22, $0xb8;
	[tilespmem:$0x17E80] =	vst v63  }
0x2f9: {  	_ =	swait.ge [sflag:s6], $0x6400  }
0x2fa: {  	[sflag:s6] =	ssyncset.done $0x0  }
0x2fb: {  	[sflag:s6] =	ssyncadd.s32 $0xFFFF9C00  }
0x2fc: {  	[spmem:s3] =	stream.indirect.scatter.add.f32 [tilespmem:s26], [sflag:$0x5], $0x40, s24, s22, $0xb8;
	[tilespmem:$0x17E80] =	vst v63  }
0x2fd: {  	_ =	swait.ge [sflag:s19], $0x6400  }
0x2fe: {  	s30 =	sld [smem:$0x7E5]  }
0x2ff: {  	[sflag:s19] =	ssyncset.done $0x0  }
0x300: {  	[sflag:s19] =	ssyncadd.s32 $0xFFFF9C00  }
0x301: {  	[tilespmem:s22], [sflag:$0x4] =	stream.linear.gather [hbm4b:s30+s4], $0x190, $0x38;
	[tilespmem:$0x17E80] =	vst v63  }
0x302: {  	s30 =	sld [smem:$0x7E6];
	_ =	sdelay $0x2  }
0x303: {  	[tilespmem:s24], [sflag:$0x4] =	stream.linear.gather [hbm4b:s30+s4], $0x190, $0x38;
	[tilespmem:$0x17E80] =	vst v63  }
0x304: {  	_ =	swait.ge [sflag:s25], $0x190  }
0x305: {  	[sflag:s25] =	ssyncset.done $0x0  }
0x306: {  	[sflag:s25] =	ssyncadd.s32 $0xFFFFFE70  }
0x307: {  	_ =	swait.ge [sflag:s25], $0x190  }
0x308: {  	[sflag:s25] =	ssyncset.done $0x0  }
0x309: {  	[sflag:s25] =	ssyncadd.s32 $0xFFFFFE70  }
0x30a: {  	[tilespmem:s26], [sflag:$0x2] =	stream.indirect.gather [hbm4b:s1+s22], $0x40, s22, s22, $0xb8;
	[tilespmem:$0x17E80] =	vst v63  }
0x30b: {  	_ =	swait.ge [sflag:s28], $0x6400  }
0x30c: {  	[sflag:s28] =	ssyncset.done $0x0  }
0x30d: {  	[sflag:s28] =	ssyncadd.s32 $0xFFFF9C00  }
0x30e: {  	[spmem:s3] =	stream.indirect.scatter.add.f32 [tilespmem:s23], [sflag:$0x5], $0x40, s20, s22, $0xb8;
	[tilespmem:$0x17E80] =	vst v63  }
0x30f: {  	_ =	swait.ge [sflag:s19], $0x6400  }
0x310: {  	s30 =	sld [smem:$0x7E7]  }
0x311: {  	[sflag:s19] =	ssyncset.done $0x0  }
0x312: {  	[sflag:s19] =	ssyncadd.s32 $0xFFFF9C00  }
0x313: {  	[tilespmem:s4], [sflag:$0x3] =	stream.linear.gather [hbm4b:s30+s4], $0x190, $0x38;
	[tilespmem:$0x17E80] =	vst v63  }
0x314: {  	s30 =	sld [smem:$0x7E8];
	_ =	sdelay $0x2  }
0x315: {  	[tilespmem:s20], [sflag:$0x3] =	stream.linear.gather [hbm4b:s30+s4], $0x190, $0x38;
	[tilespmem:$0x17E80] =	vst v63  }
0x316: {  	_ =	swait.ge [sflag:s21], $0x190  }
0x317: {  	[sflag:s21] =	ssyncset.done $0x0  }
0x318: {  	[sflag:s21] =	ssyncadd.s32 $0xFFFFFE70  }
0x319: {  	_ =	swait.ge [sflag:s21], $0x190  }
0x31a: {  	[sflag:s21] =	ssyncset.done $0x0  }
0x31b: {  	[sflag:s21] =	ssyncadd.s32 $0xFFFFFE70  }
0x31c: {  	[tilespmem:s23], [sflag:$0x1] =	stream.indirect.gather [hbm4b:s1+s22], $0x40, s4, s22, $0xb8;
	[tilespmem:$0x17E80] =	vst v63  }
0x31d: {  	_ =	swait.ge [sflag:s6], $0x6400  }
0x31e: {  	[sflag:s6] =	ssyncset.done $0x0  }
0x31f: {  	[sflag:s6] =	ssyncadd.s32 $0xFFFF9C00  }
0x320: {  	[spmem:s3] =	stream.indirect.scatter.add.f32 [tilespmem:s26], [sflag:$0x5], $0x40, s24, s22, $0xb8;
	[tilespmem:$0x17E80] =	vst v63  }
0x321: {  	_ =	swait.ge [sflag:s19], $0x6400  }
0x322: {  	s30 =	sld [smem:$0x7E9]  }
0x323: {  	[sflag:s19] =	ssyncset.done $0x0  }
0x324: {  	[sflag:s19] =	ssyncadd.s32 $0xFFFF9C00  }
0x325: {  	[tilespmem:s22], [sflag:$0x4] =	stream.linear.gather [hbm4b:s30+s4], $0x190, $0x38;
	[tilespmem:$0x17E80] =	vst v63  }
0x326: {  	s30 =	sld [smem:$0x7EA];
	_ =	sdelay $0x2  }
0x327: {  	[tilespmem:s24], [sflag:$0x4] =	stream.linear.gather [hbm4b:s30+s4], $0x190, $0x38;
	[tilespmem:$0x17E80] =	vst v63  }
0x328: {  	_ =	swait.ge [sflag:s25], $0x190  }
0x329: {  	[sflag:s25] =	ssyncset.done $0x0  }
0x32a: {  	[sflag:s25] =	ssyncadd.s32 $0xFFFFFE70  }
0x32b: {  	_ =	swait.ge [sflag:s25], $0x190  }
0x32c: {  	[sflag:s25] =	ssyncset.done $0x0  }
0x32d: {  	[sflag:s25] =	ssyncadd.s32 $0xFFFFFE70  }
0x32e: {  	[tilespmem:s26], [sflag:$0x2] =	stream.indirect.gather [hbm4b:s1+s22], $0x40, s22, s22, $0xb8;
	[tilespmem:$0x17E80] =	vst v63  }
0x32f: {  	_ =	swait.ge [sflag:s28], $0x6400  }
0x330: {  	[sflag:s28] =	ssyncset.done $0x0  }
0x331: {  	[sflag:s28] =	ssyncadd.s32 $0xFFFF9C00  }
0x332: {  	[spmem:s3] =	stream.indirect.scatter.add.f32 [tilespmem:s23], [sflag:$0x5], $0x40, s20, s22, $0xb8;
	[tilespmem:$0x17E80] =	vst v63  }
0x333: {  	_ =	swait.ge [sflag:s19], $0x6400  }
0x334: {  	s30 =	sld [smem:$0x7EB]  }
0x335: {  	[sflag:s19] =	ssyncset.done $0x0  }
0x336: {  	[sflag:s19] =	ssyncadd.s32 $0xFFFF9C00  }
0x337: {  	[tilespmem:s4], [sflag:$0x3] =	stream.linear.gather [hbm4b:s30+s4], $0x190, $0x38;
	[tilespmem:$0x17E80] =	vst v63  }
0x338: {  	s30 =	sld [smem:$0x7EC];
	_ =	sdelay $0x2  }
0x339: {  	[tilespmem:s20], [sflag:$0x3] =	stream.linear.gather [hbm4b:s30+s4], $0x190, $0x38;
	[tilespmem:$0x17E80] =	vst v63  }
0x33a: {  	_ =	swait.ge [sflag:s21], $0x190  }
0x33b: {  	[sflag:s21] =	ssyncset.done $0x0  }
0x33c: {  	[sflag:s21] =	ssyncadd.s32 $0xFFFFFE70  }
0x33d: {  	_ =	swait.ge [sflag:s21], $0x190  }
0x33e: {  	[sflag:s21] =	ssyncset.done $0x0  }
0x33f: {  	[sflag:s21] =	ssyncadd.s32 $0xFFFFFE70  }
0x340: {  	[tilespmem:s23], [sflag:$0x1] =	stream.indirect.gather [hbm4b:s1+s22], $0x40, s4, s22, $0xb8;
	[tilespmem:$0x17E80] =	vst v63  }
0x341: {  	_ =	swait.ge [sflag:s6], $0x6400  }
0x342: {  	[sflag:s6] =	ssyncset.done $0x0  }
0x343: {  	[sflag:s6] =	ssyncadd.s32 $0xFFFF9C00  }
0x344: {  	[spmem:s3] =	stream.indirect.scatter.add.f32 [tilespmem:s26], [sflag:$0x5], $0x40, s24, s22, $0xb8;
	[tilespmem:$0x17E80] =	vst v63  }
0x345: {  	_ =	swait.ge [sflag:s19], $0x6400  }
0x346: {  	s30 =	sld [smem:$0x7ED]  }
0x347: {  	[sflag:s19] =	ssyncset.done $0x0  }
0x348: {  	[sflag:s19] =	ssyncadd.s32 $0xFFFF9C00  }
0x349: {  	[tilespmem:s22], [sflag:$0x4] =	stream.linear.gather [hbm4b:s30+s4], $0x190, $0x38;
	[tilespmem:$0x17E80] =	vst v63  }
0x34a: {  	s30 =	sld [smem:$0x7EE];
	_ =	sdelay $0x2  }
0x34b: {  	[tilespmem:s24], [sflag:$0x4] =	stream.linear.gather [hbm4b:s30+s4], $0x190, $0x38;
	[tilespmem:$0x17E80] =	vst v63  }
0x34c: {  	_ =	swait.ge [sflag:s25], $0x190  }
0x34d: {  	[sflag:s25] =	ssyncset.done $0x0  }
0x34e: {  	[sflag:s25] =	ssyncadd.s32 $0xFFFFFE70  }
0x34f: {  	_ =	swait.ge [sflag:s25], $0x190  }
0x350: {  	[sflag:s25] =	ssyncset.done $0x0  }
0x351: {  	[sflag:s25] =	ssyncadd.s32 $0xFFFFFE70  }
0x352: {  	[tilespmem:s26], [sflag:$0x2] =	stream.indirect.gather [hbm4b:s1+s22], $0x40, s22, s22, $0xb8;
	[tilespmem:$0x17E80] =	vst v63  }
0x353: {  	_ =	swait.ge [sflag:s28], $0x6400  }
0x354: {  	[sflag:s28] =	ssyncset.done $0x0  }
0x355: {  	[sflag:s28] =	ssyncadd.s32 $0xFFFF9C00  }
0x356: {  	[spmem:s3] =	stream.indirect.scatter.add.f32 [tilespmem:s23], [sflag:$0x5], $0x40, s20, s22, $0xb8;
	[tilespmem:$0x17E80] =	vst v63  }
0x357: {  	_ =	swait.ge [sflag:s19], $0x6400  }
0x358: {  	s30 =	sld [smem:$0x7EF]  }
0x359: {  	[sflag:s19] =	ssyncset.done $0x0  }
0x35a: {  	[sflag:s19] =	ssyncadd.s32 $0xFFFF9C00  }
0x35b: {  	[tilespmem:s4], [sflag:$0x3] =	stream.linear.gather [hbm4b:s30+s4], $0x190, $0x38;
	[tilespmem:$0x17E80] =	vst v63  }
0x35c: {  	s30 =	sld [smem:$0x7F0];
	_ =	sdelay $0x2  }
0x35d: {  	[tilespmem:s20], [sflag:$0x3] =	stream.linear.gather [hbm4b:s30+s4], $0x190, $0x38;
	[tilespmem:$0x17E80] =	vst v63  }
0x35e: {  	_ =	swait.ge [sflag:s21], $0x190  }
0x35f: {  	[sflag:s21] =	ssyncset.done $0x0  }
0x360: {  	[sflag:s21] =	ssyncadd.s32 $0xFFFFFE70  }
0x361: {  	_ =	swait.ge [sflag:s21], $0x190  }
0x362: {  	[sflag:s21] =	ssyncset.done $0x0  }
0x363: {  	[sflag:s21] =	ssyncadd.s32 $0xFFFFFE70  }
0x364: {  	[tilespmem:s23], [sflag:$0x1] =	stream.indirect.gather [hbm4b:s1+s22], $0x40, s4, s22, $0xb8;
	[tilespmem:$0x17E80] =	vst v63  }
0x365: {  	_ =	swait.ge [sflag:s6], $0x6400  }
0x366: {  	[sflag:s6] =	ssyncset.done $0x0  }
0x367: {  	[sflag:s6] =	ssyncadd.s32 $0xFFFF9C00  }
0x368: {  	[spmem:s3] =	stream.indirect.scatter.add.f32 [tilespmem:s26], [sflag:$0x5], $0x40, s24, s22, $0xb8;
	[tilespmem:$0x17E80] =	vst v63  }
0x369: {  	_ =	swait.ge [sflag:s19], $0x6400  }
0x36a: {  	s30 =	sld [smem:$0x7F1]  }
0x36b: {  	[sflag:s19] =	ssyncset.done $0x0  }
0x36c: {  	[sflag:s19] =	ssyncadd.s32 $0xFFFF9C00  }
0x36d: {  	[tilespmem:s22], [sflag:$0x4] =	stream.linear.gather [hbm4b:s30+s4], $0x190, $0x38;
	[tilespmem:$0x17E80] =	vst v63  }
0x36e: {  	s30 =	sld [smem:$0x7F2];
	_ =	sdelay $0x2  }
0x36f: {  	[tilespmem:s24], [sflag:$0x4] =	stream.linear.gather [hbm4b:s30+s4], $0x190, $0x38;
	[tilespmem:$0x17E80] =	vst v63  }
0x370: {  	_ =	swait.ge [sflag:s25], $0x190  }
0x371: {  	[sflag:s25] =	ssyncset.done $0x0  }
0x372: {  	[sflag:s25] =	ssyncadd.s32 $0xFFFFFE70  }
0x373: {  	_ =	swait.ge [sflag:s25], $0x190  }
0x374: {  	[sflag:s25] =	ssyncset.done $0x0  }
0x375: {  	[sflag:s25] =	ssyncadd.s32 $0xFFFFFE70  }
0x376: {  	[tilespmem:s26], [sflag:$0x2] =	stream.indirect.gather [hbm4b:s1+s22], $0x40, s22, s22, $0xb8;
	[tilespmem:$0x17E80] =	vst v63  }
0x377: {  	_ =	swait.ge [sflag:s28], $0x6400  }
0x378: {  	[sflag:s28] =	ssyncset.done $0x0  }
0x379: {  	[sflag:s28] =	ssyncadd.s32 $0xFFFF9C00  }
0x37a: {  	[spmem:s3] =	stream.indirect.scatter.add.f32 [tilespmem:s23], [sflag:$0x5], $0x40, s20, s22, $0xb8;
	[tilespmem:$0x17E80] =	vst v63  }
0x37b: {  	_ =	swait.ge [sflag:s19], $0x6400  }
0x37c: {  	s30 =	sld [smem:$0x7F3]  }
0x37d: {  	[sflag:s19] =	ssyncset.done $0x0  }
0x37e: {  	[sflag:s19] =	ssyncadd.s32 $0xFFFF9C00  }
0x37f: {  	[tilespmem:s4], [sflag:$0x3] =	stream.linear.gather [hbm4b:s30+s4], $0x190, $0x38;
	[tilespmem:$0x17E80] =	vst v63  }
0x380: {  	s30 =	sld [smem:$0x7F4];
	_ =	sdelay $0x2  }
0x381: {  	[tilespmem:s20], [sflag:$0x3] =	stream.linear.gather [hbm4b:s30+s4], $0x190, $0x38;
	[tilespmem:$0x17E80] =	vst v63  }
0x382: {  	_ =	swait.ge [sflag:s21], $0x190  }
0x383: {  	[sflag:s21] =	ssyncset.done $0x0  }
0x384: {  	[sflag:s21] =	ssyncadd.s32 $0xFFFFFE70  }
0x385: {  	_ =	swait.ge [sflag:s21], $0x190  }
0x386: {  	[sflag:s21] =	ssyncset.done $0x0  }
0x387: {  	[sflag:s21] =	ssyncadd.s32 $0xFFFFFE70  }
0x388: {  	[tilespmem:s23], [sflag:$0x1] =	stream.indirect.gather [hbm4b:s1+s22], $0x40, s4, s22, $0xb8;
	[tilespmem:$0x17E80] =	vst v63  }
0x389: {  	_ =	swait.ge [sflag:s6], $0x6400  }
0x38a: {  	[sflag:s6] =	ssyncset.done $0x0  }
0x38b: {  	[sflag:s6] =	ssyncadd.s32 $0xFFFF9C00  }
0x38c: {  	[spmem:s3] =	stream.indirect.scatter.add.f32 [tilespmem:s26], [sflag:$0x5], $0x40, s24, s22, $0xb8;
	[tilespmem:$0x17E80] =	vst v63  }
0x38d: {  	_ =	swait.ge [sflag:s19], $0x6400  }
0x38e: {  	s30 =	sld [smem:$0x7F5]  }
0x38f: {  	[sflag:s19] =	ssyncset.done $0x0  }
0x390: {  	[sflag:s19] =	ssyncadd.s32 $0xFFFF9C00  }
0x391: {  	[tilespmem:s22], [sflag:$0x4] =	stream.linear.gather [hbm4b:s30+s4], $0x190, $0x38;
	[tilespmem:$0x17E80] =	vst v63  }
0x392: {  	s30 =	sld [smem:$0x7F6];
	_ =	sdelay $0x2  }
0x393: {  	[tilespmem:s24], [sflag:$0x4] =	stream.linear.gather [hbm4b:s30+s4], $0x190, $0x38;
	[tilespmem:$0x17E80] =	vst v63  }
0x394: {  	_ =	swait.ge [sflag:s25], $0x190  }
0x395: {  	[sflag:s25] =	ssyncset.done $0x0  }
0x396: {  	[sflag:s25] =	ssyncadd.s32 $0xFFFFFE70  }
0x397: {  	_ =	swait.ge [sflag:s25], $0x190  }
0x398: {  	[sflag:s25] =	ssyncset.done $0x0  }
0x399: {  	[sflag:s25] =	ssyncadd.s32 $0xFFFFFE70  }
0x39a: {  	[tilespmem:s26], [sflag:$0x2] =	stream.indirect.gather [hbm4b:s1+s22], $0x40, s22, s22, $0xb8;
	[tilespmem:$0x17E80] =	vst v63  }
0x39b: {  	_ =	swait.ge [sflag:s28], $0x6400  }
0x39c: {  	[sflag:s28] =	ssyncset.done $0x0  }
0x39d: {  	[sflag:s28] =	ssyncadd.s32 $0xFFFF9C00  }
0x39e: {  	[spmem:s3] =	stream.indirect.scatter.add.f32 [tilespmem:s23], [sflag:$0x5], $0x40, s20, s22, $0xb8;
	[tilespmem:$0x17E80] =	vst v63  }
0x39f: {  	_ =	swait.ge [sflag:s19], $0x6400  }
0x3a0: {  	s30 =	sld [smem:$0x7F7]  }
0x3a1: {  	[sflag:s19] =	ssyncset.done $0x0  }
0x3a2: {  	[sflag:s19] =	ssyncadd.s32 $0xFFFF9C00  }
0x3a3: {  	[tilespmem:s4], [sflag:$0x3] =	stream.linear.gather [hbm4b:s30+s4], $0x190, $0x38;
	[tilespmem:$0x17E80] =	vst v63  }
0x3a4: {  	s30 =	sld [smem:$0x7F8];
	_ =	sdelay $0x2  }
0x3a5: {  	[tilespmem:s20], [sflag:$0x3] =	stream.linear.gather [hbm4b:s30+s4], $0x190, $0x38;
	[tilespmem:$0x17E80] =	vst v63  }
0x3a6: {  	_ =	swait.ge [sflag:s21], $0x190  }
0x3a7: {  	[sflag:s21] =	ssyncset.done $0x0  }
0x3a8: {  	[sflag:s21] =	ssyncadd.s32 $0xFFFFFE70  }
0x3a9: {  	_ =	swait.ge [sflag:s21], $0x190  }
0x3aa: {  	[sflag:s21] =	ssyncset.done $0x0  }
0x3ab: {  	[sflag:s21] =	ssyncadd.s32 $0xFFFFFE70  }
0x3ac: {  	[tilespmem:s23], [sflag:$0x1] =	stream.indirect.gather [hbm4b:s1+s22], $0x40, s4, s22, $0xb8;
	[tilespmem:$0x17E80] =	vst v63  }
0x3ad: {  	_ =	swait.ge [sflag:s6], $0x6400  }
0x3ae: {  	[sflag:s6] =	ssyncset.done $0x0  }
0x3af: {  	[sflag:s6] =	ssyncadd.s32 $0xFFFF9C00  }
0x3b0: {  	[spmem:s3] =	stream.indirect.scatter.add.f32 [tilespmem:s26], [sflag:$0x5], $0x40, s24, s22, $0xb8;
	[tilespmem:$0x17E80] =	vst v63  }
0x3b1: {  	_ =	swait.ge [sflag:s19], $0x6400  }
0x3b2: {  	s30 =	sld [smem:$0x7F9]  }
0x3b3: {  	[sflag:s19] =	ssyncset.done $0x0  }
0x3b4: {  	[sflag:s19] =	ssyncadd.s32 $0xFFFF9C00  }
0x3b5: {  	[tilespmem:s22], [sflag:$0x4] =	stream.linear.gather [hbm4b:s30+s4], $0x190, $0x38;
	[tilespmem:$0x17E80] =	vst v63  }
0x3b6: {  	s30 =	sld [smem:$0x7FA];
	_ =	sdelay $0x2  }
0x3b7: {  	[tilespmem:s24], [sflag:$0x4] =	stream.linear.gather [hbm4b:s30+s4], $0x190, $0x38;
	[tilespmem:$0x17E80] =	vst v63  }
0x3b8: {  	_ =	swait.ge [sflag:s25], $0x190  }
0x3b9: {  	[sflag:s25] =	ssyncset.done $0x0  }
0x3ba: {  	[sflag:s25] =	ssyncadd.s32 $0xFFFFFE70  }
0x3bb: {  	_ =	swait.ge [sflag:s25], $0x190  }
0x3bc: {  	[sflag:s25] =	ssyncset.done $0x0  }
0x3bd: {  	[sflag:s25] =	ssyncadd.s32 $0xFFFFFE70  }
0x3be: {  	[tilespmem:s26], [sflag:$0x2] =	stream.indirect.gather [hbm4b:s1+s22], $0x40, s22, s22, $0xb8;
	[tilespmem:$0x17E80] =	vst v63  }
0x3bf: {  	_ =	swait.ge [sflag:s28], $0x6400  }
0x3c0: {  	[sflag:s28] =	ssyncset.done $0x0  }
0x3c1: {  	[sflag:s28] =	ssyncadd.s32 $0xFFFF9C00  }
0x3c2: {  	[spmem:s3] =	stream.indirect.scatter.add.f32 [tilespmem:s23], [sflag:$0x5], $0x40, s20, s22, $0xb8;
	[tilespmem:$0x17E80] =	vst v63  }
0x3c3: {  	_ =	swait.ge [sflag:s19], $0x6400  }
0x3c4: {  	s30 =	sld [smem:$0x7FB]  }
0x3c5: {  	[sflag:s19] =	ssyncset.done $0x0  }
0x3c6: {  	[sflag:s19] =	ssyncadd.s32 $0xFFFF9C00  }
0x3c7: {  	[tilespmem:s4], [sflag:$0x3] =	stream.linear.gather [hbm4b:s30+s4], $0x190, $0x38;
	[tilespmem:$0x17E80] =	vst v63  }
0x3c8: {  	s30 =	sld [smem:$0x7FC];
	_ =	sdelay $0x2  }
0x3c9: {  	[tilespmem:s20], [sflag:$0x3] =	stream.linear.gather [hbm4b:s30+s4], $0x190, $0x38;
	[tilespmem:$0x17E80] =	vst v63  }
0x3ca: {  	_ =	swait.ge [sflag:s21], $0x190  }
0x3cb: {  	[sflag:s21] =	ssyncset.done $0x0  }
0x3cc: {  	[sflag:s21] =	ssyncadd.s32 $0xFFFFFE70  }
0x3cd: {  	_ =	swait.ge [sflag:s21], $0x190  }
0x3ce: {  	[sflag:s21] =	ssyncset.done $0x0  }
0x3cf: {  	[sflag:s21] =	ssyncadd.s32 $0xFFFFFE70  }
0x3d0: {  	[tilespmem:s23], [sflag:$0x1] =	stream.indirect.gather [hbm4b:s1+s22], $0x40, s4, s22, $0xb8;
	[tilespmem:$0x17E80] =	vst v63  }
0x3d1: {  	_ =	swait.ge [sflag:s6], $0x6400  }
0x3d2: {  	[sflag:s6] =	ssyncset.done $0x0  }
0x3d3: {  	[sflag:s6] =	ssyncadd.s32 $0xFFFF9C00  }
0x3d4: {  	[spmem:s3] =	stream.indirect.scatter.add.f32 [tilespmem:s26], [sflag:$0x5], $0x40, s24, s22, $0xb8;
	[tilespmem:$0x17E80] =	vst v63  }
0x3d5: {  	_ =	swait.ge [sflag:s19], $0x6400  }
0x3d6: {  	s30 =	sld [smem:$0x7FD]  }
0x3d7: {  	[sflag:s19] =	ssyncset.done $0x0  }
0x3d8: {  	[sflag:s19] =	ssyncadd.s32 $0xFFFF9C00  }
0x3d9: {  	[tilespmem:s22], [sflag:$0x4] =	stream.linear.gather [hbm4b:s30+s4], $0x190, $0x38;
	[tilespmem:$0x17E80] =	vst v63  }
0x3da: {  	_ = 	snop  }
0x3db: {  	[tilespmem:s24], [sflag:$0x4] =	stream.linear.gather [hbm4b:s31+s4], $0x190, $0x38;
	[tilespmem:$0x17E80] =	vst v63  }
0x3dc: {  	_ =	swait.ge [sflag:s25], $0x190  }
0x3dd: {  	[sflag:s25] =	ssyncset.done $0x0  }
0x3de: {  	[sflag:s25] =	ssyncadd.s32 $0xFFFFFE70  }
0x3df: {  	_ =	swait.ge [sflag:s25], $0x190  }
0x3e0: {  	[sflag:s25] =	ssyncset.done $0x0  }
0x3e1: {  	[sflag:s25] =	ssyncadd.s32 $0xFFFFFE70  }
0x3e2: {  	[tilespmem:s26], [sflag:$0x2] =	stream.indirect.gather [hbm4b:s1+s22], $0x40, s22, s22, $0xb8;
	[tilespmem:$0x17E80] =	vst v63  }
0x3e3: {  	_ =	swait.ge [sflag:s28], $0x6400  }
0x3e4: {  	[sflag:s28] =	ssyncset.done $0x0  }
0x3e5: {  	[sflag:s28] =	ssyncadd.s32 $0xFFFF9C00  }
0x3e6: {  	[spmem:s3] =	stream.indirect.scatter.add.f32 [tilespmem:s23], [sflag:$0x5], $0x40, s20, s22, $0xb8;
	[tilespmem:$0x17E80] =	vst v63  }
0x3e7: {  	_ =	swait.ge [sflag:s19], $0x6400  }
0x3e8: {  	[sflag:s19] =	ssyncset.done $0x0  }
0x3e9: {  	[sflag:s19] =	ssyncadd.s32 $0xFFFF9C00  }
0x3ea: {  	[tilespmem:s4], [sflag:$0x3] =	stream.linear.gather [hbm4b:s9+s4], $0x190, $0x38;
	[tilespmem:$0x17E80] =	vst v63  }
0x3eb: {  	_ = 	snop  }
0x3ec: {  	[tilespmem:s20], [sflag:$0x3] =	stream.linear.gather [hbm4b:s2+s4], $0x190, $0x38;
	[tilespmem:$0x17E80] =	vst v63  }
0x3ed: {  	_ =	swait.ge [sflag:s21], $0x190  }
0x3ee: {  	[sflag:s21] =	ssyncset.done $0x0  }
0x3ef: {  	[sflag:s21] =	ssyncadd.s32 $0xFFFFFE70  }
0x3f0: {  	_ =	swait.ge [sflag:s21], $0x190  }
0x3f1: {  	[sflag:s21] =	ssyncset.done $0x0  }
0x3f2: {  	[sflag:s21] =	ssyncadd.s32 $0xFFFFFE70  }
0x3f3: {  	[tilespmem:s23], [sflag:$0x1] =	stream.indirect.gather [hbm4b:s1+s22], $0x40, s4, s22, $0xb8;
	[tilespmem:$0x17E80] =	vst v63  }
0x3f4: {  	_ =	swait.ge [sflag:s6], $0x6400  }
0x3f5: {  	[sflag:s6] =	ssyncset.done $0x0  }
0x3f6: {  	[sflag:s6] =	ssyncadd.s32 $0xFFFF9C00  }
0x3f7: {  	[spmem:s3] =	stream.indirect.scatter.add.f32 [tilespmem:s26], [sflag:$0x5], $0x40, s24, s22, $0xb8;
	[tilespmem:$0x17E80] =	vst v63  }
0x3f8: {  	_ =	swait.ge [sflag:s19], $0x6400  }
0x3f9: {  	[sflag:s19] =	ssyncset.done $0x0  }
0x3fa: {  	[sflag:s19] =	ssyncadd.s32 $0xFFFF9C00  }
0x3fb: {  	[tilespmem:s22], [sflag:$0x4] =	stream.linear.gather [hbm4b:s0+s4], $0x190, $0x38;
	[tilespmem:$0x17E80] =	vst v63  }
0x3fc: {  	_ = 	snop  }
0x3fd: {  	[tilespmem:s24], [sflag:$0x4] =	stream.linear.gather [hbm4b:s10+s4], $0x190, $0x38;
	[tilespmem:$0x17E80] =	vst v63  }
0x3fe: {  	_ =	swait.ge [sflag:s25], $0x190  }
0x3ff: {  	[sflag:s25] =	ssyncset.done $0x0  }
0x400: {  	[sflag:s25] =	ssyncadd.s32 $0xFFFFFE70  }
0x401: {  	_ =	swait.ge [sflag:s25], $0x190  }
0x402: {  	[sflag:s25] =	ssyncset.done $0x0  }
0x403: {  	[sflag:s25] =	ssyncadd.s32 $0xFFFFFE70  }
0x404: {  	[tilespmem:s26], [sflag:$0x2] =	stream.indirect.gather [hbm4b:s1+s22], $0x40, s22, s22, $0xb8;
	[tilespmem:$0x17E80] =	vst v63  }
0x405: {  	_ =	swait.ge [sflag:s28], $0x6400  }
0x406: {  	[sflag:s28] =	ssyncset.done $0x0  }
0x407: {  	[sflag:s28] =	ssyncadd.s32 $0xFFFF9C00  }
0x408: {  	[spmem:s3] =	stream.indirect.scatter.add.f32 [tilespmem:s23], [sflag:$0x5], $0x40, s20, s22, $0xb8;
	[tilespmem:$0x17E80] =	vst v63  }
0x409: {  	_ =	swait.ge [sflag:s19], $0x6400  }
0x40a: {  	[sflag:s19] =	ssyncset.done $0x0  }
0x40b: {  	[sflag:s19] =	ssyncadd.s32 $0xFFFF9C00  }
0x40c: {  	_ =	swait.ge [sflag:s6], $0x6400  }
0x40d: {  	[sflag:s6] =	ssyncset.done $0x0  }
0x40e: {  	[sflag:s6] =	ssyncadd.s32 $0xFFFF9C00  }
0x40f: {  	[spmem:s3] =	stream.indirect.scatter.add.f32 [tilespmem:s26], [sflag:$0x5], $0x40, s24, s22, $0xb8;
	[tilespmem:$0x17E80] =	vst v63  }
0x410: {  	_ =	swait.ge [sflag:s19], $0x6400  }
0x411: {  	[sflag:s19] =	ssyncset.done $0x0  }
0x412: {  	[sflag:s19] =	ssyncadd.s32 $0xFFFF9C00  }
0x413: {  	s8 =	sshrl.u32 @p0 s12, $0x3;
	s30 =	simm.s32 @p0 $0x1FC5;
	[bflag:$0x0] =	sbarrier.arrive $0xFFFF  }
0x414: {  	[hbm:s13], [sflag:s30] =	dma.local @p0 [spmem:s8], $0xC80  }
0x415: {  	s8 =	simm.s32 @p0 $0x5  }
0x416: {  	_ =	swait.ge @p0 [sflag:s8], $0xC80  }
0x417: {  	s29 =	sadd.s32 $0x1, s29;
	s30 =	stileid.u32;
	[sflag:s8] =	ssyncset.done @p0 $0x0  }
0x418: {  	p1 =	sne.s32 s29, s14;
	s30 =	sshll.u32 @!p0 s30, $0x6;
	[sflag:s8] =	ssyncadd.s32 @p0 $0xFFFFF380  }
.Ltmp1:
0x419: {  	s8 =	sor.u32 @!p0 $0x1C05, s30;
	s30 =	rddreg [dreg:$0xe];
	(pc) =	sbr.rel @p1 .LBB2_1-.Ltmp1, $4  }
0x41a: {  	[hbm:s30], [sflag:s8] =	dma.local @!p0 [spmem:s15], $0x1400  }
0x41b: {  	_ =	swait.ge @!p0 [sflag:s7], $0x1400  }
0x41c: {  	[sflag:s7] =	ssyncset.done @!p0 $0x0  }
0x41d: {  	[sflag:s7] =	ssyncadd.s32 @!p0 $0xFFFFEC00  }
0x41e: {  	_ =	sfence.sel $0x180000  }
0x41f: {  	[bflag:$0x0] =	sbarrier.arrive $0xFFFF  }
0x420: {  	_ =	strace $0x9000004A  }
0x421: {  	s0 =	stileid.u32;
	[bflag:$0x2] =	sbarrier.arrive $0xFFFF  }
0x422: {  	p0 =	sne.s32 s0, $0x0;
	s0 =	rddreg [dreg:$0x3]  }
0x423: {  	s0 =	sadd.s32 @!p0 $0x100000, s0  }
0x424: {  	[sflag:s0] =	ssyncadd.tile.s32 @!p0 $0x1;
	_ =	shalt  }
.Lfunc_end2:
_tile_overlayer_lowered:
.L_overlay_start_2:
0x425: {  	(tag) =	ssettag $0x2  }
0x426: {  	s0 =	rddreg [dreg:$0x0];
	s2 =	stileid.u32  }
0x427: {  	s1 =	rddreg [dreg:$0x1];
	p0 =	sne.s32 s2, $0x0  }
0x428: {  	s3 =	rddreg [dreg:$0x2];
	[bflag:$0x3] =	sbarrier.arrive $0xFFFF;
	s2 =	simm.s32 @!p0 $0x1C05  }
0x429: {  	[timem:s3], [sflag:s2] =	dma.local @!p0 [hbm:s0], s1  }
0x42a: {  	s0 =	simm.s32 @!p0 $0x5  }
0x42b: {  	_ =	swait.ge @!p0 [sflag:s0], s1  }
0x42c: {  	s1 =	ssub.s32 @!p0 $0x0, s1;
	[sflag:s0] =	ssyncset.done @!p0 $0x0  }
0x42d: {  	[sflag:s0] =	ssyncadd.s32 @!p0 s1  }
0x42e: {  	[bflag:$0x3] =	sbarrier.arrive $0xFFFF  }
0x42f: {  	_ =	shalt  }

// kernel: kernel.7.cloned.1.call-start
scs
__scs_entry_jumppad:
0x0: {  	(pc) =	sbr.rel $0x88, $3  }
0x1: {  	(tag) =	ssettag $0x0;
	lr =	simm.s32 $0x1  }
0x2: {  	[smem:$0x3F9D] =	sst lr;
	_ =	strace $0xD0000000  }
0x3: {  	_ = 	snop  }
0x4: {  	_ = 	snop  }
0x5: {  	_ = 	snop  }
0x6: {  	_ = 	snop  }
0x7: {  	_ = 	snop  }
__scs_overlays_trampoline_lowered:
0x8: {  	[smem:$0x3FAC] =	sst s0  }
0x9: {  	[smem:$0x3FAD] =	sst s1  }
0xa: {  	[smem:$0x3FAE] =	sst s2  }
0xb: {  	[smem:$0x3FAF] =	sst s3  }
0xc: {  	[smem:$0x3FB0] =	sst s4  }
0xd: {  	[smem:$0x3FB1] =	sst s5  }
0xe: {  	[smem:$0x3FB2] =	sst s6  }
0xf: {  	[smem:$0x3FB3] =	sst s7  }
0x10: {  	[smem:$0x3FB4] =	sst s8  }
0x11: {  	[smem:$0x3FB5] =	sst s9;
	s0 =	simm.s32 @!p0 $0x0  }
0x12: {  	s1 =	sld [smem:$0x3F9B];
	s0 =	simm.s32 @p0 $0x1  }
0x13: {  	[smem:$0x3FB6] =	sst s0;
	s0 =	simm.s32 @!p1 $0x0  }
0x14: {  	s2 =	sld [smem:$0x3F9A];
	s0 =	simm.s32 @p1 $0x1  }
0x15: {  	[smem:$0x3FB7] =	sst s0;
	s0 =	simm.s32 @!p2 $0x0  }
0x16: {  	s3 =	sld [smem:$0x3FDB];
	s0 =	simm.s32 @p2 $0x1  }
0x17: {  	s4 =	simm.s32 $0x1BF5;
	[smem:$0x3FB9] =	sst s0  }
0x18: {  	s0 =	sld [smem:$0x3F9C];
	_ =	swait.ge [sflag:s4], $0x0  }
0x19: {  	s7 =	sld [smem:$0x3F9D]  }
0x1a: {  	s8 =	sadd.s32 $0xFFFFE003, lr  }
0x1b: {  	s9 =	sadd.s32 $0xFFFFFEF7, lr;
	s5 =	simm.s32 $0xFFFFFFFF;
	p2 =	slt.u32 s8, $0xFFFFF086  }
0x1c: {  	p1 =	slt.u32 s9, $0xF7A;
	s5 =	simm.s32 @!p2 $0x0  }
0x1d: {  	s5 =	simm.s32 @p1 $0x1;
	p0 =	seq.s32 s7, s2  }
0x1e: {  	s7 =	smul.u32 @!p0 $0xF7A, s2;
	p2 =	seq.s32 @!p0 s5, $0x0  }
0x1f: {  	s9 =	smul.u32 $0xF7A, s1;
	s8 =	simm.s32 @!p0 $0x1BF5;
	p2 =	por !p2, p0  }
0x20: {  	[sflag:s8] =	ssyncset.s32 @!p0 $0xFFFFF086;
	s6 =	sadd.s32 @!p0 s3, s7;
	s7 =	simm.s32 @!p0 $0x108  }
0x21: {  	s3 =	sadd.s32 s3, s9;
	s6 =	sadd.s32 @!p0 $0x88, s6;
	s7 =	simm.s32 @p2 $0x1082  }
0x22: {  	[simem:s7], [sflag:s8] =	dma.local @!p0 [hbm:s6], $0xF7A  }
0x23: {  	s9 =	sor.u32 $0xD0000000, s2;
	s6 =	simm.s32 $0x108;
	_ =	swait.ge @!p0 [sflag:s8], $0x0  }
0x24: {  	s3 =	sadd.s32 $0x88, s3;
	s6 =	simm.s32 @!p1 $0x1082;
	[sflag:s4] =	ssyncset.s32 $0xFFFFF086  }
0x25: {  	[simem:s6], [sflag:s4] =	dma.local [hbm:s3], $0xF7A  }
0x26: {  	[smem:$0x3F9D] =	sst s1;
	(tag) =	ssettag s2;
	_ =	strace s9  }
0x27: {  	s1 =	sld [smem:$0x3FAD]  }
0x28: {  	s2 =	sld [smem:$0x3FAE]  }
0x29: {  	s4 =	sld [smem:$0x3FB0]  }
0x2a: {  	p0 =	seq.s32 s5, $0x0;
	s5 =	sld [smem:$0x3FB1]  }
0x2b: {  	s6 =	sld [smem:$0x3FB2]  }
0x2c: {  	s7 =	sld [smem:$0x3FB3]  }
0x2d: {  	s3 =	simm.s32 $0x108;
	s8 =	sld [smem:$0x3FB4]  }
0x2e: {  	s3 =	simm.s32 @!p0 $0x1082;
	s9 =	sld [smem:$0x3FB5]  }
0x2f: {  	lr =	sadd.s32 s0, s3;
	s0 =	sld [smem:$0x3FAC]  }
0x30: {  	s3 =	sld [smem:$0x3FAF]  }
0x31: {  	[smem:$0x3FB8] =	sst s10  }
0x32: {  	s10 =	sld [smem:$0x3FB6];
	_ =	sdelay $0x3  }
0x33: {  	p0 =	seq.s32 s10, $0x1;
	s10 =	sld [smem:$0x3FB8];
	_ =	sdelay $0x3  }
0x34: {  	[smem:$0x3FB8] =	sst s10  }
0x35: {  	s10 =	sld [smem:$0x3FB7];
	_ =	sdelay $0x3  }
0x36: {  	p1 =	seq.s32 s10, $0x1;
	s10 =	sld [smem:$0x3FB8];
	_ =	sdelay $0x3  }
0x37: {  	[smem:$0x3FB8] =	sst s10  }
0x38: {  	s10 =	sld [smem:$0x3FB9]  }
0x39: {  	_ = 	snop;
	(pc) =	sbr.ind lr, $3  }
0x3a: {  	_ = 	snop  }
0x3b: {  	_ = 	snop  }
0x3c: {  	p2 =	seq.s32 s10, $0x1;
	s10 =	sld [smem:$0x3FB8]  }
0x3d: {  	_ =	shalt  }
0x3e: {  	_ =	shalt  }
0x3f: {  	_ =	shalt  }
0x40: {  	_ =	shalt  }
0x41: {  	_ =	shalt  }
0x42: {  	_ =	shalt  }
0x43: {  	_ =	shalt  }
0x44: {  	_ =	shalt  }
0x45: {  	_ =	shalt  }
0x46: {  	_ =	shalt  }
0x47: {  	_ =	shalt  }
0x48: {  	_ =	shalt  }
0x49: {  	_ =	shalt  }
0x4a: {  	_ =	shalt  }
0x4b: {  	_ =	shalt  }
0x4c: {  	_ =	shalt  }
0x4d: {  	_ =	shalt  }
0x4e: {  	_ =	shalt  }
0x4f: {  	_ =	shalt  }
0x50: {  	_ =	shalt  }
0x51: {  	_ =	shalt  }
0x52: {  	_ =	shalt  }
0x53: {  	_ =	shalt  }
0x54: {  	_ =	shalt  }
0x55: {  	_ =	shalt  }
0x56: {  	_ =	shalt  }
0x57: {  	_ =	shalt  }
0x58: {  	_ =	shalt  }
0x59: {  	_ =	shalt  }
0x5a: {  	_ =	shalt  }
0x5b: {  	_ =	shalt  }
0x5c: {  	_ =	shalt  }
0x5d: {  	_ =	shalt  }
0x5e: {  	_ =	shalt  }
0x5f: {  	_ =	shalt  }
0x60: {  	_ =	shalt  }
0x61: {  	_ =	shalt  }
0x62: {  	_ =	shalt  }
0x63: {  	_ =	shalt  }
0x64: {  	_ =	shalt  }
0x65: {  	_ =	shalt  }
0x66: {  	_ =	shalt  }
0x67: {  	_ =	shalt  }
0x68: {  	_ =	shalt  }
0x69: {  	_ =	shalt  }
0x6a: {  	_ =	shalt  }
0x6b: {  	_ =	shalt  }
0x6c: {  	_ =	shalt  }
0x6d: {  	_ =	shalt  }
0x6e: {  	_ =	shalt  }
0x6f: {  	_ =	shalt  }
0x70: {  	_ =	shalt  }
0x71: {  	_ =	shalt  }
0x72: {  	_ =	shalt  }
0x73: {  	_ =	shalt  }
0x74: {  	_ =	shalt  }
0x75: {  	_ =	shalt  }
0x76: {  	_ =	shalt  }
0x77: {  	_ =	shalt  }
0x78: {  	_ =	shalt  }
0x79: {  	_ =	shalt  }
0x7a: {  	_ =	shalt  }
0x7b: {  	_ =	shalt  }
0x7c: {  	_ =	shalt  }
0x7d: {  	_ =	shalt  }
0x7e: {  	_ =	shalt  }
0x7f: {  	_ =	shalt  }
0x80: {  	_ =	shalt  }
0x81: {  	_ =	shalt  }
0x82: {  	_ =	shalt  }
0x83: {  	_ =	shalt  }
0x84: {  	_ =	shalt  }
0x85: {  	_ =	shalt  }
0x86: {  	_ =	shalt  }
0x87: {  	_ =	shalt  }
.Lfunc_end0:
.L_simem_size_0:
called_computation_lowered:
.L_overlay_start_0:
0x88: {  	s2 =	sld [smem:$0x3FD9]  }
0x89: {  	s3 =	sld [smem:$0x3FFE];
	_ =	sdelay $0x1  }
0x8a: {  	s1 =	srdreg.scid  }
0x8b: {  	s0 =	sand.u32 $0x1, s1  }
0x8c: {  	s17 =	sshll.u32 s0, $0xA;
	s2 =	sadd.s32 s3, s2  }
0x8d: {  	s2 =	sadd.s32 s2, s17  }
0x8e: {  	[smem:$0x3FC4] =	sst s2  }
0x8f: {  	_ = 	snop  }
0x90: {  	s2 =	sld [smem:$0x3FD0];
	(tm) =	ssettm $0x1  }
0x91: {  	s18 =	sld [smem:$0x3FFB];
	_ =	sdelay $0x3  }
0x92: {  	_ =	strace s18  }
0x93: {  	s3 =	sld [smem:$0x3FFC];
	_ =	sdelay $0x3  }
0x94: {  	_ =	strace s3  }
0x95: {  	s3 =	sld [smem:$0x3FFD];
	_ =	sdelay $0x3  }
0x96: {  	_ =	strace s3  }
0x97: {  	_ =	strace $0x8FFFFFFF  }
0x98: {  	s19 =	sld [smem:$0x3FDB];
	_ =	sdelay $0x1  }
0x99: {  	s4 =	simm.s32 $_scs_section_size  }
0x9a: {  	s5 =	simm.s32 $_size__tile_overlayer_lowered;
	s6 =	simm.s32 $_tile_overlayer_lowered  }
0x9b: {  	s22 =	simm.s32 $0x1BFF;
	s21 =	sshll.u32 s6, $0x1;
	s3 =	sadd.s32 s4, s19  }
0x9c: {  	s7 =	simm.s32 $0x0;
	s20 =	sshll.u32 s5, $0x1;
	s5 =	sadd.s32 s21, s3  }
0x9d: {  	[timem:s7], [sflag:s22] =	dma.local [hbm:s5], s20  }
0x9e: {  	_ =	swait.ge [sflag:s22], s20  }
0x9f: {  	s4 =	ssub.s32 $0x0, s20;
	[sflag:s22] =	ssyncset.done $0x0  }
0xa0: {  	[sflag:s22] =	ssyncadd.s32 s4;
	_ =	sdelay $0x1  }
0xa1: {  	s23 =	simm.s32 $0x1B8B  }
0xa2: {  	_ =	swait.ge [sflag:s23], $0x1  }
0xa3: {  	[sflag:s23] =	ssyncset.done $0x0  }
0xa4: {  	s25 =	simm.s32 $0x1B8E;
	s24 =	sld [smem:$0x3FFE];
	[sflag:s23] =	ssyncadd.s32 $0xFFFFFFFF  }
0xa5: {  	s26 =	simm.s32 $execute0_lowered;
	[smem:$0x3FD2] =	sst s25  }
0xa6: {  	s5 =	sshll.u32 s26, $0x1;
	_ =	strace $0x80000046;
	[dreg:$0x1] =	wrdreg $0xFFFFFFFF  }
0xa7: {  	s28 =	simm.s32 $_size_execute0_lowered;
	s3 =	sadd.s32 s3, s5;
	[dreg:$0x0] =	wrdreg $0x0  }
0xa8: {  	s5 =	sshll.u32 s28, $0x1;
	[dreg:$0x2] =	wrdreg s3  }
0xa9: {  	[dreg:$0x3] =	wrdreg s5  }
0xaa: {  	[dreg:$0x4] =	wrdreg $0xC0  }
0xab: {  	_ =	task [dreg:s7], $0x5FFFF  }
0xac: {  	[dreg:$0x1] =	wrdreg $0xFFFFFFFF  }
0xad: {  	[dreg:$0x0] =	wrdreg $0x60  }
0xae: {  	[dreg:$0x2] =	wrdreg s24  }
0xaf: {  	[dreg:$0x3] =	wrdreg s2  }
0xb0: {  	[dreg:$0x4] =	wrdreg $0x17700  }
0xb1: {  	[dreg:$0x5] =	wrdreg $0x9  }
0xb2: {  	_ =	task.clear_ibuf [dreg:s7], $0x6FFFF;
	_ =	strace $0x90000046  }
0xb3: {  	s29 =	simm.s32 $0x9;
	_ =	strace $0x80000048  }
0xb4: {  	_ =	swait.ge [sflag:s29], $0x1  }
0xb5: {  	[sflag:s29] =	ssyncadd.s32 $0xFFFFFFFF  }
0xb6: {  	_ =	strace $0x90000048  }
0xb7: {  	_ =	sfence  }
0xb8: {  	s30 =	sld [smem:$0x0];
	_ =	sdelay $0x2  }
0xb9: {  	s31 =	sshll.u32 s1, $0xD;
	s1 =	sshrl.u32 s1, $0x2  }
0xba: {  	s3 =	sand.u32 $0x4000, s31;
	s1 =	sadd.s32 s1, s30  }
0xbb: {  	s0 =	sor.u32 s3, s0;
	s1 =	sshll.u32 s1, $0x11  }
0xbc: {  	s0 =	sor.u32 s1, s0  }
0xbd: {  	s0 =	sadd.s32 $0x8F2B, s0  }
0xbe: {  	[sflag:s0] =	ssyncadd.remote.s32 $0x1  }
0xbf: {  	_ =	sfence.sel $0xFFFF  }
0xc0: {  	[dreg:$0x0] =	wrdreg $0xFFFFFFFF;
	(pc) =	sbr.abs _section_cstart, $3  }
0xc1: {  	[dreg:$0x1] =	wrdreg $0xFFFFFFFF  }
0xc2: {  	_ =	task.clear_ibuf [dreg:s7], $0x2FFFF;
	_ =	strace $0x9FFFFFFF  }
0xc3: {  	(tm) =	ssettm $0x7FFFFFFF  }
tec
execute0_lowered:
.L_overlay_start_1:
0x0: {  	(tag) =	ssettag $0x1  }
0x1: {  	s0 =	srdreg.scid;
	s3 =	rddreg [dreg:$0x0]  }
0x2: {  	s17 =	rddreg [dreg:$0x1];
	s19 =	stileid.u32  }
0x3: {  	s1 =	rddreg [dreg:$0x2];
	s2 =	simm.s32 $0x0;
	s22 =	simm.s32 $0x0  }
0x4: {  	s12 =	sand.u32 $0x1, s0;
	[smem:$0x7FF] =	sst s2;
	p0 =	sne.s32 s19, $0x0  }
0x5: {  	s0 =	sshll.u32 s12, $0x4;
	s5 =	ssub.s32 $0x2, s12;
	s20 =	smul.u32 $0x4E2, s12  }
0x6: {  	s21 =	sshrl.u32 @!p0 s1, $0x3;
	s4 =	sor.u32 s19, s0;
	s0 =	rddreg [dreg:$0x3]  }
0x7: {  	_ =	strace $0x80000047;
	s6 =	sshrl.u32 s5, $0x1;
	s4 =	smul.u32 $0x4E20, s4  }
0x8: {  	s19 =	simm.s32 $0x1;
	s18 =	ssub.s32 s5, s6;
	s5 =	sadd.s32 $0x1770, s1  }
0x9: {  	s6 =	sadd.s32 $0x1F40, s1;
	s17 =	sadd.s32 s17, s20;
	s4 =	sshrl.u32 s4, $0x3  }
0xa: {  	s20 =	simm.s32 $0x7D0;
	s18 =	smax.u32 s18, $0x1;
	s16 =	sadd.s32 s4, s3  }
0xb: {  	s3 =	sadd.s32 $0x7D0, s1;
	s4 =	sadd.s32 $0xFA0, s1;
	s7 =	sadd.s32 $0x15080, s16  }
0xc: {  	s8 =	sadd.s32 $0x1517A, s16;
	s9 =	sadd.s32 $0x15274, s16;
	s10 =	sadd.s32 $0x1536E, s16  }
0xd: {  	s11 =	sadd.s32 $0x15468, s16;
	s12 =	sadd.s32 $0x15562, s16;
	s13 =	sadd.s32 $0x1565C, s16  }
0xe: {  	v0 =	vimm.f32 $1.000000000e+00;
	v1 =	vimm.f32 $0.0e+00;
	s14 =	sadd.s32 $0x15756, s16;
	s15 =	sadd.s32 $0x15850, s16;
	s16 =	sadd.s32 $0x1594A, s16  }
.LBB2_1:
0xf: {  	s23 =	simm.s32 $0x40;
	s24 =	simm.s32 $0x0  }
.LBB2_2:
0x10: {  	p1 =	sne.s32 s23, $0x1F00;
	[tilespmem:s24+$0x7D0] =	vst v0;
	s25 =	smov.u32 s23;
	s23 =	sadd.s32 $0x40, s23  }
.Ltmp0:
0x11: {  	[tilespmem:s24+$0xFA0] =	vst v1;
	(pc) =	sbr.rel @p1 .LBB2_2-.Ltmp0, $2  }
0x12: {  	_ =	sdelay $0x2  }
0x13: {  	s24 =	sshra.s32 s25, $0x2  }
0x14: {  	[tilespmem:s24+$0x7D0] =	vst v0  }
0x15: {  	[tilespmem:s24+$0xFA0] =	vst v1;
	s24 =	simm.s32 @!p0 $0xFA0;
	s23 =	simm.s32 @!p0 $0x1  }
0x16: {  	[spmem:s1] =	stream.linear.scatter @!p0 [tilespmem:s24], [sflag:$0x1], $0x7D0, $0x38;
	[tilespmem:$0x19E8] =	vst v63  }
0x17: {  	_ =	swait.ge @!p0 [sflag:s23], $0x7D0  }
0x18: {  	[sflag:s23] =	ssyncset.done @!p0 $0x0  }
0x19: {  	[sflag:s23] =	ssyncadd.s32 @!p0 $0xFFFFF830  }
0x1a: {  	[spmem:s3] =	stream.linear.scatter @!p0 [tilespmem:s24], [sflag:$0x1], $0x7D0, $0x38;
	[tilespmem:$0x19E8] =	vst v63  }
0x1b: {  	_ =	swait.ge @!p0 [sflag:s23], $0x7D0  }
0x1c: {  	[sflag:s23] =	ssyncset.done @!p0 $0x0  }
0x1d: {  	[sflag:s23] =	ssyncadd.s32 @!p0 $0xFFFFF830  }
0x1e: {  	[spmem:s4] =	stream.linear.scatter @!p0 [tilespmem:s24], [sflag:$0x1], $0x7D0, $0x38;
	[tilespmem:$0x19E8] =	vst v63  }
0x1f: {  	_ =	swait.ge @!p0 [sflag:s23], $0x7D0  }
0x20: {  	[sflag:s23] =	ssyncset.done @!p0 $0x0  }
0x21: {  	[sflag:s23] =	ssyncadd.s32 @!p0 $0xFFFFF830  }
0x22: {  	[spmem:s5] =	stream.linear.scatter @!p0 [tilespmem:s24], [sflag:$0x1], $0x7D0, $0x38;
	[tilespmem:$0x19E8] =	vst v63  }
0x23: {  	_ =	swait.ge @!p0 [sflag:s23], $0x7D0  }
0x24: {  	[sflag:s23] =	ssyncset.done @!p0 $0x0  }
0x25: {  	[sflag:s23] =	ssyncadd.s32 @!p0 $0xFFFFF830  }
0x26: {  	[spmem:s6] =	stream.linear.scatter @!p0 [tilespmem:s24], [sflag:$0x1], $0x7D0, $0x38;
	[tilespmem:$0x19E8] =	vst v63  }
0x27: {  	_ =	swait.ge @!p0 [sflag:s23], $0x7D0  }
0x28: {  	[sflag:s23] =	ssyncset.done @!p0 $0x0  }
0x29: {  	[sflag:s23] =	ssyncadd.s32 @!p0 $0xFFFFF830  }
0x2a: {  	[bflag:$0x0] =	sbarrier.arrive $0xFFFF  }
0x2b: {  	[tilespmem:s2], [sflag:$0x1] =	stream.linear.gather [hbm4b:s7+s2], $0x7D0, $0x38;
	[tilespmem:$0x19E8] =	vst v63  }
0x2c: {  	_ =	swait.ge [sflag:s19], $0x7D0  }
0x2d: {  	[sflag:s19] =	ssyncset.done $0x0  }
0x2e: {  	[sflag:s19] =	ssyncadd.s32 $0xFFFFF830  }
0x2f: {  	[spmem:s1] =	stream.indirect.scatter.add.f32 [tilespmem:s20], [sflag:$0x1], $0x1, s2, s20, $0xb8;
	[tilespmem:$0x19E8] =	vst v63  }
0x30: {  	_ =	swait.ge [sflag:s19], $0x7D0  }
0x31: {  	[sflag:s19] =	ssyncset.done $0x0  }
0x32: {  	[sflag:s19] =	ssyncadd.s32 $0xFFFFF830  }
0x33: {  	[tilespmem:s2], [sflag:$0x1] =	stream.linear.gather [hbm4b:s8+s2], $0x7D0, $0x38;
	[tilespmem:$0x19E8] =	vst v63  }
0x34: {  	_ =	swait.ge [sflag:s19], $0x7D0  }
0x35: {  	[sflag:s19] =	ssyncset.done $0x0  }
0x36: {  	[sflag:s19] =	ssyncadd.s32 $0xFFFFF830  }
0x37: {  	[spmem:s1] =	stream.indirect.scatter.add.f32 [tilespmem:s20], [sflag:$0x1], $0x1, s2, s20, $0xb8;
	[tilespmem:$0x19E8] =	vst v63  }
0x38: {  	_ =	swait.ge [sflag:s19], $0x7D0  }
0x39: {  	[sflag:s19] =	ssyncset.done $0x0  }
0x3a: {  	[sflag:s19] =	ssyncadd.s32 $0xFFFFF830  }
0x3b: {  	[tilespmem:s2], [sflag:$0x1] =	stream.linear.gather [hbm4b:s9+s2], $0x7D0, $0x38;
	[tilespmem:$0x19E8] =	vst v63  }
0x3c: {  	_ =	swait.ge [sflag:s19], $0x7D0  }
0x3d: {  	[sflag:s19] =	ssyncset.done $0x0  }
0x3e: {  	[sflag:s19] =	ssyncadd.s32 $0xFFFFF830  }
0x3f: {  	[spmem:s1] =	stream.indirect.scatter.add.f32 [tilespmem:s20], [sflag:$0x1], $0x1, s2, s20, $0xb8;
	[tilespmem:$0x19E8] =	vst v63  }
0x40: {  	_ =	swait.ge [sflag:s19], $0x7D0  }
0x41: {  	[sflag:s19] =	ssyncset.done $0x0  }
0x42: {  	[sflag:s19] =	ssyncadd.s32 $0xFFFFF830  }
0x43: {  	[tilespmem:s2], [sflag:$0x1] =	stream.linear.gather [hbm4b:s10+s2], $0x7D0, $0x38;
	[tilespmem:$0x19E8] =	vst v63  }
0x44: {  	_ =	swait.ge [sflag:s19], $0x7D0  }
0x45: {  	[sflag:s19] =	ssyncset.done $0x0  }
0x46: {  	[sflag:s19] =	ssyncadd.s32 $0xFFFFF830  }
0x47: {  	[spmem:s1] =	stream.indirect.scatter.add.f32 [tilespmem:s20], [sflag:$0x1], $0x1, s2, s20, $0xb8;
	[tilespmem:$0x19E8] =	vst v63  }
0x48: {  	_ =	swait.ge [sflag:s19], $0x7D0  }
0x49: {  	[sflag:s19] =	ssyncset.done $0x0  }
0x4a: {  	[sflag:s19] =	ssyncadd.s32 $0xFFFFF830  }
0x4b: {  	[tilespmem:s2], [sflag:$0x1] =	stream.linear.gather [hbm4b:s11+s2], $0x7D0, $0x38;
	[tilespmem:$0x19E8] =	vst v63  }
0x4c: {  	_ =	swait.ge [sflag:s19], $0x7D0  }
0x4d: {  	[sflag:s19] =	ssyncset.done $0x0  }
0x4e: {  	[sflag:s19] =	ssyncadd.s32 $0xFFFFF830  }
0x4f: {  	[spmem:s1] =	stream.indirect.scatter.add.f32 [tilespmem:s20], [sflag:$0x1], $0x1, s2, s20, $0xb8;
	[tilespmem:$0x19E8] =	vst v63  }
0x50: {  	_ =	swait.ge [sflag:s19], $0x7D0  }
0x51: {  	[sflag:s19] =	ssyncset.done $0x0  }
0x52: {  	[sflag:s19] =	ssyncadd.s32 $0xFFFFF830  }
0x53: {  	[tilespmem:s2], [sflag:$0x1] =	stream.linear.gather [hbm4b:s12+s2], $0x7D0, $0x38;
	[tilespmem:$0x19E8] =	vst v63  }
0x54: {  	_ =	swait.ge [sflag:s19], $0x7D0  }
0x55: {  	[sflag:s19] =	ssyncset.done $0x0  }
0x56: {  	[sflag:s19] =	ssyncadd.s32 $0xFFFFF830  }
0x57: {  	[spmem:s1] =	stream.indirect.scatter.add.f32 [tilespmem:s20], [sflag:$0x1], $0x1, s2, s20, $0xb8;
	[tilespmem:$0x19E8] =	vst v63  }
0x58: {  	_ =	swait.ge [sflag:s19], $0x7D0  }
0x59: {  	[sflag:s19] =	ssyncset.done $0x0  }
0x5a: {  	[sflag:s19] =	ssyncadd.s32 $0xFFFFF830  }
0x5b: {  	[tilespmem:s2], [sflag:$0x1] =	stream.linear.gather [hbm4b:s13+s2], $0x7D0, $0x38;
	[tilespmem:$0x19E8] =	vst v63  }
0x5c: {  	_ =	swait.ge [sflag:s19], $0x7D0  }
0x5d: {  	[sflag:s19] =	ssyncset.done $0x0  }
0x5e: {  	[sflag:s19] =	ssyncadd.s32 $0xFFFFF830  }
0x5f: {  	[spmem:s1] =	stream.indirect.scatter.add.f32 [tilespmem:s20], [sflag:$0x1], $0x1, s2, s20, $0xb8;
	[tilespmem:$0x19E8] =	vst v63  }
0x60: {  	_ =	swait.ge [sflag:s19], $0x7D0  }
0x61: {  	[sflag:s19] =	ssyncset.done $0x0  }
0x62: {  	[sflag:s19] =	ssyncadd.s32 $0xFFFFF830  }
0x63: {  	[tilespmem:s2], [sflag:$0x1] =	stream.linear.gather [hbm4b:s14+s2], $0x7D0, $0x38;
	[tilespmem:$0x19E8] =	vst v63  }
0x64: {  	_ =	swait.ge [sflag:s19], $0x7D0  }
0x65: {  	[sflag:s19] =	ssyncset.done $0x0  }
0x66: {  	[sflag:s19] =	ssyncadd.s32 $0xFFFFF830  }
0x67: {  	[spmem:s1] =	stream.indirect.scatter.add.f32 [tilespmem:s20], [sflag:$0x1], $0x1, s2, s20, $0xb8;
	[tilespmem:$0x19E8] =	vst v63  }
0x68: {  	_ =	swait.ge [sflag:s19], $0x7D0  }
0x69: {  	[sflag:s19] =	ssyncset.done $0x0  }
0x6a: {  	[sflag:s19] =	ssyncadd.s32 $0xFFFFF830  }
0x6b: {  	[tilespmem:s2], [sflag:$0x1] =	stream.linear.gather [hbm4b:s15+s2], $0x7D0, $0x38;
	[tilespmem:$0x19E8] =	vst v63  }
0x6c: {  	_ =	swait.ge [sflag:s19], $0x7D0  }
0x6d: {  	[sflag:s19] =	ssyncset.done $0x0  }
0x6e: {  	[sflag:s19] =	ssyncadd.s32 $0xFFFFF830  }
0x6f: {  	[spmem:s1] =	stream.indirect.scatter.add.f32 [tilespmem:s20], [sflag:$0x1], $0x1, s2, s20, $0xb8;
	[tilespmem:$0x19E8] =	vst v63  }
0x70: {  	_ =	swait.ge [sflag:s19], $0x7D0  }
0x71: {  	[sflag:s19] =	ssyncset.done $0x0  }
0x72: {  	[sflag:s19] =	ssyncadd.s32 $0xFFFFF830  }
0x73: {  	[tilespmem:s2], [sflag:$0x1] =	stream.linear.gather [hbm4b:s16+s2], $0x7D0, $0x38;
	[tilespmem:$0x19E8] =	vst v63  }
0x74: {  	_ =	swait.ge [sflag:s19], $0x7D0  }
0x75: {  	[sflag:s19] =	ssyncset.done $0x0  }
0x76: {  	[sflag:s19] =	ssyncadd.s32 $0xFFFFF830  }
0x77: {  	[spmem:s1] =	stream.indirect.scatter.add.f32 [tilespmem:s20], [sflag:$0x1], $0x1, s2, s20, $0xb8;
	[tilespmem:$0x19E8] =	vst v63  }
0x78: {  	_ =	swait.ge [sflag:s19], $0x7D0  }
0x79: {  	s22 =	sadd.s32 $0x1, s22;
	[sflag:s19] =	ssyncset.done $0x0  }
0x7a: {  	p1 =	sne.s32 s22, s18;
	[sflag:s19] =	ssyncadd.s32 $0xFFFFF830  }
.Ltmp1:
0x7b: {  	s24 =	simm.s32 @!p0 $0x1C01;
	[bflag:$0x0] =	sbarrier.arrive $0xFFFF;
	(pc) =	sbr.rel @p1 .LBB2_1-.Ltmp1, $4  }
0x7c: {  	[hbm:s17], [sflag:s24] =	dma.local @!p0 [spmem:s21], $0x4E2  }
0x7d: {  	_ =	swait.ge @!p0 [sflag:s23], $0x4E2  }
0x7e: {  	[sflag:s23] =	ssyncset.done @!p0 $0x0  }
0x7f: {  	[sflag:s23] =	ssyncadd.s32 @!p0 $0xFFFFFB1E  }
0x80: {  	_ =	sfence.sel $0x180000  }
0x81: {  	[bflag:$0x0] =	sbarrier.arrive $0xFFFF  }
0x82: {  	_ =	strace $0x90000047  }
0x83: {  	s0 =	sadd.s32 @!p0 $0x100000, s0;
	[bflag:$0x2] =	sbarrier.arrive $0xFFFF  }
0x84: {  	[sflag:s0] =	ssyncadd.tile.s32 @!p0 $0x1;
	_ =	shalt  }
.Lfunc_end2:
_tile_overlayer_lowered:
.L_overlay_start_2:
0x85: {  	(tag) =	ssettag $0x2  }
0x86: {  	s0 =	rddreg [dreg:$0x0];
	s2 =	stileid.u32  }
0x87: {  	s1 =	rddreg [dreg:$0x1];
	p0 =	sne.s32 s2, $0x0  }
0x88: {  	s3 =	rddreg [dreg:$0x2];
	[bflag:$0x3] =	sbarrier.arrive $0xFFFF;
	s2 =	simm.s32 @!p0 $0x1C01  }
0x89: {  	[timem:s3], [sflag:s2] =	dma.local @!p0 [hbm:s0], s1  }
0x8a: {  	s0 =	simm.s32 @!p0 $0x1  }
0x8b: {  	_ =	swait.ge @!p0 [sflag:s0], s1  }
0x8c: {  	s1 =	ssub.s32 @!p0 $0x0, s1;
	[sflag:s0] =	ssyncset.done @!p0 $0x0  }
0x8d: {  	[sflag:s0] =	ssyncadd.s32 @!p0 s1  }
0x8e: {  	[bflag:$0x3] =	sbarrier.arrive $0xFFFF  }
0x8f: {  	_ =	shalt  }

</sc_bundles>
